<compile_context>
chip_gen: v7x
topology: tpu7x:2x2x1
jax: 0.10.2.dev20260603
libtpu: 0.0.44.dev20260713+nightly
codegen_flags: <defaults>
</compile_context>

<pallas_src>
import functools
import math

import jax
import jax.numpy as jnp
from jax import lax
from jax.experimental import pallas as pl
from jax.experimental.pallas import tpu as pltpu
from jax.experimental.pallas import tpu_sc as plsc

VOCAB = 1000000
EMB = 64
B = 4096
L = 200
SCALE = math.sqrt(EMB)

_info = plsc.get_sparse_core_info()
NC, NS, LANES = _info.num_cores, _info.num_subcores, _info.num_lanes
NW = NC * NS
BW = B // NW
EHI = EMB // 8
BBLK = B // BW
NB = 4
GROUPS = L // NB


def _body(tok_hbm, table_hbm, out_hbm, idx_raw, idx_t, gbuf, tbuf, gsems, wsems):
    wid = lax.axis_index("s") * NC + lax.axis_index("c")
    iota = lax.iota(jnp.int32, LANES)

    def gather_start(l, b):
        for t0 in range(0, BW, LANES):
            idxv = idx_t[l, pl.ds(t0, LANES)]
            pltpu.async_copy(
                table_hbm.at[idxv], gbuf.at[b, pl.ds(t0, LANES)], gsems[b]
            )

    def gather_wait(l, b):
        pltpu.make_async_copy(table_hbm.at[idx_t.at[l]], gbuf.at[b], gsems[b]).wait()

    def wb_start(l, b):
        pltpu.async_copy(
            tbuf.at[b, :, :, pl.ds(0, BW)], out_hbm.at[l, :, wid], wsems[b]
        )

    def wb_wait(l, b):
        pltpu.make_async_copy(
            tbuf.at[b, :, :, pl.ds(0, BW)], out_hbm.at[l, :, wid], wsems[b]
        ).wait()

    def tscale(b):
        def body_t(t, c):
            tv = jnp.full((LANES,), t, jnp.int32)
            for e0 in range(0, EMB, LANES):
                v = gbuf[b, t, pl.ds(e0, LANES)]
                ev = iota + e0
                plsc.store_scatter(
                    tbuf.at[b],
                    [
                        lax.shift_right_logical(ev, 3),
                        lax.bitwise_and(ev, jnp.int32(7)),
                        tv,
                    ],
                    v * SCALE,
                )
            return c

        lax.fori_loop(0, BW, body_t, 0)

    pltpu.sync_copy(tok_hbm.at[pl.ds(wid * BW, BW)], idx_raw)

    def tr_l(l, c):
        for t0 in range(0, BW, LANES):
            v = plsc.load_gather(
                idx_raw, [iota + t0, jnp.full((LANES,), l, jnp.int32)]
            )
            idx_t[l, pl.ds(t0, LANES)] = v
        return c

    lax.fori_loop(0, L, tr_l, 0)

    for b in range(NB):
        gather_start(b, b)

    for b in range(NB):
        gather_wait(b, b)
        tscale(b)
        wb_start(b, b)

    def group(go, carry):
        for b in range(NB):
            l = go * NB + b
            wb_wait(l - NB, b)
            gather_start(l, b)
        for b in range(NB):
            l = go * NB + b
            gather_wait(l, b)
            tscale(b)
            wb_start(l, b)
        return carry

    lax.fori_loop(1, GROUPS, group, 0)

    for b in range(NB):
        wb_wait((GROUPS - 1) * NB + b, b)


@functools.partial(jax.jit, static_argnames=())
def kernel(tokens, table):
    mesh = plsc.VectorSubcoreMesh(core_axis_name="c", subcore_axis_name="s")
    run = pl.kernel(
        _body,
        out_type=jax.ShapeDtypeStruct((L, EHI, BBLK, 8, BW), jnp.float32),
        mesh=mesh,
        scratch_types=[
            pltpu.VMEM((BW, L), jnp.int32),
            pltpu.VMEM((L, BW), jnp.int32),
            pltpu.VMEM((NB, BW, EMB), jnp.float32),
            pltpu.VMEM((NB, EHI, 8, BW + 1), jnp.float32),
            [pltpu.SemaphoreType.DMA] * NB,
            [pltpu.SemaphoreType.DMA] * NB,
        ],
        compiler_params=pltpu.CompilerParams(
            use_tc_tiling_on_sc=False, needs_layout_passes=False
        ),
    )
    out5 = run(tokens.astype(jnp.int32), table)
    return out5.transpose(2, 4, 0, 1, 3).reshape(B, L, EMB)

# --- scband reference (transcript-rebuilt; emitter-appended) ---
"""Pipeline reference for scband-token-embedding-35545149342355 (READ-ONLY COPY).

The authoritative reference and input builder live on the scoring server;
editing this copy changes nothing except your own understanding.
"""

import jax, jax.numpy as jnp
import numpy as np
import math

VOCAB = 1000000
EMB = 64
B = 4096
L = 200

def setup_inputs(seed: int = 0) -> dict:
    key = jax.random.key(seed)
    k1, k2 = jax.random.split(key)
    tokens = jax.random.randint(k1, (B, L), 0, VOCAB, dtype=jnp.int64) if jax.config.jax_enable_x64 else jax.random.randint(k1, (B, L), 0, VOCAB, dtype=jnp.int32)
    table = jax.random.normal(k2, (VOCAB, EMB), dtype=jnp.float32)
    return {"tokens": tokens, "table": table}

def reference(tokens, table):
    # TokenEmbedding.forward: embedding(tokens) * sqrt(emb_size)
    emb = jnp.take(table, tokens, axis=0)
    return emb * math.sqrt(EMB)

if __name__ == "__main__":
    import jax
    _d = setup_inputs()
    print(jax.jit(kernel)(*tuple(_d.values())))

</pallas_src>

<mosaic_0001>
#map = affine_map<(d0, d1) -> (0, 0)>
#map1 = affine_map<(d0, d1) -> (0, 0, 0, 0, 0)>
module attributes {stable_mosaic.version = 14 : i64} {
  func.func @_body(%arg0: i32, %arg1: i32, %arg2: memref<4096x200xi32, #tpu.memory_space<hbm>>, %arg3: memref<1000000x64xf32, #tpu.memory_space<hbm>>, %arg4: memref<200x8x32x8x128xf32, #tpu.memory_space<hbm>>, %arg5: memref<128x200xi32, #tpu.memory_space<vmem>>, %arg6: memref<200x128xi32, #tpu.memory_space<vmem>>, %arg7: memref<4x128x64xf32, #tpu.memory_space<vmem>>, %arg8: memref<4x8x8x129xf32, #tpu.memory_space<vmem>>, %arg9: memref<!tpu.dma_semaphore, #tpu.memory_space<semaphore_mem>>, %arg10: memref<!tpu.dma_semaphore, #tpu.memory_space<semaphore_mem>>, %arg11: memref<!tpu.dma_semaphore, #tpu.memory_space<semaphore_mem>>, %arg12: memref<!tpu.dma_semaphore, #tpu.memory_space<semaphore_mem>>, %arg13: memref<!tpu.dma_semaphore, #tpu.memory_space<semaphore_mem>>, %arg14: memref<!tpu.dma_semaphore, #tpu.memory_space<semaphore_mem>>, %arg15: memref<!tpu.dma_semaphore, #tpu.memory_space<semaphore_mem>>, %arg16: memref<!tpu.dma_semaphore, #tpu.memory_space<semaphore_mem>>) attributes {dimension_semantics = [#tpu.dimension_semantics<core_parallel>, #tpu.dimension_semantics<subcore_parallel>], iteration_bounds = array<i64: 2, 16>, scalar_prefetch = 0 : i64, scratch_operands = 12 : i64, tpu.core_type = #tpu.core_type<sc_vector_subcore>, window_params = [{transform_indices = #map}, {transform_indices = #map}, {transform_indices = #map1}]} {
    %mul3A = arith.constant 2 : i32
    %mul3A_0 = arith.muli %arg1, %mul3A : i32
    %add3A = arith.addi %mul3A_0, %arg0 : i32
    %iota3A = tpu.iota {dimensions = array<i32: 0>} : vector<16xi32>
    %mul3A_1 = arith.constant 128 : i32
    %mul3A_2 = arith.muli %add3A, %mul3A_1 : i32
    "tpu.region"() ({
      %run_scoped3A = tpu.sem_alloc : memref<!tpu.dma_semaphore, #tpu.memory_space<semaphore_mem>>
      %dma_start3A_643 = arith.constant 0 : i32
      %dma_start3A_644 = tpu.memref_slice %arg2[%mul3A_2, %dma_start3A_643] : memref<4096x200xi32, #tpu.memory_space<hbm>> -> memref<128x200xi32, #tpu.memory_space<hbm>>
      %dma_start3A_645 = arith.constant 0 : i32
      %dma_start3A_646 = tpu.memref_slice %arg2[%mul3A_2, %dma_start3A_645] : memref<4096x200xi32, #tpu.memory_space<hbm>> -> memref<128x200xi32, #tpu.memory_space<hbm>>
      tpu.enqueue_dma source(%dma_start3A_646 : memref<128x200xi32, #tpu.memory_space<hbm>>) target(%arg5 : memref<128x200xi32, #tpu.memory_space<vmem>>) target_semaphore(%run_scoped3A : memref<!tpu.dma_semaphore, #tpu.memory_space<semaphore_mem>>)
      %dma_wait3A_647 = arith.constant 0 : i32
      %dma_wait3A_648 = tpu.memref_slice %arg2[%mul3A_2, %dma_wait3A_647] : memref<4096x200xi32, #tpu.memory_space<hbm>> -> memref<128x200xi32, #tpu.memory_space<hbm>>
      %dma_wait3A_649 = arith.constant 0 : i32
      %dma_wait3A_650 = tpu.memref_slice %arg2[%mul3A_2, %dma_wait3A_649] : memref<4096x200xi32, #tpu.memory_space<hbm>> -> memref<128x200xi32, #tpu.memory_space<hbm>>
      tpu.wait_dma2 semaphore(%run_scoped3A : memref<!tpu.dma_semaphore, #tpu.memory_space<semaphore_mem>>) src(%dma_wait3A_650 : memref<128x200xi32, #tpu.memory_space<hbm>>) dst(%arg5 : memref<128x200xi32, #tpu.memory_space<vmem>>)
      tpu.yield
    }) : () -> ()
    %scan3A = arith.constant 0 : i32
    %scan3A_3 = arith.constant 0 : i32
    %scan3A_4 = arith.constant 200 : i32
    %scan3A_5 = arith.addi %scan3A_3, %scan3A_4 : i32
    %scan3A_6 = arith.constant 1 : i32
    scf.for %scan3A_643 = %scan3A_3 to %scan3A_5 step %scan3A_6  : i32 {
      %add3A_644 = arith.constant 0 : i32
      %add3A_645 = vector.broadcast %add3A_644 : i32 to vector<16xi32>
      %add3A_646 = arith.addi %iota3A, %add3A_645 : vector<16xi32>
      %broadcast_in_dim3A = vector.broadcast %scan3A_643 : i32 to vector<16xi32>
      %gather3A = tpu.vector_load_idx %arg5[%add3A_646, %broadcast_in_dim3A] : memref<128x200xi32, #tpu.memory_space<vmem>>[vector<16xi32>, vector<16xi32>], vector<16xi32>,
      %swap3A = arith.index_cast %scan3A_643 : i32 to index
      %swap3A_647 = arith.constant 0 : index
      %swap3A_648 = tpu.vector_load %arg6[%swap3A, %swap3A_647] {strides = array<i32>} : memref<200x128xi32, #tpu.memory_space<vmem>>, vector<16xi32>,
      tpu.vector_store %arg6[%swap3A, %swap3A_647], %gather3A {strides = array<i32>} : memref<200x128xi32, #tpu.memory_space<vmem>>, vector<16xi32>,
      %add3A_649 = arith.constant 16 : i32
      %add3A_650 = vector.broadcast %add3A_649 : i32 to vector<16xi32>
      %add3A_651 = arith.addi %iota3A, %add3A_650 : vector<16xi32>
      %broadcast_in_dim3A_652 = vector.broadcast %scan3A_643 : i32 to vector<16xi32>
      %gather3A_653 = tpu.vector_load_idx %arg5[%add3A_651, %broadcast_in_dim3A_652] : memref<128x200xi32, #tpu.memory_space<vmem>>[vector<16xi32>, vector<16xi32>], vector<16xi32>,
      %swap3A_654 = arith.index_cast %scan3A_643 : i32 to index
      %swap3A_655 = arith.constant 16 : index
      %swap3A_656 = tpu.vector_load %arg6[%swap3A_654, %swap3A_655] {strides = array<i32>} : memref<200x128xi32, #tpu.memory_space<vmem>>, vector<16xi32>,
      tpu.vector_store %arg6[%swap3A_654, %swap3A_655], %gather3A_653 {strides = array<i32>} : memref<200x128xi32, #tpu.memory_space<vmem>>, vector<16xi32>,
      %add3A_657 = arith.constant 32 : i32
      %add3A_658 = vector.broadcast %add3A_657 : i32 to vector<16xi32>
      %add3A_659 = arith.addi %iota3A, %add3A_658 : vector<16xi32>
      %broadcast_in_dim3A_660 = vector.broadcast %scan3A_643 : i32 to vector<16xi32>
      %gather3A_661 = tpu.vector_load_idx %arg5[%add3A_659, %broadcast_in_dim3A_660] : memref<128x200xi32, #tpu.memory_space<vmem>>[vector<16xi32>, vector<16xi32>], vector<16xi32>,
      %swap3A_662 = arith.index_cast %scan3A_643 : i32 to index
      %swap3A_663 = arith.constant 32 : index
      %swap3A_664 = tpu.vector_load %arg6[%swap3A_662, %swap3A_663] {strides = array<i32>} : memref<200x128xi32, #tpu.memory_space<vmem>>, vector<16xi32>,
      tpu.vector_store %arg6[%swap3A_662, %swap3A_663], %gather3A_661 {strides = array<i32>} : memref<200x128xi32, #tpu.memory_space<vmem>>, vector<16xi32>,
      %add3A_665 = arith.constant 48 : i32
      %add3A_666 = vector.broadcast %add3A_665 : i32 to vector<16xi32>
      %add3A_667 = arith.addi %iota3A, %add3A_666 : vector<16xi32>
      %broadcast_in_dim3A_668 = vector.broadcast %scan3A_643 : i32 to vector<16xi32>
      %gather3A_669 = tpu.vector_load_idx %arg5[%add3A_667, %broadcast_in_dim3A_668] : memref<128x200xi32, #tpu.memory_space<vmem>>[vector<16xi32>, vector<16xi32>], vector<16xi32>,
      %swap3A_670 = arith.index_cast %scan3A_643 : i32 to index
      %swap3A_671 = arith.constant 48 : index
      %swap3A_672 = tpu.vector_load %arg6[%swap3A_670, %swap3A_671] {strides = array<i32>} : memref<200x128xi32, #tpu.memory_space<vmem>>, vector<16xi32>,
      tpu.vector_store %arg6[%swap3A_670, %swap3A_671], %gather3A_669 {strides = array<i32>} : memref<200x128xi32, #tpu.memory_space<vmem>>, vector<16xi32>,
      %add3A_673 = arith.constant 64 : i32
      %add3A_674 = vector.broadcast %add3A_673 : i32 to vector<16xi32>
      %add3A_675 = arith.addi %iota3A, %add3A_674 : vector<16xi32>
      %broadcast_in_dim3A_676 = vector.broadcast %scan3A_643 : i32 to vector<16xi32>
      %gather3A_677 = tpu.vector_load_idx %arg5[%add3A_675, %broadcast_in_dim3A_676] : memref<128x200xi32, #tpu.memory_space<vmem>>[vector<16xi32>, vector<16xi32>], vector<16xi32>,
      %swap3A_678 = arith.index_cast %scan3A_643 : i32 to index
      %swap3A_679 = arith.constant 64 : index
      %swap3A_680 = tpu.vector_load %arg6[%swap3A_678, %swap3A_679] {strides = array<i32>} : memref<200x128xi32, #tpu.memory_space<vmem>>, vector<16xi32>,
      tpu.vector_store %arg6[%swap3A_678, %swap3A_679], %gather3A_677 {strides = array<i32>} : memref<200x128xi32, #tpu.memory_space<vmem>>, vector<16xi32>,
      %add3A_681 = arith.constant 80 : i32
      %add3A_682 = vector.broadcast %add3A_681 : i32 to vector<16xi32>
      %add3A_683 = arith.addi %iota3A, %add3A_682 : vector<16xi32>
      %broadcast_in_dim3A_684 = vector.broadcast %scan3A_643 : i32 to vector<16xi32>
      %gather3A_685 = tpu.vector_load_idx %arg5[%add3A_683, %broadcast_in_dim3A_684] : memref<128x200xi32, #tpu.memory_space<vmem>>[vector<16xi32>, vector<16xi32>], vector<16xi32>,
      %swap3A_686 = arith.index_cast %scan3A_643 : i32 to index
      %swap3A_687 = arith.constant 80 : index
      %swap3A_688 = tpu.vector_load %arg6[%swap3A_686, %swap3A_687] {strides = array<i32>} : memref<200x128xi32, #tpu.memory_space<vmem>>, vector<16xi32>,
      tpu.vector_store %arg6[%swap3A_686, %swap3A_687], %gather3A_685 {strides = array<i32>} : memref<200x128xi32, #tpu.memory_space<vmem>>, vector<16xi32>,
      %add3A_689 = arith.constant 96 : i32
      %add3A_690 = vector.broadcast %add3A_689 : i32 to vector<16xi32>
      %add3A_691 = arith.addi %iota3A, %add3A_690 : vector<16xi32>
      %broadcast_in_dim3A_692 = vector.broadcast %scan3A_643 : i32 to vector<16xi32>
      %gather3A_693 = tpu.vector_load_idx %arg5[%add3A_691, %broadcast_in_dim3A_692] : memref<128x200xi32, #tpu.memory_space<vmem>>[vector<16xi32>, vector<16xi32>], vector<16xi32>,
      %swap3A_694 = arith.index_cast %scan3A_643 : i32 to index
      %swap3A_695 = arith.constant 96 : index
      %swap3A_696 = tpu.vector_load %arg6[%swap3A_694, %swap3A_695] {strides = array<i32>} : memref<200x128xi32, #tpu.memory_space<vmem>>, vector<16xi32>,
      tpu.vector_store %arg6[%swap3A_694, %swap3A_695], %gather3A_693 {strides = array<i32>} : memref<200x128xi32, #tpu.memory_space<vmem>>, vector<16xi32>,
      %add3A_697 = arith.constant 112 : i32
      %add3A_698 = vector.broadcast %add3A_697 : i32 to vector<16xi32>
      %add3A_699 = arith.addi %iota3A, %add3A_698 : vector<16xi32>
      %broadcast_in_dim3A_700 = vector.broadcast %scan3A_643 : i32 to vector<16xi32>
      %gather3A_701 = tpu.vector_load_idx %arg5[%add3A_699, %broadcast_in_dim3A_700] : memref<128x200xi32, #tpu.memory_space<vmem>>[vector<16xi32>, vector<16xi32>], vector<16xi32>,
      %swap3A_702 = arith.index_cast %scan3A_643 : i32 to index
      %swap3A_703 = arith.constant 112 : index
      %swap3A_704 = tpu.vector_load %arg6[%swap3A_702, %swap3A_703] {strides = array<i32>} : memref<200x128xi32, #tpu.memory_space<vmem>>, vector<16xi32>,
      tpu.vector_store %arg6[%swap3A_702, %swap3A_703], %gather3A_701 {strides = array<i32>} : memref<200x128xi32, #tpu.memory_space<vmem>>, vector<16xi32>,
    }
    %scan3A_7 = arith.constant 200 : i32
    %get3A = arith.constant 0 : i32
    %get3A_8 = arith.index_cast %get3A : i32 to index
    %get3A_9 = arith.constant 0 : index
    %get3A_10 = tpu.vector_load %arg6[%get3A_8, %get3A_9] {strides = array<i32>} : memref<200x128xi32, #tpu.memory_space<vmem>>, vector<16xi32>,
    %dma_start3A = arith.constant 0 : i32
    %dma_start3A_11 = arith.constant 0 : i32
    %dma_start3A_12 = arith.constant 0 : i32
    %dma_start3A_13 = tpu.memref_slice %arg7[%dma_start3A, %dma_start3A_11, %dma_start3A_12] : memref<4x128x64xf32, #tpu.memory_space<vmem>> -> memref<1x16x64xf32, #tpu.memory_space<vmem>>
    %dma_start3A_14 = tpu.memref_squeeze %dma_start3A_13 : memref<1x16x64xf32, #tpu.memory_space<vmem>> -> memref<16x64xf32, #tpu.memory_space<vmem>>
    %dma_start3A_15 = arith.constant 0 : i32
    %dma_start3A_16 = arith.constant 0 : i32
    %dma_start3A_17 = tpu.memref_slice %arg3[%dma_start3A_15, %dma_start3A_16] : memref<1000000x64xf32, #tpu.memory_space<hbm>> -> memref<1000000x64xf32, #tpu.memory_space<hbm>>
    tpu.enqueue_indirect_dma source(%dma_start3A_17 : memref<1000000x64xf32, #tpu.memory_space<hbm>>) target(%dma_start3A_14 : memref<16x64xf32, #tpu.memory_space<vmem>>) offsets(%get3A_10 : vector<16xi32>) semaphore(%arg9 : memref<!tpu.dma_semaphore, #tpu.memory_space<semaphore_mem>>)
    %get3A_18 = arith.constant 0 : i32
    %get3A_19 = arith.index_cast %get3A_18 : i32 to index
    %get3A_20 = arith.constant 16 : index
    %get3A_21 = tpu.vector_load %arg6[%get3A_19, %get3A_20] {strides = array<i32>} : memref<200x128xi32, #tpu.memory_space<vmem>>, vector<16xi32>,
    %dma_start3A_22 = arith.constant 0 : i32
    %dma_start3A_23 = arith.constant 16 : i32
    %dma_start3A_24 = arith.constant 0 : i32
    %dma_start3A_25 = tpu.memref_slice %arg7[%dma_start3A_22, %dma_start3A_23, %dma_start3A_24] : memref<4x128x64xf32, #tpu.memory_space<vmem>> -> memref<1x16x64xf32, #tpu.memory_space<vmem>>
    %dma_start3A_26 = tpu.memref_squeeze %dma_start3A_25 : memref<1x16x64xf32, #tpu.memory_space<vmem>> -> memref<16x64xf32, #tpu.memory_space<vmem>>
    %dma_start3A_27 = arith.constant 0 : i32
    %dma_start3A_28 = arith.constant 0 : i32
    %dma_start3A_29 = tpu.memref_slice %arg3[%dma_start3A_27, %dma_start3A_28] : memref<1000000x64xf32, #tpu.memory_space<hbm>> -> memref<1000000x64xf32, #tpu.memory_space<hbm>>
    tpu.enqueue_indirect_dma source(%dma_start3A_29 : memref<1000000x64xf32, #tpu.memory_space<hbm>>) target(%dma_start3A_26 : memref<16x64xf32, #tpu.memory_space<vmem>>) offsets(%get3A_21 : vector<16xi32>) semaphore(%arg9 : memref<!tpu.dma_semaphore, #tpu.memory_space<semaphore_mem>>)
    %get3A_30 = arith.constant 0 : i32
    %get3A_31 = arith.index_cast %get3A_30 : i32 to index
    %get3A_32 = arith.constant 32 : index
    %get3A_33 = tpu.vector_load %arg6[%get3A_31, %get3A_32] {strides = array<i32>} : memref<200x128xi32, #tpu.memory_space<vmem>>, vector<16xi32>,
    %dma_start3A_34 = arith.constant 0 : i32
    %dma_start3A_35 = arith.constant 32 : i32
    %dma_start3A_36 = arith.constant 0 : i32
    %dma_start3A_37 = tpu.memref_slice %arg7[%dma_start3A_34, %dma_start3A_35, %dma_start3A_36] : memref<4x128x64xf32, #tpu.memory_space<vmem>> -> memref<1x16x64xf32, #tpu.memory_space<vmem>>
    %dma_start3A_38 = tpu.memref_squeeze %dma_start3A_37 : memref<1x16x64xf32, #tpu.memory_space<vmem>> -> memref<16x64xf32, #tpu.memory_space<vmem>>
    %dma_start3A_39 = arith.constant 0 : i32
    %dma_start3A_40 = arith.constant 0 : i32
    %dma_start3A_41 = tpu.memref_slice %arg3[%dma_start3A_39, %dma_start3A_40] : memref<1000000x64xf32, #tpu.memory_space<hbm>> -> memref<1000000x64xf32, #tpu.memory_space<hbm>>
    tpu.enqueue_indirect_dma source(%dma_start3A_41 : memref<1000000x64xf32, #tpu.memory_space<hbm>>) target(%dma_start3A_38 : memref<16x64xf32, #tpu.memory_space<vmem>>) offsets(%get3A_33 : vector<16xi32>) semaphore(%arg9 : memref<!tpu.dma_semaphore, #tpu.memory_space<semaphore_mem>>)
    %get3A_42 = arith.constant 0 : i32
    %get3A_43 = arith.index_cast %get3A_42 : i32 to index
    %get3A_44 = arith.constant 48 : index
    %get3A_45 = tpu.vector_load %arg6[%get3A_43, %get3A_44] {strides = array<i32>} : memref<200x128xi32, #tpu.memory_space<vmem>>, vector<16xi32>,
    %dma_start3A_46 = arith.constant 0 : i32
    %dma_start3A_47 = arith.constant 48 : i32
    %dma_start3A_48 = arith.constant 0 : i32
    %dma_start3A_49 = tpu.memref_slice %arg7[%dma_start3A_46, %dma_start3A_47, %dma_start3A_48] : memref<4x128x64xf32, #tpu.memory_space<vmem>> -> memref<1x16x64xf32, #tpu.memory_space<vmem>>
    %dma_start3A_50 = tpu.memref_squeeze %dma_start3A_49 : memref<1x16x64xf32, #tpu.memory_space<vmem>> -> memref<16x64xf32, #tpu.memory_space<vmem>>
    %dma_start3A_51 = arith.constant 0 : i32
    %dma_start3A_52 = arith.constant 0 : i32
    %dma_start3A_53 = tpu.memref_slice %arg3[%dma_start3A_51, %dma_start3A_52] : memref<1000000x64xf32, #tpu.memory_space<hbm>> -> memref<1000000x64xf32, #tpu.memory_space<hbm>>
    tpu.enqueue_indirect_dma source(%dma_start3A_53 : memref<1000000x64xf32, #tpu.memory_space<hbm>>) target(%dma_start3A_50 : memref<16x64xf32, #tpu.memory_space<vmem>>) offsets(%get3A_45 : vector<16xi32>) semaphore(%arg9 : memref<!tpu.dma_semaphore, #tpu.memory_space<semaphore_mem>>)
    %get3A_54 = arith.constant 0 : i32
    %get3A_55 = arith.index_cast %get3A_54 : i32 to index
    %get3A_56 = arith.constant 64 : index
    %get3A_57 = tpu.vector_load %arg6[%get3A_55, %get3A_56] {strides = array<i32>} : memref<200x128xi32, #tpu.memory_space<vmem>>, vector<16xi32>,
    %dma_start3A_58 = arith.constant 0 : i32
    %dma_start3A_59 = arith.constant 64 : i32
    %dma_start3A_60 = arith.constant 0 : i32
    %dma_start3A_61 = tpu.memref_slice %arg7[%dma_start3A_58, %dma_start3A_59, %dma_start3A_60] : memref<4x128x64xf32, #tpu.memory_space<vmem>> -> memref<1x16x64xf32, #tpu.memory_space<vmem>>
    %dma_start3A_62 = tpu.memref_squeeze %dma_start3A_61 : memref<1x16x64xf32, #tpu.memory_space<vmem>> -> memref<16x64xf32, #tpu.memory_space<vmem>>
    %dma_start3A_63 = arith.constant 0 : i32
    %dma_start3A_64 = arith.constant 0 : i32
    %dma_start3A_65 = tpu.memref_slice %arg3[%dma_start3A_63, %dma_start3A_64] : memref<1000000x64xf32, #tpu.memory_space<hbm>> -> memref<1000000x64xf32, #tpu.memory_space<hbm>>
    tpu.enqueue_indirect_dma source(%dma_start3A_65 : memref<1000000x64xf32, #tpu.memory_space<hbm>>) target(%dma_start3A_62 : memref<16x64xf32, #tpu.memory_space<vmem>>) offsets(%get3A_57 : vector<16xi32>) semaphore(%arg9 : memref<!tpu.dma_semaphore, #tpu.memory_space<semaphore_mem>>)
    %get3A_66 = arith.constant 0 : i32
    %get3A_67 = arith.index_cast %get3A_66 : i32 to index
    %get3A_68 = arith.constant 80 : index
    %get3A_69 = tpu.vector_load %arg6[%get3A_67, %get3A_68] {strides = array<i32>} : memref<200x128xi32, #tpu.memory_space<vmem>>, vector<16xi32>,
    %dma_start3A_70 = arith.constant 0 : i32
    %dma_start3A_71 = arith.constant 80 : i32
    %dma_start3A_72 = arith.constant 0 : i32
    %dma_start3A_73 = tpu.memref_slice %arg7[%dma_start3A_70, %dma_start3A_71, %dma_start3A_72] : memref<4x128x64xf32, #tpu.memory_space<vmem>> -> memref<1x16x64xf32, #tpu.memory_space<vmem>>
    %dma_start3A_74 = tpu.memref_squeeze %dma_start3A_73 : memref<1x16x64xf32, #tpu.memory_space<vmem>> -> memref<16x64xf32, #tpu.memory_space<vmem>>
    %dma_start3A_75 = arith.constant 0 : i32
    %dma_start3A_76 = arith.constant 0 : i32
    %dma_start3A_77 = tpu.memref_slice %arg3[%dma_start3A_75, %dma_start3A_76] : memref<1000000x64xf32, #tpu.memory_space<hbm>> -> memref<1000000x64xf32, #tpu.memory_space<hbm>>
    tpu.enqueue_indirect_dma source(%dma_start3A_77 : memref<1000000x64xf32, #tpu.memory_space<hbm>>) target(%dma_start3A_74 : memref<16x64xf32, #tpu.memory_space<vmem>>) offsets(%get3A_69 : vector<16xi32>) semaphore(%arg9 : memref<!tpu.dma_semaphore, #tpu.memory_space<semaphore_mem>>)
    %get3A_78 = arith.constant 0 : i32
    %get3A_79 = arith.index_cast %get3A_78 : i32 to index
    %get3A_80 = arith.constant 96 : index
    %get3A_81 = tpu.vector_load %arg6[%get3A_79, %get3A_80] {strides = array<i32>} : memref<200x128xi32, #tpu.memory_space<vmem>>, vector<16xi32>,
    %dma_start3A_82 = arith.constant 0 : i32
    %dma_start3A_83 = arith.constant 96 : i32
    %dma_start3A_84 = arith.constant 0 : i32
    %dma_start3A_85 = tpu.memref_slice %arg7[%dma_start3A_82, %dma_start3A_83, %dma_start3A_84] : memref<4x128x64xf32, #tpu.memory_space<vmem>> -> memref<1x16x64xf32, #tpu.memory_space<vmem>>
    %dma_start3A_86 = tpu.memref_squeeze %dma_start3A_85 : memref<1x16x64xf32, #tpu.memory_space<vmem>> -> memref<16x64xf32, #tpu.memory_space<vmem>>
    %dma_start3A_87 = arith.constant 0 : i32
    %dma_start3A_88 = arith.constant 0 : i32
    %dma_start3A_89 = tpu.memref_slice %arg3[%dma_start3A_87, %dma_start3A_88] : memref<1000000x64xf32, #tpu.memory_space<hbm>> -> memref<1000000x64xf32, #tpu.memory_space<hbm>>
    tpu.enqueue_indirect_dma source(%dma_start3A_89 : memref<1000000x64xf32, #tpu.memory_space<hbm>>) target(%dma_start3A_86 : memref<16x64xf32, #tpu.memory_space<vmem>>) offsets(%get3A_81 : vector<16xi32>) semaphore(%arg9 : memref<!tpu.dma_semaphore, #tpu.memory_space<semaphore_mem>>)
    %get3A_90 = arith.constant 0 : i32
    %get3A_91 = arith.index_cast %get3A_90 : i32 to index
    %get3A_92 = arith.constant 112 : index
    %get3A_93 = tpu.vector_load %arg6[%get3A_91, %get3A_92] {strides = array<i32>} : memref<200x128xi32, #tpu.memory_space<vmem>>, vector<16xi32>,
    %dma_start3A_94 = arith.constant 0 : i32
    %dma_start3A_95 = arith.constant 112 : i32
    %dma_start3A_96 = arith.constant 0 : i32
    %dma_start3A_97 = tpu.memref_slice %arg7[%dma_start3A_94, %dma_start3A_95, %dma_start3A_96] : memref<4x128x64xf32, #tpu.memory_space<vmem>> -> memref<1x16x64xf32, #tpu.memory_space<vmem>>
    %dma_start3A_98 = tpu.memref_squeeze %dma_start3A_97 : memref<1x16x64xf32, #tpu.memory_space<vmem>> -> memref<16x64xf32, #tpu.memory_space<vmem>>
    %dma_start3A_99 = arith.constant 0 : i32
    %dma_start3A_100 = arith.constant 0 : i32
    %dma_start3A_101 = tpu.memref_slice %arg3[%dma_start3A_99, %dma_start3A_100] : memref<1000000x64xf32, #tpu.memory_space<hbm>> -> memref<1000000x64xf32, #tpu.memory_space<hbm>>
    tpu.enqueue_indirect_dma source(%dma_start3A_101 : memref<1000000x64xf32, #tpu.memory_space<hbm>>) target(%dma_start3A_98 : memref<16x64xf32, #tpu.memory_space<vmem>>) offsets(%get3A_93 : vector<16xi32>) semaphore(%arg9 : memref<!tpu.dma_semaphore, #tpu.memory_space<semaphore_mem>>)
    %get3A_102 = arith.constant 1 : i32
    %get3A_103 = arith.index_cast %get3A_102 : i32 to index
    %get3A_104 = arith.constant 0 : index
    %get3A_105 = tpu.vector_load %arg6[%get3A_103, %get3A_104] {strides = array<i32>} : memref<200x128xi32, #tpu.memory_space<vmem>>, vector<16xi32>,
    %dma_start3A_106 = arith.constant 1 : i32
    %dma_start3A_107 = arith.constant 0 : i32
    %dma_start3A_108 = arith.constant 0 : i32
    %dma_start3A_109 = tpu.memref_slice %arg7[%dma_start3A_106, %dma_start3A_107, %dma_start3A_108] : memref<4x128x64xf32, #tpu.memory_space<vmem>> -> memref<1x16x64xf32, #tpu.memory_space<vmem>>
    %dma_start3A_110 = tpu.memref_squeeze %dma_start3A_109 : memref<1x16x64xf32, #tpu.memory_space<vmem>> -> memref<16x64xf32, #tpu.memory_space<vmem>>
    %dma_start3A_111 = arith.constant 0 : i32
    %dma_start3A_112 = arith.constant 0 : i32
    %dma_start3A_113 = tpu.memref_slice %arg3[%dma_start3A_111, %dma_start3A_112] : memref<1000000x64xf32, #tpu.memory_space<hbm>> -> memref<1000000x64xf32, #tpu.memory_space<hbm>>
    tpu.enqueue_indirect_dma source(%dma_start3A_113 : memref<1000000x64xf32, #tpu.memory_space<hbm>>) target(%dma_start3A_110 : memref<16x64xf32, #tpu.memory_space<vmem>>) offsets(%get3A_105 : vector<16xi32>) semaphore(%arg10 : memref<!tpu.dma_semaphore, #tpu.memory_space<semaphore_mem>>)
    %get3A_114 = arith.constant 1 : i32
    %get3A_115 = arith.index_cast %get3A_114 : i32 to index
    %get3A_116 = arith.constant 16 : index
    %get3A_117 = tpu.vector_load %arg6[%get3A_115, %get3A_116] {strides = array<i32>} : memref<200x128xi32, #tpu.memory_space<vmem>>, vector<16xi32>,
    %dma_start3A_118 = arith.constant 1 : i32
    %dma_start3A_119 = arith.constant 16 : i32
    %dma_start3A_120 = arith.constant 0 : i32
    %dma_start3A_121 = tpu.memref_slice %arg7[%dma_start3A_118, %dma_start3A_119, %dma_start3A_120] : memref<4x128x64xf32, #tpu.memory_space<vmem>> -> memref<1x16x64xf32, #tpu.memory_space<vmem>>
    %dma_start3A_122 = tpu.memref_squeeze %dma_start3A_121 : memref<1x16x64xf32, #tpu.memory_space<vmem>> -> memref<16x64xf32, #tpu.memory_space<vmem>>
    %dma_start3A_123 = arith.constant 0 : i32
    %dma_start3A_124 = arith.constant 0 : i32
    %dma_start3A_125 = tpu.memref_slice %arg3[%dma_start3A_123, %dma_start3A_124] : memref<1000000x64xf32, #tpu.memory_space<hbm>> -> memref<1000000x64xf32, #tpu.memory_space<hbm>>
    tpu.enqueue_indirect_dma source(%dma_start3A_125 : memref<1000000x64xf32, #tpu.memory_space<hbm>>) target(%dma_start3A_122 : memref<16x64xf32, #tpu.memory_space<vmem>>) offsets(%get3A_117 : vector<16xi32>) semaphore(%arg10 : memref<!tpu.dma_semaphore, #tpu.memory_space<semaphore_mem>>)
    %get3A_126 = arith.constant 1 : i32
    %get3A_127 = arith.index_cast %get3A_126 : i32 to index
    %get3A_128 = arith.constant 32 : index
    %get3A_129 = tpu.vector_load %arg6[%get3A_127, %get3A_128] {strides = array<i32>} : memref<200x128xi32, #tpu.memory_space<vmem>>, vector<16xi32>,
    %dma_start3A_130 = arith.constant 1 : i32
    %dma_start3A_131 = arith.constant 32 : i32
    %dma_start3A_132 = arith.constant 0 : i32
    %dma_start3A_133 = tpu.memref_slice %arg7[%dma_start3A_130, %dma_start3A_131, %dma_start3A_132] : memref<4x128x64xf32, #tpu.memory_space<vmem>> -> memref<1x16x64xf32, #tpu.memory_space<vmem>>
    %dma_start3A_134 = tpu.memref_squeeze %dma_start3A_133 : memref<1x16x64xf32, #tpu.memory_space<vmem>> -> memref<16x64xf32, #tpu.memory_space<vmem>>
    %dma_start3A_135 = arith.constant 0 : i32
    %dma_start3A_136 = arith.constant 0 : i32
    %dma_start3A_137 = tpu.memref_slice %arg3[%dma_start3A_135, %dma_start3A_136] : memref<1000000x64xf32, #tpu.memory_space<hbm>> -> memref<1000000x64xf32, #tpu.memory_space<hbm>>
    tpu.enqueue_indirect_dma source(%dma_start3A_137 : memref<1000000x64xf32, #tpu.memory_space<hbm>>) target(%dma_start3A_134 : memref<16x64xf32, #tpu.memory_space<vmem>>) offsets(%get3A_129 : vector<16xi32>) semaphore(%arg10 : memref<!tpu.dma_semaphore, #tpu.memory_space<semaphore_mem>>)
    %get3A_138 = arith.constant 1 : i32
    %get3A_139 = arith.index_cast %get3A_138 : i32 to index
    %get3A_140 = arith.constant 48 : index
    %get3A_141 = tpu.vector_load %arg6[%get3A_139, %get3A_140] {strides = array<i32>} : memref<200x128xi32, #tpu.memory_space<vmem>>, vector<16xi32>,
    %dma_start3A_142 = arith.constant 1 : i32
    %dma_start3A_143 = arith.constant 48 : i32
    %dma_start3A_144 = arith.constant 0 : i32
    %dma_start3A_145 = tpu.memref_slice %arg7[%dma_start3A_142, %dma_start3A_143, %dma_start3A_144] : memref<4x128x64xf32, #tpu.memory_space<vmem>> -> memref<1x16x64xf32, #tpu.memory_space<vmem>>
    %dma_start3A_146 = tpu.memref_squeeze %dma_start3A_145 : memref<1x16x64xf32, #tpu.memory_space<vmem>> -> memref<16x64xf32, #tpu.memory_space<vmem>>
    %dma_start3A_147 = arith.constant 0 : i32
    %dma_start3A_148 = arith.constant 0 : i32
    %dma_start3A_149 = tpu.memref_slice %arg3[%dma_start3A_147, %dma_start3A_148] : memref<1000000x64xf32, #tpu.memory_space<hbm>> -> memref<1000000x64xf32, #tpu.memory_space<hbm>>
    tpu.enqueue_indirect_dma source(%dma_start3A_149 : memref<1000000x64xf32, #tpu.memory_space<hbm>>) target(%dma_start3A_146 : memref<16x64xf32, #tpu.memory_space<vmem>>) offsets(%get3A_141 : vector<16xi32>) semaphore(%arg10 : memref<!tpu.dma_semaphore, #tpu.memory_space<semaphore_mem>>)
    %get3A_150 = arith.constant 1 : i32
    %get3A_151 = arith.index_cast %get3A_150 : i32 to index
    %get3A_152 = arith.constant 64 : index
    %get3A_153 = tpu.vector_load %arg6[%get3A_151, %get3A_152] {strides = array<i32>} : memref<200x128xi32, #tpu.memory_space<vmem>>, vector<16xi32>,
    %dma_start3A_154 = arith.constant 1 : i32
    %dma_start3A_155 = arith.constant 64 : i32
    %dma_start3A_156 = arith.constant 0 : i32
    %dma_start3A_157 = tpu.memref_slice %arg7[%dma_start3A_154, %dma_start3A_155, %dma_start3A_156] : memref<4x128x64xf32, #tpu.memory_space<vmem>> -> memref<1x16x64xf32, #tpu.memory_space<vmem>>
    %dma_start3A_158 = tpu.memref_squeeze %dma_start3A_157 : memref<1x16x64xf32, #tpu.memory_space<vmem>> -> memref<16x64xf32, #tpu.memory_space<vmem>>
    %dma_start3A_159 = arith.constant 0 : i32
    %dma_start3A_160 = arith.constant 0 : i32
    %dma_start3A_161 = tpu.memref_slice %arg3[%dma_start3A_159, %dma_start3A_160] : memref<1000000x64xf32, #tpu.memory_space<hbm>> -> memref<1000000x64xf32, #tpu.memory_space<hbm>>
    tpu.enqueue_indirect_dma source(%dma_start3A_161 : memref<1000000x64xf32, #tpu.memory_space<hbm>>) target(%dma_start3A_158 : memref<16x64xf32, #tpu.memory_space<vmem>>) offsets(%get3A_153 : vector<16xi32>) semaphore(%arg10 : memref<!tpu.dma_semaphore, #tpu.memory_space<semaphore_mem>>)
    %get3A_162 = arith.constant 1 : i32
    %get3A_163 = arith.index_cast %get3A_162 : i32 to index
    %get3A_164 = arith.constant 80 : index
    %get3A_165 = tpu.vector_load %arg6[%get3A_163, %get3A_164] {strides = array<i32>} : memref<200x128xi32, #tpu.memory_space<vmem>>, vector<16xi32>,
    %dma_start3A_166 = arith.constant 1 : i32
    %dma_start3A_167 = arith.constant 80 : i32
    %dma_start3A_168 = arith.constant 0 : i32
    %dma_start3A_169 = tpu.memref_slice %arg7[%dma_start3A_166, %dma_start3A_167, %dma_start3A_168] : memref<4x128x64xf32, #tpu.memory_space<vmem>> -> memref<1x16x64xf32, #tpu.memory_space<vmem>>
    %dma_start3A_170 = tpu.memref_squeeze %dma_start3A_169 : memref<1x16x64xf32, #tpu.memory_space<vmem>> -> memref<16x64xf32, #tpu.memory_space<vmem>>
    %dma_start3A_171 = arith.constant 0 : i32
    %dma_start3A_172 = arith.constant 0 : i32
    %dma_start3A_173 = tpu.memref_slice %arg3[%dma_start3A_171, %dma_start3A_172] : memref<1000000x64xf32, #tpu.memory_space<hbm>> -> memref<1000000x64xf32, #tpu.memory_space<hbm>>
    tpu.enqueue_indirect_dma source(%dma_start3A_173 : memref<1000000x64xf32, #tpu.memory_space<hbm>>) target(%dma_start3A_170 : memref<16x64xf32, #tpu.memory_space<vmem>>) offsets(%get3A_165 : vector<16xi32>) semaphore(%arg10 : memref<!tpu.dma_semaphore, #tpu.memory_space<semaphore_mem>>)
    %get3A_174 = arith.constant 1 : i32
    %get3A_175 = arith.index_cast %get3A_174 : i32 to index
    %get3A_176 = arith.constant 96 : index
    %get3A_177 = tpu.vector_load %arg6[%get3A_175, %get3A_176] {strides = array<i32>} : memref<200x128xi32, #tpu.memory_space<vmem>>, vector<16xi32>,
    %dma_start3A_178 = arith.constant 1 : i32
    %dma_start3A_179 = arith.constant 96 : i32
    %dma_start3A_180 = arith.constant 0 : i32
    %dma_start3A_181 = tpu.memref_slice %arg7[%dma_start3A_178, %dma_start3A_179, %dma_start3A_180] : memref<4x128x64xf32, #tpu.memory_space<vmem>> -> memref<1x16x64xf32, #tpu.memory_space<vmem>>
    %dma_start3A_182 = tpu.memref_squeeze %dma_start3A_181 : memref<1x16x64xf32, #tpu.memory_space<vmem>> -> memref<16x64xf32, #tpu.memory_space<vmem>>
    %dma_start3A_183 = arith.constant 0 : i32
    %dma_start3A_184 = arith.constant 0 : i32
    %dma_start3A_185 = tpu.memref_slice %arg3[%dma_start3A_183, %dma_start3A_184] : memref<1000000x64xf32, #tpu.memory_space<hbm>> -> memref<1000000x64xf32, #tpu.memory_space<hbm>>
    tpu.enqueue_indirect_dma source(%dma_start3A_185 : memref<1000000x64xf32, #tpu.memory_space<hbm>>) target(%dma_start3A_182 : memref<16x64xf32, #tpu.memory_space<vmem>>) offsets(%get3A_177 : vector<16xi32>) semaphore(%arg10 : memref<!tpu.dma_semaphore, #tpu.memory_space<semaphore_mem>>)
    %get3A_186 = arith.constant 1 : i32
    %get3A_187 = arith.index_cast %get3A_186 : i32 to index
    %get3A_188 = arith.constant 112 : index
    %get3A_189 = tpu.vector_load %arg6[%get3A_187, %get3A_188] {strides = array<i32>} : memref<200x128xi32, #tpu.memory_space<vmem>>, vector<16xi32>,
    %dma_start3A_190 = arith.constant 1 : i32
    %dma_start3A_191 = arith.constant 112 : i32
    %dma_start3A_192 = arith.constant 0 : i32
    %dma_start3A_193 = tpu.memref_slice %arg7[%dma_start3A_190, %dma_start3A_191, %dma_start3A_192] : memref<4x128x64xf32, #tpu.memory_space<vmem>> -> memref<1x16x64xf32, #tpu.memory_space<vmem>>
    %dma_start3A_194 = tpu.memref_squeeze %dma_start3A_193 : memref<1x16x64xf32, #tpu.memory_space<vmem>> -> memref<16x64xf32, #tpu.memory_space<vmem>>
    %dma_start3A_195 = arith.constant 0 : i32
    %dma_start3A_196 = arith.constant 0 : i32
    %dma_start3A_197 = tpu.memref_slice %arg3[%dma_start3A_195, %dma_start3A_196] : memref<1000000x64xf32, #tpu.memory_space<hbm>> -> memref<1000000x64xf32, #tpu.memory_space<hbm>>
    tpu.enqueue_indirect_dma source(%dma_start3A_197 : memref<1000000x64xf32, #tpu.memory_space<hbm>>) target(%dma_start3A_194 : memref<16x64xf32, #tpu.memory_space<vmem>>) offsets(%get3A_189 : vector<16xi32>) semaphore(%arg10 : memref<!tpu.dma_semaphore, #tpu.memory_space<semaphore_mem>>)
    %get3A_198 = arith.constant 2 : i32
    %get3A_199 = arith.index_cast %get3A_198 : i32 to index
    %get3A_200 = arith.constant 0 : index
    %get3A_201 = tpu.vector_load %arg6[%get3A_199, %get3A_200] {strides = array<i32>} : memref<200x128xi32, #tpu.memory_space<vmem>>, vector<16xi32>,
    %dma_start3A_202 = arith.constant 2 : i32
    %dma_start3A_203 = arith.constant 0 : i32
    %dma_start3A_204 = arith.constant 0 : i32
    %dma_start3A_205 = tpu.memref_slice %arg7[%dma_start3A_202, %dma_start3A_203, %dma_start3A_204] : memref<4x128x64xf32, #tpu.memory_space<vmem>> -> memref<1x16x64xf32, #tpu.memory_space<vmem>>
    %dma_start3A_206 = tpu.memref_squeeze %dma_start3A_205 : memref<1x16x64xf32, #tpu.memory_space<vmem>> -> memref<16x64xf32, #tpu.memory_space<vmem>>
    %dma_start3A_207 = arith.constant 0 : i32
    %dma_start3A_208 = arith.constant 0 : i32
    %dma_start3A_209 = tpu.memref_slice %arg3[%dma_start3A_207, %dma_start3A_208] : memref<1000000x64xf32, #tpu.memory_space<hbm>> -> memref<1000000x64xf32, #tpu.memory_space<hbm>>
    tpu.enqueue_indirect_dma source(%dma_start3A_209 : memref<1000000x64xf32, #tpu.memory_space<hbm>>) target(%dma_start3A_206 : memref<16x64xf32, #tpu.memory_space<vmem>>) offsets(%get3A_201 : vector<16xi32>) semaphore(%arg11 : memref<!tpu.dma_semaphore, #tpu.memory_space<semaphore_mem>>)
    %get3A_210 = arith.constant 2 : i32
    %get3A_211 = arith.index_cast %get3A_210 : i32 to index
    %get3A_212 = arith.constant 16 : index
    %get3A_213 = tpu.vector_load %arg6[%get3A_211, %get3A_212] {strides = array<i32>} : memref<200x128xi32, #tpu.memory_space<vmem>>, vector<16xi32>,
    %dma_start3A_214 = arith.constant 2 : i32
    %dma_start3A_215 = arith.constant 16 : i32
    %dma_start3A_216 = arith.constant 0 : i32
    %dma_start3A_217 = tpu.memref_slice %arg7[%dma_start3A_214, %dma_start3A_215, %dma_start3A_216] : memref<4x128x64xf32, #tpu.memory_space<vmem>> -> memref<1x16x64xf32, #tpu.memory_space<vmem>>
    %dma_start3A_218 = tpu.memref_squeeze %dma_start3A_217 : memref<1x16x64xf32, #tpu.memory_space<vmem>> -> memref<16x64xf32, #tpu.memory_space<vmem>>
    %dma_start3A_219 = arith.constant 0 : i32
    %dma_start3A_220 = arith.constant 0 : i32
    %dma_start3A_221 = tpu.memref_slice %arg3[%dma_start3A_219, %dma_start3A_220] : memref<1000000x64xf32, #tpu.memory_space<hbm>> -> memref<1000000x64xf32, #tpu.memory_space<hbm>>
    tpu.enqueue_indirect_dma source(%dma_start3A_221 : memref<1000000x64xf32, #tpu.memory_space<hbm>>) target(%dma_start3A_218 : memref<16x64xf32, #tpu.memory_space<vmem>>) offsets(%get3A_213 : vector<16xi32>) semaphore(%arg11 : memref<!tpu.dma_semaphore, #tpu.memory_space<semaphore_mem>>)
    %get3A_222 = arith.constant 2 : i32
    %get3A_223 = arith.index_cast %get3A_222 : i32 to index
    %get3A_224 = arith.constant 32 : index
    %get3A_225 = tpu.vector_load %arg6[%get3A_223, %get3A_224] {strides = array<i32>} : memref<200x128xi32, #tpu.memory_space<vmem>>, vector<16xi32>,
    %dma_start3A_226 = arith.constant 2 : i32
    %dma_start3A_227 = arith.constant 32 : i32
    %dma_start3A_228 = arith.constant 0 : i32
    %dma_start3A_229 = tpu.memref_slice %arg7[%dma_start3A_226, %dma_start3A_227, %dma_start3A_228] : memref<4x128x64xf32, #tpu.memory_space<vmem>> -> memref<1x16x64xf32, #tpu.memory_space<vmem>>
    %dma_start3A_230 = tpu.memref_squeeze %dma_start3A_229 : memref<1x16x64xf32, #tpu.memory_space<vmem>> -> memref<16x64xf32, #tpu.memory_space<vmem>>
    %dma_start3A_231 = arith.constant 0 : i32
    %dma_start3A_232 = arith.constant 0 : i32
    %dma_start3A_233 = tpu.memref_slice %arg3[%dma_start3A_231, %dma_start3A_232] : memref<1000000x64xf32, #tpu.memory_space<hbm>> -> memref<1000000x64xf32, #tpu.memory_space<hbm>>
    tpu.enqueue_indirect_dma source(%dma_start3A_233 : memref<1000000x64xf32, #tpu.memory_space<hbm>>) target(%dma_start3A_230 : memref<16x64xf32, #tpu.memory_space<vmem>>) offsets(%get3A_225 : vector<16xi32>) semaphore(%arg11 : memref<!tpu.dma_semaphore, #tpu.memory_space<semaphore_mem>>)
    %get3A_234 = arith.constant 2 : i32
    %get3A_235 = arith.index_cast %get3A_234 : i32 to index
    %get3A_236 = arith.constant 48 : index
    %get3A_237 = tpu.vector_load %arg6[%get3A_235, %get3A_236] {strides = array<i32>} : memref<200x128xi32, #tpu.memory_space<vmem>>, vector<16xi32>,
    %dma_start3A_238 = arith.constant 2 : i32
    %dma_start3A_239 = arith.constant 48 : i32
    %dma_start3A_240 = arith.constant 0 : i32
    %dma_start3A_241 = tpu.memref_slice %arg7[%dma_start3A_238, %dma_start3A_239, %dma_start3A_240] : memref<4x128x64xf32, #tpu.memory_space<vmem>> -> memref<1x16x64xf32, #tpu.memory_space<vmem>>
    %dma_start3A_242 = tpu.memref_squeeze %dma_start3A_241 : memref<1x16x64xf32, #tpu.memory_space<vmem>> -> memref<16x64xf32, #tpu.memory_space<vmem>>
    %dma_start3A_243 = arith.constant 0 : i32
    %dma_start3A_244 = arith.constant 0 : i32
    %dma_start3A_245 = tpu.memref_slice %arg3[%dma_start3A_243, %dma_start3A_244] : memref<1000000x64xf32, #tpu.memory_space<hbm>> -> memref<1000000x64xf32, #tpu.memory_space<hbm>>
    tpu.enqueue_indirect_dma source(%dma_start3A_245 : memref<1000000x64xf32, #tpu.memory_space<hbm>>) target(%dma_start3A_242 : memref<16x64xf32, #tpu.memory_space<vmem>>) offsets(%get3A_237 : vector<16xi32>) semaphore(%arg11 : memref<!tpu.dma_semaphore, #tpu.memory_space<semaphore_mem>>)
    %get3A_246 = arith.constant 2 : i32
    %get3A_247 = arith.index_cast %get3A_246 : i32 to index
    %get3A_248 = arith.constant 64 : index
    %get3A_249 = tpu.vector_load %arg6[%get3A_247, %get3A_248] {strides = array<i32>} : memref<200x128xi32, #tpu.memory_space<vmem>>, vector<16xi32>,
    %dma_start3A_250 = arith.constant 2 : i32
    %dma_start3A_251 = arith.constant 64 : i32
    %dma_start3A_252 = arith.constant 0 : i32
    %dma_start3A_253 = tpu.memref_slice %arg7[%dma_start3A_250, %dma_start3A_251, %dma_start3A_252] : memref<4x128x64xf32, #tpu.memory_space<vmem>> -> memref<1x16x64xf32, #tpu.memory_space<vmem>>
    %dma_start3A_254 = tpu.memref_squeeze %dma_start3A_253 : memref<1x16x64xf32, #tpu.memory_space<vmem>> -> memref<16x64xf32, #tpu.memory_space<vmem>>
    %dma_start3A_255 = arith.constant 0 : i32
    %dma_start3A_256 = arith.constant 0 : i32
    %dma_start3A_257 = tpu.memref_slice %arg3[%dma_start3A_255, %dma_start3A_256] : memref<1000000x64xf32, #tpu.memory_space<hbm>> -> memref<1000000x64xf32, #tpu.memory_space<hbm>>
    tpu.enqueue_indirect_dma source(%dma_start3A_257 : memref<1000000x64xf32, #tpu.memory_space<hbm>>) target(%dma_start3A_254 : memref<16x64xf32, #tpu.memory_space<vmem>>) offsets(%get3A_249 : vector<16xi32>) semaphore(%arg11 : memref<!tpu.dma_semaphore, #tpu.memory_space<semaphore_mem>>)
    %get3A_258 = arith.constant 2 : i32
    %get3A_259 = arith.index_cast %get3A_258 : i32 to index
    %get3A_260 = arith.constant 80 : index
    %get3A_261 = tpu.vector_load %arg6[%get3A_259, %get3A_260] {strides = array<i32>} : memref<200x128xi32, #tpu.memory_space<vmem>>, vector<16xi32>,
    %dma_start3A_262 = arith.constant 2 : i32
    %dma_start3A_263 = arith.constant 80 : i32
    %dma_start3A_264 = arith.constant 0 : i32
    %dma_start3A_265 = tpu.memref_slice %arg7[%dma_start3A_262, %dma_start3A_263, %dma_start3A_264] : memref<4x128x64xf32, #tpu.memory_space<vmem>> -> memref<1x16x64xf32, #tpu.memory_space<vmem>>
    %dma_start3A_266 = tpu.memref_squeeze %dma_start3A_265 : memref<1x16x64xf32, #tpu.memory_space<vmem>> -> memref<16x64xf32, #tpu.memory_space<vmem>>
    %dma_start3A_267 = arith.constant 0 : i32
    %dma_start3A_268 = arith.constant 0 : i32
    %dma_start3A_269 = tpu.memref_slice %arg3[%dma_start3A_267, %dma_start3A_268] : memref<1000000x64xf32, #tpu.memory_space<hbm>> -> memref<1000000x64xf32, #tpu.memory_space<hbm>>
    tpu.enqueue_indirect_dma source(%dma_start3A_269 : memref<1000000x64xf32, #tpu.memory_space<hbm>>) target(%dma_start3A_266 : memref<16x64xf32, #tpu.memory_space<vmem>>) offsets(%get3A_261 : vector<16xi32>) semaphore(%arg11 : memref<!tpu.dma_semaphore, #tpu.memory_space<semaphore_mem>>)
    %get3A_270 = arith.constant 2 : i32
    %get3A_271 = arith.index_cast %get3A_270 : i32 to index
    %get3A_272 = arith.constant 96 : index
    %get3A_273 = tpu.vector_load %arg6[%get3A_271, %get3A_272] {strides = array<i32>} : memref<200x128xi32, #tpu.memory_space<vmem>>, vector<16xi32>,
    %dma_start3A_274 = arith.constant 2 : i32
    %dma_start3A_275 = arith.constant 96 : i32
    %dma_start3A_276 = arith.constant 0 : i32
    %dma_start3A_277 = tpu.memref_slice %arg7[%dma_start3A_274, %dma_start3A_275, %dma_start3A_276] : memref<4x128x64xf32, #tpu.memory_space<vmem>> -> memref<1x16x64xf32, #tpu.memory_space<vmem>>
    %dma_start3A_278 = tpu.memref_squeeze %dma_start3A_277 : memref<1x16x64xf32, #tpu.memory_space<vmem>> -> memref<16x64xf32, #tpu.memory_space<vmem>>
    %dma_start3A_279 = arith.constant 0 : i32
    %dma_start3A_280 = arith.constant 0 : i32
    %dma_start3A_281 = tpu.memref_slice %arg3[%dma_start3A_279, %dma_start3A_280] : memref<1000000x64xf32, #tpu.memory_space<hbm>> -> memref<1000000x64xf32, #tpu.memory_space<hbm>>
    tpu.enqueue_indirect_dma source(%dma_start3A_281 : memref<1000000x64xf32, #tpu.memory_space<hbm>>) target(%dma_start3A_278 : memref<16x64xf32, #tpu.memory_space<vmem>>) offsets(%get3A_273 : vector<16xi32>) semaphore(%arg11 : memref<!tpu.dma_semaphore, #tpu.memory_space<semaphore_mem>>)
    %get3A_282 = arith.constant 2 : i32
    %get3A_283 = arith.index_cast %get3A_282 : i32 to index
    %get3A_284 = arith.constant 112 : index
    %get3A_285 = tpu.vector_load %arg6[%get3A_283, %get3A_284] {strides = array<i32>} : memref<200x128xi32, #tpu.memory_space<vmem>>, vector<16xi32>,
    %dma_start3A_286 = arith.constant 2 : i32
    %dma_start3A_287 = arith.constant 112 : i32
    %dma_start3A_288 = arith.constant 0 : i32
    %dma_start3A_289 = tpu.memref_slice %arg7[%dma_start3A_286, %dma_start3A_287, %dma_start3A_288] : memref<4x128x64xf32, #tpu.memory_space<vmem>> -> memref<1x16x64xf32, #tpu.memory_space<vmem>>
    %dma_start3A_290 = tpu.memref_squeeze %dma_start3A_289 : memref<1x16x64xf32, #tpu.memory_space<vmem>> -> memref<16x64xf32, #tpu.memory_space<vmem>>
    %dma_start3A_291 = arith.constant 0 : i32
    %dma_start3A_292 = arith.constant 0 : i32
    %dma_start3A_293 = tpu.memref_slice %arg3[%dma_start3A_291, %dma_start3A_292] : memref<1000000x64xf32, #tpu.memory_space<hbm>> -> memref<1000000x64xf32, #tpu.memory_space<hbm>>
    tpu.enqueue_indirect_dma source(%dma_start3A_293 : memref<1000000x64xf32, #tpu.memory_space<hbm>>) target(%dma_start3A_290 : memref<16x64xf32, #tpu.memory_space<vmem>>) offsets(%get3A_285 : vector<16xi32>) semaphore(%arg11 : memref<!tpu.dma_semaphore, #tpu.memory_space<semaphore_mem>>)
    %get3A_294 = arith.constant 3 : i32
    %get3A_295 = arith.index_cast %get3A_294 : i32 to index
    %get3A_296 = arith.constant 0 : index
    %get3A_297 = tpu.vector_load %arg6[%get3A_295, %get3A_296] {strides = array<i32>} : memref<200x128xi32, #tpu.memory_space<vmem>>, vector<16xi32>,
    %dma_start3A_298 = arith.constant 3 : i32
    %dma_start3A_299 = arith.constant 0 : i32
    %dma_start3A_300 = arith.constant 0 : i32
    %dma_start3A_301 = tpu.memref_slice %arg7[%dma_start3A_298, %dma_start3A_299, %dma_start3A_300] : memref<4x128x64xf32, #tpu.memory_space<vmem>> -> memref<1x16x64xf32, #tpu.memory_space<vmem>>
    %dma_start3A_302 = tpu.memref_squeeze %dma_start3A_301 : memref<1x16x64xf32, #tpu.memory_space<vmem>> -> memref<16x64xf32, #tpu.memory_space<vmem>>
    %dma_start3A_303 = arith.constant 0 : i32
    %dma_start3A_304 = arith.constant 0 : i32
    %dma_start3A_305 = tpu.memref_slice %arg3[%dma_start3A_303, %dma_start3A_304] : memref<1000000x64xf32, #tpu.memory_space<hbm>> -> memref<1000000x64xf32, #tpu.memory_space<hbm>>
    tpu.enqueue_indirect_dma source(%dma_start3A_305 : memref<1000000x64xf32, #tpu.memory_space<hbm>>) target(%dma_start3A_302 : memref<16x64xf32, #tpu.memory_space<vmem>>) offsets(%get3A_297 : vector<16xi32>) semaphore(%arg12 : memref<!tpu.dma_semaphore, #tpu.memory_space<semaphore_mem>>)
    %get3A_306 = arith.constant 3 : i32
    %get3A_307 = arith.index_cast %get3A_306 : i32 to index
    %get3A_308 = arith.constant 16 : index
    %get3A_309 = tpu.vector_load %arg6[%get3A_307, %get3A_308] {strides = array<i32>} : memref<200x128xi32, #tpu.memory_space<vmem>>, vector<16xi32>,
    %dma_start3A_310 = arith.constant 3 : i32
    %dma_start3A_311 = arith.constant 16 : i32
    %dma_start3A_312 = arith.constant 0 : i32
    %dma_start3A_313 = tpu.memref_slice %arg7[%dma_start3A_310, %dma_start3A_311, %dma_start3A_312] : memref<4x128x64xf32, #tpu.memory_space<vmem>> -> memref<1x16x64xf32, #tpu.memory_space<vmem>>
    %dma_start3A_314 = tpu.memref_squeeze %dma_start3A_313 : memref<1x16x64xf32, #tpu.memory_space<vmem>> -> memref<16x64xf32, #tpu.memory_space<vmem>>
    %dma_start3A_315 = arith.constant 0 : i32
    %dma_start3A_316 = arith.constant 0 : i32
    %dma_start3A_317 = tpu.memref_slice %arg3[%dma_start3A_315, %dma_start3A_316] : memref<1000000x64xf32, #tpu.memory_space<hbm>> -> memref<1000000x64xf32, #tpu.memory_space<hbm>>
    tpu.enqueue_indirect_dma source(%dma_start3A_317 : memref<1000000x64xf32, #tpu.memory_space<hbm>>) target(%dma_start3A_314 : memref<16x64xf32, #tpu.memory_space<vmem>>) offsets(%get3A_309 : vector<16xi32>) semaphore(%arg12 : memref<!tpu.dma_semaphore, #tpu.memory_space<semaphore_mem>>)
    %get3A_318 = arith.constant 3 : i32
    %get3A_319 = arith.index_cast %get3A_318 : i32 to index
    %get3A_320 = arith.constant 32 : index
    %get3A_321 = tpu.vector_load %arg6[%get3A_319, %get3A_320] {strides = array<i32>} : memref<200x128xi32, #tpu.memory_space<vmem>>, vector<16xi32>,
    %dma_start3A_322 = arith.constant 3 : i32
    %dma_start3A_323 = arith.constant 32 : i32
    %dma_start3A_324 = arith.constant 0 : i32
    %dma_start3A_325 = tpu.memref_slice %arg7[%dma_start3A_322, %dma_start3A_323, %dma_start3A_324] : memref<4x128x64xf32, #tpu.memory_space<vmem>> -> memref<1x16x64xf32, #tpu.memory_space<vmem>>
    %dma_start3A_326 = tpu.memref_squeeze %dma_start3A_325 : memref<1x16x64xf32, #tpu.memory_space<vmem>> -> memref<16x64xf32, #tpu.memory_space<vmem>>
    %dma_start3A_327 = arith.constant 0 : i32
    %dma_start3A_328 = arith.constant 0 : i32
    %dma_start3A_329 = tpu.memref_slice %arg3[%dma_start3A_327, %dma_start3A_328] : memref<1000000x64xf32, #tpu.memory_space<hbm>> -> memref<1000000x64xf32, #tpu.memory_space<hbm>>
    tpu.enqueue_indirect_dma source(%dma_start3A_329 : memref<1000000x64xf32, #tpu.memory_space<hbm>>) target(%dma_start3A_326 : memref<16x64xf32, #tpu.memory_space<vmem>>) offsets(%get3A_321 : vector<16xi32>) semaphore(%arg12 : memref<!tpu.dma_semaphore, #tpu.memory_space<semaphore_mem>>)
    %get3A_330 = arith.constant 3 : i32
    %get3A_331 = arith.index_cast %get3A_330 : i32 to index
    %get3A_332 = arith.constant 48 : index
    %get3A_333 = tpu.vector_load %arg6[%get3A_331, %get3A_332] {strides = array<i32>} : memref<200x128xi32, #tpu.memory_space<vmem>>, vector<16xi32>,
    %dma_start3A_334 = arith.constant 3 : i32
    %dma_start3A_335 = arith.constant 48 : i32
    %dma_start3A_336 = arith.constant 0 : i32
    %dma_start3A_337 = tpu.memref_slice %arg7[%dma_start3A_334, %dma_start3A_335, %dma_start3A_336] : memref<4x128x64xf32, #tpu.memory_space<vmem>> -> memref<1x16x64xf32, #tpu.memory_space<vmem>>
    %dma_start3A_338 = tpu.memref_squeeze %dma_start3A_337 : memref<1x16x64xf32, #tpu.memory_space<vmem>> -> memref<16x64xf32, #tpu.memory_space<vmem>>
    %dma_start3A_339 = arith.constant 0 : i32
    %dma_start3A_340 = arith.constant 0 : i32
    %dma_start3A_341 = tpu.memref_slice %arg3[%dma_start3A_339, %dma_start3A_340] : memref<1000000x64xf32, #tpu.memory_space<hbm>> -> memref<1000000x64xf32, #tpu.memory_space<hbm>>
    tpu.enqueue_indirect_dma source(%dma_start3A_341 : memref<1000000x64xf32, #tpu.memory_space<hbm>>) target(%dma_start3A_338 : memref<16x64xf32, #tpu.memory_space<vmem>>) offsets(%get3A_333 : vector<16xi32>) semaphore(%arg12 : memref<!tpu.dma_semaphore, #tpu.memory_space<semaphore_mem>>)
    %get3A_342 = arith.constant 3 : i32
    %get3A_343 = arith.index_cast %get3A_342 : i32 to index
    %get3A_344 = arith.constant 64 : index
    %get3A_345 = tpu.vector_load %arg6[%get3A_343, %get3A_344] {strides = array<i32>} : memref<200x128xi32, #tpu.memory_space<vmem>>, vector<16xi32>,
    %dma_start3A_346 = arith.constant 3 : i32
    %dma_start3A_347 = arith.constant 64 : i32
    %dma_start3A_348 = arith.constant 0 : i32
    %dma_start3A_349 = tpu.memref_slice %arg7[%dma_start3A_346, %dma_start3A_347, %dma_start3A_348] : memref<4x128x64xf32, #tpu.memory_space<vmem>> -> memref<1x16x64xf32, #tpu.memory_space<vmem>>
    %dma_start3A_350 = tpu.memref_squeeze %dma_start3A_349 : memref<1x16x64xf32, #tpu.memory_space<vmem>> -> memref<16x64xf32, #tpu.memory_space<vmem>>
    %dma_start3A_351 = arith.constant 0 : i32
    %dma_start3A_352 = arith.constant 0 : i32
    %dma_start3A_353 = tpu.memref_slice %arg3[%dma_start3A_351, %dma_start3A_352] : memref<1000000x64xf32, #tpu.memory_space<hbm>> -> memref<1000000x64xf32, #tpu.memory_space<hbm>>
    tpu.enqueue_indirect_dma source(%dma_start3A_353 : memref<1000000x64xf32, #tpu.memory_space<hbm>>) target(%dma_start3A_350 : memref<16x64xf32, #tpu.memory_space<vmem>>) offsets(%get3A_345 : vector<16xi32>) semaphore(%arg12 : memref<!tpu.dma_semaphore, #tpu.memory_space<semaphore_mem>>)
    %get3A_354 = arith.constant 3 : i32
    %get3A_355 = arith.index_cast %get3A_354 : i32 to index
    %get3A_356 = arith.constant 80 : index
    %get3A_357 = tpu.vector_load %arg6[%get3A_355, %get3A_356] {strides = array<i32>} : memref<200x128xi32, #tpu.memory_space<vmem>>, vector<16xi32>,
    %dma_start3A_358 = arith.constant 3 : i32
    %dma_start3A_359 = arith.constant 80 : i32
    %dma_start3A_360 = arith.constant 0 : i32
    %dma_start3A_361 = tpu.memref_slice %arg7[%dma_start3A_358, %dma_start3A_359, %dma_start3A_360] : memref<4x128x64xf32, #tpu.memory_space<vmem>> -> memref<1x16x64xf32, #tpu.memory_space<vmem>>
    %dma_start3A_362 = tpu.memref_squeeze %dma_start3A_361 : memref<1x16x64xf32, #tpu.memory_space<vmem>> -> memref<16x64xf32, #tpu.memory_space<vmem>>
    %dma_start3A_363 = arith.constant 0 : i32
    %dma_start3A_364 = arith.constant 0 : i32
    %dma_start3A_365 = tpu.memref_slice %arg3[%dma_start3A_363, %dma_start3A_364] : memref<1000000x64xf32, #tpu.memory_space<hbm>> -> memref<1000000x64xf32, #tpu.memory_space<hbm>>
    tpu.enqueue_indirect_dma source(%dma_start3A_365 : memref<1000000x64xf32, #tpu.memory_space<hbm>>) target(%dma_start3A_362 : memref<16x64xf32, #tpu.memory_space<vmem>>) offsets(%get3A_357 : vector<16xi32>) semaphore(%arg12 : memref<!tpu.dma_semaphore, #tpu.memory_space<semaphore_mem>>)
    %get3A_366 = arith.constant 3 : i32
    %get3A_367 = arith.index_cast %get3A_366 : i32 to index
    %get3A_368 = arith.constant 96 : index
    %get3A_369 = tpu.vector_load %arg6[%get3A_367, %get3A_368] {strides = array<i32>} : memref<200x128xi32, #tpu.memory_space<vmem>>, vector<16xi32>,
    %dma_start3A_370 = arith.constant 3 : i32
    %dma_start3A_371 = arith.constant 96 : i32
    %dma_start3A_372 = arith.constant 0 : i32
    %dma_start3A_373 = tpu.memref_slice %arg7[%dma_start3A_370, %dma_start3A_371, %dma_start3A_372] : memref<4x128x64xf32, #tpu.memory_space<vmem>> -> memref<1x16x64xf32, #tpu.memory_space<vmem>>
    %dma_start3A_374 = tpu.memref_squeeze %dma_start3A_373 : memref<1x16x64xf32, #tpu.memory_space<vmem>> -> memref<16x64xf32, #tpu.memory_space<vmem>>
    %dma_start3A_375 = arith.constant 0 : i32
    %dma_start3A_376 = arith.constant 0 : i32
    %dma_start3A_377 = tpu.memref_slice %arg3[%dma_start3A_375, %dma_start3A_376] : memref<1000000x64xf32, #tpu.memory_space<hbm>> -> memref<1000000x64xf32, #tpu.memory_space<hbm>>
    tpu.enqueue_indirect_dma source(%dma_start3A_377 : memref<1000000x64xf32, #tpu.memory_space<hbm>>) target(%dma_start3A_374 : memref<16x64xf32, #tpu.memory_space<vmem>>) offsets(%get3A_369 : vector<16xi32>) semaphore(%arg12 : memref<!tpu.dma_semaphore, #tpu.memory_space<semaphore_mem>>)
    %get3A_378 = arith.constant 3 : i32
    %get3A_379 = arith.index_cast %get3A_378 : i32 to index
    %get3A_380 = arith.constant 112 : index
    %get3A_381 = tpu.vector_load %arg6[%get3A_379, %get3A_380] {strides = array<i32>} : memref<200x128xi32, #tpu.memory_space<vmem>>, vector<16xi32>,
    %dma_start3A_382 = arith.constant 3 : i32
    %dma_start3A_383 = arith.constant 112 : i32
    %dma_start3A_384 = arith.constant 0 : i32
    %dma_start3A_385 = tpu.memref_slice %arg7[%dma_start3A_382, %dma_start3A_383, %dma_start3A_384] : memref<4x128x64xf32, #tpu.memory_space<vmem>> -> memref<1x16x64xf32, #tpu.memory_space<vmem>>
    %dma_start3A_386 = tpu.memref_squeeze %dma_start3A_385 : memref<1x16x64xf32, #tpu.memory_space<vmem>> -> memref<16x64xf32, #tpu.memory_space<vmem>>
    %dma_start3A_387 = arith.constant 0 : i32
    %dma_start3A_388 = arith.constant 0 : i32
    %dma_start3A_389 = tpu.memref_slice %arg3[%dma_start3A_387, %dma_start3A_388] : memref<1000000x64xf32, #tpu.memory_space<hbm>> -> memref<1000000x64xf32, #tpu.memory_space<hbm>>
    tpu.enqueue_indirect_dma source(%dma_start3A_389 : memref<1000000x64xf32, #tpu.memory_space<hbm>>) target(%dma_start3A_386 : memref<16x64xf32, #tpu.memory_space<vmem>>) offsets(%get3A_381 : vector<16xi32>) semaphore(%arg12 : memref<!tpu.dma_semaphore, #tpu.memory_space<semaphore_mem>>)
    %dma_wait3A = arith.constant 0 : i32
    %dma_wait3A_390 = arith.constant 0 : i32
    %dma_wait3A_391 = arith.constant 0 : i32
    %dma_wait3A_392 = arith.constant 0 : i32
    %dma_wait3A_393 = tpu.memref_slice %arg7[%dma_wait3A_390, %dma_wait3A_391, %dma_wait3A_392] : memref<4x128x64xf32, #tpu.memory_space<vmem>> -> memref<1x128x64xf32, #tpu.memory_space<vmem>>
    %dma_wait3A_394 = tpu.memref_squeeze %dma_wait3A_393 : memref<1x128x64xf32, #tpu.memory_space<vmem>> -> memref<128x64xf32, #tpu.memory_space<vmem>>
    %dma_wait3A_395 = arith.constant 0 : i32
    %dma_wait3A_396 = tpu.memref_slice %arg6[%dma_wait3A, %dma_wait3A_395] : memref<200x128xi32, #tpu.memory_space<vmem>> -> memref<1x128xi32, #tpu.memory_space<vmem>>
    %dma_wait3A_397 = tpu.memref_squeeze %dma_wait3A_396 : memref<1x128xi32, #tpu.memory_space<vmem>> -> memref<128xi32, #tpu.memory_space<vmem>>
    %dma_wait3A_398 = arith.constant 0 : i32
    %dma_wait3A_399 = arith.constant 0 : i32
    %dma_wait3A_400 = tpu.memref_slice %arg3[%dma_wait3A_398, %dma_wait3A_399] : memref<1000000x64xf32, #tpu.memory_space<hbm>> -> memref<1000000x64xf32, #tpu.memory_space<hbm>>
    tpu.wait_indirect_dma semaphore(%arg9 : memref<!tpu.dma_semaphore, #tpu.memory_space<semaphore_mem>>) src(%dma_wait3A_400 : memref<1000000x64xf32, #tpu.memory_space<hbm>>) dst(%dma_wait3A_394 : memref<128x64xf32, #tpu.memory_space<vmem>>)
    %scan3A_401 = arith.constant 0 : i32
    %scan3A_402 = arith.constant 0 : i32
    %scan3A_403 = arith.constant 128 : i32
    %scan3A_404 = arith.addi %scan3A_402, %scan3A_403 : i32
    %scan3A_405 = arith.constant 1 : i32
    scf.for %scan3A_643 = %scan3A_402 to %scan3A_404 step %scan3A_405  : i32 {
      %broadcast_in_dim3A = vector.broadcast %scan3A_643 : i32 to vector<16xi32>
      %get3A_644 = arith.constant 0 : i32
      %get3A_645 = arith.index_cast %get3A_644 : i32 to index
      %get3A_646 = arith.index_cast %scan3A_643 : i32 to index
      %get3A_647 = arith.constant 0 : index
      %get3A_648 = tpu.vector_load %arg7[%get3A_645, %get3A_646, %get3A_647] {strides = array<i32>} : memref<4x128x64xf32, #tpu.memory_space<vmem>>, vector<16xf32>,
      %add3A_649 = arith.constant 0 : i32
      %add3A_650 = vector.broadcast %add3A_649 : i32 to vector<16xi32>
      %add3A_651 = arith.addi %iota3A, %add3A_650 : vector<16xi32>
      %shift_right_logical3A = arith.constant 3 : i32
      %shift_right_logical3A_652 = vector.broadcast %shift_right_logical3A : i32 to vector<16xi32>
      %shift_right_logical3A_653 = arith.shrui %add3A_651, %shift_right_logical3A_652 : vector<16xi32>
      %and3A = arith.constant 7 : i32
      %and3A_654 = vector.broadcast %and3A : i32 to vector<16xi32>
      %and3A_655 = arith.andi %add3A_651, %and3A_654 : vector<16xi32>
      %mul3A_656 = arith.constant 8.000000e+00 : f32
      %mul3A_657 = vector.broadcast %mul3A_656 : f32 to vector<16xf32>
      %mul3A_658 = arith.mulf %get3A_648, %mul3A_657 : vector<16xf32>
      %scatter3A = arith.constant 0 : i32
      %scatter3A_659 = arith.constant 0 : i32
      %scatter3A_660 = arith.constant 0 : i32
      %scatter3A_661 = arith.constant 0 : i32
      %scatter3A_662 = tpu.memref_slice %arg8[%scatter3A, %scatter3A_659, %scatter3A_660, %scatter3A_661] : memref<4x8x8x129xf32, #tpu.memory_space<vmem>> -> memref<1x8x8x129xf32, #tpu.memory_space<vmem>>
      %scatter3A_663 = tpu.memref_squeeze %scatter3A_662 : memref<1x8x8x129xf32, #tpu.memory_space<vmem>> -> memref<8x8x129xf32, #tpu.memory_space<vmem>>
      tpu.vector_store_idx %scatter3A_663[%shift_right_logical3A_653, %and3A_655, %broadcast_in_dim3A], %mul3A_658 : memref<8x8x129xf32, #tpu.memory_space<vmem>>[vector<16xi32>, vector<16xi32>, vector<16xi32>], vector<16xf32>,
      %get3A_664 = arith.constant 0 : i32
      %get3A_665 = arith.index_cast %get3A_664 : i32 to index
      %get3A_666 = arith.index_cast %scan3A_643 : i32 to index
      %get3A_667 = arith.constant 16 : index
      %get3A_668 = tpu.vector_load %arg7[%get3A_665, %get3A_666, %get3A_667] {strides = array<i32>} : memref<4x128x64xf32, #tpu.memory_space<vmem>>, vector<16xf32>,
      %add3A_669 = arith.constant 16 : i32
      %add3A_670 = vector.broadcast %add3A_669 : i32 to vector<16xi32>
      %add3A_671 = arith.addi %iota3A, %add3A_670 : vector<16xi32>
      %shift_right_logical3A_672 = arith.constant 3 : i32
      %shift_right_logical3A_673 = vector.broadcast %shift_right_logical3A_672 : i32 to vector<16xi32>
      %shift_right_logical3A_674 = arith.shrui %add3A_671, %shift_right_logical3A_673 : vector<16xi32>
      %and3A_675 = arith.constant 7 : i32
      %and3A_676 = vector.broadcast %and3A_675 : i32 to vector<16xi32>
      %and3A_677 = arith.andi %add3A_671, %and3A_676 : vector<16xi32>
      %mul3A_678 = arith.constant 8.000000e+00 : f32
      %mul3A_679 = vector.broadcast %mul3A_678 : f32 to vector<16xf32>
      %mul3A_680 = arith.mulf %get3A_668, %mul3A_679 : vector<16xf32>
      %scatter3A_681 = arith.constant 0 : i32
      %scatter3A_682 = arith.constant 0 : i32
      %scatter3A_683 = arith.constant 0 : i32
      %scatter3A_684 = arith.constant 0 : i32
      %scatter3A_685 = tpu.memref_slice %arg8[%scatter3A_681, %scatter3A_682, %scatter3A_683, %scatter3A_684] : memref<4x8x8x129xf32, #tpu.memory_space<vmem>> -> memref<1x8x8x129xf32, #tpu.memory_space<vmem>>
      %scatter3A_686 = tpu.memref_squeeze %scatter3A_685 : memref<1x8x8x129xf32, #tpu.memory_space<vmem>> -> memref<8x8x129xf32, #tpu.memory_space<vmem>>
      tpu.vector_store_idx %scatter3A_686[%shift_right_logical3A_674, %and3A_677, %broadcast_in_dim3A], %mul3A_680 : memref<8x8x129xf32, #tpu.memory_space<vmem>>[vector<16xi32>, vector<16xi32>, vector<16xi32>], vector<16xf32>,
      %get3A_687 = arith.constant 0 : i32
      %get3A_688 = arith.index_cast %get3A_687 : i32 to index
      %get3A_689 = arith.index_cast %scan3A_643 : i32 to index
      %get3A_690 = arith.constant 32 : index
      %get3A_691 = tpu.vector_load %arg7[%get3A_688, %get3A_689, %get3A_690] {strides = array<i32>} : memref<4x128x64xf32, #tpu.memory_space<vmem>>, vector<16xf32>,
      %add3A_692 = arith.constant 32 : i32
      %add3A_693 = vector.broadcast %add3A_692 : i32 to vector<16xi32>
      %add3A_694 = arith.addi %iota3A, %add3A_693 : vector<16xi32>
      %shift_right_logical3A_695 = arith.constant 3 : i32
      %shift_right_logical3A_696 = vector.broadcast %shift_right_logical3A_695 : i32 to vector<16xi32>
      %shift_right_logical3A_697 = arith.shrui %add3A_694, %shift_right_logical3A_696 : vector<16xi32>
      %and3A_698 = arith.constant 7 : i32
      %and3A_699 = vector.broadcast %and3A_698 : i32 to vector<16xi32>
      %and3A_700 = arith.andi %add3A_694, %and3A_699 : vector<16xi32>
      %mul3A_701 = arith.constant 8.000000e+00 : f32
      %mul3A_702 = vector.broadcast %mul3A_701 : f32 to vector<16xf32>
      %mul3A_703 = arith.mulf %get3A_691, %mul3A_702 : vector<16xf32>
      %scatter3A_704 = arith.constant 0 : i32
      %scatter3A_705 = arith.constant 0 : i32
      %scatter3A_706 = arith.constant 0 : i32
      %scatter3A_707 = arith.constant 0 : i32
      %scatter3A_708 = tpu.memref_slice %arg8[%scatter3A_704, %scatter3A_705, %scatter3A_706, %scatter3A_707] : memref<4x8x8x129xf32, #tpu.memory_space<vmem>> -> memref<1x8x8x129xf32, #tpu.memory_space<vmem>>
      %scatter3A_709 = tpu.memref_squeeze %scatter3A_708 : memref<1x8x8x129xf32, #tpu.memory_space<vmem>> -> memref<8x8x129xf32, #tpu.memory_space<vmem>>
      tpu.vector_store_idx %scatter3A_709[%shift_right_logical3A_697, %and3A_700, %broadcast_in_dim3A], %mul3A_703 : memref<8x8x129xf32, #tpu.memory_space<vmem>>[vector<16xi32>, vector<16xi32>, vector<16xi32>], vector<16xf32>,
      %get3A_710 = arith.constant 0 : i32
      %get3A_711 = arith.index_cast %get3A_710 : i32 to index
      %get3A_712 = arith.index_cast %scan3A_643 : i32 to index
      %get3A_713 = arith.constant 48 : index
      %get3A_714 = tpu.vector_load %arg7[%get3A_711, %get3A_712, %get3A_713] {strides = array<i32>} : memref<4x128x64xf32, #tpu.memory_space<vmem>>, vector<16xf32>,
      %add3A_715 = arith.constant 48 : i32
      %add3A_716 = vector.broadcast %add3A_715 : i32 to vector<16xi32>
      %add3A_717 = arith.addi %iota3A, %add3A_716 : vector<16xi32>
      %shift_right_logical3A_718 = arith.constant 3 : i32
      %shift_right_logical3A_719 = vector.broadcast %shift_right_logical3A_718 : i32 to vector<16xi32>
      %shift_right_logical3A_720 = arith.shrui %add3A_717, %shift_right_logical3A_719 : vector<16xi32>
      %and3A_721 = arith.constant 7 : i32
      %and3A_722 = vector.broadcast %and3A_721 : i32 to vector<16xi32>
      %and3A_723 = arith.andi %add3A_717, %and3A_722 : vector<16xi32>
      %mul3A_724 = arith.constant 8.000000e+00 : f32
      %mul3A_725 = vector.broadcast %mul3A_724 : f32 to vector<16xf32>
      %mul3A_726 = arith.mulf %get3A_714, %mul3A_725 : vector<16xf32>
      %scatter3A_727 = arith.constant 0 : i32
      %scatter3A_728 = arith.constant 0 : i32
      %scatter3A_729 = arith.constant 0 : i32
      %scatter3A_730 = arith.constant 0 : i32
      %scatter3A_731 = tpu.memref_slice %arg8[%scatter3A_727, %scatter3A_728, %scatter3A_729, %scatter3A_730] : memref<4x8x8x129xf32, #tpu.memory_space<vmem>> -> memref<1x8x8x129xf32, #tpu.memory_space<vmem>>
      %scatter3A_732 = tpu.memref_squeeze %scatter3A_731 : memref<1x8x8x129xf32, #tpu.memory_space<vmem>> -> memref<8x8x129xf32, #tpu.memory_space<vmem>>
      tpu.vector_store_idx %scatter3A_732[%shift_right_logical3A_720, %and3A_723, %broadcast_in_dim3A], %mul3A_726 : memref<8x8x129xf32, #tpu.memory_space<vmem>>[vector<16xi32>, vector<16xi32>, vector<16xi32>], vector<16xf32>,
    }
    %scan3A_406 = arith.constant 128 : i32
    %dma_start3A_407 = arith.constant 0 : i32
    %dma_start3A_408 = arith.constant 0 : i32
    %dma_start3A_409 = arith.constant 0 : i32
    %dma_start3A_410 = arith.constant 0 : i32
    %dma_start3A_411 = arith.constant 0 : i32
    %dma_start3A_412 = tpu.memref_slice %arg8[%dma_start3A_407, %dma_start3A_409, %dma_start3A_410, %dma_start3A_411] : memref<4x8x8x129xf32, #tpu.memory_space<vmem>> -> memref<1x8x8x128xf32, #tpu.memory_space<vmem>>
    %dma_start3A_413 = tpu.memref_squeeze %dma_start3A_412 : memref<1x8x8x128xf32, #tpu.memory_space<vmem>> -> memref<8x8x128xf32, #tpu.memory_space<vmem>>
    %dma_start3A_414 = arith.constant 0 : i32
    %dma_start3A_415 = arith.constant 0 : i32
    %dma_start3A_416 = arith.constant 0 : i32
    %dma_start3A_417 = tpu.memref_slice %arg4[%dma_start3A_408, %dma_start3A_414, %add3A, %dma_start3A_415, %dma_start3A_416] : memref<200x8x32x8x128xf32, #tpu.memory_space<hbm>> -> memref<1x8x1x8x128xf32, #tpu.memory_space<hbm>>
    %dma_start3A_418 = tpu.memref_squeeze %dma_start3A_417 : memref<1x8x1x8x128xf32, #tpu.memory_space<hbm>> -> memref<8x8x128xf32, #tpu.memory_space<hbm>>
    %dma_start3A_419 = arith.constant 0 : i32
    %dma_start3A_420 = arith.constant 0 : i32
    %dma_start3A_421 = arith.constant 0 : i32
    %dma_start3A_422 = tpu.memref_slice %arg4[%dma_start3A_408, %dma_start3A_419, %add3A, %dma_start3A_420, %dma_start3A_421] : memref<200x8x32x8x128xf32, #tpu.memory_space<hbm>> -> memref<1x8x1x8x128xf32, #tpu.memory_space<hbm>>
    %dma_start3A_423 = tpu.memref_squeeze %dma_start3A_422 : memref<1x8x1x8x128xf32, #tpu.memory_space<hbm>> -> memref<8x8x128xf32, #tpu.memory_space<hbm>>
    %dma_start3A_424 = arith.constant 0 : i32
    %dma_start3A_425 = arith.constant 0 : i32
    %dma_start3A_426 = arith.constant 0 : i32
    %dma_start3A_427 = tpu.memref_slice %arg8[%dma_start3A_407, %dma_start3A_424, %dma_start3A_425, %dma_start3A_426] : memref<4x8x8x129xf32, #tpu.memory_space<vmem>> -> memref<1x8x8x128xf32, #tpu.memory_space<vmem>>
    %dma_start3A_428 = tpu.memref_squeeze %dma_start3A_427 : memref<1x8x8x128xf32, #tpu.memory_space<vmem>> -> memref<8x8x128xf32, #tpu.memory_space<vmem>>
    tpu.enqueue_dma source(%dma_start3A_428 : memref<8x8x128xf32, #tpu.memory_space<vmem>>) target(%dma_start3A_423 : memref<8x8x128xf32, #tpu.memory_space<hbm>>) target_semaphore(%arg13 : memref<!tpu.dma_semaphore, #tpu.memory_space<semaphore_mem>>)
    %dma_wait3A_429 = arith.constant 1 : i32
    %dma_wait3A_430 = arith.constant 1 : i32
    %dma_wait3A_431 = arith.constant 0 : i32
    %dma_wait3A_432 = arith.constant 0 : i32
    %dma_wait3A_433 = tpu.memref_slice %arg7[%dma_wait3A_430, %dma_wait3A_431, %dma_wait3A_432] : memref<4x128x64xf32, #tpu.memory_space<vmem>> -> memref<1x128x64xf32, #tpu.memory_space<vmem>>
    %dma_wait3A_434 = tpu.memref_squeeze %dma_wait3A_433 : memref<1x128x64xf32, #tpu.memory_space<vmem>> -> memref<128x64xf32, #tpu.memory_space<vmem>>
    %dma_wait3A_435 = arith.constant 0 : i32
    %dma_wait3A_436 = tpu.memref_slice %arg6[%dma_wait3A_429, %dma_wait3A_435] : memref<200x128xi32, #tpu.memory_space<vmem>> -> memref<1x128xi32, #tpu.memory_space<vmem>>
    %dma_wait3A_437 = tpu.memref_squeeze %dma_wait3A_436 : memref<1x128xi32, #tpu.memory_space<vmem>> -> memref<128xi32, #tpu.memory_space<vmem>>
    %dma_wait3A_438 = arith.constant 0 : i32
    %dma_wait3A_439 = arith.constant 0 : i32
    %dma_wait3A_440 = tpu.memref_slice %arg3[%dma_wait3A_438, %dma_wait3A_439] : memref<1000000x64xf32, #tpu.memory_space<hbm>> -> memref<1000000x64xf32, #tpu.memory_space<hbm>>
    tpu.wait_indirect_dma semaphore(%arg10 : memref<!tpu.dma_semaphore, #tpu.memory_space<semaphore_mem>>) src(%dma_wait3A_440 : memref<1000000x64xf32, #tpu.memory_space<hbm>>) dst(%dma_wait3A_434 : memref<128x64xf32, #tpu.memory_space<vmem>>)
    %scan3A_441 = arith.constant 0 : i32
    %scan3A_442 = arith.constant 0 : i32
    %scan3A_443 = arith.constant 128 : i32
    %scan3A_444 = arith.addi %scan3A_442, %scan3A_443 : i32
    %scan3A_445 = arith.constant 1 : i32
    scf.for %scan3A_643 = %scan3A_442 to %scan3A_444 step %scan3A_445  : i32 {
      %broadcast_in_dim3A = vector.broadcast %scan3A_643 : i32 to vector<16xi32>
      %get3A_644 = arith.constant 1 : i32
      %get3A_645 = arith.index_cast %get3A_644 : i32 to index
      %get3A_646 = arith.index_cast %scan3A_643 : i32 to index
      %get3A_647 = arith.constant 0 : index
      %get3A_648 = tpu.vector_load %arg7[%get3A_645, %get3A_646, %get3A_647] {strides = array<i32>} : memref<4x128x64xf32, #tpu.memory_space<vmem>>, vector<16xf32>,
      %add3A_649 = arith.constant 0 : i32
      %add3A_650 = vector.broadcast %add3A_649 : i32 to vector<16xi32>
      %add3A_651 = arith.addi %iota3A, %add3A_650 : vector<16xi32>
      %shift_right_logical3A = arith.constant 3 : i32
      %shift_right_logical3A_652 = vector.broadcast %shift_right_logical3A : i32 to vector<16xi32>
      %shift_right_logical3A_653 = arith.shrui %add3A_651, %shift_right_logical3A_652 : vector<16xi32>
      %and3A = arith.constant 7 : i32
      %and3A_654 = vector.broadcast %and3A : i32 to vector<16xi32>
      %and3A_655 = arith.andi %add3A_651, %and3A_654 : vector<16xi32>
      %mul3A_656 = arith.constant 8.000000e+00 : f32
      %mul3A_657 = vector.broadcast %mul3A_656 : f32 to vector<16xf32>
      %mul3A_658 = arith.mulf %get3A_648, %mul3A_657 : vector<16xf32>
      %scatter3A = arith.constant 1 : i32
      %scatter3A_659 = arith.constant 0 : i32
      %scatter3A_660 = arith.constant 0 : i32
      %scatter3A_661 = arith.constant 0 : i32
      %scatter3A_662 = tpu.memref_slice %arg8[%scatter3A, %scatter3A_659, %scatter3A_660, %scatter3A_661] : memref<4x8x8x129xf32, #tpu.memory_space<vmem>> -> memref<1x8x8x129xf32, #tpu.memory_space<vmem>>
      %scatter3A_663 = tpu.memref_squeeze %scatter3A_662 : memref<1x8x8x129xf32, #tpu.memory_space<vmem>> -> memref<8x8x129xf32, #tpu.memory_space<vmem>>
      tpu.vector_store_idx %scatter3A_663[%shift_right_logical3A_653, %and3A_655, %broadcast_in_dim3A], %mul3A_658 : memref<8x8x129xf32, #tpu.memory_space<vmem>>[vector<16xi32>, vector<16xi32>, vector<16xi32>], vector<16xf32>,
      %get3A_664 = arith.constant 1 : i32
      %get3A_665 = arith.index_cast %get3A_664 : i32 to index
      %get3A_666 = arith.index_cast %scan3A_643 : i32 to index
      %get3A_667 = arith.constant 16 : index
      %get3A_668 = tpu.vector_load %arg7[%get3A_665, %get3A_666, %get3A_667] {strides = array<i32>} : memref<4x128x64xf32, #tpu.memory_space<vmem>>, vector<16xf32>,
      %add3A_669 = arith.constant 16 : i32
      %add3A_670 = vector.broadcast %add3A_669 : i32 to vector<16xi32>
      %add3A_671 = arith.addi %iota3A, %add3A_670 : vector<16xi32>
      %shift_right_logical3A_672 = arith.constant 3 : i32
      %shift_right_logical3A_673 = vector.broadcast %shift_right_logical3A_672 : i32 to vector<16xi32>
      %shift_right_logical3A_674 = arith.shrui %add3A_671, %shift_right_logical3A_673 : vector<16xi32>
      %and3A_675 = arith.constant 7 : i32
      %and3A_676 = vector.broadcast %and3A_675 : i32 to vector<16xi32>
      %and3A_677 = arith.andi %add3A_671, %and3A_676 : vector<16xi32>
      %mul3A_678 = arith.constant 8.000000e+00 : f32
      %mul3A_679 = vector.broadcast %mul3A_678 : f32 to vector<16xf32>
      %mul3A_680 = arith.mulf %get3A_668, %mul3A_679 : vector<16xf32>
      %scatter3A_681 = arith.constant 1 : i32
      %scatter3A_682 = arith.constant 0 : i32
      %scatter3A_683 = arith.constant 0 : i32
      %scatter3A_684 = arith.constant 0 : i32
      %scatter3A_685 = tpu.memref_slice %arg8[%scatter3A_681, %scatter3A_682, %scatter3A_683, %scatter3A_684] : memref<4x8x8x129xf32, #tpu.memory_space<vmem>> -> memref<1x8x8x129xf32, #tpu.memory_space<vmem>>
      %scatter3A_686 = tpu.memref_squeeze %scatter3A_685 : memref<1x8x8x129xf32, #tpu.memory_space<vmem>> -> memref<8x8x129xf32, #tpu.memory_space<vmem>>
      tpu.vector_store_idx %scatter3A_686[%shift_right_logical3A_674, %and3A_677, %broadcast_in_dim3A], %mul3A_680 : memref<8x8x129xf32, #tpu.memory_space<vmem>>[vector<16xi32>, vector<16xi32>, vector<16xi32>], vector<16xf32>,
      %get3A_687 = arith.constant 1 : i32
      %get3A_688 = arith.index_cast %get3A_687 : i32 to index
      %get3A_689 = arith.index_cast %scan3A_643 : i32 to index
      %get3A_690 = arith.constant 32 : index
      %get3A_691 = tpu.vector_load %arg7[%get3A_688, %get3A_689, %get3A_690] {strides = array<i32>} : memref<4x128x64xf32, #tpu.memory_space<vmem>>, vector<16xf32>,
      %add3A_692 = arith.constant 32 : i32
      %add3A_693 = vector.broadcast %add3A_692 : i32 to vector<16xi32>
      %add3A_694 = arith.addi %iota3A, %add3A_693 : vector<16xi32>
      %shift_right_logical3A_695 = arith.constant 3 : i32
      %shift_right_logical3A_696 = vector.broadcast %shift_right_logical3A_695 : i32 to vector<16xi32>
      %shift_right_logical3A_697 = arith.shrui %add3A_694, %shift_right_logical3A_696 : vector<16xi32>
      %and3A_698 = arith.constant 7 : i32
      %and3A_699 = vector.broadcast %and3A_698 : i32 to vector<16xi32>
      %and3A_700 = arith.andi %add3A_694, %and3A_699 : vector<16xi32>
      %mul3A_701 = arith.constant 8.000000e+00 : f32
      %mul3A_702 = vector.broadcast %mul3A_701 : f32 to vector<16xf32>
      %mul3A_703 = arith.mulf %get3A_691, %mul3A_702 : vector<16xf32>
      %scatter3A_704 = arith.constant 1 : i32
      %scatter3A_705 = arith.constant 0 : i32
      %scatter3A_706 = arith.constant 0 : i32
      %scatter3A_707 = arith.constant 0 : i32
      %scatter3A_708 = tpu.memref_slice %arg8[%scatter3A_704, %scatter3A_705, %scatter3A_706, %scatter3A_707] : memref<4x8x8x129xf32, #tpu.memory_space<vmem>> -> memref<1x8x8x129xf32, #tpu.memory_space<vmem>>
      %scatter3A_709 = tpu.memref_squeeze %scatter3A_708 : memref<1x8x8x129xf32, #tpu.memory_space<vmem>> -> memref<8x8x129xf32, #tpu.memory_space<vmem>>
      tpu.vector_store_idx %scatter3A_709[%shift_right_logical3A_697, %and3A_700, %broadcast_in_dim3A], %mul3A_703 : memref<8x8x129xf32, #tpu.memory_space<vmem>>[vector<16xi32>, vector<16xi32>, vector<16xi32>], vector<16xf32>,
      %get3A_710 = arith.constant 1 : i32
      %get3A_711 = arith.index_cast %get3A_710 : i32 to index
      %get3A_712 = arith.index_cast %scan3A_643 : i32 to index
      %get3A_713 = arith.constant 48 : index
      %get3A_714 = tpu.vector_load %arg7[%get3A_711, %get3A_712, %get3A_713] {strides = array<i32>} : memref<4x128x64xf32, #tpu.memory_space<vmem>>, vector<16xf32>,
      %add3A_715 = arith.constant 48 : i32
      %add3A_716 = vector.broadcast %add3A_715 : i32 to vector<16xi32>
      %add3A_717 = arith.addi %iota3A, %add3A_716 : vector<16xi32>
      %shift_right_logical3A_718 = arith.constant 3 : i32
      %shift_right_logical3A_719 = vector.broadcast %shift_right_logical3A_718 : i32 to vector<16xi32>
      %shift_right_logical3A_720 = arith.shrui %add3A_717, %shift_right_logical3A_719 : vector<16xi32>
      %and3A_721 = arith.constant 7 : i32
      %and3A_722 = vector.broadcast %and3A_721 : i32 to vector<16xi32>
      %and3A_723 = arith.andi %add3A_717, %and3A_722 : vector<16xi32>
      %mul3A_724 = arith.constant 8.000000e+00 : f32
      %mul3A_725 = vector.broadcast %mul3A_724 : f32 to vector<16xf32>
      %mul3A_726 = arith.mulf %get3A_714, %mul3A_725 : vector<16xf32>
      %scatter3A_727 = arith.constant 1 : i32
      %scatter3A_728 = arith.constant 0 : i32
      %scatter3A_729 = arith.constant 0 : i32
      %scatter3A_730 = arith.constant 0 : i32
      %scatter3A_731 = tpu.memref_slice %arg8[%scatter3A_727, %scatter3A_728, %scatter3A_729, %scatter3A_730] : memref<4x8x8x129xf32, #tpu.memory_space<vmem>> -> memref<1x8x8x129xf32, #tpu.memory_space<vmem>>
      %scatter3A_732 = tpu.memref_squeeze %scatter3A_731 : memref<1x8x8x129xf32, #tpu.memory_space<vmem>> -> memref<8x8x129xf32, #tpu.memory_space<vmem>>
      tpu.vector_store_idx %scatter3A_732[%shift_right_logical3A_720, %and3A_723, %broadcast_in_dim3A], %mul3A_726 : memref<8x8x129xf32, #tpu.memory_space<vmem>>[vector<16xi32>, vector<16xi32>, vector<16xi32>], vector<16xf32>,
    }
    %scan3A_446 = arith.constant 128 : i32
    %dma_start3A_447 = arith.constant 1 : i32
    %dma_start3A_448 = arith.constant 1 : i32
    %dma_start3A_449 = arith.constant 0 : i32
    %dma_start3A_450 = arith.constant 0 : i32
    %dma_start3A_451 = arith.constant 0 : i32
    %dma_start3A_452 = tpu.memref_slice %arg8[%dma_start3A_447, %dma_start3A_449, %dma_start3A_450, %dma_start3A_451] : memref<4x8x8x129xf32, #tpu.memory_space<vmem>> -> memref<1x8x8x128xf32, #tpu.memory_space<vmem>>
    %dma_start3A_453 = tpu.memref_squeeze %dma_start3A_452 : memref<1x8x8x128xf32, #tpu.memory_space<vmem>> -> memref<8x8x128xf32, #tpu.memory_space<vmem>>
    %dma_start3A_454 = arith.constant 0 : i32
    %dma_start3A_455 = arith.constant 0 : i32
    %dma_start3A_456 = arith.constant 0 : i32
    %dma_start3A_457 = tpu.memref_slice %arg4[%dma_start3A_448, %dma_start3A_454, %add3A, %dma_start3A_455, %dma_start3A_456] : memref<200x8x32x8x128xf32, #tpu.memory_space<hbm>> -> memref<1x8x1x8x128xf32, #tpu.memory_space<hbm>>
    %dma_start3A_458 = tpu.memref_squeeze %dma_start3A_457 : memref<1x8x1x8x128xf32, #tpu.memory_space<hbm>> -> memref<8x8x128xf32, #tpu.memory_space<hbm>>
    %dma_start3A_459 = arith.constant 0 : i32
    %dma_start3A_460 = arith.constant 0 : i32
    %dma_start3A_461 = arith.constant 0 : i32
    %dma_start3A_462 = tpu.memref_slice %arg4[%dma_start3A_448, %dma_start3A_459, %add3A, %dma_start3A_460, %dma_start3A_461] : memref<200x8x32x8x128xf32, #tpu.memory_space<hbm>> -> memref<1x8x1x8x128xf32, #tpu.memory_space<hbm>>
    %dma_start3A_463 = tpu.memref_squeeze %dma_start3A_462 : memref<1x8x1x8x128xf32, #tpu.memory_space<hbm>> -> memref<8x8x128xf32, #tpu.memory_space<hbm>>
    %dma_start3A_464 = arith.constant 0 : i32
    %dma_start3A_465 = arith.constant 0 : i32
    %dma_start3A_466 = arith.constant 0 : i32
    %dma_start3A_467 = tpu.memref_slice %arg8[%dma_start3A_447, %dma_start3A_464, %dma_start3A_465, %dma_start3A_466] : memref<4x8x8x129xf32, #tpu.memory_space<vmem>> -> memref<1x8x8x128xf32, #tpu.memory_space<vmem>>
    %dma_start3A_468 = tpu.memref_squeeze %dma_start3A_467 : memref<1x8x8x128xf32, #tpu.memory_space<vmem>> -> memref<8x8x128xf32, #tpu.memory_space<vmem>>
    tpu.enqueue_dma source(%dma_start3A_468 : memref<8x8x128xf32, #tpu.memory_space<vmem>>) target(%dma_start3A_463 : memref<8x8x128xf32, #tpu.memory_space<hbm>>) target_semaphore(%arg14 : memref<!tpu.dma_semaphore, #tpu.memory_space<semaphore_mem>>)
    %dma_wait3A_469 = arith.constant 2 : i32
    %dma_wait3A_470 = arith.constant 2 : i32
    %dma_wait3A_471 = arith.constant 0 : i32
    %dma_wait3A_472 = arith.constant 0 : i32
    %dma_wait3A_473 = tpu.memref_slice %arg7[%dma_wait3A_470, %dma_wait3A_471, %dma_wait3A_472] : memref<4x128x64xf32, #tpu.memory_space<vmem>> -> memref<1x128x64xf32, #tpu.memory_space<vmem>>
    %dma_wait3A_474 = tpu.memref_squeeze %dma_wait3A_473 : memref<1x128x64xf32, #tpu.memory_space<vmem>> -> memref<128x64xf32, #tpu.memory_space<vmem>>
    %dma_wait3A_475 = arith.constant 0 : i32
    %dma_wait3A_476 = tpu.memref_slice %arg6[%dma_wait3A_469, %dma_wait3A_475] : memref<200x128xi32, #tpu.memory_space<vmem>> -> memref<1x128xi32, #tpu.memory_space<vmem>>
    %dma_wait3A_477 = tpu.memref_squeeze %dma_wait3A_476 : memref<1x128xi32, #tpu.memory_space<vmem>> -> memref<128xi32, #tpu.memory_space<vmem>>
    %dma_wait3A_478 = arith.constant 0 : i32
    %dma_wait3A_479 = arith.constant 0 : i32
    %dma_wait3A_480 = tpu.memref_slice %arg3[%dma_wait3A_478, %dma_wait3A_479] : memref<1000000x64xf32, #tpu.memory_space<hbm>> -> memref<1000000x64xf32, #tpu.memory_space<hbm>>
    tpu.wait_indirect_dma semaphore(%arg11 : memref<!tpu.dma_semaphore, #tpu.memory_space<semaphore_mem>>) src(%dma_wait3A_480 : memref<1000000x64xf32, #tpu.memory_space<hbm>>) dst(%dma_wait3A_474 : memref<128x64xf32, #tpu.memory_space<vmem>>)
    %scan3A_481 = arith.constant 0 : i32
    %scan3A_482 = arith.constant 0 : i32
    %scan3A_483 = arith.constant 128 : i32
    %scan3A_484 = arith.addi %scan3A_482, %scan3A_483 : i32
    %scan3A_485 = arith.constant 1 : i32
    scf.for %scan3A_643 = %scan3A_482 to %scan3A_484 step %scan3A_485  : i32 {
      %broadcast_in_dim3A = vector.broadcast %scan3A_643 : i32 to vector<16xi32>
      %get3A_644 = arith.constant 2 : i32
      %get3A_645 = arith.index_cast %get3A_644 : i32 to index
      %get3A_646 = arith.index_cast %scan3A_643 : i32 to index
      %get3A_647 = arith.constant 0 : index
      %get3A_648 = tpu.vector_load %arg7[%get3A_645, %get3A_646, %get3A_647] {strides = array<i32>} : memref<4x128x64xf32, #tpu.memory_space<vmem>>, vector<16xf32>,
      %add3A_649 = arith.constant 0 : i32
      %add3A_650 = vector.broadcast %add3A_649 : i32 to vector<16xi32>
      %add3A_651 = arith.addi %iota3A, %add3A_650 : vector<16xi32>
      %shift_right_logical3A = arith.constant 3 : i32
      %shift_right_logical3A_652 = vector.broadcast %shift_right_logical3A : i32 to vector<16xi32>
      %shift_right_logical3A_653 = arith.shrui %add3A_651, %shift_right_logical3A_652 : vector<16xi32>
      %and3A = arith.constant 7 : i32
      %and3A_654 = vector.broadcast %and3A : i32 to vector<16xi32>
      %and3A_655 = arith.andi %add3A_651, %and3A_654 : vector<16xi32>
      %mul3A_656 = arith.constant 8.000000e+00 : f32
      %mul3A_657 = vector.broadcast %mul3A_656 : f32 to vector<16xf32>
      %mul3A_658 = arith.mulf %get3A_648, %mul3A_657 : vector<16xf32>
      %scatter3A = arith.constant 2 : i32
      %scatter3A_659 = arith.constant 0 : i32
      %scatter3A_660 = arith.constant 0 : i32
      %scatter3A_661 = arith.constant 0 : i32
      %scatter3A_662 = tpu.memref_slice %arg8[%scatter3A, %scatter3A_659, %scatter3A_660, %scatter3A_661] : memref<4x8x8x129xf32, #tpu.memory_space<vmem>> -> memref<1x8x8x129xf32, #tpu.memory_space<vmem>>
      %scatter3A_663 = tpu.memref_squeeze %scatter3A_662 : memref<1x8x8x129xf32, #tpu.memory_space<vmem>> -> memref<8x8x129xf32, #tpu.memory_space<vmem>>
      tpu.vector_store_idx %scatter3A_663[%shift_right_logical3A_653, %and3A_655, %broadcast_in_dim3A], %mul3A_658 : memref<8x8x129xf32, #tpu.memory_space<vmem>>[vector<16xi32>, vector<16xi32>, vector<16xi32>], vector<16xf32>,
      %get3A_664 = arith.constant 2 : i32
      %get3A_665 = arith.index_cast %get3A_664 : i32 to index
      %get3A_666 = arith.index_cast %scan3A_643 : i32 to index
      %get3A_667 = arith.constant 16 : index
      %get3A_668 = tpu.vector_load %arg7[%get3A_665, %get3A_666, %get3A_667] {strides = array<i32>} : memref<4x128x64xf32, #tpu.memory_space<vmem>>, vector<16xf32>,
      %add3A_669 = arith.constant 16 : i32
      %add3A_670 = vector.broadcast %add3A_669 : i32 to vector<16xi32>
      %add3A_671 = arith.addi %iota3A, %add3A_670 : vector<16xi32>
      %shift_right_logical3A_672 = arith.constant 3 : i32
      %shift_right_logical3A_673 = vector.broadcast %shift_right_logical3A_672 : i32 to vector<16xi32>
      %shift_right_logical3A_674 = arith.shrui %add3A_671, %shift_right_logical3A_673 : vector<16xi32>
      %and3A_675 = arith.constant 7 : i32
      %and3A_676 = vector.broadcast %and3A_675 : i32 to vector<16xi32>
      %and3A_677 = arith.andi %add3A_671, %and3A_676 : vector<16xi32>
      %mul3A_678 = arith.constant 8.000000e+00 : f32
      %mul3A_679 = vector.broadcast %mul3A_678 : f32 to vector<16xf32>
      %mul3A_680 = arith.mulf %get3A_668, %mul3A_679 : vector<16xf32>
      %scatter3A_681 = arith.constant 2 : i32
      %scatter3A_682 = arith.constant 0 : i32
      %scatter3A_683 = arith.constant 0 : i32
      %scatter3A_684 = arith.constant 0 : i32
      %scatter3A_685 = tpu.memref_slice %arg8[%scatter3A_681, %scatter3A_682, %scatter3A_683, %scatter3A_684] : memref<4x8x8x129xf32, #tpu.memory_space<vmem>> -> memref<1x8x8x129xf32, #tpu.memory_space<vmem>>
      %scatter3A_686 = tpu.memref_squeeze %scatter3A_685 : memref<1x8x8x129xf32, #tpu.memory_space<vmem>> -> memref<8x8x129xf32, #tpu.memory_space<vmem>>
      tpu.vector_store_idx %scatter3A_686[%shift_right_logical3A_674, %and3A_677, %broadcast_in_dim3A], %mul3A_680 : memref<8x8x129xf32, #tpu.memory_space<vmem>>[vector<16xi32>, vector<16xi32>, vector<16xi32>], vector<16xf32>,
      %get3A_687 = arith.constant 2 : i32
      %get3A_688 = arith.index_cast %get3A_687 : i32 to index
      %get3A_689 = arith.index_cast %scan3A_643 : i32 to index
      %get3A_690 = arith.constant 32 : index
      %get3A_691 = tpu.vector_load %arg7[%get3A_688, %get3A_689, %get3A_690] {strides = array<i32>} : memref<4x128x64xf32, #tpu.memory_space<vmem>>, vector<16xf32>,
      %add3A_692 = arith.constant 32 : i32
      %add3A_693 = vector.broadcast %add3A_692 : i32 to vector<16xi32>
      %add3A_694 = arith.addi %iota3A, %add3A_693 : vector<16xi32>
      %shift_right_logical3A_695 = arith.constant 3 : i32
      %shift_right_logical3A_696 = vector.broadcast %shift_right_logical3A_695 : i32 to vector<16xi32>
      %shift_right_logical3A_697 = arith.shrui %add3A_694, %shift_right_logical3A_696 : vector<16xi32>
      %and3A_698 = arith.constant 7 : i32
      %and3A_699 = vector.broadcast %and3A_698 : i32 to vector<16xi32>
      %and3A_700 = arith.andi %add3A_694, %and3A_699 : vector<16xi32>
      %mul3A_701 = arith.constant 8.000000e+00 : f32
      %mul3A_702 = vector.broadcast %mul3A_701 : f32 to vector<16xf32>
      %mul3A_703 = arith.mulf %get3A_691, %mul3A_702 : vector<16xf32>
      %scatter3A_704 = arith.constant 2 : i32
      %scatter3A_705 = arith.constant 0 : i32
      %scatter3A_706 = arith.constant 0 : i32
      %scatter3A_707 = arith.constant 0 : i32
      %scatter3A_708 = tpu.memref_slice %arg8[%scatter3A_704, %scatter3A_705, %scatter3A_706, %scatter3A_707] : memref<4x8x8x129xf32, #tpu.memory_space<vmem>> -> memref<1x8x8x129xf32, #tpu.memory_space<vmem>>
      %scatter3A_709 = tpu.memref_squeeze %scatter3A_708 : memref<1x8x8x129xf32, #tpu.memory_space<vmem>> -> memref<8x8x129xf32, #tpu.memory_space<vmem>>
      tpu.vector_store_idx %scatter3A_709[%shift_right_logical3A_697, %and3A_700, %broadcast_in_dim3A], %mul3A_703 : memref<8x8x129xf32, #tpu.memory_space<vmem>>[vector<16xi32>, vector<16xi32>, vector<16xi32>], vector<16xf32>,
      %get3A_710 = arith.constant 2 : i32
      %get3A_711 = arith.index_cast %get3A_710 : i32 to index
      %get3A_712 = arith.index_cast %scan3A_643 : i32 to index
      %get3A_713 = arith.constant 48 : index
      %get3A_714 = tpu.vector_load %arg7[%get3A_711, %get3A_712, %get3A_713] {strides = array<i32>} : memref<4x128x64xf32, #tpu.memory_space<vmem>>, vector<16xf32>,
      %add3A_715 = arith.constant 48 : i32
      %add3A_716 = vector.broadcast %add3A_715 : i32 to vector<16xi32>
      %add3A_717 = arith.addi %iota3A, %add3A_716 : vector<16xi32>
      %shift_right_logical3A_718 = arith.constant 3 : i32
      %shift_right_logical3A_719 = vector.broadcast %shift_right_logical3A_718 : i32 to vector<16xi32>
      %shift_right_logical3A_720 = arith.shrui %add3A_717, %shift_right_logical3A_719 : vector<16xi32>
      %and3A_721 = arith.constant 7 : i32
      %and3A_722 = vector.broadcast %and3A_721 : i32 to vector<16xi32>
      %and3A_723 = arith.andi %add3A_717, %and3A_722 : vector<16xi32>
      %mul3A_724 = arith.constant 8.000000e+00 : f32
      %mul3A_725 = vector.broadcast %mul3A_724 : f32 to vector<16xf32>
      %mul3A_726 = arith.mulf %get3A_714, %mul3A_725 : vector<16xf32>
      %scatter3A_727 = arith.constant 2 : i32
      %scatter3A_728 = arith.constant 0 : i32
      %scatter3A_729 = arith.constant 0 : i32
      %scatter3A_730 = arith.constant 0 : i32
      %scatter3A_731 = tpu.memref_slice %arg8[%scatter3A_727, %scatter3A_728, %scatter3A_729, %scatter3A_730] : memref<4x8x8x129xf32, #tpu.memory_space<vmem>> -> memref<1x8x8x129xf32, #tpu.memory_space<vmem>>
      %scatter3A_732 = tpu.memref_squeeze %scatter3A_731 : memref<1x8x8x129xf32, #tpu.memory_space<vmem>> -> memref<8x8x129xf32, #tpu.memory_space<vmem>>
      tpu.vector_store_idx %scatter3A_732[%shift_right_logical3A_720, %and3A_723, %broadcast_in_dim3A], %mul3A_726 : memref<8x8x129xf32, #tpu.memory_space<vmem>>[vector<16xi32>, vector<16xi32>, vector<16xi32>], vector<16xf32>,
    }
    %scan3A_486 = arith.constant 128 : i32
    %dma_start3A_487 = arith.constant 2 : i32
    %dma_start3A_488 = arith.constant 2 : i32
    %dma_start3A_489 = arith.constant 0 : i32
    %dma_start3A_490 = arith.constant 0 : i32
    %dma_start3A_491 = arith.constant 0 : i32
    %dma_start3A_492 = tpu.memref_slice %arg8[%dma_start3A_487, %dma_start3A_489, %dma_start3A_490, %dma_start3A_491] : memref<4x8x8x129xf32, #tpu.memory_space<vmem>> -> memref<1x8x8x128xf32, #tpu.memory_space<vmem>>
    %dma_start3A_493 = tpu.memref_squeeze %dma_start3A_492 : memref<1x8x8x128xf32, #tpu.memory_space<vmem>> -> memref<8x8x128xf32, #tpu.memory_space<vmem>>
    %dma_start3A_494 = arith.constant 0 : i32
    %dma_start3A_495 = arith.constant 0 : i32
    %dma_start3A_496 = arith.constant 0 : i32
    %dma_start3A_497 = tpu.memref_slice %arg4[%dma_start3A_488, %dma_start3A_494, %add3A, %dma_start3A_495, %dma_start3A_496] : memref<200x8x32x8x128xf32, #tpu.memory_space<hbm>> -> memref<1x8x1x8x128xf32, #tpu.memory_space<hbm>>
    %dma_start3A_498 = tpu.memref_squeeze %dma_start3A_497 : memref<1x8x1x8x128xf32, #tpu.memory_space<hbm>> -> memref<8x8x128xf32, #tpu.memory_space<hbm>>
    %dma_start3A_499 = arith.constant 0 : i32
    %dma_start3A_500 = arith.constant 0 : i32
    %dma_start3A_501 = arith.constant 0 : i32
    %dma_start3A_502 = tpu.memref_slice %arg4[%dma_start3A_488, %dma_start3A_499, %add3A, %dma_start3A_500, %dma_start3A_501] : memref<200x8x32x8x128xf32, #tpu.memory_space<hbm>> -> memref<1x8x1x8x128xf32, #tpu.memory_space<hbm>>
    %dma_start3A_503 = tpu.memref_squeeze %dma_start3A_502 : memref<1x8x1x8x128xf32, #tpu.memory_space<hbm>> -> memref<8x8x128xf32, #tpu.memory_space<hbm>>
    %dma_start3A_504 = arith.constant 0 : i32
    %dma_start3A_505 = arith.constant 0 : i32
    %dma_start3A_506 = arith.constant 0 : i32
    %dma_start3A_507 = tpu.memref_slice %arg8[%dma_start3A_487, %dma_start3A_504, %dma_start3A_505, %dma_start3A_506] : memref<4x8x8x129xf32, #tpu.memory_space<vmem>> -> memref<1x8x8x128xf32, #tpu.memory_space<vmem>>
    %dma_start3A_508 = tpu.memref_squeeze %dma_start3A_507 : memref<1x8x8x128xf32, #tpu.memory_space<vmem>> -> memref<8x8x128xf32, #tpu.memory_space<vmem>>
    tpu.enqueue_dma source(%dma_start3A_508 : memref<8x8x128xf32, #tpu.memory_space<vmem>>) target(%dma_start3A_503 : memref<8x8x128xf32, #tpu.memory_space<hbm>>) target_semaphore(%arg15 : memref<!tpu.dma_semaphore, #tpu.memory_space<semaphore_mem>>)
    %dma_wait3A_509 = arith.constant 3 : i32
    %dma_wait3A_510 = arith.constant 3 : i32
    %dma_wait3A_511 = arith.constant 0 : i32
    %dma_wait3A_512 = arith.constant 0 : i32
    %dma_wait3A_513 = tpu.memref_slice %arg7[%dma_wait3A_510, %dma_wait3A_511, %dma_wait3A_512] : memref<4x128x64xf32, #tpu.memory_space<vmem>> -> memref<1x128x64xf32, #tpu.memory_space<vmem>>
    %dma_wait3A_514 = tpu.memref_squeeze %dma_wait3A_513 : memref<1x128x64xf32, #tpu.memory_space<vmem>> -> memref<128x64xf32, #tpu.memory_space<vmem>>
    %dma_wait3A_515 = arith.constant 0 : i32
    %dma_wait3A_516 = tpu.memref_slice %arg6[%dma_wait3A_509, %dma_wait3A_515] : memref<200x128xi32, #tpu.memory_space<vmem>> -> memref<1x128xi32, #tpu.memory_space<vmem>>
    %dma_wait3A_517 = tpu.memref_squeeze %dma_wait3A_516 : memref<1x128xi32, #tpu.memory_space<vmem>> -> memref<128xi32, #tpu.memory_space<vmem>>
    %dma_wait3A_518 = arith.constant 0 : i32
    %dma_wait3A_519 = arith.constant 0 : i32
    %dma_wait3A_520 = tpu.memref_slice %arg3[%dma_wait3A_518, %dma_wait3A_519] : memref<1000000x64xf32, #tpu.memory_space<hbm>> -> memref<1000000x64xf32, #tpu.memory_space<hbm>>
    tpu.wait_indirect_dma semaphore(%arg12 : memref<!tpu.dma_semaphore, #tpu.memory_space<semaphore_mem>>) src(%dma_wait3A_520 : memref<1000000x64xf32, #tpu.memory_space<hbm>>) dst(%dma_wait3A_514 : memref<128x64xf32, #tpu.memory_space<vmem>>)
    %scan3A_521 = arith.constant 0 : i32
    %scan3A_522 = arith.constant 0 : i32
    %scan3A_523 = arith.constant 128 : i32
    %scan3A_524 = arith.addi %scan3A_522, %scan3A_523 : i32
    %scan3A_525 = arith.constant 1 : i32
    scf.for %scan3A_643 = %scan3A_522 to %scan3A_524 step %scan3A_525  : i32 {
      %broadcast_in_dim3A = vector.broadcast %scan3A_643 : i32 to vector<16xi32>
      %get3A_644 = arith.constant 3 : i32
      %get3A_645 = arith.index_cast %get3A_644 : i32 to index
      %get3A_646 = arith.index_cast %scan3A_643 : i32 to index
      %get3A_647 = arith.constant 0 : index
      %get3A_648 = tpu.vector_load %arg7[%get3A_645, %get3A_646, %get3A_647] {strides = array<i32>} : memref<4x128x64xf32, #tpu.memory_space<vmem>>, vector<16xf32>,
      %add3A_649 = arith.constant 0 : i32
      %add3A_650 = vector.broadcast %add3A_649 : i32 to vector<16xi32>
      %add3A_651 = arith.addi %iota3A, %add3A_650 : vector<16xi32>
      %shift_right_logical3A = arith.constant 3 : i32
      %shift_right_logical3A_652 = vector.broadcast %shift_right_logical3A : i32 to vector<16xi32>
      %shift_right_logical3A_653 = arith.shrui %add3A_651, %shift_right_logical3A_652 : vector<16xi32>
      %and3A = arith.constant 7 : i32
      %and3A_654 = vector.broadcast %and3A : i32 to vector<16xi32>
      %and3A_655 = arith.andi %add3A_651, %and3A_654 : vector<16xi32>
      %mul3A_656 = arith.constant 8.000000e+00 : f32
      %mul3A_657 = vector.broadcast %mul3A_656 : f32 to vector<16xf32>
      %mul3A_658 = arith.mulf %get3A_648, %mul3A_657 : vector<16xf32>
      %scatter3A = arith.constant 3 : i32
      %scatter3A_659 = arith.constant 0 : i32
      %scatter3A_660 = arith.constant 0 : i32
      %scatter3A_661 = arith.constant 0 : i32
      %scatter3A_662 = tpu.memref_slice %arg8[%scatter3A, %scatter3A_659, %scatter3A_660, %scatter3A_661] : memref<4x8x8x129xf32, #tpu.memory_space<vmem>> -> memref<1x8x8x129xf32, #tpu.memory_space<vmem>>
      %scatter3A_663 = tpu.memref_squeeze %scatter3A_662 : memref<1x8x8x129xf32, #tpu.memory_space<vmem>> -> memref<8x8x129xf32, #tpu.memory_space<vmem>>
      tpu.vector_store_idx %scatter3A_663[%shift_right_logical3A_653, %and3A_655, %broadcast_in_dim3A], %mul3A_658 : memref<8x8x129xf32, #tpu.memory_space<vmem>>[vector<16xi32>, vector<16xi32>, vector<16xi32>], vector<16xf32>,
      %get3A_664 = arith.constant 3 : i32
      %get3A_665 = arith.index_cast %get3A_664 : i32 to index
      %get3A_666 = arith.index_cast %scan3A_643 : i32 to index
      %get3A_667 = arith.constant 16 : index
      %get3A_668 = tpu.vector_load %arg7[%get3A_665, %get3A_666, %get3A_667] {strides = array<i32>} : memref<4x128x64xf32, #tpu.memory_space<vmem>>, vector<16xf32>,
      %add3A_669 = arith.constant 16 : i32
      %add3A_670 = vector.broadcast %add3A_669 : i32 to vector<16xi32>
      %add3A_671 = arith.addi %iota3A, %add3A_670 : vector<16xi32>
      %shift_right_logical3A_672 = arith.constant 3 : i32
      %shift_right_logical3A_673 = vector.broadcast %shift_right_logical3A_672 : i32 to vector<16xi32>
      %shift_right_logical3A_674 = arith.shrui %add3A_671, %shift_right_logical3A_673 : vector<16xi32>
      %and3A_675 = arith.constant 7 : i32
      %and3A_676 = vector.broadcast %and3A_675 : i32 to vector<16xi32>
      %and3A_677 = arith.andi %add3A_671, %and3A_676 : vector<16xi32>
      %mul3A_678 = arith.constant 8.000000e+00 : f32
      %mul3A_679 = vector.broadcast %mul3A_678 : f32 to vector<16xf32>
      %mul3A_680 = arith.mulf %get3A_668, %mul3A_679 : vector<16xf32>
      %scatter3A_681 = arith.constant 3 : i32
      %scatter3A_682 = arith.constant 0 : i32
      %scatter3A_683 = arith.constant 0 : i32
      %scatter3A_684 = arith.constant 0 : i32
      %scatter3A_685 = tpu.memref_slice %arg8[%scatter3A_681, %scatter3A_682, %scatter3A_683, %scatter3A_684] : memref<4x8x8x129xf32, #tpu.memory_space<vmem>> -> memref<1x8x8x129xf32, #tpu.memory_space<vmem>>
      %scatter3A_686 = tpu.memref_squeeze %scatter3A_685 : memref<1x8x8x129xf32, #tpu.memory_space<vmem>> -> memref<8x8x129xf32, #tpu.memory_space<vmem>>
      tpu.vector_store_idx %scatter3A_686[%shift_right_logical3A_674, %and3A_677, %broadcast_in_dim3A], %mul3A_680 : memref<8x8x129xf32, #tpu.memory_space<vmem>>[vector<16xi32>, vector<16xi32>, vector<16xi32>], vector<16xf32>,
      %get3A_687 = arith.constant 3 : i32
      %get3A_688 = arith.index_cast %get3A_687 : i32 to index
      %get3A_689 = arith.index_cast %scan3A_643 : i32 to index
      %get3A_690 = arith.constant 32 : index
      %get3A_691 = tpu.vector_load %arg7[%get3A_688, %get3A_689, %get3A_690] {strides = array<i32>} : memref<4x128x64xf32, #tpu.memory_space<vmem>>, vector<16xf32>,
      %add3A_692 = arith.constant 32 : i32
      %add3A_693 = vector.broadcast %add3A_692 : i32 to vector<16xi32>
      %add3A_694 = arith.addi %iota3A, %add3A_693 : vector<16xi32>
      %shift_right_logical3A_695 = arith.constant 3 : i32
      %shift_right_logical3A_696 = vector.broadcast %shift_right_logical3A_695 : i32 to vector<16xi32>
      %shift_right_logical3A_697 = arith.shrui %add3A_694, %shift_right_logical3A_696 : vector<16xi32>
      %and3A_698 = arith.constant 7 : i32
      %and3A_699 = vector.broadcast %and3A_698 : i32 to vector<16xi32>
      %and3A_700 = arith.andi %add3A_694, %and3A_699 : vector<16xi32>
      %mul3A_701 = arith.constant 8.000000e+00 : f32
      %mul3A_702 = vector.broadcast %mul3A_701 : f32 to vector<16xf32>
      %mul3A_703 = arith.mulf %get3A_691, %mul3A_702 : vector<16xf32>
      %scatter3A_704 = arith.constant 3 : i32
      %scatter3A_705 = arith.constant 0 : i32
      %scatter3A_706 = arith.constant 0 : i32
      %scatter3A_707 = arith.constant 0 : i32
      %scatter3A_708 = tpu.memref_slice %arg8[%scatter3A_704, %scatter3A_705, %scatter3A_706, %scatter3A_707] : memref<4x8x8x129xf32, #tpu.memory_space<vmem>> -> memref<1x8x8x129xf32, #tpu.memory_space<vmem>>
      %scatter3A_709 = tpu.memref_squeeze %scatter3A_708 : memref<1x8x8x129xf32, #tpu.memory_space<vmem>> -> memref<8x8x129xf32, #tpu.memory_space<vmem>>
      tpu.vector_store_idx %scatter3A_709[%shift_right_logical3A_697, %and3A_700, %broadcast_in_dim3A], %mul3A_703 : memref<8x8x129xf32, #tpu.memory_space<vmem>>[vector<16xi32>, vector<16xi32>, vector<16xi32>], vector<16xf32>,
      %get3A_710 = arith.constant 3 : i32
      %get3A_711 = arith.index_cast %get3A_710 : i32 to index
      %get3A_712 = arith.index_cast %scan3A_643 : i32 to index
      %get3A_713 = arith.constant 48 : index
      %get3A_714 = tpu.vector_load %arg7[%get3A_711, %get3A_712, %get3A_713] {strides = array<i32>} : memref<4x128x64xf32, #tpu.memory_space<vmem>>, vector<16xf32>,
      %add3A_715 = arith.constant 48 : i32
      %add3A_716 = vector.broadcast %add3A_715 : i32 to vector<16xi32>
      %add3A_717 = arith.addi %iota3A, %add3A_716 : vector<16xi32>
      %shift_right_logical3A_718 = arith.constant 3 : i32
      %shift_right_logical3A_719 = vector.broadcast %shift_right_logical3A_718 : i32 to vector<16xi32>
      %shift_right_logical3A_720 = arith.shrui %add3A_717, %shift_right_logical3A_719 : vector<16xi32>
      %and3A_721 = arith.constant 7 : i32
      %and3A_722 = vector.broadcast %and3A_721 : i32 to vector<16xi32>
      %and3A_723 = arith.andi %add3A_717, %and3A_722 : vector<16xi32>
      %mul3A_724 = arith.constant 8.000000e+00 : f32
      %mul3A_725 = vector.broadcast %mul3A_724 : f32 to vector<16xf32>
      %mul3A_726 = arith.mulf %get3A_714, %mul3A_725 : vector<16xf32>
      %scatter3A_727 = arith.constant 3 : i32
      %scatter3A_728 = arith.constant 0 : i32
      %scatter3A_729 = arith.constant 0 : i32
      %scatter3A_730 = arith.constant 0 : i32
      %scatter3A_731 = tpu.memref_slice %arg8[%scatter3A_727, %scatter3A_728, %scatter3A_729, %scatter3A_730] : memref<4x8x8x129xf32, #tpu.memory_space<vmem>> -> memref<1x8x8x129xf32, #tpu.memory_space<vmem>>
      %scatter3A_732 = tpu.memref_squeeze %scatter3A_731 : memref<1x8x8x129xf32, #tpu.memory_space<vmem>> -> memref<8x8x129xf32, #tpu.memory_space<vmem>>
      tpu.vector_store_idx %scatter3A_732[%shift_right_logical3A_720, %and3A_723, %broadcast_in_dim3A], %mul3A_726 : memref<8x8x129xf32, #tpu.memory_space<vmem>>[vector<16xi32>, vector<16xi32>, vector<16xi32>], vector<16xf32>,
    }
    %scan3A_526 = arith.constant 128 : i32
    %dma_start3A_527 = arith.constant 3 : i32
    %dma_start3A_528 = arith.constant 3 : i32
    %dma_start3A_529 = arith.constant 0 : i32
    %dma_start3A_530 = arith.constant 0 : i32
    %dma_start3A_531 = arith.constant 0 : i32
    %dma_start3A_532 = tpu.memref_slice %arg8[%dma_start3A_527, %dma_start3A_529, %dma_start3A_530, %dma_start3A_531] : memref<4x8x8x129xf32, #tpu.memory_space<vmem>> -> memref<1x8x8x128xf32, #tpu.memory_space<vmem>>
    %dma_start3A_533 = tpu.memref_squeeze %dma_start3A_532 : memref<1x8x8x128xf32, #tpu.memory_space<vmem>> -> memref<8x8x128xf32, #tpu.memory_space<vmem>>
    %dma_start3A_534 = arith.constant 0 : i32
    %dma_start3A_535 = arith.constant 0 : i32
    %dma_start3A_536 = arith.constant 0 : i32
    %dma_start3A_537 = tpu.memref_slice %arg4[%dma_start3A_528, %dma_start3A_534, %add3A, %dma_start3A_535, %dma_start3A_536] : memref<200x8x32x8x128xf32, #tpu.memory_space<hbm>> -> memref<1x8x1x8x128xf32, #tpu.memory_space<hbm>>
    %dma_start3A_538 = tpu.memref_squeeze %dma_start3A_537 : memref<1x8x1x8x128xf32, #tpu.memory_space<hbm>> -> memref<8x8x128xf32, #tpu.memory_space<hbm>>
    %dma_start3A_539 = arith.constant 0 : i32
    %dma_start3A_540 = arith.constant 0 : i32
    %dma_start3A_541 = arith.constant 0 : i32
    %dma_start3A_542 = tpu.memref_slice %arg4[%dma_start3A_528, %dma_start3A_539, %add3A, %dma_start3A_540, %dma_start3A_541] : memref<200x8x32x8x128xf32, #tpu.memory_space<hbm>> -> memref<1x8x1x8x128xf32, #tpu.memory_space<hbm>>
    %dma_start3A_543 = tpu.memref_squeeze %dma_start3A_542 : memref<1x8x1x8x128xf32, #tpu.memory_space<hbm>> -> memref<8x8x128xf32, #tpu.memory_space<hbm>>
    %dma_start3A_544 = arith.constant 0 : i32
    %dma_start3A_545 = arith.constant 0 : i32
    %dma_start3A_546 = arith.constant 0 : i32
    %dma_start3A_547 = tpu.memref_slice %arg8[%dma_start3A_527, %dma_start3A_544, %dma_start3A_545, %dma_start3A_546] : memref<4x8x8x129xf32, #tpu.memory_space<vmem>> -> memref<1x8x8x128xf32, #tpu.memory_space<vmem>>
    %dma_start3A_548 = tpu.memref_squeeze %dma_start3A_547 : memref<1x8x8x128xf32, #tpu.memory_space<vmem>> -> memref<8x8x128xf32, #tpu.memory_space<vmem>>
    tpu.enqueue_dma source(%dma_start3A_548 : memref<8x8x128xf32, #tpu.memory_space<vmem>>) target(%dma_start3A_543 : memref<8x8x128xf32, #tpu.memory_space<hbm>>) target_semaphore(%arg16 : memref<!tpu.dma_semaphore, #tpu.memory_space<semaphore_mem>>)
    %scan3A_549 = arith.constant 0 : i32
    %scan3A_550 = arith.constant 1 : i32
    %scan3A_551 = arith.constant 49 : i32
    %scan3A_552 = arith.addi %scan3A_550, %scan3A_551 : i32
    %scan3A_553 = arith.constant 1 : i32
    scf.for %scan3A_643 = %scan3A_550 to %scan3A_552 step %scan3A_553  : i32 {
      %mul3A_644 = arith.constant 4 : i32
      %mul3A_645 = arith.muli %scan3A_643, %mul3A_644 : i32
      %add3A_646 = arith.constant 0 : i32
      %add3A_647 = arith.addi %mul3A_645, %add3A_646 : i32
      %sub3A = arith.constant 4 : i32
      %sub3A_648 = arith.subi %add3A_647, %sub3A : i32
      %dma_wait3A_649 = arith.constant 0 : i32
      %dma_wait3A_650 = arith.constant 0 : i32
      %dma_wait3A_651 = arith.constant 0 : i32
      %dma_wait3A_652 = arith.constant 0 : i32
      %dma_wait3A_653 = tpu.memref_slice %arg8[%dma_wait3A_649, %dma_wait3A_650, %dma_wait3A_651, %dma_wait3A_652] : memref<4x8x8x129xf32, #tpu.memory_space<vmem>> -> memref<1x8x8x128xf32, #tpu.memory_space<vmem>>
      %dma_wait3A_654 = tpu.memref_squeeze %dma_wait3A_653 : memref<1x8x8x128xf32, #tpu.memory_space<vmem>> -> memref<8x8x128xf32, #tpu.memory_space<vmem>>
      %dma_wait3A_655 = arith.constant 0 : i32
      %dma_wait3A_656 = arith.constant 0 : i32
      %dma_wait3A_657 = arith.constant 0 : i32
      %dma_wait3A_658 = tpu.memref_slice %arg4[%sub3A_648, %dma_wait3A_655, %add3A, %dma_wait3A_656, %dma_wait3A_657] : memref<200x8x32x8x128xf32, #tpu.memory_space<hbm>> -> memref<1x8x1x8x128xf32, #tpu.memory_space<hbm>>
      %dma_wait3A_659 = tpu.memref_squeeze %dma_wait3A_658 : memref<1x8x1x8x128xf32, #tpu.memory_space<hbm>> -> memref<8x8x128xf32, #tpu.memory_space<hbm>>
      %dma_wait3A_660 = arith.constant 0 : i32
      %dma_wait3A_661 = arith.constant 0 : i32
      %dma_wait3A_662 = arith.constant 0 : i32
      %dma_wait3A_663 = tpu.memref_slice %arg4[%sub3A_648, %dma_wait3A_660, %add3A, %dma_wait3A_661, %dma_wait3A_662] : memref<200x8x32x8x128xf32, #tpu.memory_space<hbm>> -> memref<1x8x1x8x128xf32, #tpu.memory_space<hbm>>
      %dma_wait3A_664 = tpu.memref_squeeze %dma_wait3A_663 : memref<1x8x1x8x128xf32, #tpu.memory_space<hbm>> -> memref<8x8x128xf32, #tpu.memory_space<hbm>>
      %dma_wait3A_665 = arith.constant 0 : i32
      %dma_wait3A_666 = arith.constant 0 : i32
      %dma_wait3A_667 = arith.constant 0 : i32
      %dma_wait3A_668 = tpu.memref_slice %arg8[%dma_wait3A_649, %dma_wait3A_665, %dma_wait3A_666, %dma_wait3A_667] : memref<4x8x8x129xf32, #tpu.memory_space<vmem>> -> memref<1x8x8x128xf32, #tpu.memory_space<vmem>>
      %dma_wait3A_669 = tpu.memref_squeeze %dma_wait3A_668 : memref<1x8x8x128xf32, #tpu.memory_space<vmem>> -> memref<8x8x128xf32, #tpu.memory_space<vmem>>
      tpu.wait_dma2 semaphore(%arg13 : memref<!tpu.dma_semaphore, #tpu.memory_space<semaphore_mem>>) src(%dma_wait3A_669 : memref<8x8x128xf32, #tpu.memory_space<vmem>>) dst(%dma_wait3A_664 : memref<8x8x128xf32, #tpu.memory_space<hbm>>)
      %get3A_670 = arith.index_cast %add3A_647 : i32 to index
      %get3A_671 = arith.constant 0 : index
      %get3A_672 = tpu.vector_load %arg6[%get3A_670, %get3A_671] {strides = array<i32>} : memref<200x128xi32, #tpu.memory_space<vmem>>, vector<16xi32>,
      %dma_start3A_673 = arith.constant 0 : i32
      %dma_start3A_674 = arith.constant 0 : i32
      %dma_start3A_675 = arith.constant 0 : i32
      %dma_start3A_676 = tpu.memref_slice %arg7[%dma_start3A_673, %dma_start3A_674, %dma_start3A_675] : memref<4x128x64xf32, #tpu.memory_space<vmem>> -> memref<1x16x64xf32, #tpu.memory_space<vmem>>
      %dma_start3A_677 = tpu.memref_squeeze %dma_start3A_676 : memref<1x16x64xf32, #tpu.memory_space<vmem>> -> memref<16x64xf32, #tpu.memory_space<vmem>>
      %dma_start3A_678 = arith.constant 0 : i32
      %dma_start3A_679 = arith.constant 0 : i32
      %dma_start3A_680 = tpu.memref_slice %arg3[%dma_start3A_678, %dma_start3A_679] : memref<1000000x64xf32, #tpu.memory_space<hbm>> -> memref<1000000x64xf32, #tpu.memory_space<hbm>>
      tpu.enqueue_indirect_dma source(%dma_start3A_680 : memref<1000000x64xf32, #tpu.memory_space<hbm>>) target(%dma_start3A_677 : memref<16x64xf32, #tpu.memory_space<vmem>>) offsets(%get3A_672 : vector<16xi32>) semaphore(%arg9 : memref<!tpu.dma_semaphore, #tpu.memory_space<semaphore_mem>>)
      %get3A_681 = arith.index_cast %add3A_647 : i32 to index
      %get3A_682 = arith.constant 16 : index
      %get3A_683 = tpu.vector_load %arg6[%get3A_681, %get3A_682] {strides = array<i32>} : memref<200x128xi32, #tpu.memory_space<vmem>>, vector<16xi32>,
      %dma_start3A_684 = arith.constant 0 : i32
      %dma_start3A_685 = arith.constant 16 : i32
      %dma_start3A_686 = arith.constant 0 : i32
      %dma_start3A_687 = tpu.memref_slice %arg7[%dma_start3A_684, %dma_start3A_685, %dma_start3A_686] : memref<4x128x64xf32, #tpu.memory_space<vmem>> -> memref<1x16x64xf32, #tpu.memory_space<vmem>>
      %dma_start3A_688 = tpu.memref_squeeze %dma_start3A_687 : memref<1x16x64xf32, #tpu.memory_space<vmem>> -> memref<16x64xf32, #tpu.memory_space<vmem>>
      %dma_start3A_689 = arith.constant 0 : i32
      %dma_start3A_690 = arith.constant 0 : i32
      %dma_start3A_691 = tpu.memref_slice %arg3[%dma_start3A_689, %dma_start3A_690] : memref<1000000x64xf32, #tpu.memory_space<hbm>> -> memref<1000000x64xf32, #tpu.memory_space<hbm>>
      tpu.enqueue_indirect_dma source(%dma_start3A_691 : memref<1000000x64xf32, #tpu.memory_space<hbm>>) target(%dma_start3A_688 : memref<16x64xf32, #tpu.memory_space<vmem>>) offsets(%get3A_683 : vector<16xi32>) semaphore(%arg9 : memref<!tpu.dma_semaphore, #tpu.memory_space<semaphore_mem>>)
      %get3A_692 = arith.index_cast %add3A_647 : i32 to index
      %get3A_693 = arith.constant 32 : index
      %get3A_694 = tpu.vector_load %arg6[%get3A_692, %get3A_693] {strides = array<i32>} : memref<200x128xi32, #tpu.memory_space<vmem>>, vector<16xi32>,
      %dma_start3A_695 = arith.constant 0 : i32
      %dma_start3A_696 = arith.constant 32 : i32
      %dma_start3A_697 = arith.constant 0 : i32
      %dma_start3A_698 = tpu.memref_slice %arg7[%dma_start3A_695, %dma_start3A_696, %dma_start3A_697] : memref<4x128x64xf32, #tpu.memory_space<vmem>> -> memref<1x16x64xf32, #tpu.memory_space<vmem>>
      %dma_start3A_699 = tpu.memref_squeeze %dma_start3A_698 : memref<1x16x64xf32, #tpu.memory_space<vmem>> -> memref<16x64xf32, #tpu.memory_space<vmem>>
      %dma_start3A_700 = arith.constant 0 : i32
      %dma_start3A_701 = arith.constant 0 : i32
      %dma_start3A_702 = tpu.memref_slice %arg3[%dma_start3A_700, %dma_start3A_701] : memref<1000000x64xf32, #tpu.memory_space<hbm>> -> memref<1000000x64xf32, #tpu.memory_space<hbm>>
      tpu.enqueue_indirect_dma source(%dma_start3A_702 : memref<1000000x64xf32, #tpu.memory_space<hbm>>) target(%dma_start3A_699 : memref<16x64xf32, #tpu.memory_space<vmem>>) offsets(%get3A_694 : vector<16xi32>) semaphore(%arg9 : memref<!tpu.dma_semaphore, #tpu.memory_space<semaphore_mem>>)
      %get3A_703 = arith.index_cast %add3A_647 : i32 to index
      %get3A_704 = arith.constant 48 : index
      %get3A_705 = tpu.vector_load %arg6[%get3A_703, %get3A_704] {strides = array<i32>} : memref<200x128xi32, #tpu.memory_space<vmem>>, vector<16xi32>,
      %dma_start3A_706 = arith.constant 0 : i32
      %dma_start3A_707 = arith.constant 48 : i32
      %dma_start3A_708 = arith.constant 0 : i32
      %dma_start3A_709 = tpu.memref_slice %arg7[%dma_start3A_706, %dma_start3A_707, %dma_start3A_708] : memref<4x128x64xf32, #tpu.memory_space<vmem>> -> memref<1x16x64xf32, #tpu.memory_space<vmem>>
      %dma_start3A_710 = tpu.memref_squeeze %dma_start3A_709 : memref<1x16x64xf32, #tpu.memory_space<vmem>> -> memref<16x64xf32, #tpu.memory_space<vmem>>
      %dma_start3A_711 = arith.constant 0 : i32
      %dma_start3A_712 = arith.constant 0 : i32
      %dma_start3A_713 = tpu.memref_slice %arg3[%dma_start3A_711, %dma_start3A_712] : memref<1000000x64xf32, #tpu.memory_space<hbm>> -> memref<1000000x64xf32, #tpu.memory_space<hbm>>
      tpu.enqueue_indirect_dma source(%dma_start3A_713 : memref<1000000x64xf32, #tpu.memory_space<hbm>>) target(%dma_start3A_710 : memref<16x64xf32, #tpu.memory_space<vmem>>) offsets(%get3A_705 : vector<16xi32>) semaphore(%arg9 : memref<!tpu.dma_semaphore, #tpu.memory_space<semaphore_mem>>)
      %get3A_714 = arith.index_cast %add3A_647 : i32 to index
      %get3A_715 = arith.constant 64 : index
      %get3A_716 = tpu.vector_load %arg6[%get3A_714, %get3A_715] {strides = array<i32>} : memref<200x128xi32, #tpu.memory_space<vmem>>, vector<16xi32>,
      %dma_start3A_717 = arith.constant 0 : i32
      %dma_start3A_718 = arith.constant 64 : i32
      %dma_start3A_719 = arith.constant 0 : i32
      %dma_start3A_720 = tpu.memref_slice %arg7[%dma_start3A_717, %dma_start3A_718, %dma_start3A_719] : memref<4x128x64xf32, #tpu.memory_space<vmem>> -> memref<1x16x64xf32, #tpu.memory_space<vmem>>
      %dma_start3A_721 = tpu.memref_squeeze %dma_start3A_720 : memref<1x16x64xf32, #tpu.memory_space<vmem>> -> memref<16x64xf32, #tpu.memory_space<vmem>>
      %dma_start3A_722 = arith.constant 0 : i32
      %dma_start3A_723 = arith.constant 0 : i32
      %dma_start3A_724 = tpu.memref_slice %arg3[%dma_start3A_722, %dma_start3A_723] : memref<1000000x64xf32, #tpu.memory_space<hbm>> -> memref<1000000x64xf32, #tpu.memory_space<hbm>>
      tpu.enqueue_indirect_dma source(%dma_start3A_724 : memref<1000000x64xf32, #tpu.memory_space<hbm>>) target(%dma_start3A_721 : memref<16x64xf32, #tpu.memory_space<vmem>>) offsets(%get3A_716 : vector<16xi32>) semaphore(%arg9 : memref<!tpu.dma_semaphore, #tpu.memory_space<semaphore_mem>>)
      %get3A_725 = arith.index_cast %add3A_647 : i32 to index
      %get3A_726 = arith.constant 80 : index
      %get3A_727 = tpu.vector_load %arg6[%get3A_725, %get3A_726] {strides = array<i32>} : memref<200x128xi32, #tpu.memory_space<vmem>>, vector<16xi32>,
      %dma_start3A_728 = arith.constant 0 : i32
      %dma_start3A_729 = arith.constant 80 : i32
      %dma_start3A_730 = arith.constant 0 : i32
      %dma_start3A_731 = tpu.memref_slice %arg7[%dma_start3A_728, %dma_start3A_729, %dma_start3A_730] : memref<4x128x64xf32, #tpu.memory_space<vmem>> -> memref<1x16x64xf32, #tpu.memory_space<vmem>>
      %dma_start3A_732 = tpu.memref_squeeze %dma_start3A_731 : memref<1x16x64xf32, #tpu.memory_space<vmem>> -> memref<16x64xf32, #tpu.memory_space<vmem>>
      %dma_start3A_733 = arith.constant 0 : i32
      %dma_start3A_734 = arith.constant 0 : i32
      %dma_start3A_735 = tpu.memref_slice %arg3[%dma_start3A_733, %dma_start3A_734] : memref<1000000x64xf32, #tpu.memory_space<hbm>> -> memref<1000000x64xf32, #tpu.memory_space<hbm>>
      tpu.enqueue_indirect_dma source(%dma_start3A_735 : memref<1000000x64xf32, #tpu.memory_space<hbm>>) target(%dma_start3A_732 : memref<16x64xf32, #tpu.memory_space<vmem>>) offsets(%get3A_727 : vector<16xi32>) semaphore(%arg9 : memref<!tpu.dma_semaphore, #tpu.memory_space<semaphore_mem>>)
      %get3A_736 = arith.index_cast %add3A_647 : i32 to index
      %get3A_737 = arith.constant 96 : index
      %get3A_738 = tpu.vector_load %arg6[%get3A_736, %get3A_737] {strides = array<i32>} : memref<200x128xi32, #tpu.memory_space<vmem>>, vector<16xi32>,
      %dma_start3A_739 = arith.constant 0 : i32
      %dma_start3A_740 = arith.constant 96 : i32
      %dma_start3A_741 = arith.constant 0 : i32
      %dma_start3A_742 = tpu.memref_slice %arg7[%dma_start3A_739, %dma_start3A_740, %dma_start3A_741] : memref<4x128x64xf32, #tpu.memory_space<vmem>> -> memref<1x16x64xf32, #tpu.memory_space<vmem>>
      %dma_start3A_743 = tpu.memref_squeeze %dma_start3A_742 : memref<1x16x64xf32, #tpu.memory_space<vmem>> -> memref<16x64xf32, #tpu.memory_space<vmem>>
      %dma_start3A_744 = arith.constant 0 : i32
      %dma_start3A_745 = arith.constant 0 : i32
      %dma_start3A_746 = tpu.memref_slice %arg3[%dma_start3A_744, %dma_start3A_745] : memref<1000000x64xf32, #tpu.memory_space<hbm>> -> memref<1000000x64xf32, #tpu.memory_space<hbm>>
      tpu.enqueue_indirect_dma source(%dma_start3A_746 : memref<1000000x64xf32, #tpu.memory_space<hbm>>) target(%dma_start3A_743 : memref<16x64xf32, #tpu.memory_space<vmem>>) offsets(%get3A_738 : vector<16xi32>) semaphore(%arg9 : memref<!tpu.dma_semaphore, #tpu.memory_space<semaphore_mem>>)
      %get3A_747 = arith.index_cast %add3A_647 : i32 to index
      %get3A_748 = arith.constant 112 : index
      %get3A_749 = tpu.vector_load %arg6[%get3A_747, %get3A_748] {strides = array<i32>} : memref<200x128xi32, #tpu.memory_space<vmem>>, vector<16xi32>,
      %dma_start3A_750 = arith.constant 0 : i32
      %dma_start3A_751 = arith.constant 112 : i32
      %dma_start3A_752 = arith.constant 0 : i32
      %dma_start3A_753 = tpu.memref_slice %arg7[%dma_start3A_750, %dma_start3A_751, %dma_start3A_752] : memref<4x128x64xf32, #tpu.memory_space<vmem>> -> memref<1x16x64xf32, #tpu.memory_space<vmem>>
      %dma_start3A_754 = tpu.memref_squeeze %dma_start3A_753 : memref<1x16x64xf32, #tpu.memory_space<vmem>> -> memref<16x64xf32, #tpu.memory_space<vmem>>
      %dma_start3A_755 = arith.constant 0 : i32
      %dma_start3A_756 = arith.constant 0 : i32
      %dma_start3A_757 = tpu.memref_slice %arg3[%dma_start3A_755, %dma_start3A_756] : memref<1000000x64xf32, #tpu.memory_space<hbm>> -> memref<1000000x64xf32, #tpu.memory_space<hbm>>
      tpu.enqueue_indirect_dma source(%dma_start3A_757 : memref<1000000x64xf32, #tpu.memory_space<hbm>>) target(%dma_start3A_754 : memref<16x64xf32, #tpu.memory_space<vmem>>) offsets(%get3A_749 : vector<16xi32>) semaphore(%arg9 : memref<!tpu.dma_semaphore, #tpu.memory_space<semaphore_mem>>)
      %mul3A_758 = arith.constant 4 : i32
      %mul3A_759 = arith.muli %scan3A_643, %mul3A_758 : i32
      %add3A_760 = arith.constant 1 : i32
      %add3A_761 = arith.addi %mul3A_759, %add3A_760 : i32
      %sub3A_762 = arith.constant 4 : i32
      %sub3A_763 = arith.subi %add3A_761, %sub3A_762 : i32
      %dma_wait3A_764 = arith.constant 1 : i32
      %dma_wait3A_765 = arith.constant 0 : i32
      %dma_wait3A_766 = arith.constant 0 : i32
      %dma_wait3A_767 = arith.constant 0 : i32
      %dma_wait3A_768 = tpu.memref_slice %arg8[%dma_wait3A_764, %dma_wait3A_765, %dma_wait3A_766, %dma_wait3A_767] : memref<4x8x8x129xf32, #tpu.memory_space<vmem>> -> memref<1x8x8x128xf32, #tpu.memory_space<vmem>>
      %dma_wait3A_769 = tpu.memref_squeeze %dma_wait3A_768 : memref<1x8x8x128xf32, #tpu.memory_space<vmem>> -> memref<8x8x128xf32, #tpu.memory_space<vmem>>
      %dma_wait3A_770 = arith.constant 0 : i32
      %dma_wait3A_771 = arith.constant 0 : i32
      %dma_wait3A_772 = arith.constant 0 : i32
      %dma_wait3A_773 = tpu.memref_slice %arg4[%sub3A_763, %dma_wait3A_770, %add3A, %dma_wait3A_771, %dma_wait3A_772] : memref<200x8x32x8x128xf32, #tpu.memory_space<hbm>> -> memref<1x8x1x8x128xf32, #tpu.memory_space<hbm>>
      %dma_wait3A_774 = tpu.memref_squeeze %dma_wait3A_773 : memref<1x8x1x8x128xf32, #tpu.memory_space<hbm>> -> memref<8x8x128xf32, #tpu.memory_space<hbm>>
      %dma_wait3A_775 = arith.constant 0 : i32
      %dma_wait3A_776 = arith.constant 0 : i32
      %dma_wait3A_777 = arith.constant 0 : i32
      %dma_wait3A_778 = tpu.memref_slice %arg4[%sub3A_763, %dma_wait3A_775, %add3A, %dma_wait3A_776, %dma_wait3A_777] : memref<200x8x32x8x128xf32, #tpu.memory_space<hbm>> -> memref<1x8x1x8x128xf32, #tpu.memory_space<hbm>>
      %dma_wait3A_779 = tpu.memref_squeeze %dma_wait3A_778 : memref<1x8x1x8x128xf32, #tpu.memory_space<hbm>> -> memref<8x8x128xf32, #tpu.memory_space<hbm>>
      %dma_wait3A_780 = arith.constant 0 : i32
      %dma_wait3A_781 = arith.constant 0 : i32
      %dma_wait3A_782 = arith.constant 0 : i32
      %dma_wait3A_783 = tpu.memref_slice %arg8[%dma_wait3A_764, %dma_wait3A_780, %dma_wait3A_781, %dma_wait3A_782] : memref<4x8x8x129xf32, #tpu.memory_space<vmem>> -> memref<1x8x8x128xf32, #tpu.memory_space<vmem>>
      %dma_wait3A_784 = tpu.memref_squeeze %dma_wait3A_783 : memref<1x8x8x128xf32, #tpu.memory_space<vmem>> -> memref<8x8x128xf32, #tpu.memory_space<vmem>>
      tpu.wait_dma2 semaphore(%arg14 : memref<!tpu.dma_semaphore, #tpu.memory_space<semaphore_mem>>) src(%dma_wait3A_784 : memref<8x8x128xf32, #tpu.memory_space<vmem>>) dst(%dma_wait3A_779 : memref<8x8x128xf32, #tpu.memory_space<hbm>>)
      %get3A_785 = arith.index_cast %add3A_761 : i32 to index
      %get3A_786 = arith.constant 0 : index
      %get3A_787 = tpu.vector_load %arg6[%get3A_785, %get3A_786] {strides = array<i32>} : memref<200x128xi32, #tpu.memory_space<vmem>>, vector<16xi32>,
      %dma_start3A_788 = arith.constant 1 : i32
      %dma_start3A_789 = arith.constant 0 : i32
      %dma_start3A_790 = arith.constant 0 : i32
      %dma_start3A_791 = tpu.memref_slice %arg7[%dma_start3A_788, %dma_start3A_789, %dma_start3A_790] : memref<4x128x64xf32, #tpu.memory_space<vmem>> -> memref<1x16x64xf32, #tpu.memory_space<vmem>>
      %dma_start3A_792 = tpu.memref_squeeze %dma_start3A_791 : memref<1x16x64xf32, #tpu.memory_space<vmem>> -> memref<16x64xf32, #tpu.memory_space<vmem>>
      %dma_start3A_793 = arith.constant 0 : i32
      %dma_start3A_794 = arith.constant 0 : i32
      %dma_start3A_795 = tpu.memref_slice %arg3[%dma_start3A_793, %dma_start3A_794] : memref<1000000x64xf32, #tpu.memory_space<hbm>> -> memref<1000000x64xf32, #tpu.memory_space<hbm>>
      tpu.enqueue_indirect_dma source(%dma_start3A_795 : memref<1000000x64xf32, #tpu.memory_space<hbm>>) target(%dma_start3A_792 : memref<16x64xf32, #tpu.memory_space<vmem>>) offsets(%get3A_787 : vector<16xi32>) semaphore(%arg10 : memref<!tpu.dma_semaphore, #tpu.memory_space<semaphore_mem>>)
      %get3A_796 = arith.index_cast %add3A_761 : i32 to index
      %get3A_797 = arith.constant 16 : index
      %get3A_798 = tpu.vector_load %arg6[%get3A_796, %get3A_797] {strides = array<i32>} : memref<200x128xi32, #tpu.memory_space<vmem>>, vector<16xi32>,
      %dma_start3A_799 = arith.constant 1 : i32
      %dma_start3A_800 = arith.constant 16 : i32
      %dma_start3A_801 = arith.constant 0 : i32
      %dma_start3A_802 = tpu.memref_slice %arg7[%dma_start3A_799, %dma_start3A_800, %dma_start3A_801] : memref<4x128x64xf32, #tpu.memory_space<vmem>> -> memref<1x16x64xf32, #tpu.memory_space<vmem>>
      %dma_start3A_803 = tpu.memref_squeeze %dma_start3A_802 : memref<1x16x64xf32, #tpu.memory_space<vmem>> -> memref<16x64xf32, #tpu.memory_space<vmem>>
      %dma_start3A_804 = arith.constant 0 : i32
      %dma_start3A_805 = arith.constant 0 : i32
      %dma_start3A_806 = tpu.memref_slice %arg3[%dma_start3A_804, %dma_start3A_805] : memref<1000000x64xf32, #tpu.memory_space<hbm>> -> memref<1000000x64xf32, #tpu.memory_space<hbm>>
      tpu.enqueue_indirect_dma source(%dma_start3A_806 : memref<1000000x64xf32, #tpu.memory_space<hbm>>) target(%dma_start3A_803 : memref<16x64xf32, #tpu.memory_space<vmem>>) offsets(%get3A_798 : vector<16xi32>) semaphore(%arg10 : memref<!tpu.dma_semaphore, #tpu.memory_space<semaphore_mem>>)
      %get3A_807 = arith.index_cast %add3A_761 : i32 to index
      %get3A_808 = arith.constant 32 : index
      %get3A_809 = tpu.vector_load %arg6[%get3A_807, %get3A_808] {strides = array<i32>} : memref<200x128xi32, #tpu.memory_space<vmem>>, vector<16xi32>,
      %dma_start3A_810 = arith.constant 1 : i32
      %dma_start3A_811 = arith.constant 32 : i32
      %dma_start3A_812 = arith.constant 0 : i32
      %dma_start3A_813 = tpu.memref_slice %arg7[%dma_start3A_810, %dma_start3A_811, %dma_start3A_812] : memref<4x128x64xf32, #tpu.memory_space<vmem>> -> memref<1x16x64xf32, #tpu.memory_space<vmem>>
      %dma_start3A_814 = tpu.memref_squeeze %dma_start3A_813 : memref<1x16x64xf32, #tpu.memory_space<vmem>> -> memref<16x64xf32, #tpu.memory_space<vmem>>
      %dma_start3A_815 = arith.constant 0 : i32
      %dma_start3A_816 = arith.constant 0 : i32
      %dma_start3A_817 = tpu.memref_slice %arg3[%dma_start3A_815, %dma_start3A_816] : memref<1000000x64xf32, #tpu.memory_space<hbm>> -> memref<1000000x64xf32, #tpu.memory_space<hbm>>
      tpu.enqueue_indirect_dma source(%dma_start3A_817 : memref<1000000x64xf32, #tpu.memory_space<hbm>>) target(%dma_start3A_814 : memref<16x64xf32, #tpu.memory_space<vmem>>) offsets(%get3A_809 : vector<16xi32>) semaphore(%arg10 : memref<!tpu.dma_semaphore, #tpu.memory_space<semaphore_mem>>)
      %get3A_818 = arith.index_cast %add3A_761 : i32 to index
      %get3A_819 = arith.constant 48 : index
      %get3A_820 = tpu.vector_load %arg6[%get3A_818, %get3A_819] {strides = array<i32>} : memref<200x128xi32, #tpu.memory_space<vmem>>, vector<16xi32>,
      %dma_start3A_821 = arith.constant 1 : i32
      %dma_start3A_822 = arith.constant 48 : i32
      %dma_start3A_823 = arith.constant 0 : i32
      %dma_start3A_824 = tpu.memref_slice %arg7[%dma_start3A_821, %dma_start3A_822, %dma_start3A_823] : memref<4x128x64xf32, #tpu.memory_space<vmem>> -> memref<1x16x64xf32, #tpu.memory_space<vmem>>
      %dma_start3A_825 = tpu.memref_squeeze %dma_start3A_824 : memref<1x16x64xf32, #tpu.memory_space<vmem>> -> memref<16x64xf32, #tpu.memory_space<vmem>>
      %dma_start3A_826 = arith.constant 0 : i32
      %dma_start3A_827 = arith.constant 0 : i32
      %dma_start3A_828 = tpu.memref_slice %arg3[%dma_start3A_826, %dma_start3A_827] : memref<1000000x64xf32, #tpu.memory_space<hbm>> -> memref<1000000x64xf32, #tpu.memory_space<hbm>>
      tpu.enqueue_indirect_dma source(%dma_start3A_828 : memref<1000000x64xf32, #tpu.memory_space<hbm>>) target(%dma_start3A_825 : memref<16x64xf32, #tpu.memory_space<vmem>>) offsets(%get3A_820 : vector<16xi32>) semaphore(%arg10 : memref<!tpu.dma_semaphore, #tpu.memory_space<semaphore_mem>>)
      %get3A_829 = arith.index_cast %add3A_761 : i32 to index
      %get3A_830 = arith.constant 64 : index
      %get3A_831 = tpu.vector_load %arg6[%get3A_829, %get3A_830] {strides = array<i32>} : memref<200x128xi32, #tpu.memory_space<vmem>>, vector<16xi32>,
      %dma_start3A_832 = arith.constant 1 : i32
      %dma_start3A_833 = arith.constant 64 : i32
      %dma_start3A_834 = arith.constant 0 : i32
      %dma_start3A_835 = tpu.memref_slice %arg7[%dma_start3A_832, %dma_start3A_833, %dma_start3A_834] : memref<4x128x64xf32, #tpu.memory_space<vmem>> -> memref<1x16x64xf32, #tpu.memory_space<vmem>>
      %dma_start3A_836 = tpu.memref_squeeze %dma_start3A_835 : memref<1x16x64xf32, #tpu.memory_space<vmem>> -> memref<16x64xf32, #tpu.memory_space<vmem>>
      %dma_start3A_837 = arith.constant 0 : i32
      %dma_start3A_838 = arith.constant 0 : i32
      %dma_start3A_839 = tpu.memref_slice %arg3[%dma_start3A_837, %dma_start3A_838] : memref<1000000x64xf32, #tpu.memory_space<hbm>> -> memref<1000000x64xf32, #tpu.memory_space<hbm>>
      tpu.enqueue_indirect_dma source(%dma_start3A_839 : memref<1000000x64xf32, #tpu.memory_space<hbm>>) target(%dma_start3A_836 : memref<16x64xf32, #tpu.memory_space<vmem>>) offsets(%get3A_831 : vector<16xi32>) semaphore(%arg10 : memref<!tpu.dma_semaphore, #tpu.memory_space<semaphore_mem>>)
      %get3A_840 = arith.index_cast %add3A_761 : i32 to index
      %get3A_841 = arith.constant 80 : index
      %get3A_842 = tpu.vector_load %arg6[%get3A_840, %get3A_841] {strides = array<i32>} : memref<200x128xi32, #tpu.memory_space<vmem>>, vector<16xi32>,
      %dma_start3A_843 = arith.constant 1 : i32
      %dma_start3A_844 = arith.constant 80 : i32
      %dma_start3A_845 = arith.constant 0 : i32
      %dma_start3A_846 = tpu.memref_slice %arg7[%dma_start3A_843, %dma_start3A_844, %dma_start3A_845] : memref<4x128x64xf32, #tpu.memory_space<vmem>> -> memref<1x16x64xf32, #tpu.memory_space<vmem>>
      %dma_start3A_847 = tpu.memref_squeeze %dma_start3A_846 : memref<1x16x64xf32, #tpu.memory_space<vmem>> -> memref<16x64xf32, #tpu.memory_space<vmem>>
      %dma_start3A_848 = arith.constant 0 : i32
      %dma_start3A_849 = arith.constant 0 : i32
      %dma_start3A_850 = tpu.memref_slice %arg3[%dma_start3A_848, %dma_start3A_849] : memref<1000000x64xf32, #tpu.memory_space<hbm>> -> memref<1000000x64xf32, #tpu.memory_space<hbm>>
      tpu.enqueue_indirect_dma source(%dma_start3A_850 : memref<1000000x64xf32, #tpu.memory_space<hbm>>) target(%dma_start3A_847 : memref<16x64xf32, #tpu.memory_space<vmem>>) offsets(%get3A_842 : vector<16xi32>) semaphore(%arg10 : memref<!tpu.dma_semaphore, #tpu.memory_space<semaphore_mem>>)
      %get3A_851 = arith.index_cast %add3A_761 : i32 to index
      %get3A_852 = arith.constant 96 : index
      %get3A_853 = tpu.vector_load %arg6[%get3A_851, %get3A_852] {strides = array<i32>} : memref<200x128xi32, #tpu.memory_space<vmem>>, vector<16xi32>,
      %dma_start3A_854 = arith.constant 1 : i32
      %dma_start3A_855 = arith.constant 96 : i32
      %dma_start3A_856 = arith.constant 0 : i32
      %dma_start3A_857 = tpu.memref_slice %arg7[%dma_start3A_854, %dma_start3A_855, %dma_start3A_856] : memref<4x128x64xf32, #tpu.memory_space<vmem>> -> memref<1x16x64xf32, #tpu.memory_space<vmem>>
      %dma_start3A_858 = tpu.memref_squeeze %dma_start3A_857 : memref<1x16x64xf32, #tpu.memory_space<vmem>> -> memref<16x64xf32, #tpu.memory_space<vmem>>
      %dma_start3A_859 = arith.constant 0 : i32
      %dma_start3A_860 = arith.constant 0 : i32
      %dma_start3A_861 = tpu.memref_slice %arg3[%dma_start3A_859, %dma_start3A_860] : memref<1000000x64xf32, #tpu.memory_space<hbm>> -> memref<1000000x64xf32, #tpu.memory_space<hbm>>
      tpu.enqueue_indirect_dma source(%dma_start3A_861 : memref<1000000x64xf32, #tpu.memory_space<hbm>>) target(%dma_start3A_858 : memref<16x64xf32, #tpu.memory_space<vmem>>) offsets(%get3A_853 : vector<16xi32>) semaphore(%arg10 : memref<!tpu.dma_semaphore, #tpu.memory_space<semaphore_mem>>)
      %get3A_862 = arith.index_cast %add3A_761 : i32 to index
      %get3A_863 = arith.constant 112 : index
      %get3A_864 = tpu.vector_load %arg6[%get3A_862, %get3A_863] {strides = array<i32>} : memref<200x128xi32, #tpu.memory_space<vmem>>, vector<16xi32>,
      %dma_start3A_865 = arith.constant 1 : i32
      %dma_start3A_866 = arith.constant 112 : i32
      %dma_start3A_867 = arith.constant 0 : i32
      %dma_start3A_868 = tpu.memref_slice %arg7[%dma_start3A_865, %dma_start3A_866, %dma_start3A_867] : memref<4x128x64xf32, #tpu.memory_space<vmem>> -> memref<1x16x64xf32, #tpu.memory_space<vmem>>
      %dma_start3A_869 = tpu.memref_squeeze %dma_start3A_868 : memref<1x16x64xf32, #tpu.memory_space<vmem>> -> memref<16x64xf32, #tpu.memory_space<vmem>>
      %dma_start3A_870 = arith.constant 0 : i32
      %dma_start3A_871 = arith.constant 0 : i32
      %dma_start3A_872 = tpu.memref_slice %arg3[%dma_start3A_870, %dma_start3A_871] : memref<1000000x64xf32, #tpu.memory_space<hbm>> -> memref<1000000x64xf32, #tpu.memory_space<hbm>>
      tpu.enqueue_indirect_dma source(%dma_start3A_872 : memref<1000000x64xf32, #tpu.memory_space<hbm>>) target(%dma_start3A_869 : memref<16x64xf32, #tpu.memory_space<vmem>>) offsets(%get3A_864 : vector<16xi32>) semaphore(%arg10 : memref<!tpu.dma_semaphore, #tpu.memory_space<semaphore_mem>>)
      %mul3A_873 = arith.constant 4 : i32
      %mul3A_874 = arith.muli %scan3A_643, %mul3A_873 : i32
      %add3A_875 = arith.constant 2 : i32
      %add3A_876 = arith.addi %mul3A_874, %add3A_875 : i32
      %sub3A_877 = arith.constant 4 : i32
      %sub3A_878 = arith.subi %add3A_876, %sub3A_877 : i32
      %dma_wait3A_879 = arith.constant 2 : i32
      %dma_wait3A_880 = arith.constant 0 : i32
      %dma_wait3A_881 = arith.constant 0 : i32
      %dma_wait3A_882 = arith.constant 0 : i32
      %dma_wait3A_883 = tpu.memref_slice %arg8[%dma_wait3A_879, %dma_wait3A_880, %dma_wait3A_881, %dma_wait3A_882] : memref<4x8x8x129xf32, #tpu.memory_space<vmem>> -> memref<1x8x8x128xf32, #tpu.memory_space<vmem>>
      %dma_wait3A_884 = tpu.memref_squeeze %dma_wait3A_883 : memref<1x8x8x128xf32, #tpu.memory_space<vmem>> -> memref<8x8x128xf32, #tpu.memory_space<vmem>>
      %dma_wait3A_885 = arith.constant 0 : i32
      %dma_wait3A_886 = arith.constant 0 : i32
      %dma_wait3A_887 = arith.constant 0 : i32
      %dma_wait3A_888 = tpu.memref_slice %arg4[%sub3A_878, %dma_wait3A_885, %add3A, %dma_wait3A_886, %dma_wait3A_887] : memref<200x8x32x8x128xf32, #tpu.memory_space<hbm>> -> memref<1x8x1x8x128xf32, #tpu.memory_space<hbm>>
      %dma_wait3A_889 = tpu.memref_squeeze %dma_wait3A_888 : memref<1x8x1x8x128xf32, #tpu.memory_space<hbm>> -> memref<8x8x128xf32, #tpu.memory_space<hbm>>
      %dma_wait3A_890 = arith.constant 0 : i32
      %dma_wait3A_891 = arith.constant 0 : i32
      %dma_wait3A_892 = arith.constant 0 : i32
      %dma_wait3A_893 = tpu.memref_slice %arg4[%sub3A_878, %dma_wait3A_890, %add3A, %dma_wait3A_891, %dma_wait3A_892] : memref<200x8x32x8x128xf32, #tpu.memory_space<hbm>> -> memref<1x8x1x8x128xf32, #tpu.memory_space<hbm>>
      %dma_wait3A_894 = tpu.memref_squeeze %dma_wait3A_893 : memref<1x8x1x8x128xf32, #tpu.memory_space<hbm>> -> memref<8x8x128xf32, #tpu.memory_space<hbm>>
      %dma_wait3A_895 = arith.constant 0 : i32
      %dma_wait3A_896 = arith.constant 0 : i32
      %dma_wait3A_897 = arith.constant 0 : i32
      %dma_wait3A_898 = tpu.memref_slice %arg8[%dma_wait3A_879, %dma_wait3A_895, %dma_wait3A_896, %dma_wait3A_897] : memref<4x8x8x129xf32, #tpu.memory_space<vmem>> -> memref<1x8x8x128xf32, #tpu.memory_space<vmem>>
      %dma_wait3A_899 = tpu.memref_squeeze %dma_wait3A_898 : memref<1x8x8x128xf32, #tpu.memory_space<vmem>> -> memref<8x8x128xf32, #tpu.memory_space<vmem>>
      tpu.wait_dma2 semaphore(%arg15 : memref<!tpu.dma_semaphore, #tpu.memory_space<semaphore_mem>>) src(%dma_wait3A_899 : memref<8x8x128xf32, #tpu.memory_space<vmem>>) dst(%dma_wait3A_894 : memref<8x8x128xf32, #tpu.memory_space<hbm>>)
      %get3A_900 = arith.index_cast %add3A_876 : i32 to index
      %get3A_901 = arith.constant 0 : index
      %get3A_902 = tpu.vector_load %arg6[%get3A_900, %get3A_901] {strides = array<i32>} : memref<200x128xi32, #tpu.memory_space<vmem>>, vector<16xi32>,
      %dma_start3A_903 = arith.constant 2 : i32
      %dma_start3A_904 = arith.constant 0 : i32
      %dma_start3A_905 = arith.constant 0 : i32
      %dma_start3A_906 = tpu.memref_slice %arg7[%dma_start3A_903, %dma_start3A_904, %dma_start3A_905] : memref<4x128x64xf32, #tpu.memory_space<vmem>> -> memref<1x16x64xf32, #tpu.memory_space<vmem>>
      %dma_start3A_907 = tpu.memref_squeeze %dma_start3A_906 : memref<1x16x64xf32, #tpu.memory_space<vmem>> -> memref<16x64xf32, #tpu.memory_space<vmem>>
      %dma_start3A_908 = arith.constant 0 : i32
      %dma_start3A_909 = arith.constant 0 : i32
      %dma_start3A_910 = tpu.memref_slice %arg3[%dma_start3A_908, %dma_start3A_909] : memref<1000000x64xf32, #tpu.memory_space<hbm>> -> memref<1000000x64xf32, #tpu.memory_space<hbm>>
      tpu.enqueue_indirect_dma source(%dma_start3A_910 : memref<1000000x64xf32, #tpu.memory_space<hbm>>) target(%dma_start3A_907 : memref<16x64xf32, #tpu.memory_space<vmem>>) offsets(%get3A_902 : vector<16xi32>) semaphore(%arg11 : memref<!tpu.dma_semaphore, #tpu.memory_space<semaphore_mem>>)
      %get3A_911 = arith.index_cast %add3A_876 : i32 to index
      %get3A_912 = arith.constant 16 : index
      %get3A_913 = tpu.vector_load %arg6[%get3A_911, %get3A_912] {strides = array<i32>} : memref<200x128xi32, #tpu.memory_space<vmem>>, vector<16xi32>,
      %dma_start3A_914 = arith.constant 2 : i32
      %dma_start3A_915 = arith.constant 16 : i32
      %dma_start3A_916 = arith.constant 0 : i32
      %dma_start3A_917 = tpu.memref_slice %arg7[%dma_start3A_914, %dma_start3A_915, %dma_start3A_916] : memref<4x128x64xf32, #tpu.memory_space<vmem>> -> memref<1x16x64xf32, #tpu.memory_space<vmem>>
      %dma_start3A_918 = tpu.memref_squeeze %dma_start3A_917 : memref<1x16x64xf32, #tpu.memory_space<vmem>> -> memref<16x64xf32, #tpu.memory_space<vmem>>
      %dma_start3A_919 = arith.constant 0 : i32
      %dma_start3A_920 = arith.constant 0 : i32
      %dma_start3A_921 = tpu.memref_slice %arg3[%dma_start3A_919, %dma_start3A_920] : memref<1000000x64xf32, #tpu.memory_space<hbm>> -> memref<1000000x64xf32, #tpu.memory_space<hbm>>
      tpu.enqueue_indirect_dma source(%dma_start3A_921 : memref<1000000x64xf32, #tpu.memory_space<hbm>>) target(%dma_start3A_918 : memref<16x64xf32, #tpu.memory_space<vmem>>) offsets(%get3A_913 : vector<16xi32>) semaphore(%arg11 : memref<!tpu.dma_semaphore, #tpu.memory_space<semaphore_mem>>)
      %get3A_922 = arith.index_cast %add3A_876 : i32 to index
      %get3A_923 = arith.constant 32 : index
      %get3A_924 = tpu.vector_load %arg6[%get3A_922, %get3A_923] {strides = array<i32>} : memref<200x128xi32, #tpu.memory_space<vmem>>, vector<16xi32>,
      %dma_start3A_925 = arith.constant 2 : i32
      %dma_start3A_926 = arith.constant 32 : i32
      %dma_start3A_927 = arith.constant 0 : i32
      %dma_start3A_928 = tpu.memref_slice %arg7[%dma_start3A_925, %dma_start3A_926, %dma_start3A_927] : memref<4x128x64xf32, #tpu.memory_space<vmem>> -> memref<1x16x64xf32, #tpu.memory_space<vmem>>
      %dma_start3A_929 = tpu.memref_squeeze %dma_start3A_928 : memref<1x16x64xf32, #tpu.memory_space<vmem>> -> memref<16x64xf32, #tpu.memory_space<vmem>>
      %dma_start3A_930 = arith.constant 0 : i32
      %dma_start3A_931 = arith.constant 0 : i32
      %dma_start3A_932 = tpu.memref_slice %arg3[%dma_start3A_930, %dma_start3A_931] : memref<1000000x64xf32, #tpu.memory_space<hbm>> -> memref<1000000x64xf32, #tpu.memory_space<hbm>>
      tpu.enqueue_indirect_dma source(%dma_start3A_932 : memref<1000000x64xf32, #tpu.memory_space<hbm>>) target(%dma_start3A_929 : memref<16x64xf32, #tpu.memory_space<vmem>>) offsets(%get3A_924 : vector<16xi32>) semaphore(%arg11 : memref<!tpu.dma_semaphore, #tpu.memory_space<semaphore_mem>>)
      %get3A_933 = arith.index_cast %add3A_876 : i32 to index
      %get3A_934 = arith.constant 48 : index
      %get3A_935 = tpu.vector_load %arg6[%get3A_933, %get3A_934] {strides = array<i32>} : memref<200x128xi32, #tpu.memory_space<vmem>>, vector<16xi32>,
      %dma_start3A_936 = arith.constant 2 : i32
      %dma_start3A_937 = arith.constant 48 : i32
      %dma_start3A_938 = arith.constant 0 : i32
      %dma_start3A_939 = tpu.memref_slice %arg7[%dma_start3A_936, %dma_start3A_937, %dma_start3A_938] : memref<4x128x64xf32, #tpu.memory_space<vmem>> -> memref<1x16x64xf32, #tpu.memory_space<vmem>>
      %dma_start3A_940 = tpu.memref_squeeze %dma_start3A_939 : memref<1x16x64xf32, #tpu.memory_space<vmem>> -> memref<16x64xf32, #tpu.memory_space<vmem>>
      %dma_start3A_941 = arith.constant 0 : i32
      %dma_start3A_942 = arith.constant 0 : i32
      %dma_start3A_943 = tpu.memref_slice %arg3[%dma_start3A_941, %dma_start3A_942] : memref<1000000x64xf32, #tpu.memory_space<hbm>> -> memref<1000000x64xf32, #tpu.memory_space<hbm>>
      tpu.enqueue_indirect_dma source(%dma_start3A_943 : memref<1000000x64xf32, #tpu.memory_space<hbm>>) target(%dma_start3A_940 : memref<16x64xf32, #tpu.memory_space<vmem>>) offsets(%get3A_935 : vector<16xi32>) semaphore(%arg11 : memref<!tpu.dma_semaphore, #tpu.memory_space<semaphore_mem>>)
      %get3A_944 = arith.index_cast %add3A_876 : i32 to index
      %get3A_945 = arith.constant 64 : index
      %get3A_946 = tpu.vector_load %arg6[%get3A_944, %get3A_945] {strides = array<i32>} : memref<200x128xi32, #tpu.memory_space<vmem>>, vector<16xi32>,
      %dma_start3A_947 = arith.constant 2 : i32
      %dma_start3A_948 = arith.constant 64 : i32
      %dma_start3A_949 = arith.constant 0 : i32
      %dma_start3A_950 = tpu.memref_slice %arg7[%dma_start3A_947, %dma_start3A_948, %dma_start3A_949] : memref<4x128x64xf32, #tpu.memory_space<vmem>> -> memref<1x16x64xf32, #tpu.memory_space<vmem>>
      %dma_start3A_951 = tpu.memref_squeeze %dma_start3A_950 : memref<1x16x64xf32, #tpu.memory_space<vmem>> -> memref<16x64xf32, #tpu.memory_space<vmem>>
      %dma_start3A_952 = arith.constant 0 : i32
      %dma_start3A_953 = arith.constant 0 : i32
      %dma_start3A_954 = tpu.memref_slice %arg3[%dma_start3A_952, %dma_start3A_953] : memref<1000000x64xf32, #tpu.memory_space<hbm>> -> memref<1000000x64xf32, #tpu.memory_space<hbm>>
      tpu.enqueue_indirect_dma source(%dma_start3A_954 : memref<1000000x64xf32, #tpu.memory_space<hbm>>) target(%dma_start3A_951 : memref<16x64xf32, #tpu.memory_space<vmem>>) offsets(%get3A_946 : vector<16xi32>) semaphore(%arg11 : memref<!tpu.dma_semaphore, #tpu.memory_space<semaphore_mem>>)
      %get3A_955 = arith.index_cast %add3A_876 : i32 to index
      %get3A_956 = arith.constant 80 : index
      %get3A_957 = tpu.vector_load %arg6[%get3A_955, %get3A_956] {strides = array<i32>} : memref<200x128xi32, #tpu.memory_space<vmem>>, vector<16xi32>,
      %dma_start3A_958 = arith.constant 2 : i32
      %dma_start3A_959 = arith.constant 80 : i32
      %dma_start3A_960 = arith.constant 0 : i32
      %dma_start3A_961 = tpu.memref_slice %arg7[%dma_start3A_958, %dma_start3A_959, %dma_start3A_960] : memref<4x128x64xf32, #tpu.memory_space<vmem>> -> memref<1x16x64xf32, #tpu.memory_space<vmem>>
      %dma_start3A_962 = tpu.memref_squeeze %dma_start3A_961 : memref<1x16x64xf32, #tpu.memory_space<vmem>> -> memref<16x64xf32, #tpu.memory_space<vmem>>
      %dma_start3A_963 = arith.constant 0 : i32
      %dma_start3A_964 = arith.constant 0 : i32
      %dma_start3A_965 = tpu.memref_slice %arg3[%dma_start3A_963, %dma_start3A_964] : memref<1000000x64xf32, #tpu.memory_space<hbm>> -> memref<1000000x64xf32, #tpu.memory_space<hbm>>
      tpu.enqueue_indirect_dma source(%dma_start3A_965 : memref<1000000x64xf32, #tpu.memory_space<hbm>>) target(%dma_start3A_962 : memref<16x64xf32, #tpu.memory_space<vmem>>) offsets(%get3A_957 : vector<16xi32>) semaphore(%arg11 : memref<!tpu.dma_semaphore, #tpu.memory_space<semaphore_mem>>)
      %get3A_966 = arith.index_cast %add3A_876 : i32 to index
      %get3A_967 = arith.constant 96 : index
      %get3A_968 = tpu.vector_load %arg6[%get3A_966, %get3A_967] {strides = array<i32>} : memref<200x128xi32, #tpu.memory_space<vmem>>, vector<16xi32>,
      %dma_start3A_969 = arith.constant 2 : i32
      %dma_start3A_970 = arith.constant 96 : i32
      %dma_start3A_971 = arith.constant 0 : i32
      %dma_start3A_972 = tpu.memref_slice %arg7[%dma_start3A_969, %dma_start3A_970, %dma_start3A_971] : memref<4x128x64xf32, #tpu.memory_space<vmem>> -> memref<1x16x64xf32, #tpu.memory_space<vmem>>
      %dma_start3A_973 = tpu.memref_squeeze %dma_start3A_972 : memref<1x16x64xf32, #tpu.memory_space<vmem>> -> memref<16x64xf32, #tpu.memory_space<vmem>>
      %dma_start3A_974 = arith.constant 0 : i32
      %dma_start3A_975 = arith.constant 0 : i32
      %dma_start3A_976 = tpu.memref_slice %arg3[%dma_start3A_974, %dma_start3A_975] : memref<1000000x64xf32, #tpu.memory_space<hbm>> -> memref<1000000x64xf32, #tpu.memory_space<hbm>>
      tpu.enqueue_indirect_dma source(%dma_start3A_976 : memref<1000000x64xf32, #tpu.memory_space<hbm>>) target(%dma_start3A_973 : memref<16x64xf32, #tpu.memory_space<vmem>>) offsets(%get3A_968 : vector<16xi32>) semaphore(%arg11 : memref<!tpu.dma_semaphore, #tpu.memory_space<semaphore_mem>>)
      %get3A_977 = arith.index_cast %add3A_876 : i32 to index
      %get3A_978 = arith.constant 112 : index
      %get3A_979 = tpu.vector_load %arg6[%get3A_977, %get3A_978] {strides = array<i32>} : memref<200x128xi32, #tpu.memory_space<vmem>>, vector<16xi32>,
      %dma_start3A_980 = arith.constant 2 : i32
      %dma_start3A_981 = arith.constant 112 : i32
      %dma_start3A_982 = arith.constant 0 : i32
      %dma_start3A_983 = tpu.memref_slice %arg7[%dma_start3A_980, %dma_start3A_981, %dma_start3A_982] : memref<4x128x64xf32, #tpu.memory_space<vmem>> -> memref<1x16x64xf32, #tpu.memory_space<vmem>>
      %dma_start3A_984 = tpu.memref_squeeze %dma_start3A_983 : memref<1x16x64xf32, #tpu.memory_space<vmem>> -> memref<16x64xf32, #tpu.memory_space<vmem>>
      %dma_start3A_985 = arith.constant 0 : i32
      %dma_start3A_986 = arith.constant 0 : i32
      %dma_start3A_987 = tpu.memref_slice %arg3[%dma_start3A_985, %dma_start3A_986] : memref<1000000x64xf32, #tpu.memory_space<hbm>> -> memref<1000000x64xf32, #tpu.memory_space<hbm>>
      tpu.enqueue_indirect_dma source(%dma_start3A_987 : memref<1000000x64xf32, #tpu.memory_space<hbm>>) target(%dma_start3A_984 : memref<16x64xf32, #tpu.memory_space<vmem>>) offsets(%get3A_979 : vector<16xi32>) semaphore(%arg11 : memref<!tpu.dma_semaphore, #tpu.memory_space<semaphore_mem>>)
      %mul3A_988 = arith.constant 4 : i32
      %mul3A_989 = arith.muli %scan3A_643, %mul3A_988 : i32
      %add3A_990 = arith.constant 3 : i32
      %add3A_991 = arith.addi %mul3A_989, %add3A_990 : i32
      %sub3A_992 = arith.constant 4 : i32
      %sub3A_993 = arith.subi %add3A_991, %sub3A_992 : i32
      %dma_wait3A_994 = arith.constant 3 : i32
      %dma_wait3A_995 = arith.constant 0 : i32
      %dma_wait3A_996 = arith.constant 0 : i32
      %dma_wait3A_997 = arith.constant 0 : i32
      %dma_wait3A_998 = tpu.memref_slice %arg8[%dma_wait3A_994, %dma_wait3A_995, %dma_wait3A_996, %dma_wait3A_997] : memref<4x8x8x129xf32, #tpu.memory_space<vmem>> -> memref<1x8x8x128xf32, #tpu.memory_space<vmem>>
      %dma_wait3A_999 = tpu.memref_squeeze %dma_wait3A_998 : memref<1x8x8x128xf32, #tpu.memory_space<vmem>> -> memref<8x8x128xf32, #tpu.memory_space<vmem>>
      %dma_wait3A_1000 = arith.constant 0 : i32
      %dma_wait3A_1001 = arith.constant 0 : i32
      %dma_wait3A_1002 = arith.constant 0 : i32
      %dma_wait3A_1003 = tpu.memref_slice %arg4[%sub3A_993, %dma_wait3A_1000, %add3A, %dma_wait3A_1001, %dma_wait3A_1002] : memref<200x8x32x8x128xf32, #tpu.memory_space<hbm>> -> memref<1x8x1x8x128xf32, #tpu.memory_space<hbm>>
      %dma_wait3A_1004 = tpu.memref_squeeze %dma_wait3A_1003 : memref<1x8x1x8x128xf32, #tpu.memory_space<hbm>> -> memref<8x8x128xf32, #tpu.memory_space<hbm>>
      %dma_wait3A_1005 = arith.constant 0 : i32
      %dma_wait3A_1006 = arith.constant 0 : i32
      %dma_wait3A_1007 = arith.constant 0 : i32
      %dma_wait3A_1008 = tpu.memref_slice %arg4[%sub3A_993, %dma_wait3A_1005, %add3A, %dma_wait3A_1006, %dma_wait3A_1007] : memref<200x8x32x8x128xf32, #tpu.memory_space<hbm>> -> memref<1x8x1x8x128xf32, #tpu.memory_space<hbm>>
      %dma_wait3A_1009 = tpu.memref_squeeze %dma_wait3A_1008 : memref<1x8x1x8x128xf32, #tpu.memory_space<hbm>> -> memref<8x8x128xf32, #tpu.memory_space<hbm>>
      %dma_wait3A_1010 = arith.constant 0 : i32
      %dma_wait3A_1011 = arith.constant 0 : i32
      %dma_wait3A_1012 = arith.constant 0 : i32
      %dma_wait3A_1013 = tpu.memref_slice %arg8[%dma_wait3A_994, %dma_wait3A_1010, %dma_wait3A_1011, %dma_wait3A_1012] : memref<4x8x8x129xf32, #tpu.memory_space<vmem>> -> memref<1x8x8x128xf32, #tpu.memory_space<vmem>>
      %dma_wait3A_1014 = tpu.memref_squeeze %dma_wait3A_1013 : memref<1x8x8x128xf32, #tpu.memory_space<vmem>> -> memref<8x8x128xf32, #tpu.memory_space<vmem>>
      tpu.wait_dma2 semaphore(%arg16 : memref<!tpu.dma_semaphore, #tpu.memory_space<semaphore_mem>>) src(%dma_wait3A_1014 : memref<8x8x128xf32, #tpu.memory_space<vmem>>) dst(%dma_wait3A_1009 : memref<8x8x128xf32, #tpu.memory_space<hbm>>)
      %get3A_1015 = arith.index_cast %add3A_991 : i32 to index
      %get3A_1016 = arith.constant 0 : index
      %get3A_1017 = tpu.vector_load %arg6[%get3A_1015, %get3A_1016] {strides = array<i32>} : memref<200x128xi32, #tpu.memory_space<vmem>>, vector<16xi32>,
      %dma_start3A_1018 = arith.constant 3 : i32
      %dma_start3A_1019 = arith.constant 0 : i32
      %dma_start3A_1020 = arith.constant 0 : i32
      %dma_start3A_1021 = tpu.memref_slice %arg7[%dma_start3A_1018, %dma_start3A_1019, %dma_start3A_1020] : memref<4x128x64xf32, #tpu.memory_space<vmem>> -> memref<1x16x64xf32, #tpu.memory_space<vmem>>
      %dma_start3A_1022 = tpu.memref_squeeze %dma_start3A_1021 : memref<1x16x64xf32, #tpu.memory_space<vmem>> -> memref<16x64xf32, #tpu.memory_space<vmem>>
      %dma_start3A_1023 = arith.constant 0 : i32
      %dma_start3A_1024 = arith.constant 0 : i32
      %dma_start3A_1025 = tpu.memref_slice %arg3[%dma_start3A_1023, %dma_start3A_1024] : memref<1000000x64xf32, #tpu.memory_space<hbm>> -> memref<1000000x64xf32, #tpu.memory_space<hbm>>
      tpu.enqueue_indirect_dma source(%dma_start3A_1025 : memref<1000000x64xf32, #tpu.memory_space<hbm>>) target(%dma_start3A_1022 : memref<16x64xf32, #tpu.memory_space<vmem>>) offsets(%get3A_1017 : vector<16xi32>) semaphore(%arg12 : memref<!tpu.dma_semaphore, #tpu.memory_space<semaphore_mem>>)
      %get3A_1026 = arith.index_cast %add3A_991 : i32 to index
      %get3A_1027 = arith.constant 16 : index
      %get3A_1028 = tpu.vector_load %arg6[%get3A_1026, %get3A_1027] {strides = array<i32>} : memref<200x128xi32, #tpu.memory_space<vmem>>, vector<16xi32>,
      %dma_start3A_1029 = arith.constant 3 : i32
      %dma_start3A_1030 = arith.constant 16 : i32
      %dma_start3A_1031 = arith.constant 0 : i32
      %dma_start3A_1032 = tpu.memref_slice %arg7[%dma_start3A_1029, %dma_start3A_1030, %dma_start3A_1031] : memref<4x128x64xf32, #tpu.memory_space<vmem>> -> memref<1x16x64xf32, #tpu.memory_space<vmem>>
      %dma_start3A_1033 = tpu.memref_squeeze %dma_start3A_1032 : memref<1x16x64xf32, #tpu.memory_space<vmem>> -> memref<16x64xf32, #tpu.memory_space<vmem>>
      %dma_start3A_1034 = arith.constant 0 : i32
      %dma_start3A_1035 = arith.constant 0 : i32
      %dma_start3A_1036 = tpu.memref_slice %arg3[%dma_start3A_1034, %dma_start3A_1035] : memref<1000000x64xf32, #tpu.memory_space<hbm>> -> memref<1000000x64xf32, #tpu.memory_space<hbm>>
      tpu.enqueue_indirect_dma source(%dma_start3A_1036 : memref<1000000x64xf32, #tpu.memory_space<hbm>>) target(%dma_start3A_1033 : memref<16x64xf32, #tpu.memory_space<vmem>>) offsets(%get3A_1028 : vector<16xi32>) semaphore(%arg12 : memref<!tpu.dma_semaphore, #tpu.memory_space<semaphore_mem>>)
      %get3A_1037 = arith.index_cast %add3A_991 : i32 to index
      %get3A_1038 = arith.constant 32 : index
      %get3A_1039 = tpu.vector_load %arg6[%get3A_1037, %get3A_1038] {strides = array<i32>} : memref<200x128xi32, #tpu.memory_space<vmem>>, vector<16xi32>,
      %dma_start3A_1040 = arith.constant 3 : i32
      %dma_start3A_1041 = arith.constant 32 : i32
      %dma_start3A_1042 = arith.constant 0 : i32
      %dma_start3A_1043 = tpu.memref_slice %arg7[%dma_start3A_1040, %dma_start3A_1041, %dma_start3A_1042] : memref<4x128x64xf32, #tpu.memory_space<vmem>> -> memref<1x16x64xf32, #tpu.memory_space<vmem>>
      %dma_start3A_1044 = tpu.memref_squeeze %dma_start3A_1043 : memref<1x16x64xf32, #tpu.memory_space<vmem>> -> memref<16x64xf32, #tpu.memory_space<vmem>>
      %dma_start3A_1045 = arith.constant 0 : i32
      %dma_start3A_1046 = arith.constant 0 : i32
      %dma_start3A_1047 = tpu.memref_slice %arg3[%dma_start3A_1045, %dma_start3A_1046] : memref<1000000x64xf32, #tpu.memory_space<hbm>> -> memref<1000000x64xf32, #tpu.memory_space<hbm>>
      tpu.enqueue_indirect_dma source(%dma_start3A_1047 : memref<1000000x64xf32, #tpu.memory_space<hbm>>) target(%dma_start3A_1044 : memref<16x64xf32, #tpu.memory_space<vmem>>) offsets(%get3A_1039 : vector<16xi32>) semaphore(%arg12 : memref<!tpu.dma_semaphore, #tpu.memory_space<semaphore_mem>>)
      %get3A_1048 = arith.index_cast %add3A_991 : i32 to index
      %get3A_1049 = arith.constant 48 : index
      %get3A_1050 = tpu.vector_load %arg6[%get3A_1048, %get3A_1049] {strides = array<i32>} : memref<200x128xi32, #tpu.memory_space<vmem>>, vector<16xi32>,
      %dma_start3A_1051 = arith.constant 3 : i32
      %dma_start3A_1052 = arith.constant 48 : i32
      %dma_start3A_1053 = arith.constant 0 : i32
      %dma_start3A_1054 = tpu.memref_slice %arg7[%dma_start3A_1051, %dma_start3A_1052, %dma_start3A_1053] : memref<4x128x64xf32, #tpu.memory_space<vmem>> -> memref<1x16x64xf32, #tpu.memory_space<vmem>>
      %dma_start3A_1055 = tpu.memref_squeeze %dma_start3A_1054 : memref<1x16x64xf32, #tpu.memory_space<vmem>> -> memref<16x64xf32, #tpu.memory_space<vmem>>
      %dma_start3A_1056 = arith.constant 0 : i32
      %dma_start3A_1057 = arith.constant 0 : i32
      %dma_start3A_1058 = tpu.memref_slice %arg3[%dma_start3A_1056, %dma_start3A_1057] : memref<1000000x64xf32, #tpu.memory_space<hbm>> -> memref<1000000x64xf32, #tpu.memory_space<hbm>>
      tpu.enqueue_indirect_dma source(%dma_start3A_1058 : memref<1000000x64xf32, #tpu.memory_space<hbm>>) target(%dma_start3A_1055 : memref<16x64xf32, #tpu.memory_space<vmem>>) offsets(%get3A_1050 : vector<16xi32>) semaphore(%arg12 : memref<!tpu.dma_semaphore, #tpu.memory_space<semaphore_mem>>)
      %get3A_1059 = arith.index_cast %add3A_991 : i32 to index
      %get3A_1060 = arith.constant 64 : index
      %get3A_1061 = tpu.vector_load %arg6[%get3A_1059, %get3A_1060] {strides = array<i32>} : memref<200x128xi32, #tpu.memory_space<vmem>>, vector<16xi32>,
      %dma_start3A_1062 = arith.constant 3 : i32
      %dma_start3A_1063 = arith.constant 64 : i32
      %dma_start3A_1064 = arith.constant 0 : i32
      %dma_start3A_1065 = tpu.memref_slice %arg7[%dma_start3A_1062, %dma_start3A_1063, %dma_start3A_1064] : memref<4x128x64xf32, #tpu.memory_space<vmem>> -> memref<1x16x64xf32, #tpu.memory_space<vmem>>
      %dma_start3A_1066 = tpu.memref_squeeze %dma_start3A_1065 : memref<1x16x64xf32, #tpu.memory_space<vmem>> -> memref<16x64xf32, #tpu.memory_space<vmem>>
      %dma_start3A_1067 = arith.constant 0 : i32
      %dma_start3A_1068 = arith.constant 0 : i32
      %dma_start3A_1069 = tpu.memref_slice %arg3[%dma_start3A_1067, %dma_start3A_1068] : memref<1000000x64xf32, #tpu.memory_space<hbm>> -> memref<1000000x64xf32, #tpu.memory_space<hbm>>
      tpu.enqueue_indirect_dma source(%dma_start3A_1069 : memref<1000000x64xf32, #tpu.memory_space<hbm>>) target(%dma_start3A_1066 : memref<16x64xf32, #tpu.memory_space<vmem>>) offsets(%get3A_1061 : vector<16xi32>) semaphore(%arg12 : memref<!tpu.dma_semaphore, #tpu.memory_space<semaphore_mem>>)
      %get3A_1070 = arith.index_cast %add3A_991 : i32 to index
      %get3A_1071 = arith.constant 80 : index
      %get3A_1072 = tpu.vector_load %arg6[%get3A_1070, %get3A_1071] {strides = array<i32>} : memref<200x128xi32, #tpu.memory_space<vmem>>, vector<16xi32>,
      %dma_start3A_1073 = arith.constant 3 : i32
      %dma_start3A_1074 = arith.constant 80 : i32
      %dma_start3A_1075 = arith.constant 0 : i32
      %dma_start3A_1076 = tpu.memref_slice %arg7[%dma_start3A_1073, %dma_start3A_1074, %dma_start3A_1075] : memref<4x128x64xf32, #tpu.memory_space<vmem>> -> memref<1x16x64xf32, #tpu.memory_space<vmem>>
      %dma_start3A_1077 = tpu.memref_squeeze %dma_start3A_1076 : memref<1x16x64xf32, #tpu.memory_space<vmem>> -> memref<16x64xf32, #tpu.memory_space<vmem>>
      %dma_start3A_1078 = arith.constant 0 : i32
      %dma_start3A_1079 = arith.constant 0 : i32
      %dma_start3A_1080 = tpu.memref_slice %arg3[%dma_start3A_1078, %dma_start3A_1079] : memref<1000000x64xf32, #tpu.memory_space<hbm>> -> memref<1000000x64xf32, #tpu.memory_space<hbm>>
      tpu.enqueue_indirect_dma source(%dma_start3A_1080 : memref<1000000x64xf32, #tpu.memory_space<hbm>>) target(%dma_start3A_1077 : memref<16x64xf32, #tpu.memory_space<vmem>>) offsets(%get3A_1072 : vector<16xi32>) semaphore(%arg12 : memref<!tpu.dma_semaphore, #tpu.memory_space<semaphore_mem>>)
      %get3A_1081 = arith.index_cast %add3A_991 : i32 to index
      %get3A_1082 = arith.constant 96 : index
      %get3A_1083 = tpu.vector_load %arg6[%get3A_1081, %get3A_1082] {strides = array<i32>} : memref<200x128xi32, #tpu.memory_space<vmem>>, vector<16xi32>,
      %dma_start3A_1084 = arith.constant 3 : i32
      %dma_start3A_1085 = arith.constant 96 : i32
      %dma_start3A_1086 = arith.constant 0 : i32
      %dma_start3A_1087 = tpu.memref_slice %arg7[%dma_start3A_1084, %dma_start3A_1085, %dma_start3A_1086] : memref<4x128x64xf32, #tpu.memory_space<vmem>> -> memref<1x16x64xf32, #tpu.memory_space<vmem>>
      %dma_start3A_1088 = tpu.memref_squeeze %dma_start3A_1087 : memref<1x16x64xf32, #tpu.memory_space<vmem>> -> memref<16x64xf32, #tpu.memory_space<vmem>>
      %dma_start3A_1089 = arith.constant 0 : i32
      %dma_start3A_1090 = arith.constant 0 : i32
      %dma_start3A_1091 = tpu.memref_slice %arg3[%dma_start3A_1089, %dma_start3A_1090] : memref<1000000x64xf32, #tpu.memory_space<hbm>> -> memref<1000000x64xf32, #tpu.memory_space<hbm>>
      tpu.enqueue_indirect_dma source(%dma_start3A_1091 : memref<1000000x64xf32, #tpu.memory_space<hbm>>) target(%dma_start3A_1088 : memref<16x64xf32, #tpu.memory_space<vmem>>) offsets(%get3A_1083 : vector<16xi32>) semaphore(%arg12 : memref<!tpu.dma_semaphore, #tpu.memory_space<semaphore_mem>>)
      %get3A_1092 = arith.index_cast %add3A_991 : i32 to index
      %get3A_1093 = arith.constant 112 : index
      %get3A_1094 = tpu.vector_load %arg6[%get3A_1092, %get3A_1093] {strides = array<i32>} : memref<200x128xi32, #tpu.memory_space<vmem>>, vector<16xi32>,
      %dma_start3A_1095 = arith.constant 3 : i32
      %dma_start3A_1096 = arith.constant 112 : i32
      %dma_start3A_1097 = arith.constant 0 : i32
      %dma_start3A_1098 = tpu.memref_slice %arg7[%dma_start3A_1095, %dma_start3A_1096, %dma_start3A_1097] : memref<4x128x64xf32, #tpu.memory_space<vmem>> -> memref<1x16x64xf32, #tpu.memory_space<vmem>>
      %dma_start3A_1099 = tpu.memref_squeeze %dma_start3A_1098 : memref<1x16x64xf32, #tpu.memory_space<vmem>> -> memref<16x64xf32, #tpu.memory_space<vmem>>
      %dma_start3A_1100 = arith.constant 0 : i32
      %dma_start3A_1101 = arith.constant 0 : i32
      %dma_start3A_1102 = tpu.memref_slice %arg3[%dma_start3A_1100, %dma_start3A_1101] : memref<1000000x64xf32, #tpu.memory_space<hbm>> -> memref<1000000x64xf32, #tpu.memory_space<hbm>>
      tpu.enqueue_indirect_dma source(%dma_start3A_1102 : memref<1000000x64xf32, #tpu.memory_space<hbm>>) target(%dma_start3A_1099 : memref<16x64xf32, #tpu.memory_space<vmem>>) offsets(%get3A_1094 : vector<16xi32>) semaphore(%arg12 : memref<!tpu.dma_semaphore, #tpu.memory_space<semaphore_mem>>)
      %mul3A_1103 = arith.constant 4 : i32
      %mul3A_1104 = arith.muli %scan3A_643, %mul3A_1103 : i32
      %add3A_1105 = arith.constant 0 : i32
      %add3A_1106 = arith.addi %mul3A_1104, %add3A_1105 : i32
      %dma_wait3A_1107 = arith.constant 0 : i32
      %dma_wait3A_1108 = arith.constant 0 : i32
      %dma_wait3A_1109 = arith.constant 0 : i32
      %dma_wait3A_1110 = tpu.memref_slice %arg7[%dma_wait3A_1107, %dma_wait3A_1108, %dma_wait3A_1109] : memref<4x128x64xf32, #tpu.memory_space<vmem>> -> memref<1x128x64xf32, #tpu.memory_space<vmem>>
      %dma_wait3A_1111 = tpu.memref_squeeze %dma_wait3A_1110 : memref<1x128x64xf32, #tpu.memory_space<vmem>> -> memref<128x64xf32, #tpu.memory_space<vmem>>
      %dma_wait3A_1112 = arith.constant 0 : i32
      %dma_wait3A_1113 = tpu.memref_slice %arg6[%add3A_1106, %dma_wait3A_1112] : memref<200x128xi32, #tpu.memory_space<vmem>> -> memref<1x128xi32, #tpu.memory_space<vmem>>
      %dma_wait3A_1114 = tpu.memref_squeeze %dma_wait3A_1113 : memref<1x128xi32, #tpu.memory_space<vmem>> -> memref<128xi32, #tpu.memory_space<vmem>>
      %dma_wait3A_1115 = arith.constant 0 : i32
      %dma_wait3A_1116 = arith.constant 0 : i32
      %dma_wait3A_1117 = tpu.memref_slice %arg3[%dma_wait3A_1115, %dma_wait3A_1116] : memref<1000000x64xf32, #tpu.memory_space<hbm>> -> memref<1000000x64xf32, #tpu.memory_space<hbm>>
      tpu.wait_indirect_dma semaphore(%arg9 : memref<!tpu.dma_semaphore, #tpu.memory_space<semaphore_mem>>) src(%dma_wait3A_1117 : memref<1000000x64xf32, #tpu.memory_space<hbm>>) dst(%dma_wait3A_1111 : memref<128x64xf32, #tpu.memory_space<vmem>>)
      %scan3A_1118 = arith.constant 0 : i32
      %scan3A_1119 = arith.constant 0 : i32
      %scan3A_1120 = arith.constant 128 : i32
      %scan3A_1121 = arith.addi %scan3A_1119, %scan3A_1120 : i32
      %scan3A_1122 = arith.constant 1 : i32
      scf.for %scan3A_1271 = %scan3A_1119 to %scan3A_1121 step %scan3A_1122  : i32 {
        %broadcast_in_dim3A = vector.broadcast %scan3A_1271 : i32 to vector<16xi32>
        %get3A_1272 = arith.constant 0 : i32
        %get3A_1273 = arith.index_cast %get3A_1272 : i32 to index
        %get3A_1274 = arith.index_cast %scan3A_1271 : i32 to index
        %get3A_1275 = arith.constant 0 : index
        %get3A_1276 = tpu.vector_load %arg7[%get3A_1273, %get3A_1274, %get3A_1275] {strides = array<i32>} : memref<4x128x64xf32, #tpu.memory_space<vmem>>, vector<16xf32>,
        %add3A_1277 = arith.constant 0 : i32
        %add3A_1278 = vector.broadcast %add3A_1277 : i32 to vector<16xi32>
        %add3A_1279 = arith.addi %iota3A, %add3A_1278 : vector<16xi32>
        %shift_right_logical3A = arith.constant 3 : i32
        %shift_right_logical3A_1280 = vector.broadcast %shift_right_logical3A : i32 to vector<16xi32>
        %shift_right_logical3A_1281 = arith.shrui %add3A_1279, %shift_right_logical3A_1280 : vector<16xi32>
        %and3A = arith.constant 7 : i32
        %and3A_1282 = vector.broadcast %and3A : i32 to vector<16xi32>
        %and3A_1283 = arith.andi %add3A_1279, %and3A_1282 : vector<16xi32>
        %mul3A_1284 = arith.constant 8.000000e+00 : f32
        %mul3A_1285 = vector.broadcast %mul3A_1284 : f32 to vector<16xf32>
        %mul3A_1286 = arith.mulf %get3A_1276, %mul3A_1285 : vector<16xf32>
        %scatter3A = arith.constant 0 : i32
        %scatter3A_1287 = arith.constant 0 : i32
        %scatter3A_1288 = arith.constant 0 : i32
        %scatter3A_1289 = arith.constant 0 : i32
        %scatter3A_1290 = tpu.memref_slice %arg8[%scatter3A, %scatter3A_1287, %scatter3A_1288, %scatter3A_1289] : memref<4x8x8x129xf32, #tpu.memory_space<vmem>> -> memref<1x8x8x129xf32, #tpu.memory_space<vmem>>
        %scatter3A_1291 = tpu.memref_squeeze %scatter3A_1290 : memref<1x8x8x129xf32, #tpu.memory_space<vmem>> -> memref<8x8x129xf32, #tpu.memory_space<vmem>>
        tpu.vector_store_idx %scatter3A_1291[%shift_right_logical3A_1281, %and3A_1283, %broadcast_in_dim3A], %mul3A_1286 : memref<8x8x129xf32, #tpu.memory_space<vmem>>[vector<16xi32>, vector<16xi32>, vector<16xi32>], vector<16xf32>,
        %get3A_1292 = arith.constant 0 : i32
        %get3A_1293 = arith.index_cast %get3A_1292 : i32 to index
        %get3A_1294 = arith.index_cast %scan3A_1271 : i32 to index
        %get3A_1295 = arith.constant 16 : index
        %get3A_1296 = tpu.vector_load %arg7[%get3A_1293, %get3A_1294, %get3A_1295] {strides = array<i32>} : memref<4x128x64xf32, #tpu.memory_space<vmem>>, vector<16xf32>,
        %add3A_1297 = arith.constant 16 : i32
        %add3A_1298 = vector.broadcast %add3A_1297 : i32 to vector<16xi32>
        %add3A_1299 = arith.addi %iota3A, %add3A_1298 : vector<16xi32>
        %shift_right_logical3A_1300 = arith.constant 3 : i32
        %shift_right_logical3A_1301 = vector.broadcast %shift_right_logical3A_1300 : i32 to vector<16xi32>
        %shift_right_logical3A_1302 = arith.shrui %add3A_1299, %shift_right_logical3A_1301 : vector<16xi32>
        %and3A_1303 = arith.constant 7 : i32
        %and3A_1304 = vector.broadcast %and3A_1303 : i32 to vector<16xi32>
        %and3A_1305 = arith.andi %add3A_1299, %and3A_1304 : vector<16xi32>
        %mul3A_1306 = arith.constant 8.000000e+00 : f32
        %mul3A_1307 = vector.broadcast %mul3A_1306 : f32 to vector<16xf32>
        %mul3A_1308 = arith.mulf %get3A_1296, %mul3A_1307 : vector<16xf32>
        %scatter3A_1309 = arith.constant 0 : i32
        %scatter3A_1310 = arith.constant 0 : i32
        %scatter3A_1311 = arith.constant 0 : i32
        %scatter3A_1312 = arith.constant 0 : i32
        %scatter3A_1313 = tpu.memref_slice %arg8[%scatter3A_1309, %scatter3A_1310, %scatter3A_1311, %scatter3A_1312] : memref<4x8x8x129xf32, #tpu.memory_space<vmem>> -> memref<1x8x8x129xf32, #tpu.memory_space<vmem>>
        %scatter3A_1314 = tpu.memref_squeeze %scatter3A_1313 : memref<1x8x8x129xf32, #tpu.memory_space<vmem>> -> memref<8x8x129xf32, #tpu.memory_space<vmem>>
        tpu.vector_store_idx %scatter3A_1314[%shift_right_logical3A_1302, %and3A_1305, %broadcast_in_dim3A], %mul3A_1308 : memref<8x8x129xf32, #tpu.memory_space<vmem>>[vector<16xi32>, vector<16xi32>, vector<16xi32>], vector<16xf32>,
        %get3A_1315 = arith.constant 0 : i32
        %get3A_1316 = arith.index_cast %get3A_1315 : i32 to index
        %get3A_1317 = arith.index_cast %scan3A_1271 : i32 to index
        %get3A_1318 = arith.constant 32 : index
        %get3A_1319 = tpu.vector_load %arg7[%get3A_1316, %get3A_1317, %get3A_1318] {strides = array<i32>} : memref<4x128x64xf32, #tpu.memory_space<vmem>>, vector<16xf32>,
        %add3A_1320 = arith.constant 32 : i32
        %add3A_1321 = vector.broadcast %add3A_1320 : i32 to vector<16xi32>
        %add3A_1322 = arith.addi %iota3A, %add3A_1321 : vector<16xi32>
        %shift_right_logical3A_1323 = arith.constant 3 : i32
        %shift_right_logical3A_1324 = vector.broadcast %shift_right_logical3A_1323 : i32 to vector<16xi32>
        %shift_right_logical3A_1325 = arith.shrui %add3A_1322, %shift_right_logical3A_1324 : vector<16xi32>
        %and3A_1326 = arith.constant 7 : i32
        %and3A_1327 = vector.broadcast %and3A_1326 : i32 to vector<16xi32>
        %and3A_1328 = arith.andi %add3A_1322, %and3A_1327 : vector<16xi32>
        %mul3A_1329 = arith.constant 8.000000e+00 : f32
        %mul3A_1330 = vector.broadcast %mul3A_1329 : f32 to vector<16xf32>
        %mul3A_1331 = arith.mulf %get3A_1319, %mul3A_1330 : vector<16xf32>
        %scatter3A_1332 = arith.constant 0 : i32
        %scatter3A_1333 = arith.constant 0 : i32
        %scatter3A_1334 = arith.constant 0 : i32
        %scatter3A_1335 = arith.constant 0 : i32
        %scatter3A_1336 = tpu.memref_slice %arg8[%scatter3A_1332, %scatter3A_1333, %scatter3A_1334, %scatter3A_1335] : memref<4x8x8x129xf32, #tpu.memory_space<vmem>> -> memref<1x8x8x129xf32, #tpu.memory_space<vmem>>
        %scatter3A_1337 = tpu.memref_squeeze %scatter3A_1336 : memref<1x8x8x129xf32, #tpu.memory_space<vmem>> -> memref<8x8x129xf32, #tpu.memory_space<vmem>>
        tpu.vector_store_idx %scatter3A_1337[%shift_right_logical3A_1325, %and3A_1328, %broadcast_in_dim3A], %mul3A_1331 : memref<8x8x129xf32, #tpu.memory_space<vmem>>[vector<16xi32>, vector<16xi32>, vector<16xi32>], vector<16xf32>,
        %get3A_1338 = arith.constant 0 : i32
        %get3A_1339 = arith.index_cast %get3A_1338 : i32 to index
        %get3A_1340 = arith.index_cast %scan3A_1271 : i32 to index
        %get3A_1341 = arith.constant 48 : index
        %get3A_1342 = tpu.vector_load %arg7[%get3A_1339, %get3A_1340, %get3A_1341] {strides = array<i32>} : memref<4x128x64xf32, #tpu.memory_space<vmem>>, vector<16xf32>,
        %add3A_1343 = arith.constant 48 : i32
        %add3A_1344 = vector.broadcast %add3A_1343 : i32 to vector<16xi32>
        %add3A_1345 = arith.addi %iota3A, %add3A_1344 : vector<16xi32>
        %shift_right_logical3A_1346 = arith.constant 3 : i32
        %shift_right_logical3A_1347 = vector.broadcast %shift_right_logical3A_1346 : i32 to vector<16xi32>
        %shift_right_logical3A_1348 = arith.shrui %add3A_1345, %shift_right_logical3A_1347 : vector<16xi32>
        %and3A_1349 = arith.constant 7 : i32
        %and3A_1350 = vector.broadcast %and3A_1349 : i32 to vector<16xi32>
        %and3A_1351 = arith.andi %add3A_1345, %and3A_1350 : vector<16xi32>
        %mul3A_1352 = arith.constant 8.000000e+00 : f32
        %mul3A_1353 = vector.broadcast %mul3A_1352 : f32 to vector<16xf32>
        %mul3A_1354 = arith.mulf %get3A_1342, %mul3A_1353 : vector<16xf32>
        %scatter3A_1355 = arith.constant 0 : i32
        %scatter3A_1356 = arith.constant 0 : i32
        %scatter3A_1357 = arith.constant 0 : i32
        %scatter3A_1358 = arith.constant 0 : i32
        %scatter3A_1359 = tpu.memref_slice %arg8[%scatter3A_1355, %scatter3A_1356, %scatter3A_1357, %scatter3A_1358] : memref<4x8x8x129xf32, #tpu.memory_space<vmem>> -> memref<1x8x8x129xf32, #tpu.memory_space<vmem>>
        %scatter3A_1360 = tpu.memref_squeeze %scatter3A_1359 : memref<1x8x8x129xf32, #tpu.memory_space<vmem>> -> memref<8x8x129xf32, #tpu.memory_space<vmem>>
        tpu.vector_store_idx %scatter3A_1360[%shift_right_logical3A_1348, %and3A_1351, %broadcast_in_dim3A], %mul3A_1354 : memref<8x8x129xf32, #tpu.memory_space<vmem>>[vector<16xi32>, vector<16xi32>, vector<16xi32>], vector<16xf32>,
      }
      %scan3A_1123 = arith.constant 128 : i32
      %dma_start3A_1124 = arith.constant 0 : i32
      %dma_start3A_1125 = arith.constant 0 : i32
      %dma_start3A_1126 = arith.constant 0 : i32
      %dma_start3A_1127 = arith.constant 0 : i32
      %dma_start3A_1128 = tpu.memref_slice %arg8[%dma_start3A_1124, %dma_start3A_1125, %dma_start3A_1126, %dma_start3A_1127] : memref<4x8x8x129xf32, #tpu.memory_space<vmem>> -> memref<1x8x8x128xf32, #tpu.memory_space<vmem>>
      %dma_start3A_1129 = tpu.memref_squeeze %dma_start3A_1128 : memref<1x8x8x128xf32, #tpu.memory_space<vmem>> -> memref<8x8x128xf32, #tpu.memory_space<vmem>>
      %dma_start3A_1130 = arith.constant 0 : i32
      %dma_start3A_1131 = arith.constant 0 : i32
      %dma_start3A_1132 = arith.constant 0 : i32
      %dma_start3A_1133 = tpu.memref_slice %arg4[%add3A_1106, %dma_start3A_1130, %add3A, %dma_start3A_1131, %dma_start3A_1132] : memref<200x8x32x8x128xf32, #tpu.memory_space<hbm>> -> memref<1x8x1x8x128xf32, #tpu.memory_space<hbm>>
      %dma_start3A_1134 = tpu.memref_squeeze %dma_start3A_1133 : memref<1x8x1x8x128xf32, #tpu.memory_space<hbm>> -> memref<8x8x128xf32, #tpu.memory_space<hbm>>
      %dma_start3A_1135 = arith.constant 0 : i32
      %dma_start3A_1136 = arith.constant 0 : i32
      %dma_start3A_1137 = arith.constant 0 : i32
      %dma_start3A_1138 = tpu.memref_slice %arg4[%add3A_1106, %dma_start3A_1135, %add3A, %dma_start3A_1136, %dma_start3A_1137] : memref<200x8x32x8x128xf32, #tpu.memory_space<hbm>> -> memref<1x8x1x8x128xf32, #tpu.memory_space<hbm>>
      %dma_start3A_1139 = tpu.memref_squeeze %dma_start3A_1138 : memref<1x8x1x8x128xf32, #tpu.memory_space<hbm>> -> memref<8x8x128xf32, #tpu.memory_space<hbm>>
      %dma_start3A_1140 = arith.constant 0 : i32
      %dma_start3A_1141 = arith.constant 0 : i32
      %dma_start3A_1142 = arith.constant 0 : i32
      %dma_start3A_1143 = tpu.memref_slice %arg8[%dma_start3A_1124, %dma_start3A_1140, %dma_start3A_1141, %dma_start3A_1142] : memref<4x8x8x129xf32, #tpu.memory_space<vmem>> -> memref<1x8x8x128xf32, #tpu.memory_space<vmem>>
      %dma_start3A_1144 = tpu.memref_squeeze %dma_start3A_1143 : memref<1x8x8x128xf32, #tpu.memory_space<vmem>> -> memref<8x8x128xf32, #tpu.memory_space<vmem>>
      tpu.enqueue_dma source(%dma_start3A_1144 : memref<8x8x128xf32, #tpu.memory_space<vmem>>) target(%dma_start3A_1139 : memref<8x8x128xf32, #tpu.memory_space<hbm>>) target_semaphore(%arg13 : memref<!tpu.dma_semaphore, #tpu.memory_space<semaphore_mem>>)
      %mul3A_1145 = arith.constant 4 : i32
      %mul3A_1146 = arith.muli %scan3A_643, %mul3A_1145 : i32
      %add3A_1147 = arith.constant 1 : i32
      %add3A_1148 = arith.addi %mul3A_1146, %add3A_1147 : i32
      %dma_wait3A_1149 = arith.constant 1 : i32
      %dma_wait3A_1150 = arith.constant 0 : i32
      %dma_wait3A_1151 = arith.constant 0 : i32
      %dma_wait3A_1152 = tpu.memref_slice %arg7[%dma_wait3A_1149, %dma_wait3A_1150, %dma_wait3A_1151] : memref<4x128x64xf32, #tpu.memory_space<vmem>> -> memref<1x128x64xf32, #tpu.memory_space<vmem>>
      %dma_wait3A_1153 = tpu.memref_squeeze %dma_wait3A_1152 : memref<1x128x64xf32, #tpu.memory_space<vmem>> -> memref<128x64xf32, #tpu.memory_space<vmem>>
      %dma_wait3A_1154 = arith.constant 0 : i32
      %dma_wait3A_1155 = tpu.memref_slice %arg6[%add3A_1148, %dma_wait3A_1154] : memref<200x128xi32, #tpu.memory_space<vmem>> -> memref<1x128xi32, #tpu.memory_space<vmem>>
      %dma_wait3A_1156 = tpu.memref_squeeze %dma_wait3A_1155 : memref<1x128xi32, #tpu.memory_space<vmem>> -> memref<128xi32, #tpu.memory_space<vmem>>
      %dma_wait3A_1157 = arith.constant 0 : i32
      %dma_wait3A_1158 = arith.constant 0 : i32
      %dma_wait3A_1159 = tpu.memref_slice %arg3[%dma_wait3A_1157, %dma_wait3A_1158] : memref<1000000x64xf32, #tpu.memory_space<hbm>> -> memref<1000000x64xf32, #tpu.memory_space<hbm>>
      tpu.wait_indirect_dma semaphore(%arg10 : memref<!tpu.dma_semaphore, #tpu.memory_space<semaphore_mem>>) src(%dma_wait3A_1159 : memref<1000000x64xf32, #tpu.memory_space<hbm>>) dst(%dma_wait3A_1153 : memref<128x64xf32, #tpu.memory_space<vmem>>)
      %scan3A_1160 = arith.constant 0 : i32
      %scan3A_1161 = arith.constant 0 : i32
      %scan3A_1162 = arith.constant 128 : i32
      %scan3A_1163 = arith.addi %scan3A_1161, %scan3A_1162 : i32
      %scan3A_1164 = arith.constant 1 : i32
      scf.for %scan3A_1271 = %scan3A_1161 to %scan3A_1163 step %scan3A_1164  : i32 {
        %broadcast_in_dim3A = vector.broadcast %scan3A_1271 : i32 to vector<16xi32>
        %get3A_1272 = arith.constant 1 : i32
        %get3A_1273 = arith.index_cast %get3A_1272 : i32 to index
        %get3A_1274 = arith.index_cast %scan3A_1271 : i32 to index
        %get3A_1275 = arith.constant 0 : index
        %get3A_1276 = tpu.vector_load %arg7[%get3A_1273, %get3A_1274, %get3A_1275] {strides = array<i32>} : memref<4x128x64xf32, #tpu.memory_space<vmem>>, vector<16xf32>,
        %add3A_1277 = arith.constant 0 : i32
        %add3A_1278 = vector.broadcast %add3A_1277 : i32 to vector<16xi32>
        %add3A_1279 = arith.addi %iota3A, %add3A_1278 : vector<16xi32>
        %shift_right_logical3A = arith.constant 3 : i32
        %shift_right_logical3A_1280 = vector.broadcast %shift_right_logical3A : i32 to vector<16xi32>
        %shift_right_logical3A_1281 = arith.shrui %add3A_1279, %shift_right_logical3A_1280 : vector<16xi32>
        %and3A = arith.constant 7 : i32
        %and3A_1282 = vector.broadcast %and3A : i32 to vector<16xi32>
        %and3A_1283 = arith.andi %add3A_1279, %and3A_1282 : vector<16xi32>
        %mul3A_1284 = arith.constant 8.000000e+00 : f32
        %mul3A_1285 = vector.broadcast %mul3A_1284 : f32 to vector<16xf32>
        %mul3A_1286 = arith.mulf %get3A_1276, %mul3A_1285 : vector<16xf32>
        %scatter3A = arith.constant 1 : i32
        %scatter3A_1287 = arith.constant 0 : i32
        %scatter3A_1288 = arith.constant 0 : i32
        %scatter3A_1289 = arith.constant 0 : i32
        %scatter3A_1290 = tpu.memref_slice %arg8[%scatter3A, %scatter3A_1287, %scatter3A_1288, %scatter3A_1289] : memref<4x8x8x129xf32, #tpu.memory_space<vmem>> -> memref<1x8x8x129xf32, #tpu.memory_space<vmem>>
        %scatter3A_1291 = tpu.memref_squeeze %scatter3A_1290 : memref<1x8x8x129xf32, #tpu.memory_space<vmem>> -> memref<8x8x129xf32, #tpu.memory_space<vmem>>
        tpu.vector_store_idx %scatter3A_1291[%shift_right_logical3A_1281, %and3A_1283, %broadcast_in_dim3A], %mul3A_1286 : memref<8x8x129xf32, #tpu.memory_space<vmem>>[vector<16xi32>, vector<16xi32>, vector<16xi32>], vector<16xf32>,
        %get3A_1292 = arith.constant 1 : i32
        %get3A_1293 = arith.index_cast %get3A_1292 : i32 to index
        %get3A_1294 = arith.index_cast %scan3A_1271 : i32 to index
        %get3A_1295 = arith.constant 16 : index
        %get3A_1296 = tpu.vector_load %arg7[%get3A_1293, %get3A_1294, %get3A_1295] {strides = array<i32>} : memref<4x128x64xf32, #tpu.memory_space<vmem>>, vector<16xf32>,
        %add3A_1297 = arith.constant 16 : i32
        %add3A_1298 = vector.broadcast %add3A_1297 : i32 to vector<16xi32>
        %add3A_1299 = arith.addi %iota3A, %add3A_1298 : vector<16xi32>
        %shift_right_logical3A_1300 = arith.constant 3 : i32
        %shift_right_logical3A_1301 = vector.broadcast %shift_right_logical3A_1300 : i32 to vector<16xi32>
        %shift_right_logical3A_1302 = arith.shrui %add3A_1299, %shift_right_logical3A_1301 : vector<16xi32>
        %and3A_1303 = arith.constant 7 : i32
        %and3A_1304 = vector.broadcast %and3A_1303 : i32 to vector<16xi32>
        %and3A_1305 = arith.andi %add3A_1299, %and3A_1304 : vector<16xi32>
        %mul3A_1306 = arith.constant 8.000000e+00 : f32
        %mul3A_1307 = vector.broadcast %mul3A_1306 : f32 to vector<16xf32>
        %mul3A_1308 = arith.mulf %get3A_1296, %mul3A_1307 : vector<16xf32>
        %scatter3A_1309 = arith.constant 1 : i32
        %scatter3A_1310 = arith.constant 0 : i32
        %scatter3A_1311 = arith.constant 0 : i32
        %scatter3A_1312 = arith.constant 0 : i32
        %scatter3A_1313 = tpu.memref_slice %arg8[%scatter3A_1309, %scatter3A_1310, %scatter3A_1311, %scatter3A_1312] : memref<4x8x8x129xf32, #tpu.memory_space<vmem>> -> memref<1x8x8x129xf32, #tpu.memory_space<vmem>>
        %scatter3A_1314 = tpu.memref_squeeze %scatter3A_1313 : memref<1x8x8x129xf32, #tpu.memory_space<vmem>> -> memref<8x8x129xf32, #tpu.memory_space<vmem>>
        tpu.vector_store_idx %scatter3A_1314[%shift_right_logical3A_1302, %and3A_1305, %broadcast_in_dim3A], %mul3A_1308 : memref<8x8x129xf32, #tpu.memory_space<vmem>>[vector<16xi32>, vector<16xi32>, vector<16xi32>], vector<16xf32>,
        %get3A_1315 = arith.constant 1 : i32
        %get3A_1316 = arith.index_cast %get3A_1315 : i32 to index
        %get3A_1317 = arith.index_cast %scan3A_1271 : i32 to index
        %get3A_1318 = arith.constant 32 : index
        %get3A_1319 = tpu.vector_load %arg7[%get3A_1316, %get3A_1317, %get3A_1318] {strides = array<i32>} : memref<4x128x64xf32, #tpu.memory_space<vmem>>, vector<16xf32>,
        %add3A_1320 = arith.constant 32 : i32
        %add3A_1321 = vector.broadcast %add3A_1320 : i32 to vector<16xi32>
        %add3A_1322 = arith.addi %iota3A, %add3A_1321 : vector<16xi32>
        %shift_right_logical3A_1323 = arith.constant 3 : i32
        %shift_right_logical3A_1324 = vector.broadcast %shift_right_logical3A_1323 : i32 to vector<16xi32>
        %shift_right_logical3A_1325 = arith.shrui %add3A_1322, %shift_right_logical3A_1324 : vector<16xi32>
        %and3A_1326 = arith.constant 7 : i32
        %and3A_1327 = vector.broadcast %and3A_1326 : i32 to vector<16xi32>
        %and3A_1328 = arith.andi %add3A_1322, %and3A_1327 : vector<16xi32>
        %mul3A_1329 = arith.constant 8.000000e+00 : f32
        %mul3A_1330 = vector.broadcast %mul3A_1329 : f32 to vector<16xf32>
        %mul3A_1331 = arith.mulf %get3A_1319, %mul3A_1330 : vector<16xf32>
        %scatter3A_1332 = arith.constant 1 : i32
        %scatter3A_1333 = arith.constant 0 : i32
        %scatter3A_1334 = arith.constant 0 : i32
        %scatter3A_1335 = arith.constant 0 : i32
        %scatter3A_1336 = tpu.memref_slice %arg8[%scatter3A_1332, %scatter3A_1333, %scatter3A_1334, %scatter3A_1335] : memref<4x8x8x129xf32, #tpu.memory_space<vmem>> -> memref<1x8x8x129xf32, #tpu.memory_space<vmem>>
        %scatter3A_1337 = tpu.memref_squeeze %scatter3A_1336 : memref<1x8x8x129xf32, #tpu.memory_space<vmem>> -> memref<8x8x129xf32, #tpu.memory_space<vmem>>
        tpu.vector_store_idx %scatter3A_1337[%shift_right_logical3A_1325, %and3A_1328, %broadcast_in_dim3A], %mul3A_1331 : memref<8x8x129xf32, #tpu.memory_space<vmem>>[vector<16xi32>, vector<16xi32>, vector<16xi32>], vector<16xf32>,
        %get3A_1338 = arith.constant 1 : i32
        %get3A_1339 = arith.index_cast %get3A_1338 : i32 to index
        %get3A_1340 = arith.index_cast %scan3A_1271 : i32 to index
        %get3A_1341 = arith.constant 48 : index
        %get3A_1342 = tpu.vector_load %arg7[%get3A_1339, %get3A_1340, %get3A_1341] {strides = array<i32>} : memref<4x128x64xf32, #tpu.memory_space<vmem>>, vector<16xf32>,
        %add3A_1343 = arith.constant 48 : i32
        %add3A_1344 = vector.broadcast %add3A_1343 : i32 to vector<16xi32>
        %add3A_1345 = arith.addi %iota3A, %add3A_1344 : vector<16xi32>
        %shift_right_logical3A_1346 = arith.constant 3 : i32
        %shift_right_logical3A_1347 = vector.broadcast %shift_right_logical3A_1346 : i32 to vector<16xi32>
        %shift_right_logical3A_1348 = arith.shrui %add3A_1345, %shift_right_logical3A_1347 : vector<16xi32>
        %and3A_1349 = arith.constant 7 : i32
        %and3A_1350 = vector.broadcast %and3A_1349 : i32 to vector<16xi32>
        %and3A_1351 = arith.andi %add3A_1345, %and3A_1350 : vector<16xi32>
        %mul3A_1352 = arith.constant 8.000000e+00 : f32
        %mul3A_1353 = vector.broadcast %mul3A_1352 : f32 to vector<16xf32>
        %mul3A_1354 = arith.mulf %get3A_1342, %mul3A_1353 : vector<16xf32>
        %scatter3A_1355 = arith.constant 1 : i32
        %scatter3A_1356 = arith.constant 0 : i32
        %scatter3A_1357 = arith.constant 0 : i32
        %scatter3A_1358 = arith.constant 0 : i32
        %scatter3A_1359 = tpu.memref_slice %arg8[%scatter3A_1355, %scatter3A_1356, %scatter3A_1357, %scatter3A_1358] : memref<4x8x8x129xf32, #tpu.memory_space<vmem>> -> memref<1x8x8x129xf32, #tpu.memory_space<vmem>>
        %scatter3A_1360 = tpu.memref_squeeze %scatter3A_1359 : memref<1x8x8x129xf32, #tpu.memory_space<vmem>> -> memref<8x8x129xf32, #tpu.memory_space<vmem>>
        tpu.vector_store_idx %scatter3A_1360[%shift_right_logical3A_1348, %and3A_1351, %broadcast_in_dim3A], %mul3A_1354 : memref<8x8x129xf32, #tpu.memory_space<vmem>>[vector<16xi32>, vector<16xi32>, vector<16xi32>], vector<16xf32>,
      }
      %scan3A_1165 = arith.constant 128 : i32
      %dma_start3A_1166 = arith.constant 1 : i32
      %dma_start3A_1167 = arith.constant 0 : i32
      %dma_start3A_1168 = arith.constant 0 : i32
      %dma_start3A_1169 = arith.constant 0 : i32
      %dma_start3A_1170 = tpu.memref_slice %arg8[%dma_start3A_1166, %dma_start3A_1167, %dma_start3A_1168, %dma_start3A_1169] : memref<4x8x8x129xf32, #tpu.memory_space<vmem>> -> memref<1x8x8x128xf32, #tpu.memory_space<vmem>>
      %dma_start3A_1171 = tpu.memref_squeeze %dma_start3A_1170 : memref<1x8x8x128xf32, #tpu.memory_space<vmem>> -> memref<8x8x128xf32, #tpu.memory_space<vmem>>
      %dma_start3A_1172 = arith.constant 0 : i32
      %dma_start3A_1173 = arith.constant 0 : i32
      %dma_start3A_1174 = arith.constant 0 : i32
      %dma_start3A_1175 = tpu.memref_slice %arg4[%add3A_1148, %dma_start3A_1172, %add3A, %dma_start3A_1173, %dma_start3A_1174] : memref<200x8x32x8x128xf32, #tpu.memory_space<hbm>> -> memref<1x8x1x8x128xf32, #tpu.memory_space<hbm>>
      %dma_start3A_1176 = tpu.memref_squeeze %dma_start3A_1175 : memref<1x8x1x8x128xf32, #tpu.memory_space<hbm>> -> memref<8x8x128xf32, #tpu.memory_space<hbm>>
      %dma_start3A_1177 = arith.constant 0 : i32
      %dma_start3A_1178 = arith.constant 0 : i32
      %dma_start3A_1179 = arith.constant 0 : i32
      %dma_start3A_1180 = tpu.memref_slice %arg4[%add3A_1148, %dma_start3A_1177, %add3A, %dma_start3A_1178, %dma_start3A_1179] : memref<200x8x32x8x128xf32, #tpu.memory_space<hbm>> -> memref<1x8x1x8x128xf32, #tpu.memory_space<hbm>>
      %dma_start3A_1181 = tpu.memref_squeeze %dma_start3A_1180 : memref<1x8x1x8x128xf32, #tpu.memory_space<hbm>> -> memref<8x8x128xf32, #tpu.memory_space<hbm>>
      %dma_start3A_1182 = arith.constant 0 : i32
      %dma_start3A_1183 = arith.constant 0 : i32
      %dma_start3A_1184 = arith.constant 0 : i32
      %dma_start3A_1185 = tpu.memref_slice %arg8[%dma_start3A_1166, %dma_start3A_1182, %dma_start3A_1183, %dma_start3A_1184] : memref<4x8x8x129xf32, #tpu.memory_space<vmem>> -> memref<1x8x8x128xf32, #tpu.memory_space<vmem>>
      %dma_start3A_1186 = tpu.memref_squeeze %dma_start3A_1185 : memref<1x8x8x128xf32, #tpu.memory_space<vmem>> -> memref<8x8x128xf32, #tpu.memory_space<vmem>>
      tpu.enqueue_dma source(%dma_start3A_1186 : memref<8x8x128xf32, #tpu.memory_space<vmem>>) target(%dma_start3A_1181 : memref<8x8x128xf32, #tpu.memory_space<hbm>>) target_semaphore(%arg14 : memref<!tpu.dma_semaphore, #tpu.memory_space<semaphore_mem>>)
      %mul3A_1187 = arith.constant 4 : i32
      %mul3A_1188 = arith.muli %scan3A_643, %mul3A_1187 : i32
      %add3A_1189 = arith.constant 2 : i32
      %add3A_1190 = arith.addi %mul3A_1188, %add3A_1189 : i32
      %dma_wait3A_1191 = arith.constant 2 : i32
      %dma_wait3A_1192 = arith.constant 0 : i32
      %dma_wait3A_1193 = arith.constant 0 : i32
      %dma_wait3A_1194 = tpu.memref_slice %arg7[%dma_wait3A_1191, %dma_wait3A_1192, %dma_wait3A_1193] : memref<4x128x64xf32, #tpu.memory_space<vmem>> -> memref<1x128x64xf32, #tpu.memory_space<vmem>>
      %dma_wait3A_1195 = tpu.memref_squeeze %dma_wait3A_1194 : memref<1x128x64xf32, #tpu.memory_space<vmem>> -> memref<128x64xf32, #tpu.memory_space<vmem>>
      %dma_wait3A_1196 = arith.constant 0 : i32
      %dma_wait3A_1197 = tpu.memref_slice %arg6[%add3A_1190, %dma_wait3A_1196] : memref<200x128xi32, #tpu.memory_space<vmem>> -> memref<1x128xi32, #tpu.memory_space<vmem>>
      %dma_wait3A_1198 = tpu.memref_squeeze %dma_wait3A_1197 : memref<1x128xi32, #tpu.memory_space<vmem>> -> memref<128xi32, #tpu.memory_space<vmem>>
      %dma_wait3A_1199 = arith.constant 0 : i32
      %dma_wait3A_1200 = arith.constant 0 : i32
      %dma_wait3A_1201 = tpu.memref_slice %arg3[%dma_wait3A_1199, %dma_wait3A_1200] : memref<1000000x64xf32, #tpu.memory_space<hbm>> -> memref<1000000x64xf32, #tpu.memory_space<hbm>>
      tpu.wait_indirect_dma semaphore(%arg11 : memref<!tpu.dma_semaphore, #tpu.memory_space<semaphore_mem>>) src(%dma_wait3A_1201 : memref<1000000x64xf32, #tpu.memory_space<hbm>>) dst(%dma_wait3A_1195 : memref<128x64xf32, #tpu.memory_space<vmem>>)
      %scan3A_1202 = arith.constant 0 : i32
      %scan3A_1203 = arith.constant 0 : i32
      %scan3A_1204 = arith.constant 128 : i32
      %scan3A_1205 = arith.addi %scan3A_1203, %scan3A_1204 : i32
      %scan3A_1206 = arith.constant 1 : i32
      scf.for %scan3A_1271 = %scan3A_1203 to %scan3A_1205 step %scan3A_1206  : i32 {
        %broadcast_in_dim3A = vector.broadcast %scan3A_1271 : i32 to vector<16xi32>
        %get3A_1272 = arith.constant 2 : i32
        %get3A_1273 = arith.index_cast %get3A_1272 : i32 to index
        %get3A_1274 = arith.index_cast %scan3A_1271 : i32 to index
        %get3A_1275 = arith.constant 0 : index
        %get3A_1276 = tpu.vector_load %arg7[%get3A_1273, %get3A_1274, %get3A_1275] {strides = array<i32>} : memref<4x128x64xf32, #tpu.memory_space<vmem>>, vector<16xf32>,
        %add3A_1277 = arith.constant 0 : i32
        %add3A_1278 = vector.broadcast %add3A_1277 : i32 to vector<16xi32>
        %add3A_1279 = arith.addi %iota3A, %add3A_1278 : vector<16xi32>
        %shift_right_logical3A = arith.constant 3 : i32
        %shift_right_logical3A_1280 = vector.broadcast %shift_right_logical3A : i32 to vector<16xi32>
        %shift_right_logical3A_1281 = arith.shrui %add3A_1279, %shift_right_logical3A_1280 : vector<16xi32>
        %and3A = arith.constant 7 : i32
        %and3A_1282 = vector.broadcast %and3A : i32 to vector<16xi32>
        %and3A_1283 = arith.andi %add3A_1279, %and3A_1282 : vector<16xi32>
        %mul3A_1284 = arith.constant 8.000000e+00 : f32
        %mul3A_1285 = vector.broadcast %mul3A_1284 : f32 to vector<16xf32>
        %mul3A_1286 = arith.mulf %get3A_1276, %mul3A_1285 : vector<16xf32>
        %scatter3A = arith.constant 2 : i32
        %scatter3A_1287 = arith.constant 0 : i32
        %scatter3A_1288 = arith.constant 0 : i32
        %scatter3A_1289 = arith.constant 0 : i32
        %scatter3A_1290 = tpu.memref_slice %arg8[%scatter3A, %scatter3A_1287, %scatter3A_1288, %scatter3A_1289] : memref<4x8x8x129xf32, #tpu.memory_space<vmem>> -> memref<1x8x8x129xf32, #tpu.memory_space<vmem>>
        %scatter3A_1291 = tpu.memref_squeeze %scatter3A_1290 : memref<1x8x8x129xf32, #tpu.memory_space<vmem>> -> memref<8x8x129xf32, #tpu.memory_space<vmem>>
        tpu.vector_store_idx %scatter3A_1291[%shift_right_logical3A_1281, %and3A_1283, %broadcast_in_dim3A], %mul3A_1286 : memref<8x8x129xf32, #tpu.memory_space<vmem>>[vector<16xi32>, vector<16xi32>, vector<16xi32>], vector<16xf32>,
        %get3A_1292 = arith.constant 2 : i32
        %get3A_1293 = arith.index_cast %get3A_1292 : i32 to index
        %get3A_1294 = arith.index_cast %scan3A_1271 : i32 to index
        %get3A_1295 = arith.constant 16 : index
        %get3A_1296 = tpu.vector_load %arg7[%get3A_1293, %get3A_1294, %get3A_1295] {strides = array<i32>} : memref<4x128x64xf32, #tpu.memory_space<vmem>>, vector<16xf32>,
        %add3A_1297 = arith.constant 16 : i32
        %add3A_1298 = vector.broadcast %add3A_1297 : i32 to vector<16xi32>
        %add3A_1299 = arith.addi %iota3A, %add3A_1298 : vector<16xi32>
        %shift_right_logical3A_1300 = arith.constant 3 : i32
        %shift_right_logical3A_1301 = vector.broadcast %shift_right_logical3A_1300 : i32 to vector<16xi32>
        %shift_right_logical3A_1302 = arith.shrui %add3A_1299, %shift_right_logical3A_1301 : vector<16xi32>
        %and3A_1303 = arith.constant 7 : i32
        %and3A_1304 = vector.broadcast %and3A_1303 : i32 to vector<16xi32>
        %and3A_1305 = arith.andi %add3A_1299, %and3A_1304 : vector<16xi32>
        %mul3A_1306 = arith.constant 8.000000e+00 : f32
        %mul3A_1307 = vector.broadcast %mul3A_1306 : f32 to vector<16xf32>
        %mul3A_1308 = arith.mulf %get3A_1296, %mul3A_1307 : vector<16xf32>
        %scatter3A_1309 = arith.constant 2 : i32
        %scatter3A_1310 = arith.constant 0 : i32
        %scatter3A_1311 = arith.constant 0 : i32
        %scatter3A_1312 = arith.constant 0 : i32
        %scatter3A_1313 = tpu.memref_slice %arg8[%scatter3A_1309, %scatter3A_1310, %scatter3A_1311, %scatter3A_1312] : memref<4x8x8x129xf32, #tpu.memory_space<vmem>> -> memref<1x8x8x129xf32, #tpu.memory_space<vmem>>
        %scatter3A_1314 = tpu.memref_squeeze %scatter3A_1313 : memref<1x8x8x129xf32, #tpu.memory_space<vmem>> -> memref<8x8x129xf32, #tpu.memory_space<vmem>>
        tpu.vector_store_idx %scatter3A_1314[%shift_right_logical3A_1302, %and3A_1305, %broadcast_in_dim3A], %mul3A_1308 : memref<8x8x129xf32, #tpu.memory_space<vmem>>[vector<16xi32>, vector<16xi32>, vector<16xi32>], vector<16xf32>,
        %get3A_1315 = arith.constant 2 : i32
        %get3A_1316 = arith.index_cast %get3A_1315 : i32 to index
        %get3A_1317 = arith.index_cast %scan3A_1271 : i32 to index
        %get3A_1318 = arith.constant 32 : index
        %get3A_1319 = tpu.vector_load %arg7[%get3A_1316, %get3A_1317, %get3A_1318] {strides = array<i32>} : memref<4x128x64xf32, #tpu.memory_space<vmem>>, vector<16xf32>,
        %add3A_1320 = arith.constant 32 : i32
        %add3A_1321 = vector.broadcast %add3A_1320 : i32 to vector<16xi32>
        %add3A_1322 = arith.addi %iota3A, %add3A_1321 : vector<16xi32>
        %shift_right_logical3A_1323 = arith.constant 3 : i32
        %shift_right_logical3A_1324 = vector.broadcast %shift_right_logical3A_1323 : i32 to vector<16xi32>
        %shift_right_logical3A_1325 = arith.shrui %add3A_1322, %shift_right_logical3A_1324 : vector<16xi32>
        %and3A_1326 = arith.constant 7 : i32
        %and3A_1327 = vector.broadcast %and3A_1326 : i32 to vector<16xi32>
        %and3A_1328 = arith.andi %add3A_1322, %and3A_1327 : vector<16xi32>
        %mul3A_1329 = arith.constant 8.000000e+00 : f32
        %mul3A_1330 = vector.broadcast %mul3A_1329 : f32 to vector<16xf32>
        %mul3A_1331 = arith.mulf %get3A_1319, %mul3A_1330 : vector<16xf32>
        %scatter3A_1332 = arith.constant 2 : i32
        %scatter3A_1333 = arith.constant 0 : i32
        %scatter3A_1334 = arith.constant 0 : i32
        %scatter3A_1335 = arith.constant 0 : i32
        %scatter3A_1336 = tpu.memref_slice %arg8[%scatter3A_1332, %scatter3A_1333, %scatter3A_1334, %scatter3A_1335] : memref<4x8x8x129xf32, #tpu.memory_space<vmem>> -> memref<1x8x8x129xf32, #tpu.memory_space<vmem>>
        %scatter3A_1337 = tpu.memref_squeeze %scatter3A_1336 : memref<1x8x8x129xf32, #tpu.memory_space<vmem>> -> memref<8x8x129xf32, #tpu.memory_space<vmem>>
        tpu.vector_store_idx %scatter3A_1337[%shift_right_logical3A_1325, %and3A_1328, %broadcast_in_dim3A], %mul3A_1331 : memref<8x8x129xf32, #tpu.memory_space<vmem>>[vector<16xi32>, vector<16xi32>, vector<16xi32>], vector<16xf32>,
        %get3A_1338 = arith.constant 2 : i32
        %get3A_1339 = arith.index_cast %get3A_1338 : i32 to index
        %get3A_1340 = arith.index_cast %scan3A_1271 : i32 to index
        %get3A_1341 = arith.constant 48 : index
        %get3A_1342 = tpu.vector_load %arg7[%get3A_1339, %get3A_1340, %get3A_1341] {strides = array<i32>} : memref<4x128x64xf32, #tpu.memory_space<vmem>>, vector<16xf32>,
        %add3A_1343 = arith.constant 48 : i32
        %add3A_1344 = vector.broadcast %add3A_1343 : i32 to vector<16xi32>
        %add3A_1345 = arith.addi %iota3A, %add3A_1344 : vector<16xi32>
        %shift_right_logical3A_1346 = arith.constant 3 : i32
        %shift_right_logical3A_1347 = vector.broadcast %shift_right_logical3A_1346 : i32 to vector<16xi32>
        %shift_right_logical3A_1348 = arith.shrui %add3A_1345, %shift_right_logical3A_1347 : vector<16xi32>
        %and3A_1349 = arith.constant 7 : i32
        %and3A_1350 = vector.broadcast %and3A_1349 : i32 to vector<16xi32>
        %and3A_1351 = arith.andi %add3A_1345, %and3A_1350 : vector<16xi32>
        %mul3A_1352 = arith.constant 8.000000e+00 : f32
        %mul3A_1353 = vector.broadcast %mul3A_1352 : f32 to vector<16xf32>
        %mul3A_1354 = arith.mulf %get3A_1342, %mul3A_1353 : vector<16xf32>
        %scatter3A_1355 = arith.constant 2 : i32
        %scatter3A_1356 = arith.constant 0 : i32
        %scatter3A_1357 = arith.constant 0 : i32
        %scatter3A_1358 = arith.constant 0 : i32
        %scatter3A_1359 = tpu.memref_slice %arg8[%scatter3A_1355, %scatter3A_1356, %scatter3A_1357, %scatter3A_1358] : memref<4x8x8x129xf32, #tpu.memory_space<vmem>> -> memref<1x8x8x129xf32, #tpu.memory_space<vmem>>
        %scatter3A_1360 = tpu.memref_squeeze %scatter3A_1359 : memref<1x8x8x129xf32, #tpu.memory_space<vmem>> -> memref<8x8x129xf32, #tpu.memory_space<vmem>>
        tpu.vector_store_idx %scatter3A_1360[%shift_right_logical3A_1348, %and3A_1351, %broadcast_in_dim3A], %mul3A_1354 : memref<8x8x129xf32, #tpu.memory_space<vmem>>[vector<16xi32>, vector<16xi32>, vector<16xi32>], vector<16xf32>,
      }
      %scan3A_1207 = arith.constant 128 : i32
      %dma_start3A_1208 = arith.constant 2 : i32
      %dma_start3A_1209 = arith.constant 0 : i32
      %dma_start3A_1210 = arith.constant 0 : i32
      %dma_start3A_1211 = arith.constant 0 : i32
      %dma_start3A_1212 = tpu.memref_slice %arg8[%dma_start3A_1208, %dma_start3A_1209, %dma_start3A_1210, %dma_start3A_1211] : memref<4x8x8x129xf32, #tpu.memory_space<vmem>> -> memref<1x8x8x128xf32, #tpu.memory_space<vmem>>
      %dma_start3A_1213 = tpu.memref_squeeze %dma_start3A_1212 : memref<1x8x8x128xf32, #tpu.memory_space<vmem>> -> memref<8x8x128xf32, #tpu.memory_space<vmem>>
      %dma_start3A_1214 = arith.constant 0 : i32
      %dma_start3A_1215 = arith.constant 0 : i32
      %dma_start3A_1216 = arith.constant 0 : i32
      %dma_start3A_1217 = tpu.memref_slice %arg4[%add3A_1190, %dma_start3A_1214, %add3A, %dma_start3A_1215, %dma_start3A_1216] : memref<200x8x32x8x128xf32, #tpu.memory_space<hbm>> -> memref<1x8x1x8x128xf32, #tpu.memory_space<hbm>>
      %dma_start3A_1218 = tpu.memref_squeeze %dma_start3A_1217 : memref<1x8x1x8x128xf32, #tpu.memory_space<hbm>> -> memref<8x8x128xf32, #tpu.memory_space<hbm>>
      %dma_start3A_1219 = arith.constant 0 : i32
      %dma_start3A_1220 = arith.constant 0 : i32
      %dma_start3A_1221 = arith.constant 0 : i32
      %dma_start3A_1222 = tpu.memref_slice %arg4[%add3A_1190, %dma_start3A_1219, %add3A, %dma_start3A_1220, %dma_start3A_1221] : memref<200x8x32x8x128xf32, #tpu.memory_space<hbm>> -> memref<1x8x1x8x128xf32, #tpu.memory_space<hbm>>
      %dma_start3A_1223 = tpu.memref_squeeze %dma_start3A_1222 : memref<1x8x1x8x128xf32, #tpu.memory_space<hbm>> -> memref<8x8x128xf32, #tpu.memory_space<hbm>>
      %dma_start3A_1224 = arith.constant 0 : i32
      %dma_start3A_1225 = arith.constant 0 : i32
      %dma_start3A_1226 = arith.constant 0 : i32
      %dma_start3A_1227 = tpu.memref_slice %arg8[%dma_start3A_1208, %dma_start3A_1224, %dma_start3A_1225, %dma_start3A_1226] : memref<4x8x8x129xf32, #tpu.memory_space<vmem>> -> memref<1x8x8x128xf32, #tpu.memory_space<vmem>>
      %dma_start3A_1228 = tpu.memref_squeeze %dma_start3A_1227 : memref<1x8x8x128xf32, #tpu.memory_space<vmem>> -> memref<8x8x128xf32, #tpu.memory_space<vmem>>
      tpu.enqueue_dma source(%dma_start3A_1228 : memref<8x8x128xf32, #tpu.memory_space<vmem>>) target(%dma_start3A_1223 : memref<8x8x128xf32, #tpu.memory_space<hbm>>) target_semaphore(%arg15 : memref<!tpu.dma_semaphore, #tpu.memory_space<semaphore_mem>>)
      %mul3A_1229 = arith.constant 4 : i32
      %mul3A_1230 = arith.muli %scan3A_643, %mul3A_1229 : i32
      %add3A_1231 = arith.constant 3 : i32
      %add3A_1232 = arith.addi %mul3A_1230, %add3A_1231 : i32
      %dma_wait3A_1233 = arith.constant 3 : i32
      %dma_wait3A_1234 = arith.constant 0 : i32
      %dma_wait3A_1235 = arith.constant 0 : i32
      %dma_wait3A_1236 = tpu.memref_slice %arg7[%dma_wait3A_1233, %dma_wait3A_1234, %dma_wait3A_1235] : memref<4x128x64xf32, #tpu.memory_space<vmem>> -> memref<1x128x64xf32, #tpu.memory_space<vmem>>
      %dma_wait3A_1237 = tpu.memref_squeeze %dma_wait3A_1236 : memref<1x128x64xf32, #tpu.memory_space<vmem>> -> memref<128x64xf32, #tpu.memory_space<vmem>>
      %dma_wait3A_1238 = arith.constant 0 : i32
      %dma_wait3A_1239 = tpu.memref_slice %arg6[%add3A_1232, %dma_wait3A_1238] : memref<200x128xi32, #tpu.memory_space<vmem>> -> memref<1x128xi32, #tpu.memory_space<vmem>>
      %dma_wait3A_1240 = tpu.memref_squeeze %dma_wait3A_1239 : memref<1x128xi32, #tpu.memory_space<vmem>> -> memref<128xi32, #tpu.memory_space<vmem>>
      %dma_wait3A_1241 = arith.constant 0 : i32
      %dma_wait3A_1242 = arith.constant 0 : i32
      %dma_wait3A_1243 = tpu.memref_slice %arg3[%dma_wait3A_1241, %dma_wait3A_1242] : memref<1000000x64xf32, #tpu.memory_space<hbm>> -> memref<1000000x64xf32, #tpu.memory_space<hbm>>
      tpu.wait_indirect_dma semaphore(%arg12 : memref<!tpu.dma_semaphore, #tpu.memory_space<semaphore_mem>>) src(%dma_wait3A_1243 : memref<1000000x64xf32, #tpu.memory_space<hbm>>) dst(%dma_wait3A_1237 : memref<128x64xf32, #tpu.memory_space<vmem>>)
      %scan3A_1244 = arith.constant 0 : i32
      %scan3A_1245 = arith.constant 0 : i32
      %scan3A_1246 = arith.constant 128 : i32
      %scan3A_1247 = arith.addi %scan3A_1245, %scan3A_1246 : i32
      %scan3A_1248 = arith.constant 1 : i32
      scf.for %scan3A_1271 = %scan3A_1245 to %scan3A_1247 step %scan3A_1248  : i32 {
        %broadcast_in_dim3A = vector.broadcast %scan3A_1271 : i32 to vector<16xi32>
        %get3A_1272 = arith.constant 3 : i32
        %get3A_1273 = arith.index_cast %get3A_1272 : i32 to index
        %get3A_1274 = arith.index_cast %scan3A_1271 : i32 to index
        %get3A_1275 = arith.constant 0 : index
        %get3A_1276 = tpu.vector_load %arg7[%get3A_1273, %get3A_1274, %get3A_1275] {strides = array<i32>} : memref<4x128x64xf32, #tpu.memory_space<vmem>>, vector<16xf32>,
        %add3A_1277 = arith.constant 0 : i32
        %add3A_1278 = vector.broadcast %add3A_1277 : i32 to vector<16xi32>
        %add3A_1279 = arith.addi %iota3A, %add3A_1278 : vector<16xi32>
        %shift_right_logical3A = arith.constant 3 : i32
        %shift_right_logical3A_1280 = vector.broadcast %shift_right_logical3A : i32 to vector<16xi32>
        %shift_right_logical3A_1281 = arith.shrui %add3A_1279, %shift_right_logical3A_1280 : vector<16xi32>
        %and3A = arith.constant 7 : i32
        %and3A_1282 = vector.broadcast %and3A : i32 to vector<16xi32>
        %and3A_1283 = arith.andi %add3A_1279, %and3A_1282 : vector<16xi32>
        %mul3A_1284 = arith.constant 8.000000e+00 : f32
        %mul3A_1285 = vector.broadcast %mul3A_1284 : f32 to vector<16xf32>
        %mul3A_1286 = arith.mulf %get3A_1276, %mul3A_1285 : vector<16xf32>
        %scatter3A = arith.constant 3 : i32
        %scatter3A_1287 = arith.constant 0 : i32
        %scatter3A_1288 = arith.constant 0 : i32
        %scatter3A_1289 = arith.constant 0 : i32
        %scatter3A_1290 = tpu.memref_slice %arg8[%scatter3A, %scatter3A_1287, %scatter3A_1288, %scatter3A_1289] : memref<4x8x8x129xf32, #tpu.memory_space<vmem>> -> memref<1x8x8x129xf32, #tpu.memory_space<vmem>>
        %scatter3A_1291 = tpu.memref_squeeze %scatter3A_1290 : memref<1x8x8x129xf32, #tpu.memory_space<vmem>> -> memref<8x8x129xf32, #tpu.memory_space<vmem>>
        tpu.vector_store_idx %scatter3A_1291[%shift_right_logical3A_1281, %and3A_1283, %broadcast_in_dim3A], %mul3A_1286 : memref<8x8x129xf32, #tpu.memory_space<vmem>>[vector<16xi32>, vector<16xi32>, vector<16xi32>], vector<16xf32>,
        %get3A_1292 = arith.constant 3 : i32
        %get3A_1293 = arith.index_cast %get3A_1292 : i32 to index
        %get3A_1294 = arith.index_cast %scan3A_1271 : i32 to index
        %get3A_1295 = arith.constant 16 : index
        %get3A_1296 = tpu.vector_load %arg7[%get3A_1293, %get3A_1294, %get3A_1295] {strides = array<i32>} : memref<4x128x64xf32, #tpu.memory_space<vmem>>, vector<16xf32>,
        %add3A_1297 = arith.constant 16 : i32
        %add3A_1298 = vector.broadcast %add3A_1297 : i32 to vector<16xi32>
        %add3A_1299 = arith.addi %iota3A, %add3A_1298 : vector<16xi32>
        %shift_right_logical3A_1300 = arith.constant 3 : i32
        %shift_right_logical3A_1301 = vector.broadcast %shift_right_logical3A_1300 : i32 to vector<16xi32>
        %shift_right_logical3A_1302 = arith.shrui %add3A_1299, %shift_right_logical3A_1301 : vector<16xi32>
        %and3A_1303 = arith.constant 7 : i32
        %and3A_1304 = vector.broadcast %and3A_1303 : i32 to vector<16xi32>
        %and3A_1305 = arith.andi %add3A_1299, %and3A_1304 : vector<16xi32>
        %mul3A_1306 = arith.constant 8.000000e+00 : f32
        %mul3A_1307 = vector.broadcast %mul3A_1306 : f32 to vector<16xf32>
        %mul3A_1308 = arith.mulf %get3A_1296, %mul3A_1307 : vector<16xf32>
        %scatter3A_1309 = arith.constant 3 : i32
        %scatter3A_1310 = arith.constant 0 : i32
        %scatter3A_1311 = arith.constant 0 : i32
        %scatter3A_1312 = arith.constant 0 : i32
        %scatter3A_1313 = tpu.memref_slice %arg8[%scatter3A_1309, %scatter3A_1310, %scatter3A_1311, %scatter3A_1312] : memref<4x8x8x129xf32, #tpu.memory_space<vmem>> -> memref<1x8x8x129xf32, #tpu.memory_space<vmem>>
        %scatter3A_1314 = tpu.memref_squeeze %scatter3A_1313 : memref<1x8x8x129xf32, #tpu.memory_space<vmem>> -> memref<8x8x129xf32, #tpu.memory_space<vmem>>
        tpu.vector_store_idx %scatter3A_1314[%shift_right_logical3A_1302, %and3A_1305, %broadcast_in_dim3A], %mul3A_1308 : memref<8x8x129xf32, #tpu.memory_space<vmem>>[vector<16xi32>, vector<16xi32>, vector<16xi32>], vector<16xf32>,
        %get3A_1315 = arith.constant 3 : i32
        %get3A_1316 = arith.index_cast %get3A_1315 : i32 to index
        %get3A_1317 = arith.index_cast %scan3A_1271 : i32 to index
        %get3A_1318 = arith.constant 32 : index
        %get3A_1319 = tpu.vector_load %arg7[%get3A_1316, %get3A_1317, %get3A_1318] {strides = array<i32>} : memref<4x128x64xf32, #tpu.memory_space<vmem>>, vector<16xf32>,
        %add3A_1320 = arith.constant 32 : i32
        %add3A_1321 = vector.broadcast %add3A_1320 : i32 to vector<16xi32>
        %add3A_1322 = arith.addi %iota3A, %add3A_1321 : vector<16xi32>
        %shift_right_logical3A_1323 = arith.constant 3 : i32
        %shift_right_logical3A_1324 = vector.broadcast %shift_right_logical3A_1323 : i32 to vector<16xi32>
        %shift_right_logical3A_1325 = arith.shrui %add3A_1322, %shift_right_logical3A_1324 : vector<16xi32>
        %and3A_1326 = arith.constant 7 : i32
        %and3A_1327 = vector.broadcast %and3A_1326 : i32 to vector<16xi32>
        %and3A_1328 = arith.andi %add3A_1322, %and3A_1327 : vector<16xi32>
        %mul3A_1329 = arith.constant 8.000000e+00 : f32
        %mul3A_1330 = vector.broadcast %mul3A_1329 : f32 to vector<16xf32>
        %mul3A_1331 = arith.mulf %get3A_1319, %mul3A_1330 : vector<16xf32>
        %scatter3A_1332 = arith.constant 3 : i32
        %scatter3A_1333 = arith.constant 0 : i32
        %scatter3A_1334 = arith.constant 0 : i32
        %scatter3A_1335 = arith.constant 0 : i32
        %scatter3A_1336 = tpu.memref_slice %arg8[%scatter3A_1332, %scatter3A_1333, %scatter3A_1334, %scatter3A_1335] : memref<4x8x8x129xf32, #tpu.memory_space<vmem>> -> memref<1x8x8x129xf32, #tpu.memory_space<vmem>>
        %scatter3A_1337 = tpu.memref_squeeze %scatter3A_1336 : memref<1x8x8x129xf32, #tpu.memory_space<vmem>> -> memref<8x8x129xf32, #tpu.memory_space<vmem>>
        tpu.vector_store_idx %scatter3A_1337[%shift_right_logical3A_1325, %and3A_1328, %broadcast_in_dim3A], %mul3A_1331 : memref<8x8x129xf32, #tpu.memory_space<vmem>>[vector<16xi32>, vector<16xi32>, vector<16xi32>], vector<16xf32>,
        %get3A_1338 = arith.constant 3 : i32
        %get3A_1339 = arith.index_cast %get3A_1338 : i32 to index
        %get3A_1340 = arith.index_cast %scan3A_1271 : i32 to index
        %get3A_1341 = arith.constant 48 : index
        %get3A_1342 = tpu.vector_load %arg7[%get3A_1339, %get3A_1340, %get3A_1341] {strides = array<i32>} : memref<4x128x64xf32, #tpu.memory_space<vmem>>, vector<16xf32>,
        %add3A_1343 = arith.constant 48 : i32
        %add3A_1344 = vector.broadcast %add3A_1343 : i32 to vector<16xi32>
        %add3A_1345 = arith.addi %iota3A, %add3A_1344 : vector<16xi32>
        %shift_right_logical3A_1346 = arith.constant 3 : i32
        %shift_right_logical3A_1347 = vector.broadcast %shift_right_logical3A_1346 : i32 to vector<16xi32>
        %shift_right_logical3A_1348 = arith.shrui %add3A_1345, %shift_right_logical3A_1347 : vector<16xi32>
        %and3A_1349 = arith.constant 7 : i32
        %and3A_1350 = vector.broadcast %and3A_1349 : i32 to vector<16xi32>
        %and3A_1351 = arith.andi %add3A_1345, %and3A_1350 : vector<16xi32>
        %mul3A_1352 = arith.constant 8.000000e+00 : f32
        %mul3A_1353 = vector.broadcast %mul3A_1352 : f32 to vector<16xf32>
        %mul3A_1354 = arith.mulf %get3A_1342, %mul3A_1353 : vector<16xf32>
        %scatter3A_1355 = arith.constant 3 : i32
        %scatter3A_1356 = arith.constant 0 : i32
        %scatter3A_1357 = arith.constant 0 : i32
        %scatter3A_1358 = arith.constant 0 : i32
        %scatter3A_1359 = tpu.memref_slice %arg8[%scatter3A_1355, %scatter3A_1356, %scatter3A_1357, %scatter3A_1358] : memref<4x8x8x129xf32, #tpu.memory_space<vmem>> -> memref<1x8x8x129xf32, #tpu.memory_space<vmem>>
        %scatter3A_1360 = tpu.memref_squeeze %scatter3A_1359 : memref<1x8x8x129xf32, #tpu.memory_space<vmem>> -> memref<8x8x129xf32, #tpu.memory_space<vmem>>
        tpu.vector_store_idx %scatter3A_1360[%shift_right_logical3A_1348, %and3A_1351, %broadcast_in_dim3A], %mul3A_1354 : memref<8x8x129xf32, #tpu.memory_space<vmem>>[vector<16xi32>, vector<16xi32>, vector<16xi32>], vector<16xf32>,
      }
      %scan3A_1249 = arith.constant 128 : i32
      %dma_start3A_1250 = arith.constant 3 : i32
      %dma_start3A_1251 = arith.constant 0 : i32
      %dma_start3A_1252 = arith.constant 0 : i32
      %dma_start3A_1253 = arith.constant 0 : i32
      %dma_start3A_1254 = tpu.memref_slice %arg8[%dma_start3A_1250, %dma_start3A_1251, %dma_start3A_1252, %dma_start3A_1253] : memref<4x8x8x129xf32, #tpu.memory_space<vmem>> -> memref<1x8x8x128xf32, #tpu.memory_space<vmem>>
      %dma_start3A_1255 = tpu.memref_squeeze %dma_start3A_1254 : memref<1x8x8x128xf32, #tpu.memory_space<vmem>> -> memref<8x8x128xf32, #tpu.memory_space<vmem>>
      %dma_start3A_1256 = arith.constant 0 : i32
      %dma_start3A_1257 = arith.constant 0 : i32
      %dma_start3A_1258 = arith.constant 0 : i32
      %dma_start3A_1259 = tpu.memref_slice %arg4[%add3A_1232, %dma_start3A_1256, %add3A, %dma_start3A_1257, %dma_start3A_1258] : memref<200x8x32x8x128xf32, #tpu.memory_space<hbm>> -> memref<1x8x1x8x128xf32, #tpu.memory_space<hbm>>
      %dma_start3A_1260 = tpu.memref_squeeze %dma_start3A_1259 : memref<1x8x1x8x128xf32, #tpu.memory_space<hbm>> -> memref<8x8x128xf32, #tpu.memory_space<hbm>>
      %dma_start3A_1261 = arith.constant 0 : i32
      %dma_start3A_1262 = arith.constant 0 : i32
      %dma_start3A_1263 = arith.constant 0 : i32
      %dma_start3A_1264 = tpu.memref_slice %arg4[%add3A_1232, %dma_start3A_1261, %add3A, %dma_start3A_1262, %dma_start3A_1263] : memref<200x8x32x8x128xf32, #tpu.memory_space<hbm>> -> memref<1x8x1x8x128xf32, #tpu.memory_space<hbm>>
      %dma_start3A_1265 = tpu.memref_squeeze %dma_start3A_1264 : memref<1x8x1x8x128xf32, #tpu.memory_space<hbm>> -> memref<8x8x128xf32, #tpu.memory_space<hbm>>
      %dma_start3A_1266 = arith.constant 0 : i32
      %dma_start3A_1267 = arith.constant 0 : i32
      %dma_start3A_1268 = arith.constant 0 : i32
      %dma_start3A_1269 = tpu.memref_slice %arg8[%dma_start3A_1250, %dma_start3A_1266, %dma_start3A_1267, %dma_start3A_1268] : memref<4x8x8x129xf32, #tpu.memory_space<vmem>> -> memref<1x8x8x128xf32, #tpu.memory_space<vmem>>
      %dma_start3A_1270 = tpu.memref_squeeze %dma_start3A_1269 : memref<1x8x8x128xf32, #tpu.memory_space<vmem>> -> memref<8x8x128xf32, #tpu.memory_space<vmem>>
      tpu.enqueue_dma source(%dma_start3A_1270 : memref<8x8x128xf32, #tpu.memory_space<vmem>>) target(%dma_start3A_1265 : memref<8x8x128xf32, #tpu.memory_space<hbm>>) target_semaphore(%arg16 : memref<!tpu.dma_semaphore, #tpu.memory_space<semaphore_mem>>)
    }
    %scan3A_554 = arith.constant 49 : i32
    %dma_wait3A_555 = arith.constant 0 : i32
    %dma_wait3A_556 = arith.constant 196 : i32
    %dma_wait3A_557 = arith.constant 0 : i32
    %dma_wait3A_558 = arith.constant 0 : i32
    %dma_wait3A_559 = arith.constant 0 : i32
    %dma_wait3A_560 = tpu.memref_slice %arg8[%dma_wait3A_555, %dma_wait3A_557, %dma_wait3A_558, %dma_wait3A_559] : memref<4x8x8x129xf32, #tpu.memory_space<vmem>> -> memref<1x8x8x128xf32, #tpu.memory_space<vmem>>
    %dma_wait3A_561 = tpu.memref_squeeze %dma_wait3A_560 : memref<1x8x8x128xf32, #tpu.memory_space<vmem>> -> memref<8x8x128xf32, #tpu.memory_space<vmem>>
    %dma_wait3A_562 = arith.constant 0 : i32
    %dma_wait3A_563 = arith.constant 0 : i32
    %dma_wait3A_564 = arith.constant 0 : i32
    %dma_wait3A_565 = tpu.memref_slice %arg4[%dma_wait3A_556, %dma_wait3A_562, %add3A, %dma_wait3A_563, %dma_wait3A_564] : memref<200x8x32x8x128xf32, #tpu.memory_space<hbm>> -> memref<1x8x1x8x128xf32, #tpu.memory_space<hbm>>
    %dma_wait3A_566 = tpu.memref_squeeze %dma_wait3A_565 : memref<1x8x1x8x128xf32, #tpu.memory_space<hbm>> -> memref<8x8x128xf32, #tpu.memory_space<hbm>>
    %dma_wait3A_567 = arith.constant 0 : i32
    %dma_wait3A_568 = arith.constant 0 : i32
    %dma_wait3A_569 = arith.constant 0 : i32
    %dma_wait3A_570 = tpu.memref_slice %arg4[%dma_wait3A_556, %dma_wait3A_567, %add3A, %dma_wait3A_568, %dma_wait3A_569] : memref<200x8x32x8x128xf32, #tpu.memory_space<hbm>> -> memref<1x8x1x8x128xf32, #tpu.memory_space<hbm>>
    %dma_wait3A_571 = tpu.memref_squeeze %dma_wait3A_570 : memref<1x8x1x8x128xf32, #tpu.memory_space<hbm>> -> memref<8x8x128xf32, #tpu.memory_space<hbm>>
    %dma_wait3A_572 = arith.constant 0 : i32
    %dma_wait3A_573 = arith.constant 0 : i32
    %dma_wait3A_574 = arith.constant 0 : i32
    %dma_wait3A_575 = tpu.memref_slice %arg8[%dma_wait3A_555, %dma_wait3A_572, %dma_wait3A_573, %dma_wait3A_574] : memref<4x8x8x129xf32, #tpu.memory_space<vmem>> -> memref<1x8x8x128xf32, #tpu.memory_space<vmem>>
    %dma_wait3A_576 = tpu.memref_squeeze %dma_wait3A_575 : memref<1x8x8x128xf32, #tpu.memory_space<vmem>> -> memref<8x8x128xf32, #tpu.memory_space<vmem>>
    tpu.wait_dma2 semaphore(%arg13 : memref<!tpu.dma_semaphore, #tpu.memory_space<semaphore_mem>>) src(%dma_wait3A_576 : memref<8x8x128xf32, #tpu.memory_space<vmem>>) dst(%dma_wait3A_571 : memref<8x8x128xf32, #tpu.memory_space<hbm>>)
    %dma_wait3A_577 = arith.constant 1 : i32
    %dma_wait3A_578 = arith.constant 197 : i32
    %dma_wait3A_579 = arith.constant 0 : i32
    %dma_wait3A_580 = arith.constant 0 : i32
    %dma_wait3A_581 = arith.constant 0 : i32
    %dma_wait3A_582 = tpu.memref_slice %arg8[%dma_wait3A_577, %dma_wait3A_579, %dma_wait3A_580, %dma_wait3A_581] : memref<4x8x8x129xf32, #tpu.memory_space<vmem>> -> memref<1x8x8x128xf32, #tpu.memory_space<vmem>>
    %dma_wait3A_583 = tpu.memref_squeeze %dma_wait3A_582 : memref<1x8x8x128xf32, #tpu.memory_space<vmem>> -> memref<8x8x128xf32, #tpu.memory_space<vmem>>
    %dma_wait3A_584 = arith.constant 0 : i32
    %dma_wait3A_585 = arith.constant 0 : i32
    %dma_wait3A_586 = arith.constant 0 : i32
    %dma_wait3A_587 = tpu.memref_slice %arg4[%dma_wait3A_578, %dma_wait3A_584, %add3A, %dma_wait3A_585, %dma_wait3A_586] : memref<200x8x32x8x128xf32, #tpu.memory_space<hbm>> -> memref<1x8x1x8x128xf32, #tpu.memory_space<hbm>>
    %dma_wait3A_588 = tpu.memref_squeeze %dma_wait3A_587 : memref<1x8x1x8x128xf32, #tpu.memory_space<hbm>> -> memref<8x8x128xf32, #tpu.memory_space<hbm>>
    %dma_wait3A_589 = arith.constant 0 : i32
    %dma_wait3A_590 = arith.constant 0 : i32
    %dma_wait3A_591 = arith.constant 0 : i32
    %dma_wait3A_592 = tpu.memref_slice %arg4[%dma_wait3A_578, %dma_wait3A_589, %add3A, %dma_wait3A_590, %dma_wait3A_591] : memref<200x8x32x8x128xf32, #tpu.memory_space<hbm>> -> memref<1x8x1x8x128xf32, #tpu.memory_space<hbm>>
    %dma_wait3A_593 = tpu.memref_squeeze %dma_wait3A_592 : memref<1x8x1x8x128xf32, #tpu.memory_space<hbm>> -> memref<8x8x128xf32, #tpu.memory_space<hbm>>
    %dma_wait3A_594 = arith.constant 0 : i32
    %dma_wait3A_595 = arith.constant 0 : i32
    %dma_wait3A_596 = arith.constant 0 : i32
    %dma_wait3A_597 = tpu.memref_slice %arg8[%dma_wait3A_577, %dma_wait3A_594, %dma_wait3A_595, %dma_wait3A_596] : memref<4x8x8x129xf32, #tpu.memory_space<vmem>> -> memref<1x8x8x128xf32, #tpu.memory_space<vmem>>
    %dma_wait3A_598 = tpu.memref_squeeze %dma_wait3A_597 : memref<1x8x8x128xf32, #tpu.memory_space<vmem>> -> memref<8x8x128xf32, #tpu.memory_space<vmem>>
    tpu.wait_dma2 semaphore(%arg14 : memref<!tpu.dma_semaphore, #tpu.memory_space<semaphore_mem>>) src(%dma_wait3A_598 : memref<8x8x128xf32, #tpu.memory_space<vmem>>) dst(%dma_wait3A_593 : memref<8x8x128xf32, #tpu.memory_space<hbm>>)
    %dma_wait3A_599 = arith.constant 2 : i32
    %dma_wait3A_600 = arith.constant 198 : i32
    %dma_wait3A_601 = arith.constant 0 : i32
    %dma_wait3A_602 = arith.constant 0 : i32
    %dma_wait3A_603 = arith.constant 0 : i32
    %dma_wait3A_604 = tpu.memref_slice %arg8[%dma_wait3A_599, %dma_wait3A_601, %dma_wait3A_602, %dma_wait3A_603] : memref<4x8x8x129xf32, #tpu.memory_space<vmem>> -> memref<1x8x8x128xf32, #tpu.memory_space<vmem>>
    %dma_wait3A_605 = tpu.memref_squeeze %dma_wait3A_604 : memref<1x8x8x128xf32, #tpu.memory_space<vmem>> -> memref<8x8x128xf32, #tpu.memory_space<vmem>>
    %dma_wait3A_606 = arith.constant 0 : i32
    %dma_wait3A_607 = arith.constant 0 : i32
    %dma_wait3A_608 = arith.constant 0 : i32
    %dma_wait3A_609 = tpu.memref_slice %arg4[%dma_wait3A_600, %dma_wait3A_606, %add3A, %dma_wait3A_607, %dma_wait3A_608] : memref<200x8x32x8x128xf32, #tpu.memory_space<hbm>> -> memref<1x8x1x8x128xf32, #tpu.memory_space<hbm>>
    %dma_wait3A_610 = tpu.memref_squeeze %dma_wait3A_609 : memref<1x8x1x8x128xf32, #tpu.memory_space<hbm>> -> memref<8x8x128xf32, #tpu.memory_space<hbm>>
    %dma_wait3A_611 = arith.constant 0 : i32
    %dma_wait3A_612 = arith.constant 0 : i32
    %dma_wait3A_613 = arith.constant 0 : i32
    %dma_wait3A_614 = tpu.memref_slice %arg4[%dma_wait3A_600, %dma_wait3A_611, %add3A, %dma_wait3A_612, %dma_wait3A_613] : memref<200x8x32x8x128xf32, #tpu.memory_space<hbm>> -> memref<1x8x1x8x128xf32, #tpu.memory_space<hbm>>
    %dma_wait3A_615 = tpu.memref_squeeze %dma_wait3A_614 : memref<1x8x1x8x128xf32, #tpu.memory_space<hbm>> -> memref<8x8x128xf32, #tpu.memory_space<hbm>>
    %dma_wait3A_616 = arith.constant 0 : i32
    %dma_wait3A_617 = arith.constant 0 : i32
    %dma_wait3A_618 = arith.constant 0 : i32
    %dma_wait3A_619 = tpu.memref_slice %arg8[%dma_wait3A_599, %dma_wait3A_616, %dma_wait3A_617, %dma_wait3A_618] : memref<4x8x8x129xf32, #tpu.memory_space<vmem>> -> memref<1x8x8x128xf32, #tpu.memory_space<vmem>>
    %dma_wait3A_620 = tpu.memref_squeeze %dma_wait3A_619 : memref<1x8x8x128xf32, #tpu.memory_space<vmem>> -> memref<8x8x128xf32, #tpu.memory_space<vmem>>
    tpu.wait_dma2 semaphore(%arg15 : memref<!tpu.dma_semaphore, #tpu.memory_space<semaphore_mem>>) src(%dma_wait3A_620 : memref<8x8x128xf32, #tpu.memory_space<vmem>>) dst(%dma_wait3A_615 : memref<8x8x128xf32, #tpu.memory_space<hbm>>)
    %dma_wait3A_621 = arith.constant 3 : i32
    %dma_wait3A_622 = arith.constant 199 : i32
    %dma_wait3A_623 = arith.constant 0 : i32
    %dma_wait3A_624 = arith.constant 0 : i32
    %dma_wait3A_625 = arith.constant 0 : i32
    %dma_wait3A_626 = tpu.memref_slice %arg8[%dma_wait3A_621, %dma_wait3A_623, %dma_wait3A_624, %dma_wait3A_625] : memref<4x8x8x129xf32, #tpu.memory_space<vmem>> -> memref<1x8x8x128xf32, #tpu.memory_space<vmem>>
    %dma_wait3A_627 = tpu.memref_squeeze %dma_wait3A_626 : memref<1x8x8x128xf32, #tpu.memory_space<vmem>> -> memref<8x8x128xf32, #tpu.memory_space<vmem>>
    %dma_wait3A_628 = arith.constant 0 : i32
    %dma_wait3A_629 = arith.constant 0 : i32
    %dma_wait3A_630 = arith.constant 0 : i32
    %dma_wait3A_631 = tpu.memref_slice %arg4[%dma_wait3A_622, %dma_wait3A_628, %add3A, %dma_wait3A_629, %dma_wait3A_630] : memref<200x8x32x8x128xf32, #tpu.memory_space<hbm>> -> memref<1x8x1x8x128xf32, #tpu.memory_space<hbm>>
    %dma_wait3A_632 = tpu.memref_squeeze %dma_wait3A_631 : memref<1x8x1x8x128xf32, #tpu.memory_space<hbm>> -> memref<8x8x128xf32, #tpu.memory_space<hbm>>
    %dma_wait3A_633 = arith.constant 0 : i32
    %dma_wait3A_634 = arith.constant 0 : i32
    %dma_wait3A_635 = arith.constant 0 : i32
    %dma_wait3A_636 = tpu.memref_slice %arg4[%dma_wait3A_622, %dma_wait3A_633, %add3A, %dma_wait3A_634, %dma_wait3A_635] : memref<200x8x32x8x128xf32, #tpu.memory_space<hbm>> -> memref<1x8x1x8x128xf32, #tpu.memory_space<hbm>>
    %dma_wait3A_637 = tpu.memref_squeeze %dma_wait3A_636 : memref<1x8x1x8x128xf32, #tpu.memory_space<hbm>> -> memref<8x8x128xf32, #tpu.memory_space<hbm>>
    %dma_wait3A_638 = arith.constant 0 : i32
    %dma_wait3A_639 = arith.constant 0 : i32
    %dma_wait3A_640 = arith.constant 0 : i32
    %dma_wait3A_641 = tpu.memref_slice %arg8[%dma_wait3A_621, %dma_wait3A_638, %dma_wait3A_639, %dma_wait3A_640] : memref<4x8x8x129xf32, #tpu.memory_space<vmem>> -> memref<1x8x8x128xf32, #tpu.memory_space<vmem>>
    %dma_wait3A_642 = tpu.memref_squeeze %dma_wait3A_641 : memref<1x8x8x128xf32, #tpu.memory_space<vmem>> -> memref<8x8x128xf32, #tpu.memory_space<vmem>>
    tpu.wait_dma2 semaphore(%arg16 : memref<!tpu.dma_semaphore, #tpu.memory_space<semaphore_mem>>) src(%dma_wait3A_642 : memref<8x8x128xf32, #tpu.memory_space<vmem>>) dst(%dma_wait3A_637 : memref<8x8x128xf32, #tpu.memory_space<hbm>>)
    return
  }
}

</mosaic_0001>

<sc_bundles>
// kernel: kernel.3.cloned.1.call-start
scs
__scs_entry_jumppad:
0x0: {  	(pc) =	sbr.rel $0x88, $3  }
0x1: {  	(tag) =	ssettag $0x0;
	lr =	simm.s32 $0x1  }
0x2: {  	[smem:$0x3F9F] =	sst lr;
	_ =	strace $0xD0000000  }
0x3: {  	_ = 	snop  }
0x4: {  	_ = 	snop  }
0x5: {  	_ = 	snop  }
0x6: {  	_ = 	snop  }
0x7: {  	_ = 	snop  }
__scs_overlays_trampoline_lowered:
0x8: {  	[smem:$0x3FAE] =	sst s0  }
0x9: {  	[smem:$0x3FAF] =	sst s1  }
0xa: {  	[smem:$0x3FB0] =	sst s2  }
0xb: {  	[smem:$0x3FB1] =	sst s3  }
0xc: {  	[smem:$0x3FB2] =	sst s4  }
0xd: {  	[smem:$0x3FB3] =	sst s5  }
0xe: {  	[smem:$0x3FB4] =	sst s6  }
0xf: {  	[smem:$0x3FB5] =	sst s7  }
0x10: {  	[smem:$0x3FB6] =	sst s8  }
0x11: {  	[smem:$0x3FB7] =	sst s9;
	s0 =	simm.s32 @!p0 $0x0  }
0x12: {  	s1 =	sld [smem:$0x3F9D];
	s0 =	simm.s32 @p0 $0x1  }
0x13: {  	[smem:$0x3FB8] =	sst s0;
	s0 =	simm.s32 @!p1 $0x0  }
0x14: {  	s2 =	sld [smem:$0x3F9C];
	s0 =	simm.s32 @p1 $0x1  }
0x15: {  	[smem:$0x3FB9] =	sst s0;
	s0 =	simm.s32 @!p2 $0x0  }
0x16: {  	s3 =	sld [smem:$0x3FDB];
	s0 =	simm.s32 @p2 $0x1  }
0x17: {  	s4 =	simm.s32 $0x1BF5;
	[smem:$0x3FBB] =	sst s0  }
0x18: {  	s0 =	sld [smem:$0x3F9E];
	_ =	swait.ge [sflag:s4], $0x0  }
0x19: {  	s7 =	sld [smem:$0x3F9F]  }
0x1a: {  	s8 =	sadd.s32 $0xFFFFE003, lr  }
0x1b: {  	s9 =	sadd.s32 $0xFFFFFEF7, lr;
	s5 =	simm.s32 $0xFFFFFFFF;
	p2 =	slt.u32 s8, $0xFFFFF086  }
0x1c: {  	p1 =	slt.u32 s9, $0xF7A;
	s5 =	simm.s32 @!p2 $0x0  }
0x1d: {  	s5 =	simm.s32 @p1 $0x1;
	p0 =	seq.s32 s7, s2  }
0x1e: {  	s7 =	smul.u32 @!p0 $0xF7A, s2;
	p2 =	seq.s32 @!p0 s5, $0x0  }
0x1f: {  	s9 =	smul.u32 $0xF7A, s1;
	s8 =	simm.s32 @!p0 $0x1BF5;
	p2 =	por !p2, p0  }
0x20: {  	[sflag:s8] =	ssyncset.s32 @!p0 $0xFFFFF086;
	s6 =	sadd.s32 @!p0 s3, s7;
	s7 =	simm.s32 @!p0 $0x108  }
0x21: {  	s3 =	sadd.s32 s3, s9;
	s6 =	sadd.s32 @!p0 $0x88, s6;
	s7 =	simm.s32 @p2 $0x1082  }
0x22: {  	[simem:s7], [sflag:s8] =	dma.local @!p0 [hbm:s6], $0xF7A  }
0x23: {  	s9 =	sor.u32 $0xD0000000, s2;
	s6 =	simm.s32 $0x108;
	_ =	swait.ge @!p0 [sflag:s8], $0x0  }
0x24: {  	s3 =	sadd.s32 $0x88, s3;
	s6 =	simm.s32 @!p1 $0x1082;
	[sflag:s4] =	ssyncset.s32 $0xFFFFF086  }
0x25: {  	[simem:s6], [sflag:s4] =	dma.local [hbm:s3], $0xF7A  }
0x26: {  	[smem:$0x3F9F] =	sst s1;
	(tag) =	ssettag s2;
	_ =	strace s9  }
0x27: {  	s1 =	sld [smem:$0x3FAF]  }
0x28: {  	s2 =	sld [smem:$0x3FB0]  }
0x29: {  	s4 =	sld [smem:$0x3FB2]  }
0x2a: {  	p0 =	seq.s32 s5, $0x0;
	s5 =	sld [smem:$0x3FB3]  }
0x2b: {  	s6 =	sld [smem:$0x3FB4]  }
0x2c: {  	s7 =	sld [smem:$0x3FB5]  }
0x2d: {  	s3 =	simm.s32 $0x108;
	s8 =	sld [smem:$0x3FB6]  }
0x2e: {  	s3 =	simm.s32 @!p0 $0x1082;
	s9 =	sld [smem:$0x3FB7]  }
0x2f: {  	lr =	sadd.s32 s0, s3;
	s0 =	sld [smem:$0x3FAE]  }
0x30: {  	s3 =	sld [smem:$0x3FB1]  }
0x31: {  	[smem:$0x3FBA] =	sst s10  }
0x32: {  	s10 =	sld [smem:$0x3FB8];
	_ =	sdelay $0x3  }
0x33: {  	p0 =	seq.s32 s10, $0x1;
	s10 =	sld [smem:$0x3FBA];
	_ =	sdelay $0x3  }
0x34: {  	[smem:$0x3FBA] =	sst s10  }
0x35: {  	s10 =	sld [smem:$0x3FB9];
	_ =	sdelay $0x3  }
0x36: {  	p1 =	seq.s32 s10, $0x1;
	s10 =	sld [smem:$0x3FBA];
	_ =	sdelay $0x3  }
0x37: {  	[smem:$0x3FBA] =	sst s10  }
0x38: {  	s10 =	sld [smem:$0x3FBB]  }
0x39: {  	_ = 	snop;
	(pc) =	sbr.ind lr, $3  }
0x3a: {  	_ = 	snop  }
0x3b: {  	_ = 	snop  }
0x3c: {  	p2 =	seq.s32 s10, $0x1;
	s10 =	sld [smem:$0x3FBA]  }
0x3d: {  	_ =	shalt  }
0x3e: {  	_ =	shalt  }
0x3f: {  	_ =	shalt  }
0x40: {  	_ =	shalt  }
0x41: {  	_ =	shalt  }
0x42: {  	_ =	shalt  }
0x43: {  	_ =	shalt  }
0x44: {  	_ =	shalt  }
0x45: {  	_ =	shalt  }
0x46: {  	_ =	shalt  }
0x47: {  	_ =	shalt  }
0x48: {  	_ =	shalt  }
0x49: {  	_ =	shalt  }
0x4a: {  	_ =	shalt  }
0x4b: {  	_ =	shalt  }
0x4c: {  	_ =	shalt  }
0x4d: {  	_ =	shalt  }
0x4e: {  	_ =	shalt  }
0x4f: {  	_ =	shalt  }
0x50: {  	_ =	shalt  }
0x51: {  	_ =	shalt  }
0x52: {  	_ =	shalt  }
0x53: {  	_ =	shalt  }
0x54: {  	_ =	shalt  }
0x55: {  	_ =	shalt  }
0x56: {  	_ =	shalt  }
0x57: {  	_ =	shalt  }
0x58: {  	_ =	shalt  }
0x59: {  	_ =	shalt  }
0x5a: {  	_ =	shalt  }
0x5b: {  	_ =	shalt  }
0x5c: {  	_ =	shalt  }
0x5d: {  	_ =	shalt  }
0x5e: {  	_ =	shalt  }
0x5f: {  	_ =	shalt  }
0x60: {  	_ =	shalt  }
0x61: {  	_ =	shalt  }
0x62: {  	_ =	shalt  }
0x63: {  	_ =	shalt  }
0x64: {  	_ =	shalt  }
0x65: {  	_ =	shalt  }
0x66: {  	_ =	shalt  }
0x67: {  	_ =	shalt  }
0x68: {  	_ =	shalt  }
0x69: {  	_ =	shalt  }
0x6a: {  	_ =	shalt  }
0x6b: {  	_ =	shalt  }
0x6c: {  	_ =	shalt  }
0x6d: {  	_ =	shalt  }
0x6e: {  	_ =	shalt  }
0x6f: {  	_ =	shalt  }
0x70: {  	_ =	shalt  }
0x71: {  	_ =	shalt  }
0x72: {  	_ =	shalt  }
0x73: {  	_ =	shalt  }
0x74: {  	_ =	shalt  }
0x75: {  	_ =	shalt  }
0x76: {  	_ =	shalt  }
0x77: {  	_ =	shalt  }
0x78: {  	_ =	shalt  }
0x79: {  	_ =	shalt  }
0x7a: {  	_ =	shalt  }
0x7b: {  	_ =	shalt  }
0x7c: {  	_ =	shalt  }
0x7d: {  	_ =	shalt  }
0x7e: {  	_ =	shalt  }
0x7f: {  	_ =	shalt  }
0x80: {  	_ =	shalt  }
0x81: {  	_ =	shalt  }
0x82: {  	_ =	shalt  }
0x83: {  	_ =	shalt  }
0x84: {  	_ =	shalt  }
0x85: {  	_ =	shalt  }
0x86: {  	_ =	shalt  }
0x87: {  	_ =	shalt  }
.Lfunc_end0:
.L_simem_size_0:
called_computation_lowered:
.L_overlay_start_0:
0x88: {  	s2 =	sld [smem:$0x3FD9]  }
0x89: {  	s3 =	sld [smem:$0x3FFE];
	_ =	sdelay $0x1  }
0x8a: {  	s1 =	srdreg.scid  }
0x8b: {  	s0 =	sand.u32 $0x1, s1  }
0x8c: {  	s17 =	sshll.u32 s0, $0xA;
	s2 =	sadd.s32 s3, s2  }
0x8d: {  	s2 =	sadd.s32 s2, s17  }
0x8e: {  	[smem:$0x3FC6] =	sst s2  }
0x8f: {  	_ = 	snop  }
0x90: {  	s2 =	sld [smem:$0x3FD0];
	(tm) =	ssettm $0x1  }
0x91: {  	s18 =	sld [smem:$0x3FFB];
	_ =	sdelay $0x3  }
0x92: {  	_ =	strace s18  }
0x93: {  	s3 =	sld [smem:$0x3FFC];
	_ =	sdelay $0x3  }
0x94: {  	_ =	strace s3  }
0x95: {  	s3 =	sld [smem:$0x3FFD];
	_ =	sdelay $0x3  }
0x96: {  	_ =	strace s3  }
0x97: {  	_ =	strace $0x8FFFFFFF  }
0x98: {  	s19 =	sld [smem:$0x3FDB];
	_ =	sdelay $0x1  }
0x99: {  	s4 =	simm.s32 $_scs_section_size  }
0x9a: {  	s5 =	simm.s32 $_size__tile_overlayer_lowered;
	s6 =	simm.s32 $_tile_overlayer_lowered  }
0x9b: {  	s22 =	simm.s32 $0x1BFF;
	s21 =	sshll.u32 s6, $0x1;
	s3 =	sadd.s32 s4, s19  }
0x9c: {  	s7 =	simm.s32 $0x0;
	s20 =	sshll.u32 s5, $0x1;
	s5 =	sadd.s32 s21, s3  }
0x9d: {  	[timem:s7], [sflag:s22] =	dma.local [hbm:s5], s20  }
0x9e: {  	_ =	swait.ge [sflag:s22], s20  }
0x9f: {  	s4 =	ssub.s32 $0x0, s20;
	[sflag:s22] =	ssyncset.done $0x0  }
0xa0: {  	[sflag:s22] =	ssyncadd.s32 s4;
	_ =	sdelay $0x1  }
0xa1: {  	s23 =	simm.s32 $0x1B8B  }
0xa2: {  	_ =	swait.ge [sflag:s23], $0x1  }
0xa3: {  	[sflag:s23] =	ssyncset.done $0x0  }
0xa4: {  	s25 =	simm.s32 $0x1B8E;
	s24 =	sld [smem:$0x3FFE];
	[sflag:s23] =	ssyncadd.s32 $0xFFFFFFFF  }
0xa5: {  	s26 =	simm.s32 $execute0_lowered;
	[smem:$0x3FD2] =	sst s25  }
0xa6: {  	s5 =	sshll.u32 s26, $0x1;
	_ =	strace $0x80000046;
	[dreg:$0x1] =	wrdreg $0xFFFFFFFF  }
0xa7: {  	s28 =	simm.s32 $_size_execute0_lowered;
	s3 =	sadd.s32 s3, s5;
	[dreg:$0x0] =	wrdreg $0x0  }
0xa8: {  	s5 =	sshll.u32 s28, $0x1;
	[dreg:$0x2] =	wrdreg s3  }
0xa9: {  	[dreg:$0x3] =	wrdreg s5  }
0xaa: {  	[dreg:$0x4] =	wrdreg $0xC0  }
0xab: {  	_ =	task [dreg:s7], $0x5FFFF  }
0xac: {  	[dreg:$0x1] =	wrdreg $0xFFFFFFFF  }
0xad: {  	[dreg:$0x0] =	wrdreg $0x60  }
0xae: {  	[dreg:$0x2] =	wrdreg s24  }
0xaf: {  	[dreg:$0x3] =	wrdreg s2  }
0xb0: {  	[dreg:$0x4] =	wrdreg $0x9  }
0xb1: {  	_ =	task.clear_ibuf [dreg:s7], $0x5FFFF;
	_ =	strace $0x90000046  }
0xb2: {  	s29 =	simm.s32 $0x9;
	_ =	strace $0x80000048  }
0xb3: {  	_ =	swait.ge [sflag:s29], $0x1  }
0xb4: {  	[sflag:s29] =	ssyncadd.s32 $0xFFFFFFFF  }
0xb5: {  	_ =	strace $0x90000048  }
0xb6: {  	_ =	sfence  }
0xb7: {  	s30 =	sld [smem:$0x0];
	_ =	sdelay $0x2  }
0xb8: {  	s31 =	sshll.u32 s1, $0xD;
	s1 =	sshrl.u32 s1, $0x2  }
0xb9: {  	s3 =	sand.u32 $0x4000, s31;
	s1 =	sadd.s32 s1, s30  }
0xba: {  	s0 =	sor.u32 s3, s0;
	s1 =	sshll.u32 s1, $0x11  }
0xbb: {  	s0 =	sor.u32 s1, s0  }
0xbc: {  	s0 =	sadd.s32 $0x8F2B, s0  }
0xbd: {  	[sflag:s0] =	ssyncadd.remote.s32 $0x1  }
0xbe: {  	_ =	sfence.sel $0xFFFF  }
0xbf: {  	[dreg:$0x0] =	wrdreg $0xFFFFFFFF;
	(pc) =	sbr.abs _section_cstart, $3  }
0xc0: {  	[dreg:$0x1] =	wrdreg $0xFFFFFFFF  }
0xc1: {  	_ =	task.clear_ibuf [dreg:s7], $0x2FFFF;
	_ =	strace $0x9FFFFFFF  }
0xc2: {  	(tm) =	ssettm $0x7FFFFFFF  }
0xc3: {  	_ =	shalt  }
tec
execute0_lowered:
.L_overlay_start_1:
0x0: {  	(tag) =	ssettag $0x1  }
0x1: {  	s0 =	srdreg.scid  }
0x2: {  	s2 =	stileid.u32;
	s1 =	rddreg [dreg:$0x0]  }
0x3: {  	s13 =	simm.s32 $0x13400;
	s14 =	simm.s32 $0x13800;
	s15 =	simm.s32 $0x13C00  }
0x4: {  	s16 =	simm.s32 $0x14000;
	s17 =	simm.s32 $0x14400;
	s18 =	simm.s32 $0x1  }
0x5: {  	s19 =	simm.s32 $0x14800;
	s20 =	simm.s32 $0x2;
	s21 =	simm.s32 $0x16A00  }
0x6: {  	s22 =	simm.s32 $0x3;
	s28 =	simm.s32 $0x6;
	s29 =	simm.s32 $0x7  }
0x7: {  	s30 =	simm.s32 $0x8;
	s0 =	sand.u32 $0x1, s0;
	s3 =	sshll.u32 s2, $0x1  }
0x8: {  	s2 =	rddreg [dreg:$0x1];
	s5 =	sor.u32 s0, s3;
	s3 =	simm.s32 $0x0  }
0x9: {  	s0 =	ssub.s32 $0x2, s0;
	s4 =	smul.u32 $0xC80, s5;
	[smem:$0x7FF] =	sst s3  }
0xa: {  	s23 =	sshrl.u32 s0, $0x1;
	s7 =	sshll.u32 s5, $0x7;
	_ =	strace $0x80000047  }
0xb: {  	v6 =	vlaneseq.u32;
	s0 =	ssub.s32 s0, s23;
	s25 =	sadd.s32 s2, s7;
	s7 =	sshll.u32 s5, $0xA  }
0xc: {  	v0 =	vmul.u32 $0xC8, v6;
	s23 =	simm.s32 $0x18C00;
	s26 =	sadd.s32 $0x8000, s25;
	[dreg:$0x4] =	wrdreg s25  }
0xd: {  	s6 =	sadd.s32 s4, s1;
	s31 =	sadd.s32 $0x10000, s25;
	[dreg:$0x5] =	wrdreg s26  }
0xe: {  	vm0 =	vmmov $0xffff;
	v6 =	vmul.u32 $0x88, v6;
	v1 =	vadd.s32 $0xC80, v0;
	s4 =	sadd.s32 $0xF42A00, s1;
	s1 =	sadd.s32 $0x18000, s25;
	[dreg:$0x6] =	wrdreg s31  }
0xf: {  	v2 =	vadd.s32 $0x1900, v0;
	v3 =	vadd.s32 $0x2580, v0;
	v4 =	vadd.s32 $0x3200, v0;
	s0 =	smax.u32 s0, $0x1;
	s25 =	simm.s32 $0x1AE00;
	[dreg:$0x7] =	wrdreg s1  }
0x10: {  	v5 =	vadd.s32 $0x3E80, v0;
	v7 =	vadd.s32 $0x4B00, v0;
	v8 =	vadd.s32 $0x5780, v0;
	s24 =	sadd.s32 $0x600, s6;
	[dreg:$0x8] =	wrdreg s0;
	s26 =	simm.s32 $0x5  }
0x11: {  	v9 =	vadd.s32 $0x880, v6;
	v10 =	vadd.s32 $0x1100, v6;
	v11 =	vadd.s32 $0x1980, v6;
	s1 =	simm.s32 $0x0;
	[dreg:$0x3] =	wrdreg s24;
	s24 =	simm.s32 $0x4  }
.LBB2_1:
0x12: {  	v12 =	vmov s3  }
0x13: {  	[dreg:$0x9] =	wrdreg s1;
	v12 =	vand.u32 $0xFF, v12  }
0x14: {  	s0 =	rddreg [dreg:$0x3];
	s12 =	simm.s32 $0x9;
	v13 =	vadd.s32 v0, v12  }
0x15: {  	[tilespmem:s3], [sflag:$0x9] =	stream.linear.gather [hbm4b:s0+s3], $0x6400, $0x38;
	[tilespmem:$0x1D000] =	vst v63  }
0x16: {  	_ =	swait.ge [sflag:s12], $0x6400  }
0x17: {  	[sflag:s12] =	ssyncset.done $0x0  }
0x18: {  	[sflag:s12] =	ssyncadd.s32 $0xFFFF9C00  }
0x19: {  	v13 =	vld.idx.msk [tilespmem:v13+s3+$0x0], $0xffff  }
0x1a: {  	v14 =	vadd.s32 v1, v12;
	_ =	sdelay $0x2  }
0x1b: {  	s0 =	simm.s32 $0x6440  }
0x1c: {  	[tilespmem:s0+$0xFFFFFFC0] =	vst v13  }
0x1d: {  	v13 =	vld.idx.msk [tilespmem:v14+s3+$0x0], $0xffff  }
0x1e: {  	v14 =	vadd.s32 v2, v12;
	_ =	sdelay $0x3  }
0x1f: {  	[tilespmem:s0+$0xFFFFFFD0] =	vst v13  }
0x20: {  	v13 =	vld.idx.msk [tilespmem:v14+s3+$0x0], $0xffff  }
0x21: {  	v14 =	vadd.s32 v3, v12;
	_ =	sdelay $0x3  }
0x22: {  	[tilespmem:s0+$0xFFFFFFE0] =	vst v13  }
0x23: {  	v13 =	vld.idx.msk [tilespmem:v14+s3+$0x0], $0xffff  }
0x24: {  	v14 =	vadd.s32 v4, v12;
	_ =	sdelay $0x3  }
0x25: {  	[tilespmem:s0+$0xFFFFFFF0] =	vst v13  }
0x26: {  	v13 =	vld.idx.msk [tilespmem:v14+s3+$0x0], $0xffff  }
0x27: {  	v14 =	vadd.s32 v5, v12;
	_ =	sdelay $0x3  }
0x28: {  	[tilespmem:s0+$0x0] =	vst v13  }
0x29: {  	v13 =	vld.idx.msk [tilespmem:v14+s3+$0x0], $0xffff  }
0x2a: {  	v14 =	vadd.s32 v7, v12;
	_ =	sdelay $0x3  }
0x2b: {  	[tilespmem:s0+$0x10] =	vst v13  }
0x2c: {  	v13 =	vld.idx.msk [tilespmem:v14+s3+$0x0], $0xffff  }
0x2d: {  	v12 =	vadd.s32 v8, v12;
	_ =	sdelay $0x3  }
0x2e: {  	s31 =	simm.s32 $0x1;
	[tilespmem:s0+$0x20] =	vst v13  }
0x2f: {  	s1 =	simm.s32 $0x2;
	v13 =	vmov s31;
	v12 =	vld.idx.msk [tilespmem:v12+s3+$0x0], $0xffff  }
.LBB2_2:
0x30: {  	p0 =	sne.s32 s1, $0xC7;
	v13 =	vand.u32 $0xFF, v13  }
0x31: {  	v14 =	vadd.s32 v0, v13;
	_ =	sdelay $0x3  }
0x32: {  	[tilespmem:s0+$0x30] =	vst v12  }
0x33: {  	v12 =	vld.idx.msk [tilespmem:v14+s3+$0x0], $0xffff;
	_ =	sdelay $0x1  }
0x34: {  	v14 =	vadd.s32 v1, v13;
	_ =	sdelay $0x2  }
0x35: {  	s0 =	sadd.s32 $0x80, s0  }
0x36: {  	[tilespmem:s0+$0xFFFFFFC0] =	vst v12  }
0x37: {  	v12 =	vld.idx.msk [tilespmem:v14+s3+$0x0], $0xffff;
	_ =	sdelay $0x1  }
0x38: {  	v14 =	vadd.s32 v2, v13;
	_ =	sdelay $0x3  }
0x39: {  	[tilespmem:s0+$0xFFFFFFD0] =	vst v12  }
0x3a: {  	v12 =	vld.idx.msk [tilespmem:v14+s3+$0x0], $0xffff;
	_ =	sdelay $0x1  }
0x3b: {  	v14 =	vadd.s32 v3, v13;
	_ =	sdelay $0x3  }
0x3c: {  	[tilespmem:s0+$0xFFFFFFE0] =	vst v12  }
0x3d: {  	v12 =	vld.idx.msk [tilespmem:v14+s3+$0x0], $0xffff;
	_ =	sdelay $0x1  }
0x3e: {  	v14 =	vadd.s32 v4, v13;
	_ =	sdelay $0x3  }
0x3f: {  	[tilespmem:s0+$0xFFFFFFF0] =	vst v12  }
0x40: {  	v12 =	vld.idx.msk [tilespmem:v14+s3+$0x0], $0xffff;
	_ =	sdelay $0x1  }
0x41: {  	v14 =	vadd.s32 v5, v13;
	_ =	sdelay $0x3  }
0x42: {  	[tilespmem:s0+$0x0] =	vst v12  }
0x43: {  	v12 =	vld.idx.msk [tilespmem:v14+s3+$0x0], $0xffff;
	_ =	sdelay $0x1  }
0x44: {  	v14 =	vadd.s32 v7, v13;
	_ =	sdelay $0x3  }
0x45: {  	[tilespmem:s0+$0x10] =	vst v12  }
0x46: {  	v12 =	vld.idx.msk [tilespmem:v14+s3+$0x0], $0xffff;
	_ =	sdelay $0x1  }
0x47: {  	v14 =	vadd.s32 v8, v13  }
.Ltmp0:
0x48: {  	(pc) =	sbr.rel @p0 .LBB2_2-.Ltmp0, $3  }
0x49: {  	_ =	sdelay $0x1  }
0x4a: {  	[tilespmem:s0+$0x20] =	vst v12  }
0x4b: {  	v13 =	vmov s1;
	s1 =	sadd.s32 $0x1, s1;
	v12 =	vld.idx.msk [tilespmem:v14+s3+$0x0], $0xffff  }
0x4c: {  	v13 =	vand.u32 $0xFF, v13  }
0x4d: {  	v14 =	vadd.s32 v0, v13;
	_ =	sdelay $0x3  }
0x4e: {  	[tilespmem:s0+$0x30] =	vst v12  }
0x4f: {  	v12 =	vld.idx.msk [tilespmem:v14+s3+$0x0], $0xffff  }
0x50: {  	v14 =	vadd.s32 v1, v13;
	_ =	sdelay $0x2  }
0x51: {  	s10 =	sadd.s32 $0x80, s0  }
0x52: {  	[tilespmem:s10+$0xFFFFFFC0] =	vst v12  }
0x53: {  	v12 =	vld.idx.msk [tilespmem:v14+s3+$0x0], $0xffff  }
0x54: {  	v14 =	vadd.s32 v2, v13;
	_ =	sdelay $0x3  }
0x55: {  	[tilespmem:s10+$0xFFFFFFD0] =	vst v12  }
0x56: {  	v12 =	vld.idx.msk [tilespmem:v14+s3+$0x0], $0xffff  }
0x57: {  	v14 =	vadd.s32 v3, v13;
	_ =	sdelay $0x3  }
0x58: {  	[tilespmem:s10+$0xFFFFFFE0] =	vst v12  }
0x59: {  	v12 =	vld.idx.msk [tilespmem:v14+s3+$0x0], $0xffff  }
0x5a: {  	v14 =	vadd.s32 v4, v13;
	_ =	sdelay $0x3  }
0x5b: {  	[tilespmem:s10+$0xFFFFFFF0] =	vst v12  }
0x5c: {  	v12 =	vld.idx.msk [tilespmem:v14+s3+$0x0], $0xffff  }
0x5d: {  	v14 =	vadd.s32 v5, v13;
	_ =	sdelay $0x3  }
0x5e: {  	[tilespmem:s10+$0x0] =	vst v12  }
0x5f: {  	v12 =	vld.idx.msk [tilespmem:v14+s3+$0x0], $0xffff  }
0x60: {  	v14 =	vadd.s32 v7, v13;
	_ =	sdelay $0x3  }
0x61: {  	[tilespmem:s10+$0x10] =	vst v12  }
0x62: {  	v12 =	vld.idx.msk [tilespmem:v14+s3+$0x0], $0xffff  }
0x63: {  	v13 =	vadd.s32 v8, v13;
	_ =	sdelay $0x3  }
0x64: {  	[tilespmem:s10+$0x20] =	vst v12  }
0x65: {  	v12 =	vld.idx.msk [tilespmem:v13+s3+$0x0], $0xffff;
	_ =	sdelay $0x4  }
0x66: {  	[tilespmem:s10+$0x30] =	vst v12  }
0x67: {  	v12 =	vld [tilespmem:$0x6400];
	_ =	sdelay $0x6  }
0x68: {  	s1 =	simm.s32 $0x0;
	s11 =	simm.s32 $0xC800  }
0x69: {  	[tilespmem:s11], [sflag:$0x1] =	stream.indirect_vreg.gather [hbm4b:s4+s1], $0x40, v12, vm0, $0xb8;
	[tilespmem:$0x1D000] =	vst v63  }
0x6a: {  	v12 =	vld [tilespmem:$0x6410];
	_ =	sdelay $0x6  }
0x6b: {  	s12 =	simm.s32 $0xCC00  }
0x6c: {  	[tilespmem:s12], [sflag:$0x1] =	stream.indirect_vreg.gather [hbm4b:s4+s1], $0x40, v12, vm0, $0xb8;
	[tilespmem:$0x1D000] =	vst v63  }
0x6d: {  	v12 =	vld [tilespmem:$0x6420];
	_ =	sdelay $0x6  }
0x6e: {  	s31 =	simm.s32 $0xD000  }
0x6f: {  	[tilespmem:s31], [sflag:$0x1] =	stream.indirect_vreg.gather [hbm4b:s4+s1], $0x40, v12, vm0, $0xb8;
	[tilespmem:$0x1D000] =	vst v63  }
0x70: {  	v12 =	vld [tilespmem:$0x6430];
	_ =	sdelay $0x6  }
0x71: {  	s5 =	simm.s32 $0xD400  }
0x72: {  	[tilespmem:s5], [sflag:$0x1] =	stream.indirect_vreg.gather [hbm4b:s4+s1], $0x40, v12, vm0, $0xb8;
	[tilespmem:$0x1D000] =	vst v63  }
0x73: {  	v12 =	vld [tilespmem:$0x6440];
	_ =	sdelay $0x6  }
0x74: {  	s6 =	simm.s32 $0xD800  }
0x75: {  	[tilespmem:s6], [sflag:$0x1] =	stream.indirect_vreg.gather [hbm4b:s4+s1], $0x40, v12, vm0, $0xb8;
	[tilespmem:$0x1D000] =	vst v63  }
0x76: {  	v12 =	vld [tilespmem:$0x6450];
	_ =	sdelay $0x6  }
0x77: {  	s8 =	simm.s32 $0xDC00  }
0x78: {  	[tilespmem:s8], [sflag:$0x1] =	stream.indirect_vreg.gather [hbm4b:s4+s1], $0x40, v12, vm0, $0xb8;
	[tilespmem:$0x1D000] =	vst v63  }
0x79: {  	v12 =	vld [tilespmem:$0x6460];
	_ =	sdelay $0x6  }
0x7a: {  	s9 =	simm.s32 $0xE000  }
0x7b: {  	[tilespmem:s9], [sflag:$0x1] =	stream.indirect_vreg.gather [hbm4b:s4+s1], $0x40, v12, vm0, $0xb8;
	[tilespmem:$0x1D000] =	vst v63  }
0x7c: {  	v12 =	vld [tilespmem:$0x6470];
	_ =	sdelay $0x6  }
0x7d: {  	s10 =	simm.s32 $0xE400  }
0x7e: {  	[tilespmem:s10], [sflag:$0x1] =	stream.indirect_vreg.gather [hbm4b:s4+s1], $0x40, v12, vm0, $0xb8;
	[tilespmem:$0x1D000] =	vst v63  }
0x7f: {  	v12 =	vld [tilespmem:$0x6480];
	_ =	sdelay $0x6  }
0x80: {  	s11 =	simm.s32 $0xE800  }
0x81: {  	[tilespmem:s11], [sflag:$0x2] =	stream.indirect_vreg.gather [hbm4b:s4+s1], $0x40, v12, vm0, $0xb8;
	[tilespmem:$0x1D000] =	vst v63  }
0x82: {  	v12 =	vld [tilespmem:$0x6490];
	_ =	sdelay $0x6  }
0x83: {  	s12 =	simm.s32 $0xEC00  }
0x84: {  	[tilespmem:s12], [sflag:$0x2] =	stream.indirect_vreg.gather [hbm4b:s4+s1], $0x40, v12, vm0, $0xb8;
	[tilespmem:$0x1D000] =	vst v63  }
0x85: {  	v12 =	vld [tilespmem:$0x64A0];
	_ =	sdelay $0x6  }
0x86: {  	s31 =	simm.s32 $0xF000  }
0x87: {  	[tilespmem:s31], [sflag:$0x2] =	stream.indirect_vreg.gather [hbm4b:s4+s1], $0x40, v12, vm0, $0xb8;
	[tilespmem:$0x1D000] =	vst v63  }
0x88: {  	v12 =	vld [tilespmem:$0x64B0];
	_ =	sdelay $0x6  }
0x89: {  	s5 =	simm.s32 $0xF400  }
0x8a: {  	[tilespmem:s5], [sflag:$0x2] =	stream.indirect_vreg.gather [hbm4b:s4+s1], $0x40, v12, vm0, $0xb8;
	[tilespmem:$0x1D000] =	vst v63  }
0x8b: {  	v12 =	vld [tilespmem:$0x64C0];
	_ =	sdelay $0x6  }
0x8c: {  	s6 =	simm.s32 $0xF800  }
0x8d: {  	[tilespmem:s6], [sflag:$0x2] =	stream.indirect_vreg.gather [hbm4b:s4+s1], $0x40, v12, vm0, $0xb8;
	[tilespmem:$0x1D000] =	vst v63  }
0x8e: {  	v12 =	vld [tilespmem:$0x64D0];
	_ =	sdelay $0x6  }
0x8f: {  	s8 =	simm.s32 $0xFC00  }
0x90: {  	[tilespmem:s8], [sflag:$0x2] =	stream.indirect_vreg.gather [hbm4b:s4+s1], $0x40, v12, vm0, $0xb8;
	[tilespmem:$0x1D000] =	vst v63  }
0x91: {  	v12 =	vld [tilespmem:$0x64E0];
	_ =	sdelay $0x6  }
0x92: {  	s9 =	simm.s32 $0x10000  }
0x93: {  	[tilespmem:s9], [sflag:$0x2] =	stream.indirect_vreg.gather [hbm4b:s4+s1], $0x40, v12, vm0, $0xb8;
	[tilespmem:$0x1D000] =	vst v63  }
0x94: {  	v12 =	vld [tilespmem:$0x64F0];
	_ =	sdelay $0x6  }
0x95: {  	s10 =	simm.s32 $0x10400  }
0x96: {  	[tilespmem:s10], [sflag:$0x2] =	stream.indirect_vreg.gather [hbm4b:s4+s1], $0x40, v12, vm0, $0xb8;
	[tilespmem:$0x1D000] =	vst v63  }
0x97: {  	v12 =	vld [tilespmem:$0x6500];
	_ =	sdelay $0x6  }
0x98: {  	s11 =	simm.s32 $0x10800  }
0x99: {  	[tilespmem:s11], [sflag:$0x3] =	stream.indirect_vreg.gather [hbm4b:s4+s1], $0x40, v12, vm0, $0xb8;
	[tilespmem:$0x1D000] =	vst v63  }
0x9a: {  	v12 =	vld [tilespmem:$0x6510];
	_ =	sdelay $0x6  }
0x9b: {  	s12 =	simm.s32 $0x10C00  }
0x9c: {  	[tilespmem:s12], [sflag:$0x3] =	stream.indirect_vreg.gather [hbm4b:s4+s1], $0x40, v12, vm0, $0xb8;
	[tilespmem:$0x1D000] =	vst v63  }
0x9d: {  	v12 =	vld [tilespmem:$0x6520];
	_ =	sdelay $0x6  }
0x9e: {  	s31 =	simm.s32 $0x11000  }
0x9f: {  	[tilespmem:s31], [sflag:$0x3] =	stream.indirect_vreg.gather [hbm4b:s4+s1], $0x40, v12, vm0, $0xb8;
	[tilespmem:$0x1D000] =	vst v63  }
0xa0: {  	v12 =	vld [tilespmem:$0x6530];
	_ =	sdelay $0x6  }
0xa1: {  	s5 =	simm.s32 $0x11400  }
0xa2: {  	[tilespmem:s5], [sflag:$0x3] =	stream.indirect_vreg.gather [hbm4b:s4+s1], $0x40, v12, vm0, $0xb8;
	[tilespmem:$0x1D000] =	vst v63  }
0xa3: {  	v12 =	vld [tilespmem:$0x6540];
	_ =	sdelay $0x6  }
0xa4: {  	s6 =	simm.s32 $0x11800  }
0xa5: {  	[tilespmem:s6], [sflag:$0x3] =	stream.indirect_vreg.gather [hbm4b:s4+s1], $0x40, v12, vm0, $0xb8;
	[tilespmem:$0x1D000] =	vst v63  }
0xa6: {  	v12 =	vld [tilespmem:$0x6550];
	_ =	sdelay $0x6  }
0xa7: {  	s8 =	simm.s32 $0x11C00  }
0xa8: {  	[tilespmem:s8], [sflag:$0x3] =	stream.indirect_vreg.gather [hbm4b:s4+s1], $0x40, v12, vm0, $0xb8;
	[tilespmem:$0x1D000] =	vst v63  }
0xa9: {  	v12 =	vld [tilespmem:$0x6560];
	_ =	sdelay $0x6  }
0xaa: {  	s9 =	simm.s32 $0x12000  }
0xab: {  	[tilespmem:s9], [sflag:$0x3] =	stream.indirect_vreg.gather [hbm4b:s4+s1], $0x40, v12, vm0, $0xb8;
	[tilespmem:$0x1D000] =	vst v63  }
0xac: {  	v12 =	vld [tilespmem:$0x6570];
	_ =	sdelay $0x6  }
0xad: {  	s10 =	simm.s32 $0x12400  }
0xae: {  	[tilespmem:s10], [sflag:$0x3] =	stream.indirect_vreg.gather [hbm4b:s4+s1], $0x40, v12, vm0, $0xb8;
	[tilespmem:$0x1D000] =	vst v63  }
0xaf: {  	v12 =	vld [tilespmem:$0x6580];
	_ =	sdelay $0x6  }
0xb0: {  	s11 =	simm.s32 $0x12800  }
0xb1: {  	[tilespmem:s11], [sflag:$0x4] =	stream.indirect_vreg.gather [hbm4b:s4+s1], $0x40, v12, vm0, $0xb8;
	[tilespmem:$0x1D000] =	vst v63  }
0xb2: {  	v12 =	vld [tilespmem:$0x6590];
	_ =	sdelay $0x6  }
0xb3: {  	s12 =	simm.s32 $0x12C00  }
0xb4: {  	[tilespmem:s12], [sflag:$0x4] =	stream.indirect_vreg.gather [hbm4b:s4+s1], $0x40, v12, vm0, $0xb8;
	[tilespmem:$0x1D000] =	vst v63  }
0xb5: {  	v12 =	vld [tilespmem:$0x65A0];
	_ =	sdelay $0x6  }
0xb6: {  	s31 =	simm.s32 $0x13000  }
0xb7: {  	[tilespmem:s31], [sflag:$0x4] =	stream.indirect_vreg.gather [hbm4b:s4+s1], $0x40, v12, vm0, $0xb8;
	[tilespmem:$0x1D000] =	vst v63  }
0xb8: {  	v12 =	vld [tilespmem:$0x65B0];
	_ =	sdelay $0x7  }
0xb9: {  	[tilespmem:s13], [sflag:$0x4] =	stream.indirect_vreg.gather [hbm4b:s4+s1], $0x40, v12, vm0, $0xb8;
	[tilespmem:$0x1D000] =	vst v63  }
0xba: {  	v12 =	vld [tilespmem:$0x65C0];
	_ =	sdelay $0x7  }
0xbb: {  	[tilespmem:s14], [sflag:$0x4] =	stream.indirect_vreg.gather [hbm4b:s4+s1], $0x40, v12, vm0, $0xb8;
	[tilespmem:$0x1D000] =	vst v63  }
0xbc: {  	v12 =	vld [tilespmem:$0x65D0];
	_ =	sdelay $0x7  }
0xbd: {  	[tilespmem:s15], [sflag:$0x4] =	stream.indirect_vreg.gather [hbm4b:s4+s1], $0x40, v12, vm0, $0xb8;
	[tilespmem:$0x1D000] =	vst v63  }
0xbe: {  	v12 =	vld [tilespmem:$0x65E0];
	_ =	sdelay $0x7  }
0xbf: {  	[tilespmem:s16], [sflag:$0x4] =	stream.indirect_vreg.gather [hbm4b:s4+s1], $0x40, v12, vm0, $0xb8;
	[tilespmem:$0x1D000] =	vst v63  }
0xc0: {  	v12 =	vld [tilespmem:$0x65F0];
	_ =	sdelay $0x7  }
0xc1: {  	[tilespmem:s17], [sflag:$0x4] =	stream.indirect_vreg.gather [hbm4b:s4+s1], $0x40, v12, vm0, $0xb8;
	[tilespmem:$0x1D000] =	vst v63  }
0xc2: {  	_ =	swait.ge [sflag:s18], $0x2000  }
0xc3: {  	[sflag:s18] =	ssyncset.done $0x0  }
0xc4: {  	s0 =	simm.s32 $0xC820;
	[sflag:s18] =	ssyncadd.s32 $0xFFFFE000  }
0xc5: {  	v12 =	vmov s1;
	v13 =	vld [tilespmem:s0+$0xFFFFFFE0]  }
0xc6: {  	v12 =	vand.u32 $0x7F, v12  }
0xc7: {  	v14 =	vadd.s32 v6, v12;
	_ =	sdelay $0x2  }
0xc8: {  	v13 =	vmul.f32 $8.000000000e+00, v13;
	_ =	sdelay $0x1  }
0xc9: {  	[tilespmem:v14+s19+$0x0] =	vst.idx.msk $0xffff, v13  }
0xca: {  	v13 =	vld [tilespmem:s0+$0xFFFFFFF0];
	_ =	sdelay $0x1  }
0xcb: {  	v14 =	vadd.s32 v9, v12;
	_ =	sdelay $0x2  }
0xcc: {  	v13 =	vmul.f32 $8.000000000e+00, v13;
	_ =	sdelay $0x1  }
0xcd: {  	[tilespmem:v14+s19+$0x0] =	vst.idx.msk $0xffff, v13  }
0xce: {  	v13 =	vld [tilespmem:s0+$0x0];
	_ =	sdelay $0x1  }
0xcf: {  	v14 =	vadd.s32 v10, v12;
	_ =	sdelay $0x2  }
0xd0: {  	v13 =	vmul.f32 $8.000000000e+00, v13;
	_ =	sdelay $0x1  }
0xd1: {  	[tilespmem:v14+s19+$0x0] =	vst.idx.msk $0xffff, v13  }
0xd2: {  	v13 =	vld [tilespmem:s0+$0x10];
	_ =	sdelay $0x1  }
0xd3: {  	v12 =	vadd.s32 v11, v12;
	_ =	sdelay $0x2  }
0xd4: {  	s1 =	simm.s32 $0x1;
	v13 =	vmul.f32 $8.000000000e+00, v13  }
.LBB2_4:
0xd5: {  	p0 =	sne.s32 s1, $0x7F  }
0xd6: {  	s0 =	sadd.s32 $0x40, s0;
	s5 =	smov.u32 s1;
	s1 =	sadd.s32 $0x1, s1;
	[tilespmem:v12+s19+$0x0] =	vst.idx.msk $0xffff, v13  }
0xd7: {  	v12 =	vmov s5;
	v13 =	vld [tilespmem:s0+$0xFFFFFFE0]  }
0xd8: {  	v12 =	vand.u32 $0x7F, v12  }
0xd9: {  	v14 =	vadd.s32 v6, v12;
	_ =	sdelay $0x2  }
0xda: {  	v13 =	vmul.f32 $8.000000000e+00, v13;
	_ =	sdelay $0x1  }
0xdb: {  	[tilespmem:v14+s19+$0x0] =	vst.idx.msk $0xffff, v13  }
0xdc: {  	v13 =	vld [tilespmem:s0+$0xFFFFFFF0];
	_ =	sdelay $0x1  }
0xdd: {  	v14 =	vadd.s32 v9, v12;
	_ =	sdelay $0x2  }
0xde: {  	v13 =	vmul.f32 $8.000000000e+00, v13;
	_ =	sdelay $0x1  }
0xdf: {  	[tilespmem:v14+s19+$0x0] =	vst.idx.msk $0xffff, v13  }
0xe0: {  	v13 =	vld [tilespmem:s0+$0x0];
	_ =	sdelay $0x1  }
0xe1: {  	v14 =	vadd.s32 v10, v12;
	_ =	sdelay $0x2  }
0xe2: {  	v13 =	vmul.f32 $8.000000000e+00, v13;
	_ =	sdelay $0x1  }
0xe3: {  	[tilespmem:v14+s19+$0x0] =	vst.idx.msk $0xffff, v13  }
0xe4: {  	v13 =	vld [tilespmem:s0+$0x10]  }
.Ltmp1:
0xe5: {  	(pc) =	sbr.rel @p0 .LBB2_4-.Ltmp1, $2  }
0xe6: {  	v12 =	vadd.s32 v11, v12;
	_ =	sdelay $0x2  }
0xe7: {  	v13 =	vmul.f32 $8.000000000e+00, v13  }
0xe8: {  	_ =	sdelay $0x3  }
0xe9: {  	s0 =	simm.s32 $0x14800;
	s6 =	rddreg [dreg:$0x4];
	[tilespmem:v12+s19+$0x0] =	vst.idx.msk $0xffff, v13  }
0xea: {  	[hbm4b:s6+s3] =	stream.linear.scatter [tilespmem:s0], [sflag:$0x5], $0x80, $0x38;
	[tilespmem:$0x1D000] =	vst v63  }
0xeb: {  	s11 =	simm.s32 $0x14888;
	s1 =	sadd.s32 $0x10, s6  }
0xec: {  	[hbm4b:s1+s3] =	stream.linear.scatter [tilespmem:s11], [sflag:$0x5], $0x80, $0x38;
	[tilespmem:$0x1D000] =	vst v63  }
0xed: {  	s12 =	simm.s32 $0x14910;
	s8 =	simm.s32 $0x14A20;
	s31 =	sadd.s32 $0x20, s6  }
0xee: {  	[hbm4b:s31+s3] =	stream.linear.scatter [tilespmem:s12], [sflag:$0x5], $0x80, $0x38;
	[tilespmem:$0x1D000] =	vst v63  }
0xef: {  	s10 =	simm.s32 $0x14AA8;
	s5 =	sadd.s32 $0x30, s6;
	s1 =	simm.s32 $0x14998  }
0xf0: {  	[hbm4b:s5+s3] =	stream.linear.scatter [tilespmem:s1], [sflag:$0x5], $0x80, $0x38;
	[tilespmem:$0x1D000] =	vst v63  }
0xf1: {  	s9 =	sadd.s32 $0x40, s6;
	s0 =	simm.s32 $0x440;
	s11 =	sadd.s32 $0x50, s6  }
0xf2: {  	[hbm4b:s9+s3] =	stream.linear.scatter [tilespmem:s8], [sflag:$0x5], $0x80, $0x38;
	[tilespmem:$0x1D000] =	vst v63  }
0xf3: {  	s12 =	simm.s32 $0x14B30;
	s31 =	sadd.s32 $0x60, s6;
	s5 =	simm.s32 $0x2200  }
0xf4: {  	[hbm4b:s11+s3] =	stream.linear.scatter [tilespmem:s10], [sflag:$0x5], $0x80, $0x38;
	[tilespmem:$0x1D000] =	vst v63  }
0xf5: {  	s1 =	sadd.s32 $0x1000, s6;
	s8 =	simm.s32 $0x14BB8;
	s9 =	sadd.s32 $0x70, s6  }
0xf6: {  	[hbm4b:s31+s3] =	stream.linear.scatter [tilespmem:s12], [sflag:$0x5], $0x80, $0x38;
	[tilespmem:$0x1D000] =	vst v63  }
.LBB2_6:
0xf7: {  	[hbm4b:s9+s3] =	stream.linear.scatter [tilespmem:s8], [sflag:$0x5], $0x80, $0x38;
	[tilespmem:$0x1D000] =	vst v63  }
0xf8: {  	s8 =	smov.u32 s0;
	s0 =	smov.u32 s5  }
0xf9: {  	s10 =	sadd.s32 $0x1100, s5;
	s0 =	sshra.s32 s0, $0x2;
	s9 =	sadd.s32 $0x14800, s8  }
0xfa: {  	[hbm4b:s1+s3] =	stream.linear.scatter [tilespmem:s9], [sflag:$0x5], $0x80, $0x38;
	[tilespmem:$0x1D000] =	vst v63  }
0xfb: {  	p0 =	sne.s32 s5, $0x7700;
	s5 =	sadd.s32 $0x14888, s8;
	s9 =	sadd.s32 $0x10, s1  }
0xfc: {  	[hbm4b:s9+s3] =	stream.linear.scatter [tilespmem:s5], [sflag:$0x5], $0x80, $0x38;
	[tilespmem:$0x1D000] =	vst v63  }
0xfd: {  	s5 =	sadd.s32 $0x14910, s8;
	s9 =	sadd.s32 $0x20, s1  }
0xfe: {  	[hbm4b:s9+s3] =	stream.linear.scatter [tilespmem:s5], [sflag:$0x5], $0x80, $0x38;
	[tilespmem:$0x1D000] =	vst v63  }
0xff: {  	s5 =	sadd.s32 $0x14998, s8;
	s9 =	sadd.s32 $0x30, s1  }
0x100: {  	[hbm4b:s9+s3] =	stream.linear.scatter [tilespmem:s5], [sflag:$0x5], $0x80, $0x38;
	[tilespmem:$0x1D000] =	vst v63  }
0x101: {  	s5 =	sadd.s32 $0x14A20, s8;
	s9 =	sadd.s32 $0x40, s1  }
0x102: {  	[hbm4b:s9+s3] =	stream.linear.scatter [tilespmem:s5], [sflag:$0x5], $0x80, $0x38;
	[tilespmem:$0x1D000] =	vst v63  }
.Ltmp2:
0x103: {  	s5 =	sadd.s32 $0x14AA8, s8;
	s9 =	sadd.s32 $0x50, s1;
	(pc) =	sbr.rel @p0 .LBB2_6-.Ltmp2, $4  }
0x104: {  	[hbm4b:s9+s3] =	stream.linear.scatter [tilespmem:s5], [sflag:$0x5], $0x80, $0x38;
	[tilespmem:$0x1D000] =	vst v63  }
0x105: {  	s5 =	sadd.s32 $0x14B30, s8;
	s9 =	sadd.s32 $0x60, s1;
	s8 =	sadd.s32 $0x14BB8, s8  }
0x106: {  	[hbm4b:s9+s3] =	stream.linear.scatter [tilespmem:s5], [sflag:$0x5], $0x80, $0x38;
	[tilespmem:$0x1D000] =	vst v63  }
0x107: {  	s9 =	sadd.s32 $0x70, s1;
	s1 =	sadd.s32 $0x1000, s1;
	s5 =	smov.u32 s10  }
0x108: {  	[hbm4b:s9+s3] =	stream.linear.scatter [tilespmem:s8], [sflag:$0x5], $0x80, $0x38;
	[tilespmem:$0x1D000] =	vst v63  }
0x109: {  	s5 =	sadd.s32 $0x14800, s0  }
0x10a: {  	[hbm4b:s1+s3] =	stream.linear.scatter [tilespmem:s5], [sflag:$0x5], $0x80, $0x38;
	[tilespmem:$0x1D000] =	vst v63  }
0x10b: {  	s11 =	sadd.s32 $0x14888, s0;
	s12 =	sadd.s32 $0x10, s1  }
0x10c: {  	[hbm4b:s12+s3] =	stream.linear.scatter [tilespmem:s11], [sflag:$0x5], $0x80, $0x38;
	[tilespmem:$0x1D000] =	vst v63  }
0x10d: {  	s31 =	sadd.s32 $0x14910, s0;
	s6 =	sadd.s32 $0x20, s1  }
0x10e: {  	[hbm4b:s6+s3] =	stream.linear.scatter [tilespmem:s31], [sflag:$0x5], $0x80, $0x38;
	[tilespmem:$0x1D000] =	vst v63  }
0x10f: {  	s9 =	sadd.s32 $0x14998, s0;
	s10 =	sadd.s32 $0x30, s1  }
0x110: {  	[hbm4b:s10+s3] =	stream.linear.scatter [tilespmem:s9], [sflag:$0x5], $0x80, $0x38;
	[tilespmem:$0x1D000] =	vst v63  }
0x111: {  	s11 =	sadd.s32 $0x14A20, s0;
	s12 =	sadd.s32 $0x40, s1  }
0x112: {  	[hbm4b:s12+s3] =	stream.linear.scatter [tilespmem:s11], [sflag:$0x5], $0x80, $0x38;
	[tilespmem:$0x1D000] =	vst v63  }
0x113: {  	s31 =	sadd.s32 $0x14AA8, s0;
	s6 =	sadd.s32 $0x50, s1  }
0x114: {  	[hbm4b:s6+s3] =	stream.linear.scatter [tilespmem:s31], [sflag:$0x5], $0x80, $0x38;
	[tilespmem:$0x1D000] =	vst v63  }
0x115: {  	s9 =	sadd.s32 $0x14B30, s0;
	s10 =	sadd.s32 $0x60, s1  }
0x116: {  	[hbm4b:s10+s3] =	stream.linear.scatter [tilespmem:s9], [sflag:$0x5], $0x80, $0x38;
	[tilespmem:$0x1D000] =	vst v63  }
0x117: {  	s11 =	sadd.s32 $0x14BB8, s0;
	s12 =	sadd.s32 $0x70, s1  }
0x118: {  	[hbm4b:s12+s3] =	stream.linear.scatter [tilespmem:s11], [sflag:$0x5], $0x80, $0x38;
	[tilespmem:$0x1D000] =	vst v63  }
0x119: {  	_ =	swait.ge [sflag:s20], $0x2000  }
0x11a: {  	[sflag:s20] =	ssyncset.done $0x0  }
0x11b: {  	s0 =	simm.s32 $0xE830;
	s31 =	simm.s32 $0x0;
	[sflag:s20] =	ssyncadd.s32 $0xFFFFE000  }
0x11c: {  	v12 =	vmov s31;
	v13 =	vld [tilespmem:s0+$0xFFFFFFD0]  }
0x11d: {  	v12 =	vand.u32 $0x7F, v12  }
0x11e: {  	v14 =	vadd.s32 v6, v12;
	_ =	sdelay $0x2  }
0x11f: {  	v13 =	vmul.f32 $8.000000000e+00, v13;
	_ =	sdelay $0x1  }
0x120: {  	[tilespmem:v14+s21+$0x0] =	vst.idx.msk $0xffff, v13  }
0x121: {  	v13 =	vld [tilespmem:s0+$0xFFFFFFE0];
	_ =	sdelay $0x1  }
0x122: {  	v14 =	vadd.s32 v9, v12;
	_ =	sdelay $0x2  }
0x123: {  	v13 =	vmul.f32 $8.000000000e+00, v13;
	_ =	sdelay $0x1  }
0x124: {  	[tilespmem:v14+s21+$0x0] =	vst.idx.msk $0xffff, v13  }
0x125: {  	v13 =	vld [tilespmem:s0+$0xFFFFFFF0];
	_ =	sdelay $0x1  }
0x126: {  	v14 =	vadd.s32 v10, v12;
	_ =	sdelay $0x2  }
0x127: {  	v13 =	vmul.f32 $8.000000000e+00, v13;
	_ =	sdelay $0x1  }
0x128: {  	[tilespmem:v14+s21+$0x0] =	vst.idx.msk $0xffff, v13  }
0x129: {  	v13 =	vld [tilespmem:s0+$0x0];
	_ =	sdelay $0x1  }
0x12a: {  	v12 =	vadd.s32 v11, v12;
	_ =	sdelay $0x2  }
0x12b: {  	s1 =	simm.s32 $0x1;
	v13 =	vmul.f32 $8.000000000e+00, v13  }
.LBB2_8:
0x12c: {  	p0 =	sne.s32 s1, $0x7F  }
0x12d: {  	s0 =	sadd.s32 $0x40, s0;
	s5 =	smov.u32 s1;
	s1 =	sadd.s32 $0x1, s1;
	[tilespmem:v12+s21+$0x0] =	vst.idx.msk $0xffff, v13  }
0x12e: {  	v12 =	vmov s5;
	v13 =	vld [tilespmem:s0+$0xFFFFFFD0]  }
0x12f: {  	v12 =	vand.u32 $0x7F, v12  }
0x130: {  	v14 =	vadd.s32 v6, v12;
	_ =	sdelay $0x2  }
0x131: {  	v13 =	vmul.f32 $8.000000000e+00, v13;
	_ =	sdelay $0x1  }
0x132: {  	[tilespmem:v14+s21+$0x0] =	vst.idx.msk $0xffff, v13  }
0x133: {  	v13 =	vld [tilespmem:s0+$0xFFFFFFE0];
	_ =	sdelay $0x1  }
0x134: {  	v14 =	vadd.s32 v9, v12;
	_ =	sdelay $0x2  }
0x135: {  	v13 =	vmul.f32 $8.000000000e+00, v13;
	_ =	sdelay $0x1  }
0x136: {  	[tilespmem:v14+s21+$0x0] =	vst.idx.msk $0xffff, v13  }
0x137: {  	v13 =	vld [tilespmem:s0+$0xFFFFFFF0];
	_ =	sdelay $0x1  }
0x138: {  	v14 =	vadd.s32 v10, v12;
	_ =	sdelay $0x2  }
0x139: {  	v13 =	vmul.f32 $8.000000000e+00, v13;
	_ =	sdelay $0x1  }
0x13a: {  	[tilespmem:v14+s21+$0x0] =	vst.idx.msk $0xffff, v13  }
0x13b: {  	v13 =	vld [tilespmem:s0+$0x0]  }
.Ltmp3:
0x13c: {  	(pc) =	sbr.rel @p0 .LBB2_8-.Ltmp3, $2  }
0x13d: {  	v12 =	vadd.s32 v11, v12;
	_ =	sdelay $0x2  }
0x13e: {  	v13 =	vmul.f32 $8.000000000e+00, v13  }
0x13f: {  	_ =	sdelay $0x3  }
0x140: {  	s0 =	simm.s32 $0x16A00;
	s6 =	rddreg [dreg:$0x5];
	[tilespmem:v12+s21+$0x0] =	vst.idx.msk $0xffff, v13  }
0x141: {  	[hbm4b:s6+s3] =	stream.linear.scatter [tilespmem:s0], [sflag:$0x6], $0x80, $0x38;
	[tilespmem:$0x1D000] =	vst v63  }
0x142: {  	s11 =	simm.s32 $0x16A88;
	s1 =	sadd.s32 $0x10, s6  }
0x143: {  	[hbm4b:s1+s3] =	stream.linear.scatter [tilespmem:s11], [sflag:$0x6], $0x80, $0x38;
	[tilespmem:$0x1D000] =	vst v63  }
0x144: {  	s12 =	simm.s32 $0x16B10;
	s8 =	simm.s32 $0x16C20;
	s31 =	sadd.s32 $0x20, s6  }
0x145: {  	[hbm4b:s31+s3] =	stream.linear.scatter [tilespmem:s12], [sflag:$0x6], $0x80, $0x38;
	[tilespmem:$0x1D000] =	vst v63  }
0x146: {  	s10 =	simm.s32 $0x16CA8;
	s5 =	sadd.s32 $0x30, s6;
	s1 =	simm.s32 $0x16B98  }
0x147: {  	[hbm4b:s5+s3] =	stream.linear.scatter [tilespmem:s1], [sflag:$0x6], $0x80, $0x38;
	[tilespmem:$0x1D000] =	vst v63  }
0x148: {  	s9 =	sadd.s32 $0x40, s6;
	s0 =	simm.s32 $0x440;
	s11 =	sadd.s32 $0x50, s6  }
0x149: {  	[hbm4b:s9+s3] =	stream.linear.scatter [tilespmem:s8], [sflag:$0x6], $0x80, $0x38;
	[tilespmem:$0x1D000] =	vst v63  }
0x14a: {  	s12 =	simm.s32 $0x16D30;
	s31 =	sadd.s32 $0x60, s6;
	s5 =	simm.s32 $0x2200  }
0x14b: {  	[hbm4b:s11+s3] =	stream.linear.scatter [tilespmem:s10], [sflag:$0x6], $0x80, $0x38;
	[tilespmem:$0x1D000] =	vst v63  }
0x14c: {  	s1 =	sadd.s32 $0x1000, s6;
	s8 =	simm.s32 $0x16DB8;
	s9 =	sadd.s32 $0x70, s6  }
0x14d: {  	[hbm4b:s31+s3] =	stream.linear.scatter [tilespmem:s12], [sflag:$0x6], $0x80, $0x38;
	[tilespmem:$0x1D000] =	vst v63  }
.LBB2_10:
0x14e: {  	[hbm4b:s9+s3] =	stream.linear.scatter [tilespmem:s8], [sflag:$0x6], $0x80, $0x38;
	[tilespmem:$0x1D000] =	vst v63  }
0x14f: {  	s8 =	smov.u32 s0;
	s0 =	smov.u32 s5  }
0x150: {  	s10 =	sadd.s32 $0x1100, s5;
	s0 =	sshra.s32 s0, $0x2;
	s9 =	sadd.s32 $0x16A00, s8  }
0x151: {  	[hbm4b:s1+s3] =	stream.linear.scatter [tilespmem:s9], [sflag:$0x6], $0x80, $0x38;
	[tilespmem:$0x1D000] =	vst v63  }
0x152: {  	p0 =	sne.s32 s5, $0x7700;
	s5 =	sadd.s32 $0x16A88, s8;
	s9 =	sadd.s32 $0x10, s1  }
0x153: {  	[hbm4b:s9+s3] =	stream.linear.scatter [tilespmem:s5], [sflag:$0x6], $0x80, $0x38;
	[tilespmem:$0x1D000] =	vst v63  }
0x154: {  	s5 =	sadd.s32 $0x16B10, s8;
	s9 =	sadd.s32 $0x20, s1  }
0x155: {  	[hbm4b:s9+s3] =	stream.linear.scatter [tilespmem:s5], [sflag:$0x6], $0x80, $0x38;
	[tilespmem:$0x1D000] =	vst v63  }
0x156: {  	s5 =	sadd.s32 $0x16B98, s8;
	s9 =	sadd.s32 $0x30, s1  }
0x157: {  	[hbm4b:s9+s3] =	stream.linear.scatter [tilespmem:s5], [sflag:$0x6], $0x80, $0x38;
	[tilespmem:$0x1D000] =	vst v63  }
0x158: {  	s5 =	sadd.s32 $0x16C20, s8;
	s9 =	sadd.s32 $0x40, s1  }
0x159: {  	[hbm4b:s9+s3] =	stream.linear.scatter [tilespmem:s5], [sflag:$0x6], $0x80, $0x38;
	[tilespmem:$0x1D000] =	vst v63  }
.Ltmp4:
0x15a: {  	s5 =	sadd.s32 $0x16CA8, s8;
	s9 =	sadd.s32 $0x50, s1;
	(pc) =	sbr.rel @p0 .LBB2_10-.Ltmp4, $4  }
0x15b: {  	[hbm4b:s9+s3] =	stream.linear.scatter [tilespmem:s5], [sflag:$0x6], $0x80, $0x38;
	[tilespmem:$0x1D000] =	vst v63  }
0x15c: {  	s5 =	sadd.s32 $0x16D30, s8;
	s9 =	sadd.s32 $0x60, s1;
	s8 =	sadd.s32 $0x16DB8, s8  }
0x15d: {  	[hbm4b:s9+s3] =	stream.linear.scatter [tilespmem:s5], [sflag:$0x6], $0x80, $0x38;
	[tilespmem:$0x1D000] =	vst v63  }
0x15e: {  	s9 =	sadd.s32 $0x70, s1;
	s1 =	sadd.s32 $0x1000, s1;
	s5 =	smov.u32 s10  }
0x15f: {  	[hbm4b:s9+s3] =	stream.linear.scatter [tilespmem:s8], [sflag:$0x6], $0x80, $0x38;
	[tilespmem:$0x1D000] =	vst v63  }
0x160: {  	s5 =	sadd.s32 $0x16A00, s0  }
0x161: {  	[hbm4b:s1+s3] =	stream.linear.scatter [tilespmem:s5], [sflag:$0x6], $0x80, $0x38;
	[tilespmem:$0x1D000] =	vst v63  }
0x162: {  	s11 =	sadd.s32 $0x16A88, s0;
	s12 =	sadd.s32 $0x10, s1  }
0x163: {  	[hbm4b:s12+s3] =	stream.linear.scatter [tilespmem:s11], [sflag:$0x6], $0x80, $0x38;
	[tilespmem:$0x1D000] =	vst v63  }
0x164: {  	s31 =	sadd.s32 $0x16B10, s0;
	s6 =	sadd.s32 $0x20, s1  }
0x165: {  	[hbm4b:s6+s3] =	stream.linear.scatter [tilespmem:s31], [sflag:$0x6], $0x80, $0x38;
	[tilespmem:$0x1D000] =	vst v63  }
0x166: {  	s9 =	sadd.s32 $0x16B98, s0;
	s10 =	sadd.s32 $0x30, s1  }
0x167: {  	[hbm4b:s10+s3] =	stream.linear.scatter [tilespmem:s9], [sflag:$0x6], $0x80, $0x38;
	[tilespmem:$0x1D000] =	vst v63  }
0x168: {  	s11 =	sadd.s32 $0x16C20, s0;
	s12 =	sadd.s32 $0x40, s1  }
0x169: {  	[hbm4b:s12+s3] =	stream.linear.scatter [tilespmem:s11], [sflag:$0x6], $0x80, $0x38;
	[tilespmem:$0x1D000] =	vst v63  }
0x16a: {  	s31 =	sadd.s32 $0x16CA8, s0;
	s6 =	sadd.s32 $0x50, s1  }
0x16b: {  	[hbm4b:s6+s3] =	stream.linear.scatter [tilespmem:s31], [sflag:$0x6], $0x80, $0x38;
	[tilespmem:$0x1D000] =	vst v63  }
0x16c: {  	s9 =	sadd.s32 $0x16D30, s0;
	s10 =	sadd.s32 $0x60, s1  }
0x16d: {  	[hbm4b:s10+s3] =	stream.linear.scatter [tilespmem:s9], [sflag:$0x6], $0x80, $0x38;
	[tilespmem:$0x1D000] =	vst v63  }
0x16e: {  	s11 =	sadd.s32 $0x16DB8, s0;
	s12 =	sadd.s32 $0x70, s1  }
0x16f: {  	[hbm4b:s12+s3] =	stream.linear.scatter [tilespmem:s11], [sflag:$0x6], $0x80, $0x38;
	[tilespmem:$0x1D000] =	vst v63  }
0x170: {  	_ =	swait.ge [sflag:s22], $0x2000  }
0x171: {  	[sflag:s22] =	ssyncset.done $0x0  }
0x172: {  	s0 =	simm.s32 $0x10800;
	s31 =	simm.s32 $0x0;
	[sflag:s22] =	ssyncadd.s32 $0xFFFFE000  }
0x173: {  	v12 =	vmov s31;
	v13 =	vld [tilespmem:s0+$0x0]  }
0x174: {  	v12 =	vand.u32 $0x7F, v12  }
0x175: {  	v14 =	vadd.s32 v6, v12;
	_ =	sdelay $0x2  }
0x176: {  	v13 =	vmul.f32 $8.000000000e+00, v13;
	_ =	sdelay $0x1  }
0x177: {  	[tilespmem:v14+s23+$0x0] =	vst.idx.msk $0xffff, v13  }
0x178: {  	v13 =	vld [tilespmem:s0+$0x10];
	_ =	sdelay $0x1  }
0x179: {  	v14 =	vadd.s32 v9, v12;
	_ =	sdelay $0x2  }
0x17a: {  	v13 =	vmul.f32 $8.000000000e+00, v13;
	_ =	sdelay $0x1  }
0x17b: {  	[tilespmem:v14+s23+$0x0] =	vst.idx.msk $0xffff, v13  }
0x17c: {  	v13 =	vld [tilespmem:s0+$0x20];
	_ =	sdelay $0x1  }
0x17d: {  	v14 =	vadd.s32 v10, v12;
	_ =	sdelay $0x2  }
0x17e: {  	v13 =	vmul.f32 $8.000000000e+00, v13;
	_ =	sdelay $0x1  }
0x17f: {  	[tilespmem:v14+s23+$0x0] =	vst.idx.msk $0xffff, v13  }
0x180: {  	v13 =	vld [tilespmem:s0+$0x30];
	_ =	sdelay $0x1  }
0x181: {  	v12 =	vadd.s32 v11, v12;
	_ =	sdelay $0x2  }
0x182: {  	s1 =	simm.s32 $0x1;
	v13 =	vmul.f32 $8.000000000e+00, v13  }
.LBB2_12:
0x183: {  	p0 =	sne.s32 s1, $0x7F  }
0x184: {  	s0 =	sadd.s32 $0x40, s0;
	s5 =	smov.u32 s1;
	s1 =	sadd.s32 $0x1, s1;
	[tilespmem:v12+s23+$0x0] =	vst.idx.msk $0xffff, v13  }
0x185: {  	v12 =	vmov s5;
	v13 =	vld [tilespmem:s0+$0x0]  }
0x186: {  	v12 =	vand.u32 $0x7F, v12  }
0x187: {  	v14 =	vadd.s32 v6, v12;
	_ =	sdelay $0x2  }
0x188: {  	v13 =	vmul.f32 $8.000000000e+00, v13;
	_ =	sdelay $0x1  }
0x189: {  	[tilespmem:v14+s23+$0x0] =	vst.idx.msk $0xffff, v13  }
0x18a: {  	v13 =	vld [tilespmem:s0+$0x10];
	_ =	sdelay $0x1  }
0x18b: {  	v14 =	vadd.s32 v9, v12;
	_ =	sdelay $0x2  }
0x18c: {  	v13 =	vmul.f32 $8.000000000e+00, v13;
	_ =	sdelay $0x1  }
0x18d: {  	[tilespmem:v14+s23+$0x0] =	vst.idx.msk $0xffff, v13  }
0x18e: {  	v13 =	vld [tilespmem:s0+$0x20];
	_ =	sdelay $0x1  }
0x18f: {  	v14 =	vadd.s32 v10, v12;
	_ =	sdelay $0x2  }
0x190: {  	v13 =	vmul.f32 $8.000000000e+00, v13;
	_ =	sdelay $0x1  }
0x191: {  	[tilespmem:v14+s23+$0x0] =	vst.idx.msk $0xffff, v13  }
0x192: {  	v13 =	vld [tilespmem:s0+$0x30]  }
.Ltmp5:
0x193: {  	(pc) =	sbr.rel @p0 .LBB2_12-.Ltmp5, $2  }
0x194: {  	v12 =	vadd.s32 v11, v12;
	_ =	sdelay $0x2  }
0x195: {  	v13 =	vmul.f32 $8.000000000e+00, v13  }
0x196: {  	_ =	sdelay $0x3  }
0x197: {  	s0 =	simm.s32 $0x18C00;
	s6 =	rddreg [dreg:$0x6];
	[tilespmem:v12+s23+$0x0] =	vst.idx.msk $0xffff, v13  }
0x198: {  	[hbm4b:s6+s3] =	stream.linear.scatter [tilespmem:s0], [sflag:$0x7], $0x80, $0x38;
	[tilespmem:$0x1D000] =	vst v63  }
0x199: {  	s11 =	simm.s32 $0x18C88;
	s1 =	sadd.s32 $0x10, s6  }
0x19a: {  	[hbm4b:s1+s3] =	stream.linear.scatter [tilespmem:s11], [sflag:$0x7], $0x80, $0x38;
	[tilespmem:$0x1D000] =	vst v63  }
0x19b: {  	s12 =	simm.s32 $0x18D10;
	s8 =	simm.s32 $0x18E20;
	s31 =	sadd.s32 $0x20, s6  }
0x19c: {  	[hbm4b:s31+s3] =	stream.linear.scatter [tilespmem:s12], [sflag:$0x7], $0x80, $0x38;
	[tilespmem:$0x1D000] =	vst v63  }
0x19d: {  	s10 =	simm.s32 $0x18EA8;
	s5 =	sadd.s32 $0x30, s6;
	s1 =	simm.s32 $0x18D98  }
0x19e: {  	[hbm4b:s5+s3] =	stream.linear.scatter [tilespmem:s1], [sflag:$0x7], $0x80, $0x38;
	[tilespmem:$0x1D000] =	vst v63  }
0x19f: {  	s9 =	sadd.s32 $0x40, s6;
	s0 =	simm.s32 $0x440;
	s11 =	sadd.s32 $0x50, s6  }
0x1a0: {  	[hbm4b:s9+s3] =	stream.linear.scatter [tilespmem:s8], [sflag:$0x7], $0x80, $0x38;
	[tilespmem:$0x1D000] =	vst v63  }
0x1a1: {  	s12 =	simm.s32 $0x18F30;
	s31 =	sadd.s32 $0x60, s6;
	s5 =	simm.s32 $0x2200  }
0x1a2: {  	[hbm4b:s11+s3] =	stream.linear.scatter [tilespmem:s10], [sflag:$0x7], $0x80, $0x38;
	[tilespmem:$0x1D000] =	vst v63  }
0x1a3: {  	s1 =	sadd.s32 $0x1000, s6;
	s8 =	simm.s32 $0x18FB8;
	s9 =	sadd.s32 $0x70, s6  }
0x1a4: {  	[hbm4b:s31+s3] =	stream.linear.scatter [tilespmem:s12], [sflag:$0x7], $0x80, $0x38;
	[tilespmem:$0x1D000] =	vst v63  }
.LBB2_14:
0x1a5: {  	[hbm4b:s9+s3] =	stream.linear.scatter [tilespmem:s8], [sflag:$0x7], $0x80, $0x38;
	[tilespmem:$0x1D000] =	vst v63  }
0x1a6: {  	s8 =	smov.u32 s0;
	s0 =	smov.u32 s5  }
0x1a7: {  	s10 =	sadd.s32 $0x1100, s5;
	s0 =	sshra.s32 s0, $0x2;
	s9 =	sadd.s32 $0x18C00, s8  }
0x1a8: {  	[hbm4b:s1+s3] =	stream.linear.scatter [tilespmem:s9], [sflag:$0x7], $0x80, $0x38;
	[tilespmem:$0x1D000] =	vst v63  }
0x1a9: {  	p0 =	sne.s32 s5, $0x7700;
	s5 =	sadd.s32 $0x18C88, s8;
	s9 =	sadd.s32 $0x10, s1  }
0x1aa: {  	[hbm4b:s9+s3] =	stream.linear.scatter [tilespmem:s5], [sflag:$0x7], $0x80, $0x38;
	[tilespmem:$0x1D000] =	vst v63  }
0x1ab: {  	s5 =	sadd.s32 $0x18D10, s8;
	s9 =	sadd.s32 $0x20, s1  }
0x1ac: {  	[hbm4b:s9+s3] =	stream.linear.scatter [tilespmem:s5], [sflag:$0x7], $0x80, $0x38;
	[tilespmem:$0x1D000] =	vst v63  }
0x1ad: {  	s5 =	sadd.s32 $0x18D98, s8;
	s9 =	sadd.s32 $0x30, s1  }
0x1ae: {  	[hbm4b:s9+s3] =	stream.linear.scatter [tilespmem:s5], [sflag:$0x7], $0x80, $0x38;
	[tilespmem:$0x1D000] =	vst v63  }
0x1af: {  	s5 =	sadd.s32 $0x18E20, s8;
	s9 =	sadd.s32 $0x40, s1  }
0x1b0: {  	[hbm4b:s9+s3] =	stream.linear.scatter [tilespmem:s5], [sflag:$0x7], $0x80, $0x38;
	[tilespmem:$0x1D000] =	vst v63  }
.Ltmp6:
0x1b1: {  	s5 =	sadd.s32 $0x18EA8, s8;
	s9 =	sadd.s32 $0x50, s1;
	(pc) =	sbr.rel @p0 .LBB2_14-.Ltmp6, $4  }
0x1b2: {  	[hbm4b:s9+s3] =	stream.linear.scatter [tilespmem:s5], [sflag:$0x7], $0x80, $0x38;
	[tilespmem:$0x1D000] =	vst v63  }
0x1b3: {  	s5 =	sadd.s32 $0x18F30, s8;
	s9 =	sadd.s32 $0x60, s1;
	s8 =	sadd.s32 $0x18FB8, s8  }
0x1b4: {  	[hbm4b:s9+s3] =	stream.linear.scatter [tilespmem:s5], [sflag:$0x7], $0x80, $0x38;
	[tilespmem:$0x1D000] =	vst v63  }
0x1b5: {  	s9 =	sadd.s32 $0x70, s1;
	s1 =	sadd.s32 $0x1000, s1;
	s5 =	smov.u32 s10  }
0x1b6: {  	[hbm4b:s9+s3] =	stream.linear.scatter [tilespmem:s8], [sflag:$0x7], $0x80, $0x38;
	[tilespmem:$0x1D000] =	vst v63  }
0x1b7: {  	s5 =	sadd.s32 $0x18C00, s0  }
0x1b8: {  	[hbm4b:s1+s3] =	stream.linear.scatter [tilespmem:s5], [sflag:$0x7], $0x80, $0x38;
	[tilespmem:$0x1D000] =	vst v63  }
0x1b9: {  	s11 =	sadd.s32 $0x18C88, s0;
	s12 =	sadd.s32 $0x10, s1  }
0x1ba: {  	[hbm4b:s12+s3] =	stream.linear.scatter [tilespmem:s11], [sflag:$0x7], $0x80, $0x38;
	[tilespmem:$0x1D000] =	vst v63  }
0x1bb: {  	s31 =	sadd.s32 $0x18D10, s0;
	s6 =	sadd.s32 $0x20, s1  }
0x1bc: {  	[hbm4b:s6+s3] =	stream.linear.scatter [tilespmem:s31], [sflag:$0x7], $0x80, $0x38;
	[tilespmem:$0x1D000] =	vst v63  }
0x1bd: {  	s9 =	sadd.s32 $0x18D98, s0;
	s10 =	sadd.s32 $0x30, s1  }
0x1be: {  	[hbm4b:s10+s3] =	stream.linear.scatter [tilespmem:s9], [sflag:$0x7], $0x80, $0x38;
	[tilespmem:$0x1D000] =	vst v63  }
0x1bf: {  	s11 =	sadd.s32 $0x18E20, s0;
	s12 =	sadd.s32 $0x40, s1  }
0x1c0: {  	[hbm4b:s12+s3] =	stream.linear.scatter [tilespmem:s11], [sflag:$0x7], $0x80, $0x38;
	[tilespmem:$0x1D000] =	vst v63  }
0x1c1: {  	s31 =	sadd.s32 $0x18EA8, s0;
	s6 =	sadd.s32 $0x50, s1  }
0x1c2: {  	[hbm4b:s6+s3] =	stream.linear.scatter [tilespmem:s31], [sflag:$0x7], $0x80, $0x38;
	[tilespmem:$0x1D000] =	vst v63  }
0x1c3: {  	s9 =	sadd.s32 $0x18F30, s0;
	s10 =	sadd.s32 $0x60, s1  }
0x1c4: {  	[hbm4b:s10+s3] =	stream.linear.scatter [tilespmem:s9], [sflag:$0x7], $0x80, $0x38;
	[tilespmem:$0x1D000] =	vst v63  }
0x1c5: {  	s11 =	sadd.s32 $0x18FB8, s0;
	s12 =	sadd.s32 $0x70, s1  }
0x1c6: {  	[hbm4b:s12+s3] =	stream.linear.scatter [tilespmem:s11], [sflag:$0x7], $0x80, $0x38;
	[tilespmem:$0x1D000] =	vst v63  }
0x1c7: {  	_ =	swait.ge [sflag:s24], $0x2000  }
0x1c8: {  	[sflag:s24] =	ssyncset.done $0x0  }
0x1c9: {  	s0 =	simm.s32 $0x12800;
	s31 =	simm.s32 $0x0;
	[sflag:s24] =	ssyncadd.s32 $0xFFFFE000  }
0x1ca: {  	v12 =	vmov s31;
	v13 =	vld [tilespmem:s0+$0x0]  }
0x1cb: {  	v12 =	vand.u32 $0x7F, v12  }
0x1cc: {  	v14 =	vadd.s32 v6, v12;
	_ =	sdelay $0x2  }
0x1cd: {  	v13 =	vmul.f32 $8.000000000e+00, v13;
	_ =	sdelay $0x1  }
0x1ce: {  	[tilespmem:v14+s25+$0x0] =	vst.idx.msk $0xffff, v13  }
0x1cf: {  	v13 =	vld [tilespmem:s0+$0x10];
	_ =	sdelay $0x1  }
0x1d0: {  	v14 =	vadd.s32 v9, v12;
	_ =	sdelay $0x2  }
0x1d1: {  	v13 =	vmul.f32 $8.000000000e+00, v13;
	_ =	sdelay $0x1  }
0x1d2: {  	[tilespmem:v14+s25+$0x0] =	vst.idx.msk $0xffff, v13  }
0x1d3: {  	v13 =	vld [tilespmem:s0+$0x20];
	_ =	sdelay $0x1  }
0x1d4: {  	v14 =	vadd.s32 v10, v12;
	_ =	sdelay $0x2  }
0x1d5: {  	v13 =	vmul.f32 $8.000000000e+00, v13;
	_ =	sdelay $0x1  }
0x1d6: {  	[tilespmem:v14+s25+$0x0] =	vst.idx.msk $0xffff, v13  }
0x1d7: {  	v13 =	vld [tilespmem:s0+$0x30];
	_ =	sdelay $0x1  }
0x1d8: {  	v12 =	vadd.s32 v11, v12;
	_ =	sdelay $0x2  }
0x1d9: {  	s1 =	simm.s32 $0x1;
	v13 =	vmul.f32 $8.000000000e+00, v13  }
.LBB2_16:
0x1da: {  	p0 =	sne.s32 s1, $0x7F  }
0x1db: {  	s0 =	sadd.s32 $0x40, s0;
	s5 =	smov.u32 s1;
	s1 =	sadd.s32 $0x1, s1;
	[tilespmem:v12+s25+$0x0] =	vst.idx.msk $0xffff, v13  }
0x1dc: {  	v12 =	vmov s5;
	v13 =	vld [tilespmem:s0+$0x0]  }
0x1dd: {  	v12 =	vand.u32 $0x7F, v12  }
0x1de: {  	v14 =	vadd.s32 v6, v12;
	_ =	sdelay $0x2  }
0x1df: {  	v13 =	vmul.f32 $8.000000000e+00, v13;
	_ =	sdelay $0x1  }
0x1e0: {  	[tilespmem:v14+s25+$0x0] =	vst.idx.msk $0xffff, v13  }
0x1e1: {  	v13 =	vld [tilespmem:s0+$0x10];
	_ =	sdelay $0x1  }
0x1e2: {  	v14 =	vadd.s32 v9, v12;
	_ =	sdelay $0x2  }
0x1e3: {  	v13 =	vmul.f32 $8.000000000e+00, v13;
	_ =	sdelay $0x1  }
0x1e4: {  	[tilespmem:v14+s25+$0x0] =	vst.idx.msk $0xffff, v13  }
0x1e5: {  	v13 =	vld [tilespmem:s0+$0x20];
	_ =	sdelay $0x1  }
0x1e6: {  	v14 =	vadd.s32 v10, v12;
	_ =	sdelay $0x2  }
0x1e7: {  	v13 =	vmul.f32 $8.000000000e+00, v13;
	_ =	sdelay $0x1  }
0x1e8: {  	[tilespmem:v14+s25+$0x0] =	vst.idx.msk $0xffff, v13  }
0x1e9: {  	v13 =	vld [tilespmem:s0+$0x30]  }
.Ltmp7:
0x1ea: {  	(pc) =	sbr.rel @p0 .LBB2_16-.Ltmp7, $2  }
0x1eb: {  	v12 =	vadd.s32 v11, v12;
	_ =	sdelay $0x2  }
0x1ec: {  	v13 =	vmul.f32 $8.000000000e+00, v13  }
0x1ed: {  	_ =	sdelay $0x3  }
0x1ee: {  	s0 =	simm.s32 $0x1AE00;
	s6 =	rddreg [dreg:$0x7];
	[tilespmem:v12+s25+$0x0] =	vst.idx.msk $0xffff, v13  }
0x1ef: {  	[hbm4b:s6+s3] =	stream.linear.scatter [tilespmem:s0], [sflag:$0x8], $0x80, $0x38;
	[tilespmem:$0x1D000] =	vst v63  }
0x1f0: {  	s11 =	simm.s32 $0x1AE88;
	s1 =	sadd.s32 $0x10, s6  }
0x1f1: {  	[hbm4b:s1+s3] =	stream.linear.scatter [tilespmem:s11], [sflag:$0x8], $0x80, $0x38;
	[tilespmem:$0x1D000] =	vst v63  }
0x1f2: {  	s12 =	simm.s32 $0x1AF10;
	s8 =	simm.s32 $0x1B020;
	s31 =	sadd.s32 $0x20, s6  }
0x1f3: {  	[hbm4b:s31+s3] =	stream.linear.scatter [tilespmem:s12], [sflag:$0x8], $0x80, $0x38;
	[tilespmem:$0x1D000] =	vst v63  }
0x1f4: {  	s10 =	simm.s32 $0x1B0A8;
	s5 =	sadd.s32 $0x30, s6;
	s1 =	simm.s32 $0x1AF98  }
0x1f5: {  	[hbm4b:s5+s3] =	stream.linear.scatter [tilespmem:s1], [sflag:$0x8], $0x80, $0x38;
	[tilespmem:$0x1D000] =	vst v63  }
0x1f6: {  	s9 =	sadd.s32 $0x40, s6;
	s0 =	simm.s32 $0x440;
	s11 =	sadd.s32 $0x50, s6  }
0x1f7: {  	[hbm4b:s9+s3] =	stream.linear.scatter [tilespmem:s8], [sflag:$0x8], $0x80, $0x38;
	[tilespmem:$0x1D000] =	vst v63  }
0x1f8: {  	s12 =	simm.s32 $0x1B130;
	s31 =	sadd.s32 $0x60, s6;
	s5 =	simm.s32 $0x2200  }
0x1f9: {  	[hbm4b:s11+s3] =	stream.linear.scatter [tilespmem:s10], [sflag:$0x8], $0x80, $0x38;
	[tilespmem:$0x1D000] =	vst v63  }
0x1fa: {  	s1 =	sadd.s32 $0x1000, s6;
	s8 =	simm.s32 $0x1B1B8;
	s9 =	sadd.s32 $0x70, s6  }
0x1fb: {  	[hbm4b:s31+s3] =	stream.linear.scatter [tilespmem:s12], [sflag:$0x8], $0x80, $0x38;
	[tilespmem:$0x1D000] =	vst v63  }
.LBB2_18:
0x1fc: {  	[hbm4b:s9+s3] =	stream.linear.scatter [tilespmem:s8], [sflag:$0x8], $0x80, $0x38;
	[tilespmem:$0x1D000] =	vst v63  }
0x1fd: {  	s8 =	smov.u32 s0;
	s0 =	smov.u32 s5  }
0x1fe: {  	s10 =	sadd.s32 $0x1100, s5;
	s0 =	sshra.s32 s0, $0x2;
	s9 =	sadd.s32 $0x1AE00, s8  }
0x1ff: {  	[hbm4b:s1+s3] =	stream.linear.scatter [tilespmem:s9], [sflag:$0x8], $0x80, $0x38;
	[tilespmem:$0x1D000] =	vst v63  }
0x200: {  	p0 =	sne.s32 s5, $0x7700;
	s5 =	sadd.s32 $0x1AE88, s8;
	s9 =	sadd.s32 $0x10, s1  }
0x201: {  	[hbm4b:s9+s3] =	stream.linear.scatter [tilespmem:s5], [sflag:$0x8], $0x80, $0x38;
	[tilespmem:$0x1D000] =	vst v63  }
0x202: {  	s5 =	sadd.s32 $0x1AF10, s8;
	s9 =	sadd.s32 $0x20, s1  }
0x203: {  	[hbm4b:s9+s3] =	stream.linear.scatter [tilespmem:s5], [sflag:$0x8], $0x80, $0x38;
	[tilespmem:$0x1D000] =	vst v63  }
0x204: {  	s5 =	sadd.s32 $0x1AF98, s8;
	s9 =	sadd.s32 $0x30, s1  }
0x205: {  	[hbm4b:s9+s3] =	stream.linear.scatter [tilespmem:s5], [sflag:$0x8], $0x80, $0x38;
	[tilespmem:$0x1D000] =	vst v63  }
0x206: {  	s5 =	sadd.s32 $0x1B020, s8;
	s9 =	sadd.s32 $0x40, s1  }
0x207: {  	[hbm4b:s9+s3] =	stream.linear.scatter [tilespmem:s5], [sflag:$0x8], $0x80, $0x38;
	[tilespmem:$0x1D000] =	vst v63  }
.Ltmp8:
0x208: {  	s5 =	sadd.s32 $0x1B0A8, s8;
	s9 =	sadd.s32 $0x50, s1;
	(pc) =	sbr.rel @p0 .LBB2_18-.Ltmp8, $4  }
0x209: {  	[hbm4b:s9+s3] =	stream.linear.scatter [tilespmem:s5], [sflag:$0x8], $0x80, $0x38;
	[tilespmem:$0x1D000] =	vst v63  }
0x20a: {  	s5 =	sadd.s32 $0x1B130, s8;
	s9 =	sadd.s32 $0x60, s1;
	s8 =	sadd.s32 $0x1B1B8, s8  }
0x20b: {  	[hbm4b:s9+s3] =	stream.linear.scatter [tilespmem:s5], [sflag:$0x8], $0x80, $0x38;
	[tilespmem:$0x1D000] =	vst v63  }
0x20c: {  	s9 =	sadd.s32 $0x70, s1;
	s1 =	sadd.s32 $0x1000, s1;
	s5 =	smov.u32 s10  }
0x20d: {  	[hbm4b:s9+s3] =	stream.linear.scatter [tilespmem:s8], [sflag:$0x8], $0x80, $0x38;
	[tilespmem:$0x1D000] =	vst v63  }
0x20e: {  	s5 =	sadd.s32 $0x1AE00, s0  }
0x20f: {  	[hbm4b:s1+s3] =	stream.linear.scatter [tilespmem:s5], [sflag:$0x8], $0x80, $0x38;
	[tilespmem:$0x1D000] =	vst v63  }
0x210: {  	s10 =	sadd.s32 $0x1AE88, s0;
	s11 =	sadd.s32 $0x10, s1  }
0x211: {  	[hbm4b:s11+s3] =	stream.linear.scatter [tilespmem:s10], [sflag:$0x8], $0x80, $0x38;
	[tilespmem:$0x1D000] =	vst v63  }
0x212: {  	s12 =	sadd.s32 $0x1AF10, s0;
	s6 =	sadd.s32 $0x20, s1  }
0x213: {  	[hbm4b:s6+s3] =	stream.linear.scatter [tilespmem:s12], [sflag:$0x8], $0x80, $0x38;
	[tilespmem:$0x1D000] =	vst v63  }
0x214: {  	s8 =	sadd.s32 $0x1AF98, s0;
	s9 =	sadd.s32 $0x30, s1  }
0x215: {  	[hbm4b:s9+s3] =	stream.linear.scatter [tilespmem:s8], [sflag:$0x8], $0x80, $0x38;
	[tilespmem:$0x1D000] =	vst v63  }
0x216: {  	s10 =	sadd.s32 $0x1B020, s0;
	s11 =	sadd.s32 $0x40, s1  }
0x217: {  	[hbm4b:s11+s3] =	stream.linear.scatter [tilespmem:s10], [sflag:$0x8], $0x80, $0x38;
	[tilespmem:$0x1D000] =	vst v63  }
0x218: {  	s12 =	sadd.s32 $0x1B0A8, s0;
	s6 =	sadd.s32 $0x50, s1  }
0x219: {  	[hbm4b:s6+s3] =	stream.linear.scatter [tilespmem:s12], [sflag:$0x8], $0x80, $0x38;
	[tilespmem:$0x1D000] =	vst v63  }
0x21a: {  	s9 =	sadd.s32 $0x1B130, s0;
	s10 =	sadd.s32 $0x60, s1  }
0x21b: {  	[hbm4b:s10+s3] =	stream.linear.scatter [tilespmem:s9], [sflag:$0x8], $0x80, $0x38;
	[tilespmem:$0x1D000] =	vst v63  }
0x21c: {  	s31 =	simm.s32 $0x1;
	s11 =	sadd.s32 $0x1B1B8, s0;
	s12 =	sadd.s32 $0x70, s1  }
0x21d: {  	[hbm4b:s12+s3] =	stream.linear.scatter [tilespmem:s11], [sflag:$0x8], $0x80, $0x38;
	[tilespmem:$0x1D000] =	vst v63  }
.LBB2_20:
0x21e: {  	_ =	swait.ge [sflag:s26], $0x2000  }
0x21f: {  	s0 =	sshll.u32 s31, $0x9;
	[sflag:s26] =	ssyncset.done $0x0  }
0x220: {  	s0 =	sand.u32 $0x3FFFFE00, s0;
	[sflag:s26] =	ssyncadd.s32 $0xFFFFE000  }
0x221: {  	v12 =	vld [tilespmem:s0+$0x6400];
	_ =	sdelay $0x6  }
0x222: {  	s11 =	simm.s32 $0x0;
	s1 =	simm.s32 $0xC800  }
0x223: {  	[tilespmem:s1], [sflag:$0x1] =	stream.indirect_vreg.gather [hbm4b:s4+s11], $0x40, v12, vm0, $0xb8;
	[tilespmem:$0x1D000] =	vst v63  }
0x224: {  	v12 =	vld [tilespmem:s0+$0x6410];
	_ =	sdelay $0x6  }
0x225: {  	s8 =	simm.s32 $0xCC00  }
0x226: {  	[tilespmem:s8], [sflag:$0x1] =	stream.indirect_vreg.gather [hbm4b:s4+s11], $0x40, v12, vm0, $0xb8;
	[tilespmem:$0x1D000] =	vst v63  }
0x227: {  	v12 =	vld [tilespmem:s0+$0x6420];
	_ =	sdelay $0x6  }
0x228: {  	s9 =	simm.s32 $0xD000  }
0x229: {  	[tilespmem:s9], [sflag:$0x1] =	stream.indirect_vreg.gather [hbm4b:s4+s11], $0x40, v12, vm0, $0xb8;
	[tilespmem:$0x1D000] =	vst v63  }
0x22a: {  	v12 =	vld [tilespmem:s0+$0x6430];
	_ =	sdelay $0x6  }
0x22b: {  	s10 =	simm.s32 $0xD400  }
0x22c: {  	[tilespmem:s10], [sflag:$0x1] =	stream.indirect_vreg.gather [hbm4b:s4+s11], $0x40, v12, vm0, $0xb8;
	[tilespmem:$0x1D000] =	vst v63  }
0x22d: {  	v12 =	vld [tilespmem:s0+$0x6440];
	_ =	sdelay $0x6  }
0x22e: {  	s12 =	simm.s32 $0xD800  }
0x22f: {  	[tilespmem:s12], [sflag:$0x1] =	stream.indirect_vreg.gather [hbm4b:s4+s11], $0x40, v12, vm0, $0xb8;
	[tilespmem:$0x1D000] =	vst v63  }
0x230: {  	v12 =	vld [tilespmem:s0+$0x6450];
	_ =	sdelay $0x6  }
0x231: {  	s5 =	simm.s32 $0xDC00  }
0x232: {  	[tilespmem:s5], [sflag:$0x1] =	stream.indirect_vreg.gather [hbm4b:s4+s11], $0x40, v12, vm0, $0xb8;
	[tilespmem:$0x1D000] =	vst v63  }
0x233: {  	v12 =	vld [tilespmem:s0+$0x6460];
	_ =	sdelay $0x6  }
0x234: {  	s6 =	simm.s32 $0xE000  }
0x235: {  	[tilespmem:s6], [sflag:$0x1] =	stream.indirect_vreg.gather [hbm4b:s4+s11], $0x40, v12, vm0, $0xb8;
	[tilespmem:$0x1D000] =	vst v63  }
0x236: {  	v12 =	vld [tilespmem:s0+$0x6470];
	_ =	sdelay $0x6  }
0x237: {  	s8 =	simm.s32 $0xE400;
	s0 =	sshll.u32 s31, $0x2  }
0x238: {  	[tilespmem:s8], [sflag:$0x1] =	stream.indirect_vreg.gather [hbm4b:s4+s11], $0x40, v12, vm0, $0xb8;
	[tilespmem:$0x1D000] =	vst v63  }
0x239: {  	s5 =	sor.u32 $0x1, s0;
	_ =	swait.ge [sflag:s28], $0x2000  }
0x23a: {  	s9 =	sshll.u32 s5, $0x7;
	[sflag:s28] =	ssyncset.done $0x0  }
0x23b: {  	s1 =	sand.u32 $0x3FFFFE80, s9;
	[sflag:s28] =	ssyncadd.s32 $0xFFFFE000  }
0x23c: {  	v12 =	vld [tilespmem:s1+$0x6400];
	_ =	sdelay $0x6  }
0x23d: {  	s6 =	simm.s32 $0xE800  }
0x23e: {  	[tilespmem:s6], [sflag:$0x2] =	stream.indirect_vreg.gather [hbm4b:s4+s11], $0x40, v12, vm0, $0xb8;
	[tilespmem:$0x1D000] =	vst v63  }
0x23f: {  	v12 =	vld [tilespmem:s1+$0x6410];
	_ =	sdelay $0x6  }
0x240: {  	s10 =	simm.s32 $0xEC00  }
0x241: {  	[tilespmem:s10], [sflag:$0x2] =	stream.indirect_vreg.gather [hbm4b:s4+s11], $0x40, v12, vm0, $0xb8;
	[tilespmem:$0x1D000] =	vst v63  }
0x242: {  	v12 =	vld [tilespmem:s1+$0x6420];
	_ =	sdelay $0x6  }
0x243: {  	s12 =	simm.s32 $0xF000  }
0x244: {  	[tilespmem:s12], [sflag:$0x2] =	stream.indirect_vreg.gather [hbm4b:s4+s11], $0x40, v12, vm0, $0xb8;
	[tilespmem:$0x1D000] =	vst v63  }
0x245: {  	v12 =	vld [tilespmem:s1+$0x6430];
	_ =	sdelay $0x6  }
0x246: {  	s8 =	simm.s32 $0xF400  }
0x247: {  	[tilespmem:s8], [sflag:$0x2] =	stream.indirect_vreg.gather [hbm4b:s4+s11], $0x40, v12, vm0, $0xb8;
	[tilespmem:$0x1D000] =	vst v63  }
0x248: {  	v12 =	vld [tilespmem:s1+$0x6440];
	_ =	sdelay $0x6  }
0x249: {  	s9 =	simm.s32 $0xF800  }
0x24a: {  	[tilespmem:s9], [sflag:$0x2] =	stream.indirect_vreg.gather [hbm4b:s4+s11], $0x40, v12, vm0, $0xb8;
	[tilespmem:$0x1D000] =	vst v63  }
0x24b: {  	v12 =	vld [tilespmem:s1+$0x6450];
	_ =	sdelay $0x6  }
0x24c: {  	s10 =	simm.s32 $0xFC00  }
0x24d: {  	[tilespmem:s10], [sflag:$0x2] =	stream.indirect_vreg.gather [hbm4b:s4+s11], $0x40, v12, vm0, $0xb8;
	[tilespmem:$0x1D000] =	vst v63  }
0x24e: {  	v12 =	vld [tilespmem:s1+$0x6460];
	_ =	sdelay $0x6  }
0x24f: {  	s12 =	simm.s32 $0x10000  }
0x250: {  	[tilespmem:s12], [sflag:$0x2] =	stream.indirect_vreg.gather [hbm4b:s4+s11], $0x40, v12, vm0, $0xb8;
	[tilespmem:$0x1D000] =	vst v63  }
0x251: {  	v12 =	vld [tilespmem:s1+$0x6470];
	_ =	sdelay $0x6  }
0x252: {  	s6 =	simm.s32 $0x10400  }
0x253: {  	[tilespmem:s6], [sflag:$0x2] =	stream.indirect_vreg.gather [hbm4b:s4+s11], $0x40, v12, vm0, $0xb8;
	[tilespmem:$0x1D000] =	vst v63  }
0x254: {  	s0 =	sor.u32 $0x2, s0;
	_ =	swait.ge [sflag:s29], $0x2000  }
0x255: {  	s8 =	sshll.u32 s0, $0x7;
	[sflag:s29] =	ssyncset.done $0x0  }
0x256: {  	s1 =	sand.u32 $0x3FFFFF00, s8;
	[sflag:s29] =	ssyncadd.s32 $0xFFFFE000  }
0x257: {  	v12 =	vld [tilespmem:s1+$0x6400];
	_ =	sdelay $0x6  }
0x258: {  	s9 =	simm.s32 $0x10800  }
0x259: {  	[tilespmem:s9], [sflag:$0x3] =	stream.indirect_vreg.gather [hbm4b:s4+s11], $0x40, v12, vm0, $0xb8;
	[tilespmem:$0x1D000] =	vst v63  }
0x25a: {  	v12 =	vld [tilespmem:s1+$0x6410];
	_ =	sdelay $0x6  }
0x25b: {  	s10 =	simm.s32 $0x10C00  }
0x25c: {  	[tilespmem:s10], [sflag:$0x3] =	stream.indirect_vreg.gather [hbm4b:s4+s11], $0x40, v12, vm0, $0xb8;
	[tilespmem:$0x1D000] =	vst v63  }
0x25d: {  	v12 =	vld [tilespmem:s1+$0x6420];
	_ =	sdelay $0x6  }
0x25e: {  	s12 =	simm.s32 $0x11000  }
0x25f: {  	[tilespmem:s12], [sflag:$0x3] =	stream.indirect_vreg.gather [hbm4b:s4+s11], $0x40, v12, vm0, $0xb8;
	[tilespmem:$0x1D000] =	vst v63  }
0x260: {  	v12 =	vld [tilespmem:s1+$0x6430];
	_ =	sdelay $0x6  }
0x261: {  	s8 =	simm.s32 $0x11400  }
0x262: {  	[tilespmem:s8], [sflag:$0x3] =	stream.indirect_vreg.gather [hbm4b:s4+s11], $0x40, v12, vm0, $0xb8;
	[tilespmem:$0x1D000] =	vst v63  }
0x263: {  	v12 =	vld [tilespmem:s1+$0x6440];
	_ =	sdelay $0x6  }
0x264: {  	s9 =	simm.s32 $0x11800  }
0x265: {  	[tilespmem:s9], [sflag:$0x3] =	stream.indirect_vreg.gather [hbm4b:s4+s11], $0x40, v12, vm0, $0xb8;
	[tilespmem:$0x1D000] =	vst v63  }
0x266: {  	v12 =	vld [tilespmem:s1+$0x6450];
	_ =	sdelay $0x6  }
0x267: {  	s10 =	simm.s32 $0x11C00  }
0x268: {  	[tilespmem:s10], [sflag:$0x3] =	stream.indirect_vreg.gather [hbm4b:s4+s11], $0x40, v12, vm0, $0xb8;
	[tilespmem:$0x1D000] =	vst v63  }
0x269: {  	v12 =	vld [tilespmem:s1+$0x6460];
	_ =	sdelay $0x6  }
0x26a: {  	s12 =	simm.s32 $0x12000  }
0x26b: {  	[tilespmem:s12], [sflag:$0x3] =	stream.indirect_vreg.gather [hbm4b:s4+s11], $0x40, v12, vm0, $0xb8;
	[tilespmem:$0x1D000] =	vst v63  }
0x26c: {  	v12 =	vld [tilespmem:s1+$0x6470];
	_ =	sdelay $0x6  }
0x26d: {  	s8 =	simm.s32 $0x12400  }
0x26e: {  	[tilespmem:s8], [sflag:$0x3] =	stream.indirect_vreg.gather [hbm4b:s4+s11], $0x40, v12, vm0, $0xb8;
	[tilespmem:$0x1D000] =	vst v63  }
0x26f: {  	s1 =	sshllo.u32 s31, $0x2;
	_ =	swait.ge [sflag:s30], $0x2000  }
0x270: {  	s8 =	sshll.u32 s1, $0x7;
	[sflag:s30] =	ssyncset.done $0x0  }
0x271: {  	s8 =	sand.u32 $0x3FFFFF80, s8;
	[sflag:s30] =	ssyncadd.s32 $0xFFFFE000  }
0x272: {  	v12 =	vld [tilespmem:s8+$0x6400];
	_ =	sdelay $0x6  }
0x273: {  	s9 =	simm.s32 $0x12800  }
0x274: {  	[tilespmem:s9], [sflag:$0x4] =	stream.indirect_vreg.gather [hbm4b:s4+s11], $0x40, v12, vm0, $0xb8;
	[tilespmem:$0x1D000] =	vst v63  }
0x275: {  	v12 =	vld [tilespmem:s8+$0x6410];
	_ =	sdelay $0x6  }
0x276: {  	s10 =	simm.s32 $0x12C00  }
0x277: {  	[tilespmem:s10], [sflag:$0x4] =	stream.indirect_vreg.gather [hbm4b:s4+s11], $0x40, v12, vm0, $0xb8;
	[tilespmem:$0x1D000] =	vst v63  }
0x278: {  	v12 =	vld [tilespmem:s8+$0x6420];
	_ =	sdelay $0x6  }
0x279: {  	s12 =	simm.s32 $0x13000  }
0x27a: {  	[tilespmem:s12], [sflag:$0x4] =	stream.indirect_vreg.gather [hbm4b:s4+s11], $0x40, v12, vm0, $0xb8;
	[tilespmem:$0x1D000] =	vst v63  }
0x27b: {  	v12 =	vld [tilespmem:s8+$0x6430];
	_ =	sdelay $0x7  }
0x27c: {  	[tilespmem:s13], [sflag:$0x4] =	stream.indirect_vreg.gather [hbm4b:s4+s11], $0x40, v12, vm0, $0xb8;
	[tilespmem:$0x1D000] =	vst v63  }
0x27d: {  	v12 =	vld [tilespmem:s8+$0x6440];
	_ =	sdelay $0x7  }
0x27e: {  	[tilespmem:s14], [sflag:$0x4] =	stream.indirect_vreg.gather [hbm4b:s4+s11], $0x40, v12, vm0, $0xb8;
	[tilespmem:$0x1D000] =	vst v63  }
0x27f: {  	v12 =	vld [tilespmem:s8+$0x6450];
	_ =	sdelay $0x7  }
0x280: {  	[tilespmem:s15], [sflag:$0x4] =	stream.indirect_vreg.gather [hbm4b:s4+s11], $0x40, v12, vm0, $0xb8;
	[tilespmem:$0x1D000] =	vst v63  }
0x281: {  	v12 =	vld [tilespmem:s8+$0x6460];
	_ =	sdelay $0x7  }
0x282: {  	[tilespmem:s16], [sflag:$0x4] =	stream.indirect_vreg.gather [hbm4b:s4+s11], $0x40, v12, vm0, $0xb8;
	[tilespmem:$0x1D000] =	vst v63  }
0x283: {  	v12 =	vld [tilespmem:s8+$0x6470];
	_ =	sdelay $0x7  }
0x284: {  	[tilespmem:s17], [sflag:$0x4] =	stream.indirect_vreg.gather [hbm4b:s4+s11], $0x40, v12, vm0, $0xb8;
	[tilespmem:$0x1D000] =	vst v63  }
0x285: {  	_ =	swait.ge [sflag:s18], $0x2000  }
0x286: {  	[sflag:s18] =	ssyncset.done $0x0  }
0x287: {  	s12 =	simm.s32 $0xC820;
	[sflag:s18] =	ssyncadd.s32 $0xFFFFE000  }
0x288: {  	v12 =	vmov s11;
	v13 =	vld [tilespmem:s12+$0xFFFFFFE0]  }
0x289: {  	v12 =	vand.u32 $0x7F, v12  }
0x28a: {  	v14 =	vadd.s32 v6, v12;
	_ =	sdelay $0x2  }
0x28b: {  	v13 =	vmul.f32 $8.000000000e+00, v13;
	_ =	sdelay $0x1  }
0x28c: {  	[tilespmem:v14+s19+$0x0] =	vst.idx.msk $0xffff, v13  }
0x28d: {  	v13 =	vld [tilespmem:s12+$0xFFFFFFF0];
	_ =	sdelay $0x1  }
0x28e: {  	v14 =	vadd.s32 v9, v12;
	_ =	sdelay $0x2  }
0x28f: {  	v13 =	vmul.f32 $8.000000000e+00, v13;
	_ =	sdelay $0x1  }
0x290: {  	[tilespmem:v14+s19+$0x0] =	vst.idx.msk $0xffff, v13  }
0x291: {  	v13 =	vld [tilespmem:s12+$0x0];
	_ =	sdelay $0x1  }
0x292: {  	v14 =	vadd.s32 v10, v12;
	_ =	sdelay $0x2  }
0x293: {  	v13 =	vmul.f32 $8.000000000e+00, v13;
	_ =	sdelay $0x1  }
0x294: {  	[tilespmem:v14+s19+$0x0] =	vst.idx.msk $0xffff, v13  }
0x295: {  	v13 =	vld [tilespmem:s12+$0x10];
	_ =	sdelay $0x1  }
0x296: {  	v12 =	vadd.s32 v11, v12;
	_ =	sdelay $0x2  }
0x297: {  	s11 =	simm.s32 $0x1;
	v13 =	vmul.f32 $8.000000000e+00, v13  }
.LBB2_21:
0x298: {  	p0 =	sne.s32 s11, $0x7F  }
0x299: {  	s12 =	sadd.s32 $0x40, s12;
	s8 =	smov.u32 s11;
	s11 =	sadd.s32 $0x1, s11;
	[tilespmem:v12+s19+$0x0] =	vst.idx.msk $0xffff, v13  }
0x29a: {  	v12 =	vmov s8;
	v13 =	vld [tilespmem:s12+$0xFFFFFFE0]  }
0x29b: {  	v12 =	vand.u32 $0x7F, v12  }
0x29c: {  	v14 =	vadd.s32 v6, v12;
	_ =	sdelay $0x2  }
0x29d: {  	v13 =	vmul.f32 $8.000000000e+00, v13;
	_ =	sdelay $0x1  }
0x29e: {  	[tilespmem:v14+s19+$0x0] =	vst.idx.msk $0xffff, v13  }
0x29f: {  	v13 =	vld [tilespmem:s12+$0xFFFFFFF0];
	_ =	sdelay $0x1  }
0x2a0: {  	v14 =	vadd.s32 v9, v12;
	_ =	sdelay $0x2  }
0x2a1: {  	v13 =	vmul.f32 $8.000000000e+00, v13;
	_ =	sdelay $0x1  }
0x2a2: {  	[tilespmem:v14+s19+$0x0] =	vst.idx.msk $0xffff, v13  }
0x2a3: {  	v13 =	vld [tilespmem:s12+$0x0];
	_ =	sdelay $0x1  }
0x2a4: {  	v14 =	vadd.s32 v10, v12;
	_ =	sdelay $0x2  }
0x2a5: {  	v13 =	vmul.f32 $8.000000000e+00, v13;
	_ =	sdelay $0x1  }
0x2a6: {  	[tilespmem:v14+s19+$0x0] =	vst.idx.msk $0xffff, v13  }
0x2a7: {  	v13 =	vld [tilespmem:s12+$0x10]  }
.Ltmp9:
0x2a8: {  	(pc) =	sbr.rel @p0 .LBB2_21-.Ltmp9, $2  }
0x2a9: {  	v12 =	vadd.s32 v11, v12;
	_ =	sdelay $0x2  }
0x2aa: {  	v13 =	vmul.f32 $8.000000000e+00, v13  }
0x2ab: {  	_ = 	snop  }
0x2ac: {  	s8 =	sshll.u32 s31, $0x14  }
0x2ad: {  	s8 =	sor.u32 s7, s8  }
0x2ae: {  	s8 =	sshrl.u32 s8, $0x3  }
0x2af: {  	s11 =	simm.s32 $0x14800;
	[tilespmem:v12+s19+$0x0] =	vst.idx.msk $0xffff, v13;
	s12 =	sadd.s32 s2, s8  }
0x2b0: {  	[hbm4b:s12+s3] =	stream.linear.scatter [tilespmem:s11], [sflag:$0x5], $0x80, $0x38;
	[tilespmem:$0x1D000] =	vst v63  }
0x2b1: {  	s6 =	simm.s32 $0x14888;
	s9 =	sadd.s32 $0x10, s12  }
0x2b2: {  	[hbm4b:s9+s3] =	stream.linear.scatter [tilespmem:s6], [sflag:$0x5], $0x80, $0x38;
	[tilespmem:$0x1D000] =	vst v63  }
0x2b3: {  	s10 =	sadd.s32 $0x20, s12;
	s9 =	simm.s32 $0x14910  }
0x2b4: {  	[hbm4b:s10+s3] =	stream.linear.scatter [tilespmem:s9], [sflag:$0x5], $0x80, $0x38;
	[tilespmem:$0x1D000] =	vst v63  }
0x2b5: {  	s11 =	simm.s32 $0x14998;
	s6 =	sadd.s32 $0x30, s12  }
0x2b6: {  	[hbm4b:s6+s3] =	stream.linear.scatter [tilespmem:s11], [sflag:$0x5], $0x80, $0x38;
	[tilespmem:$0x1D000] =	vst v63  }
0x2b7: {  	s9 =	simm.s32 $0x14A20;
	s10 =	sadd.s32 $0x40, s12  }
0x2b8: {  	[hbm4b:s10+s3] =	stream.linear.scatter [tilespmem:s9], [sflag:$0x5], $0x80, $0x38;
	[tilespmem:$0x1D000] =	vst v63  }
0x2b9: {  	s8 =	simm.s32 $0x2200;
	s11 =	simm.s32 $0x14AA8;
	s6 =	sadd.s32 $0x50, s12  }
0x2ba: {  	[hbm4b:s6+s3] =	stream.linear.scatter [tilespmem:s11], [sflag:$0x5], $0x80, $0x38;
	[tilespmem:$0x1D000] =	vst v63  }
0x2bb: {  	s10 =	simm.s32 $0x14B30;
	s9 =	simm.s32 $0x14BB8;
	s11 =	sadd.s32 $0x60, s12  }
0x2bc: {  	[hbm4b:s11+s3] =	stream.linear.scatter [tilespmem:s10], [sflag:$0x5], $0x80, $0x38;
	[tilespmem:$0x1D000] =	vst v63  }
0x2bd: {  	s11 =	simm.s32 $0x440;
	s10 =	sadd.s32 $0x70, s12;
	s12 =	sadd.s32 $0x1000, s12  }
.LBB2_23:
0x2be: {  	[hbm4b:s10+s3] =	stream.linear.scatter [tilespmem:s9], [sflag:$0x5], $0x80, $0x38;
	[tilespmem:$0x1D000] =	vst v63  }
0x2bf: {  	s9 =	smov.u32 s11;
	s10 =	smov.u32 s8  }
0x2c0: {  	s6 =	sadd.s32 $0x1100, s8;
	s11 =	sshra.s32 s10, $0x2;
	s10 =	sadd.s32 $0x14800, s9  }
0x2c1: {  	[hbm4b:s12+s3] =	stream.linear.scatter [tilespmem:s10], [sflag:$0x5], $0x80, $0x38;
	[tilespmem:$0x1D000] =	vst v63  }
0x2c2: {  	p0 =	sne.s32 s8, $0x7700;
	s8 =	sadd.s32 $0x14888, s9;
	s10 =	sadd.s32 $0x10, s12  }
0x2c3: {  	[hbm4b:s10+s3] =	stream.linear.scatter [tilespmem:s8], [sflag:$0x5], $0x80, $0x38;
	[tilespmem:$0x1D000] =	vst v63  }
0x2c4: {  	s8 =	sadd.s32 $0x14910, s9;
	s10 =	sadd.s32 $0x20, s12  }
0x2c5: {  	[hbm4b:s10+s3] =	stream.linear.scatter [tilespmem:s8], [sflag:$0x5], $0x80, $0x38;
	[tilespmem:$0x1D000] =	vst v63  }
0x2c6: {  	s8 =	sadd.s32 $0x14998, s9;
	s10 =	sadd.s32 $0x30, s12  }
0x2c7: {  	[hbm4b:s10+s3] =	stream.linear.scatter [tilespmem:s8], [sflag:$0x5], $0x80, $0x38;
	[tilespmem:$0x1D000] =	vst v63  }
0x2c8: {  	s8 =	sadd.s32 $0x14A20, s9;
	s10 =	sadd.s32 $0x40, s12  }
0x2c9: {  	[hbm4b:s10+s3] =	stream.linear.scatter [tilespmem:s8], [sflag:$0x5], $0x80, $0x38;
	[tilespmem:$0x1D000] =	vst v63  }
.Ltmp10:
0x2ca: {  	s8 =	sadd.s32 $0x14AA8, s9;
	s10 =	sadd.s32 $0x50, s12;
	(pc) =	sbr.rel @p0 .LBB2_23-.Ltmp10, $4  }
0x2cb: {  	[hbm4b:s10+s3] =	stream.linear.scatter [tilespmem:s8], [sflag:$0x5], $0x80, $0x38;
	[tilespmem:$0x1D000] =	vst v63  }
0x2cc: {  	s8 =	sadd.s32 $0x14B30, s9;
	s10 =	sadd.s32 $0x60, s12;
	s9 =	sadd.s32 $0x14BB8, s9  }
0x2cd: {  	[hbm4b:s10+s3] =	stream.linear.scatter [tilespmem:s8], [sflag:$0x5], $0x80, $0x38;
	[tilespmem:$0x1D000] =	vst v63  }
0x2ce: {  	s10 =	sadd.s32 $0x70, s12;
	s12 =	sadd.s32 $0x1000, s12;
	s8 =	smov.u32 s6  }
0x2cf: {  	[hbm4b:s10+s3] =	stream.linear.scatter [tilespmem:s9], [sflag:$0x5], $0x80, $0x38;
	[tilespmem:$0x1D000] =	vst v63  }
0x2d0: {  	s6 =	sadd.s32 $0x14800, s11  }
0x2d1: {  	[hbm4b:s12+s3] =	stream.linear.scatter [tilespmem:s6], [sflag:$0x5], $0x80, $0x38;
	[tilespmem:$0x1D000] =	vst v63  }
0x2d2: {  	s10 =	sadd.s32 $0x14888, s11;
	s8 =	sadd.s32 $0x10, s12  }
0x2d3: {  	[hbm4b:s8+s3] =	stream.linear.scatter [tilespmem:s10], [sflag:$0x5], $0x80, $0x38;
	[tilespmem:$0x1D000] =	vst v63  }
0x2d4: {  	s9 =	sadd.s32 $0x14910, s11;
	s10 =	sadd.s32 $0x20, s12  }
0x2d5: {  	[hbm4b:s10+s3] =	stream.linear.scatter [tilespmem:s9], [sflag:$0x5], $0x80, $0x38;
	[tilespmem:$0x1D000] =	vst v63  }
0x2d6: {  	s9 =	sadd.s32 $0x14998, s11;
	s10 =	sadd.s32 $0x30, s12  }
0x2d7: {  	[hbm4b:s10+s3] =	stream.linear.scatter [tilespmem:s9], [sflag:$0x5], $0x80, $0x38;
	[tilespmem:$0x1D000] =	vst v63  }
0x2d8: {  	s9 =	sadd.s32 $0x14A20, s11;
	s10 =	sadd.s32 $0x40, s12  }
0x2d9: {  	[hbm4b:s10+s3] =	stream.linear.scatter [tilespmem:s9], [sflag:$0x5], $0x80, $0x38;
	[tilespmem:$0x1D000] =	vst v63  }
0x2da: {  	s9 =	sadd.s32 $0x14AA8, s11;
	s10 =	sadd.s32 $0x50, s12  }
0x2db: {  	[hbm4b:s10+s3] =	stream.linear.scatter [tilespmem:s9], [sflag:$0x5], $0x80, $0x38;
	[tilespmem:$0x1D000] =	vst v63  }
0x2dc: {  	s8 =	sadd.s32 $0x14B30, s11;
	s9 =	sadd.s32 $0x60, s12  }
0x2dd: {  	[hbm4b:s9+s3] =	stream.linear.scatter [tilespmem:s8], [sflag:$0x5], $0x80, $0x38;
	[tilespmem:$0x1D000] =	vst v63  }
0x2de: {  	s10 =	sadd.s32 $0x14BB8, s11;
	s11 =	sadd.s32 $0x70, s12  }
0x2df: {  	[hbm4b:s11+s3] =	stream.linear.scatter [tilespmem:s10], [sflag:$0x5], $0x80, $0x38;
	[tilespmem:$0x1D000] =	vst v63  }
0x2e0: {  	_ =	swait.ge [sflag:s20], $0x2000  }
0x2e1: {  	[sflag:s20] =	ssyncset.done $0x0  }
0x2e2: {  	s12 =	simm.s32 $0x0;
	s11 =	simm.s32 $0xE830;
	[sflag:s20] =	ssyncadd.s32 $0xFFFFE000  }
0x2e3: {  	v12 =	vmov s12;
	v13 =	vld [tilespmem:s11+$0xFFFFFFD0]  }
0x2e4: {  	v12 =	vand.u32 $0x7F, v12  }
0x2e5: {  	v14 =	vadd.s32 v6, v12;
	_ =	sdelay $0x2  }
0x2e6: {  	v13 =	vmul.f32 $8.000000000e+00, v13;
	_ =	sdelay $0x1  }
0x2e7: {  	[tilespmem:v14+s21+$0x0] =	vst.idx.msk $0xffff, v13  }
0x2e8: {  	v13 =	vld [tilespmem:s11+$0xFFFFFFE0];
	_ =	sdelay $0x1  }
0x2e9: {  	v14 =	vadd.s32 v9, v12;
	_ =	sdelay $0x2  }
0x2ea: {  	v13 =	vmul.f32 $8.000000000e+00, v13;
	_ =	sdelay $0x1  }
0x2eb: {  	[tilespmem:v14+s21+$0x0] =	vst.idx.msk $0xffff, v13  }
0x2ec: {  	v13 =	vld [tilespmem:s11+$0xFFFFFFF0];
	_ =	sdelay $0x1  }
0x2ed: {  	v14 =	vadd.s32 v10, v12;
	_ =	sdelay $0x2  }
0x2ee: {  	v13 =	vmul.f32 $8.000000000e+00, v13;
	_ =	sdelay $0x1  }
0x2ef: {  	[tilespmem:v14+s21+$0x0] =	vst.idx.msk $0xffff, v13  }
0x2f0: {  	v13 =	vld [tilespmem:s11+$0x0];
	_ =	sdelay $0x1  }
0x2f1: {  	v12 =	vadd.s32 v11, v12;
	_ =	sdelay $0x2  }
0x2f2: {  	s12 =	simm.s32 $0x1;
	v13 =	vmul.f32 $8.000000000e+00, v13  }
.LBB2_25:
0x2f3: {  	p0 =	sne.s32 s12, $0x7F  }
0x2f4: {  	s11 =	sadd.s32 $0x40, s11;
	s6 =	smov.u32 s12;
	s12 =	sadd.s32 $0x1, s12;
	[tilespmem:v12+s21+$0x0] =	vst.idx.msk $0xffff, v13  }
0x2f5: {  	v12 =	vmov s6;
	v13 =	vld [tilespmem:s11+$0xFFFFFFD0]  }
0x2f6: {  	v12 =	vand.u32 $0x7F, v12  }
0x2f7: {  	v14 =	vadd.s32 v6, v12;
	_ =	sdelay $0x2  }
0x2f8: {  	v13 =	vmul.f32 $8.000000000e+00, v13;
	_ =	sdelay $0x1  }
0x2f9: {  	[tilespmem:v14+s21+$0x0] =	vst.idx.msk $0xffff, v13  }
0x2fa: {  	v13 =	vld [tilespmem:s11+$0xFFFFFFE0];
	_ =	sdelay $0x1  }
0x2fb: {  	v14 =	vadd.s32 v9, v12;
	_ =	sdelay $0x2  }
0x2fc: {  	v13 =	vmul.f32 $8.000000000e+00, v13;
	_ =	sdelay $0x1  }
0x2fd: {  	[tilespmem:v14+s21+$0x0] =	vst.idx.msk $0xffff, v13  }
0x2fe: {  	v13 =	vld [tilespmem:s11+$0xFFFFFFF0];
	_ =	sdelay $0x1  }
0x2ff: {  	v14 =	vadd.s32 v10, v12;
	_ =	sdelay $0x2  }
0x300: {  	v13 =	vmul.f32 $8.000000000e+00, v13;
	_ =	sdelay $0x1  }
0x301: {  	[tilespmem:v14+s21+$0x0] =	vst.idx.msk $0xffff, v13  }
0x302: {  	v13 =	vld [tilespmem:s11+$0x0]  }
.Ltmp11:
0x303: {  	(pc) =	sbr.rel @p0 .LBB2_25-.Ltmp11, $2  }
0x304: {  	v12 =	vadd.s32 v11, v12;
	_ =	sdelay $0x2  }
0x305: {  	v13 =	vmul.f32 $8.000000000e+00, v13  }
0x306: {  	_ = 	snop  }
0x307: {  	s5 =	sshll.u32 s5, $0x12  }
0x308: {  	s5 =	sor.u32 s7, s5  }
0x309: {  	s5 =	sshrl.u32 s5, $0x3  }
0x30a: {  	s9 =	simm.s32 $0x16A00;
	[tilespmem:v12+s21+$0x0] =	vst.idx.msk $0xffff, v13;
	s6 =	sadd.s32 s2, s5  }
0x30b: {  	[hbm4b:s6+s3] =	stream.linear.scatter [tilespmem:s9], [sflag:$0x6], $0x80, $0x38;
	[tilespmem:$0x1D000] =	vst v63  }
0x30c: {  	s10 =	simm.s32 $0x16A88;
	s8 =	sadd.s32 $0x10, s6  }
0x30d: {  	[hbm4b:s8+s3] =	stream.linear.scatter [tilespmem:s10], [sflag:$0x6], $0x80, $0x38;
	[tilespmem:$0x1D000] =	vst v63  }
0x30e: {  	s11 =	simm.s32 $0x16B10;
	s12 =	sadd.s32 $0x20, s6  }
0x30f: {  	[hbm4b:s12+s3] =	stream.linear.scatter [tilespmem:s11], [sflag:$0x6], $0x80, $0x38;
	[tilespmem:$0x1D000] =	vst v63  }
0x310: {  	s9 =	simm.s32 $0x16B98;
	s10 =	sadd.s32 $0x30, s6  }
0x311: {  	[hbm4b:s10+s3] =	stream.linear.scatter [tilespmem:s9], [sflag:$0x6], $0x80, $0x38;
	[tilespmem:$0x1D000] =	vst v63  }
0x312: {  	s11 =	simm.s32 $0x16C20;
	s12 =	sadd.s32 $0x40, s6  }
0x313: {  	[hbm4b:s12+s3] =	stream.linear.scatter [tilespmem:s11], [sflag:$0x6], $0x80, $0x38;
	[tilespmem:$0x1D000] =	vst v63  }
0x314: {  	s5 =	simm.s32 $0x440;
	s9 =	simm.s32 $0x16CA8;
	s10 =	sadd.s32 $0x50, s6  }
0x315: {  	[hbm4b:s10+s3] =	stream.linear.scatter [tilespmem:s9], [sflag:$0x6], $0x80, $0x38;
	[tilespmem:$0x1D000] =	vst v63  }
0x316: {  	s8 =	simm.s32 $0x2200;
	s11 =	simm.s32 $0x16D30;
	s12 =	sadd.s32 $0x60, s6  }
0x317: {  	[hbm4b:s12+s3] =	stream.linear.scatter [tilespmem:s11], [sflag:$0x6], $0x80, $0x38;
	[tilespmem:$0x1D000] =	vst v63  }
0x318: {  	s9 =	simm.s32 $0x16DB8;
	s10 =	sadd.s32 $0x70, s6;
	s11 =	sadd.s32 $0x1000, s6  }
.LBB2_27:
0x319: {  	[hbm4b:s10+s3] =	stream.linear.scatter [tilespmem:s9], [sflag:$0x6], $0x80, $0x38;
	[tilespmem:$0x1D000] =	vst v63  }
0x31a: {  	s6 =	smov.u32 s5;
	s5 =	smov.u32 s8  }
0x31b: {  	s12 =	sadd.s32 $0x1100, s8;
	s5 =	sshra.s32 s5, $0x2;
	s9 =	sadd.s32 $0x16A00, s6  }
0x31c: {  	[hbm4b:s11+s3] =	stream.linear.scatter [tilespmem:s9], [sflag:$0x6], $0x80, $0x38;
	[tilespmem:$0x1D000] =	vst v63  }
0x31d: {  	p0 =	sne.s32 s8, $0x7700;
	s8 =	sadd.s32 $0x16A88, s6;
	s9 =	sadd.s32 $0x10, s11  }
0x31e: {  	[hbm4b:s9+s3] =	stream.linear.scatter [tilespmem:s8], [sflag:$0x6], $0x80, $0x38;
	[tilespmem:$0x1D000] =	vst v63  }
0x31f: {  	s8 =	sadd.s32 $0x16B10, s6;
	s9 =	sadd.s32 $0x20, s11  }
0x320: {  	[hbm4b:s9+s3] =	stream.linear.scatter [tilespmem:s8], [sflag:$0x6], $0x80, $0x38;
	[tilespmem:$0x1D000] =	vst v63  }
0x321: {  	s8 =	sadd.s32 $0x16B98, s6;
	s9 =	sadd.s32 $0x30, s11  }
0x322: {  	[hbm4b:s9+s3] =	stream.linear.scatter [tilespmem:s8], [sflag:$0x6], $0x80, $0x38;
	[tilespmem:$0x1D000] =	vst v63  }
0x323: {  	s8 =	sadd.s32 $0x16C20, s6;
	s9 =	sadd.s32 $0x40, s11  }
0x324: {  	[hbm4b:s9+s3] =	stream.linear.scatter [tilespmem:s8], [sflag:$0x6], $0x80, $0x38;
	[tilespmem:$0x1D000] =	vst v63  }
.Ltmp12:
0x325: {  	s8 =	sadd.s32 $0x16CA8, s6;
	s9 =	sadd.s32 $0x50, s11;
	(pc) =	sbr.rel @p0 .LBB2_27-.Ltmp12, $4  }
0x326: {  	[hbm4b:s9+s3] =	stream.linear.scatter [tilespmem:s8], [sflag:$0x6], $0x80, $0x38;
	[tilespmem:$0x1D000] =	vst v63  }
0x327: {  	s10 =	sadd.s32 $0x70, s11;
	s8 =	sadd.s32 $0x16D30, s6;
	s9 =	sadd.s32 $0x60, s11  }
0x328: {  	[hbm4b:s9+s3] =	stream.linear.scatter [tilespmem:s8], [sflag:$0x6], $0x80, $0x38;
	[tilespmem:$0x1D000] =	vst v63  }
0x329: {  	s11 =	sadd.s32 $0x1000, s11;
	s9 =	sadd.s32 $0x16DB8, s6;
	s8 =	smov.u32 s12  }
0x32a: {  	[hbm4b:s10+s3] =	stream.linear.scatter [tilespmem:s9], [sflag:$0x6], $0x80, $0x38;
	[tilespmem:$0x1D000] =	vst v63  }
0x32b: {  	s6 =	sadd.s32 $0x16A00, s5  }
0x32c: {  	[hbm4b:s11+s3] =	stream.linear.scatter [tilespmem:s6], [sflag:$0x6], $0x80, $0x38;
	[tilespmem:$0x1D000] =	vst v63  }
0x32d: {  	s12 =	sadd.s32 $0x16A88, s5;
	s8 =	sadd.s32 $0x10, s11  }
0x32e: {  	[hbm4b:s8+s3] =	stream.linear.scatter [tilespmem:s12], [sflag:$0x6], $0x80, $0x38;
	[tilespmem:$0x1D000] =	vst v63  }
0x32f: {  	s9 =	sadd.s32 $0x20, s11;
	s8 =	sadd.s32 $0x16B10, s5  }
0x330: {  	[hbm4b:s9+s3] =	stream.linear.scatter [tilespmem:s8], [sflag:$0x6], $0x80, $0x38;
	[tilespmem:$0x1D000] =	vst v63  }
0x331: {  	s10 =	sadd.s32 $0x16B98, s5;
	s12 =	sadd.s32 $0x30, s11  }
0x332: {  	[hbm4b:s12+s3] =	stream.linear.scatter [tilespmem:s10], [sflag:$0x6], $0x80, $0x38;
	[tilespmem:$0x1D000] =	vst v63  }
0x333: {  	s8 =	sadd.s32 $0x16C20, s5;
	s9 =	sadd.s32 $0x40, s11  }
0x334: {  	[hbm4b:s9+s3] =	stream.linear.scatter [tilespmem:s8], [sflag:$0x6], $0x80, $0x38;
	[tilespmem:$0x1D000] =	vst v63  }
0x335: {  	s10 =	sadd.s32 $0x16CA8, s5;
	s12 =	sadd.s32 $0x50, s11  }
0x336: {  	[hbm4b:s12+s3] =	stream.linear.scatter [tilespmem:s10], [sflag:$0x6], $0x80, $0x38;
	[tilespmem:$0x1D000] =	vst v63  }
0x337: {  	s8 =	sadd.s32 $0x16D30, s5;
	s9 =	sadd.s32 $0x60, s11  }
0x338: {  	[hbm4b:s9+s3] =	stream.linear.scatter [tilespmem:s8], [sflag:$0x6], $0x80, $0x38;
	[tilespmem:$0x1D000] =	vst v63  }
0x339: {  	s11 =	sadd.s32 $0x70, s11;
	s10 =	sadd.s32 $0x16DB8, s5  }
0x33a: {  	[hbm4b:s11+s3] =	stream.linear.scatter [tilespmem:s10], [sflag:$0x6], $0x80, $0x38;
	[tilespmem:$0x1D000] =	vst v63  }
0x33b: {  	_ =	swait.ge [sflag:s22], $0x2000  }
0x33c: {  	[sflag:s22] =	ssyncset.done $0x0  }
0x33d: {  	s12 =	simm.s32 $0x0;
	s5 =	simm.s32 $0x10800;
	[sflag:s22] =	ssyncadd.s32 $0xFFFFE000  }
0x33e: {  	v12 =	vmov s12;
	v13 =	vld [tilespmem:s5+$0x0]  }
0x33f: {  	v12 =	vand.u32 $0x7F, v12  }
0x340: {  	v14 =	vadd.s32 v6, v12;
	_ =	sdelay $0x2  }
0x341: {  	v13 =	vmul.f32 $8.000000000e+00, v13;
	_ =	sdelay $0x1  }
0x342: {  	[tilespmem:v14+s23+$0x0] =	vst.idx.msk $0xffff, v13  }
0x343: {  	v13 =	vld [tilespmem:s5+$0x10];
	_ =	sdelay $0x1  }
0x344: {  	v14 =	vadd.s32 v9, v12;
	_ =	sdelay $0x2  }
0x345: {  	v13 =	vmul.f32 $8.000000000e+00, v13;
	_ =	sdelay $0x1  }
0x346: {  	[tilespmem:v14+s23+$0x0] =	vst.idx.msk $0xffff, v13  }
0x347: {  	v13 =	vld [tilespmem:s5+$0x20];
	_ =	sdelay $0x1  }
0x348: {  	v14 =	vadd.s32 v10, v12;
	_ =	sdelay $0x2  }
0x349: {  	v13 =	vmul.f32 $8.000000000e+00, v13;
	_ =	sdelay $0x1  }
0x34a: {  	[tilespmem:v14+s23+$0x0] =	vst.idx.msk $0xffff, v13  }
0x34b: {  	v13 =	vld [tilespmem:s5+$0x30];
	_ =	sdelay $0x1  }
0x34c: {  	v12 =	vadd.s32 v11, v12;
	_ =	sdelay $0x2  }
0x34d: {  	s11 =	simm.s32 $0x1;
	v13 =	vmul.f32 $8.000000000e+00, v13  }
.LBB2_29:
0x34e: {  	p0 =	sne.s32 s11, $0x7F  }
0x34f: {  	s5 =	sadd.s32 $0x40, s5;
	s6 =	smov.u32 s11;
	s11 =	sadd.s32 $0x1, s11;
	[tilespmem:v12+s23+$0x0] =	vst.idx.msk $0xffff, v13  }
0x350: {  	v12 =	vmov s6;
	v13 =	vld [tilespmem:s5+$0x0]  }
0x351: {  	v12 =	vand.u32 $0x7F, v12  }
0x352: {  	v14 =	vadd.s32 v6, v12;
	_ =	sdelay $0x2  }
0x353: {  	v13 =	vmul.f32 $8.000000000e+00, v13;
	_ =	sdelay $0x1  }
0x354: {  	[tilespmem:v14+s23+$0x0] =	vst.idx.msk $0xffff, v13  }
0x355: {  	v13 =	vld [tilespmem:s5+$0x10];
	_ =	sdelay $0x1  }
0x356: {  	v14 =	vadd.s32 v9, v12;
	_ =	sdelay $0x2  }
0x357: {  	v13 =	vmul.f32 $8.000000000e+00, v13;
	_ =	sdelay $0x1  }
0x358: {  	[tilespmem:v14+s23+$0x0] =	vst.idx.msk $0xffff, v13  }
0x359: {  	v13 =	vld [tilespmem:s5+$0x20];
	_ =	sdelay $0x1  }
0x35a: {  	v14 =	vadd.s32 v10, v12;
	_ =	sdelay $0x2  }
0x35b: {  	v13 =	vmul.f32 $8.000000000e+00, v13;
	_ =	sdelay $0x1  }
0x35c: {  	[tilespmem:v14+s23+$0x0] =	vst.idx.msk $0xffff, v13  }
0x35d: {  	v13 =	vld [tilespmem:s5+$0x30]  }
.Ltmp13:
0x35e: {  	(pc) =	sbr.rel @p0 .LBB2_29-.Ltmp13, $2  }
0x35f: {  	v12 =	vadd.s32 v11, v12;
	_ =	sdelay $0x2  }
0x360: {  	v13 =	vmul.f32 $8.000000000e+00, v13  }
0x361: {  	_ = 	snop  }
0x362: {  	s0 =	sshll.u32 s0, $0x12  }
0x363: {  	s0 =	sor.u32 s7, s0  }
0x364: {  	s0 =	sshrl.u32 s0, $0x3  }
0x365: {  	s6 =	simm.s32 $0x18C00;
	[tilespmem:v12+s23+$0x0] =	vst.idx.msk $0xffff, v13;
	s5 =	sadd.s32 s2, s0  }
0x366: {  	[hbm4b:s5+s3] =	stream.linear.scatter [tilespmem:s6], [sflag:$0x7], $0x80, $0x38;
	[tilespmem:$0x1D000] =	vst v63  }
0x367: {  	s8 =	simm.s32 $0x18C88;
	s6 =	sadd.s32 $0x10, s5  }
0x368: {  	[hbm4b:s6+s3] =	stream.linear.scatter [tilespmem:s8], [sflag:$0x7], $0x80, $0x38;
	[tilespmem:$0x1D000] =	vst v63  }
0x369: {  	s9 =	simm.s32 $0x18D10;
	s11 =	simm.s32 $0x18D98;
	s10 =	sadd.s32 $0x20, s5  }
0x36a: {  	[hbm4b:s10+s3] =	stream.linear.scatter [tilespmem:s9], [sflag:$0x7], $0x80, $0x38;
	[tilespmem:$0x1D000] =	vst v63  }
0x36b: {  	s0 =	simm.s32 $0x440;
	s12 =	sadd.s32 $0x30, s5;
	s6 =	simm.s32 $0x18E20  }
0x36c: {  	[hbm4b:s12+s3] =	stream.linear.scatter [tilespmem:s11], [sflag:$0x7], $0x80, $0x38;
	[tilespmem:$0x1D000] =	vst v63  }
0x36d: {  	s8 =	sadd.s32 $0x40, s5;
	s9 =	simm.s32 $0x18EA8;
	s10 =	sadd.s32 $0x50, s5  }
0x36e: {  	[hbm4b:s8+s3] =	stream.linear.scatter [tilespmem:s6], [sflag:$0x7], $0x80, $0x38;
	[tilespmem:$0x1D000] =	vst v63  }
0x36f: {  	s11 =	simm.s32 $0x18F30;
	s12 =	sadd.s32 $0x60, s5;
	s8 =	simm.s32 $0x2200  }
0x370: {  	[hbm4b:s10+s3] =	stream.linear.scatter [tilespmem:s9], [sflag:$0x7], $0x80, $0x38;
	[tilespmem:$0x1D000] =	vst v63  }
0x371: {  	s9 =	simm.s32 $0x18FB8;
	s10 =	sadd.s32 $0x70, s5;
	s5 =	sadd.s32 $0x1000, s5  }
0x372: {  	[hbm4b:s12+s3] =	stream.linear.scatter [tilespmem:s11], [sflag:$0x7], $0x80, $0x38;
	[tilespmem:$0x1D000] =	vst v63  }
.LBB2_31:
0x373: {  	[hbm4b:s10+s3] =	stream.linear.scatter [tilespmem:s9], [sflag:$0x7], $0x80, $0x38;
	[tilespmem:$0x1D000] =	vst v63  }
0x374: {  	s6 =	smov.u32 s0;
	s0 =	smov.u32 s8  }
0x375: {  	s11 =	sadd.s32 $0x1100, s8;
	s0 =	sshra.s32 s0, $0x2;
	s9 =	sadd.s32 $0x18C00, s6  }
0x376: {  	[hbm4b:s5+s3] =	stream.linear.scatter [tilespmem:s9], [sflag:$0x7], $0x80, $0x38;
	[tilespmem:$0x1D000] =	vst v63  }
0x377: {  	p0 =	sne.s32 s8, $0x7700;
	s8 =	sadd.s32 $0x18C88, s6;
	s9 =	sadd.s32 $0x10, s5  }
0x378: {  	[hbm4b:s9+s3] =	stream.linear.scatter [tilespmem:s8], [sflag:$0x7], $0x80, $0x38;
	[tilespmem:$0x1D000] =	vst v63  }
0x379: {  	s8 =	sadd.s32 $0x18D10, s6;
	s9 =	sadd.s32 $0x20, s5  }
0x37a: {  	[hbm4b:s9+s3] =	stream.linear.scatter [tilespmem:s8], [sflag:$0x7], $0x80, $0x38;
	[tilespmem:$0x1D000] =	vst v63  }
0x37b: {  	s8 =	sadd.s32 $0x18D98, s6;
	s9 =	sadd.s32 $0x30, s5  }
0x37c: {  	[hbm4b:s9+s3] =	stream.linear.scatter [tilespmem:s8], [sflag:$0x7], $0x80, $0x38;
	[tilespmem:$0x1D000] =	vst v63  }
0x37d: {  	s8 =	sadd.s32 $0x18E20, s6;
	s9 =	sadd.s32 $0x40, s5  }
0x37e: {  	[hbm4b:s9+s3] =	stream.linear.scatter [tilespmem:s8], [sflag:$0x7], $0x80, $0x38;
	[tilespmem:$0x1D000] =	vst v63  }
.Ltmp14:
0x37f: {  	s8 =	sadd.s32 $0x18EA8, s6;
	s9 =	sadd.s32 $0x50, s5;
	(pc) =	sbr.rel @p0 .LBB2_31-.Ltmp14, $4  }
0x380: {  	[hbm4b:s9+s3] =	stream.linear.scatter [tilespmem:s8], [sflag:$0x7], $0x80, $0x38;
	[tilespmem:$0x1D000] =	vst v63  }
0x381: {  	s10 =	sadd.s32 $0x70, s5;
	s8 =	sadd.s32 $0x18F30, s6;
	s9 =	sadd.s32 $0x60, s5  }
0x382: {  	[hbm4b:s9+s3] =	stream.linear.scatter [tilespmem:s8], [sflag:$0x7], $0x80, $0x38;
	[tilespmem:$0x1D000] =	vst v63  }
0x383: {  	s5 =	sadd.s32 $0x1000, s5;
	s9 =	sadd.s32 $0x18FB8, s6;
	s8 =	smov.u32 s11  }
0x384: {  	[hbm4b:s10+s3] =	stream.linear.scatter [tilespmem:s9], [sflag:$0x7], $0x80, $0x38;
	[tilespmem:$0x1D000] =	vst v63  }
0x385: {  	s6 =	sadd.s32 $0x18C00, s0  }
0x386: {  	[hbm4b:s5+s3] =	stream.linear.scatter [tilespmem:s6], [sflag:$0x7], $0x80, $0x38;
	[tilespmem:$0x1D000] =	vst v63  }
0x387: {  	s12 =	sadd.s32 $0x18C88, s0;
	s8 =	sadd.s32 $0x10, s5  }
0x388: {  	[hbm4b:s8+s3] =	stream.linear.scatter [tilespmem:s12], [sflag:$0x7], $0x80, $0x38;
	[tilespmem:$0x1D000] =	vst v63  }
0x389: {  	s9 =	sadd.s32 $0x18D10, s0;
	s10 =	sadd.s32 $0x20, s5  }
0x38a: {  	[hbm4b:s10+s3] =	stream.linear.scatter [tilespmem:s9], [sflag:$0x7], $0x80, $0x38;
	[tilespmem:$0x1D000] =	vst v63  }
0x38b: {  	s11 =	sadd.s32 $0x18D98, s0;
	s12 =	sadd.s32 $0x30, s5  }
0x38c: {  	[hbm4b:s12+s3] =	stream.linear.scatter [tilespmem:s11], [sflag:$0x7], $0x80, $0x38;
	[tilespmem:$0x1D000] =	vst v63  }
0x38d: {  	s9 =	sadd.s32 $0x18E20, s0;
	s10 =	sadd.s32 $0x40, s5  }
0x38e: {  	[hbm4b:s10+s3] =	stream.linear.scatter [tilespmem:s9], [sflag:$0x7], $0x80, $0x38;
	[tilespmem:$0x1D000] =	vst v63  }
0x38f: {  	s11 =	sadd.s32 $0x18EA8, s0;
	s12 =	sadd.s32 $0x50, s5  }
0x390: {  	[hbm4b:s12+s3] =	stream.linear.scatter [tilespmem:s11], [sflag:$0x7], $0x80, $0x38;
	[tilespmem:$0x1D000] =	vst v63  }
0x391: {  	s8 =	sadd.s32 $0x18F30, s0;
	s9 =	sadd.s32 $0x60, s5  }
0x392: {  	[hbm4b:s9+s3] =	stream.linear.scatter [tilespmem:s8], [sflag:$0x7], $0x80, $0x38;
	[tilespmem:$0x1D000] =	vst v63  }
0x393: {  	s10 =	sadd.s32 $0x18FB8, s0;
	s11 =	sadd.s32 $0x70, s5  }
0x394: {  	[hbm4b:s11+s3] =	stream.linear.scatter [tilespmem:s10], [sflag:$0x7], $0x80, $0x38;
	[tilespmem:$0x1D000] =	vst v63  }
0x395: {  	_ =	swait.ge [sflag:s24], $0x2000  }
0x396: {  	[sflag:s24] =	ssyncset.done $0x0  }
0x397: {  	s0 =	simm.s32 $0x12800;
	s12 =	simm.s32 $0x0;
	[sflag:s24] =	ssyncadd.s32 $0xFFFFE000  }
0x398: {  	v12 =	vmov s12;
	v13 =	vld [tilespmem:s0+$0x0]  }
0x399: {  	v12 =	vand.u32 $0x7F, v12  }
0x39a: {  	v14 =	vadd.s32 v6, v12;
	_ =	sdelay $0x2  }
0x39b: {  	v13 =	vmul.f32 $8.000000000e+00, v13;
	_ =	sdelay $0x1  }
0x39c: {  	[tilespmem:v14+s25+$0x0] =	vst.idx.msk $0xffff, v13  }
0x39d: {  	v13 =	vld [tilespmem:s0+$0x10];
	_ =	sdelay $0x1  }
0x39e: {  	v14 =	vadd.s32 v9, v12;
	_ =	sdelay $0x2  }
0x39f: {  	v13 =	vmul.f32 $8.000000000e+00, v13;
	_ =	sdelay $0x1  }
0x3a0: {  	[tilespmem:v14+s25+$0x0] =	vst.idx.msk $0xffff, v13  }
0x3a1: {  	v13 =	vld [tilespmem:s0+$0x20];
	_ =	sdelay $0x1  }
0x3a2: {  	v14 =	vadd.s32 v10, v12;
	_ =	sdelay $0x2  }
0x3a3: {  	v13 =	vmul.f32 $8.000000000e+00, v13;
	_ =	sdelay $0x1  }
0x3a4: {  	[tilespmem:v14+s25+$0x0] =	vst.idx.msk $0xffff, v13  }
0x3a5: {  	v13 =	vld [tilespmem:s0+$0x30];
	_ =	sdelay $0x1  }
0x3a6: {  	v12 =	vadd.s32 v11, v12;
	_ =	sdelay $0x2  }
0x3a7: {  	s5 =	simm.s32 $0x1;
	v13 =	vmul.f32 $8.000000000e+00, v13  }
.LBB2_33:
0x3a8: {  	p0 =	sne.s32 s5, $0x7F  }
0x3a9: {  	s0 =	sadd.s32 $0x40, s0;
	s6 =	smov.u32 s5;
	s5 =	sadd.s32 $0x1, s5;
	[tilespmem:v12+s25+$0x0] =	vst.idx.msk $0xffff, v13  }
0x3aa: {  	v12 =	vmov s6;
	v13 =	vld [tilespmem:s0+$0x0]  }
0x3ab: {  	v12 =	vand.u32 $0x7F, v12  }
0x3ac: {  	v14 =	vadd.s32 v6, v12;
	_ =	sdelay $0x2  }
0x3ad: {  	v13 =	vmul.f32 $8.000000000e+00, v13;
	_ =	sdelay $0x1  }
0x3ae: {  	[tilespmem:v14+s25+$0x0] =	vst.idx.msk $0xffff, v13  }
0x3af: {  	v13 =	vld [tilespmem:s0+$0x10];
	_ =	sdelay $0x1  }
0x3b0: {  	v14 =	vadd.s32 v9, v12;
	_ =	sdelay $0x2  }
0x3b1: {  	v13 =	vmul.f32 $8.000000000e+00, v13;
	_ =	sdelay $0x1  }
0x3b2: {  	[tilespmem:v14+s25+$0x0] =	vst.idx.msk $0xffff, v13  }
0x3b3: {  	v13 =	vld [tilespmem:s0+$0x20];
	_ =	sdelay $0x1  }
0x3b4: {  	v14 =	vadd.s32 v10, v12;
	_ =	sdelay $0x2  }
0x3b5: {  	v13 =	vmul.f32 $8.000000000e+00, v13;
	_ =	sdelay $0x1  }
0x3b6: {  	[tilespmem:v14+s25+$0x0] =	vst.idx.msk $0xffff, v13  }
0x3b7: {  	v13 =	vld [tilespmem:s0+$0x30]  }
.Ltmp15:
0x3b8: {  	(pc) =	sbr.rel @p0 .LBB2_33-.Ltmp15, $2  }
0x3b9: {  	v12 =	vadd.s32 v11, v12;
	_ =	sdelay $0x2  }
0x3ba: {  	v13 =	vmul.f32 $8.000000000e+00, v13  }
0x3bb: {  	_ = 	snop  }
0x3bc: {  	s0 =	sshll.u32 s1, $0x12  }
0x3bd: {  	s0 =	sor.u32 s7, s0  }
0x3be: {  	s0 =	sshrl.u32 s0, $0x3  }
0x3bf: {  	s6 =	simm.s32 $0x1AE00;
	[tilespmem:v12+s25+$0x0] =	vst.idx.msk $0xffff, v13;
	s1 =	sadd.s32 s2, s0  }
0x3c0: {  	[hbm4b:s1+s3] =	stream.linear.scatter [tilespmem:s6], [sflag:$0x8], $0x80, $0x38;
	[tilespmem:$0x1D000] =	vst v63  }
0x3c1: {  	s8 =	simm.s32 $0x1AE88;
	s5 =	sadd.s32 $0x10, s1  }
0x3c2: {  	[hbm4b:s5+s3] =	stream.linear.scatter [tilespmem:s8], [sflag:$0x8], $0x80, $0x38;
	[tilespmem:$0x1D000] =	vst v63  }
0x3c3: {  	s9 =	simm.s32 $0x1AF10;
	s11 =	simm.s32 $0x1AF98;
	s10 =	sadd.s32 $0x20, s1  }
0x3c4: {  	[hbm4b:s10+s3] =	stream.linear.scatter [tilespmem:s9], [sflag:$0x8], $0x80, $0x38;
	[tilespmem:$0x1D000] =	vst v63  }
0x3c5: {  	s0 =	simm.s32 $0x440;
	s12 =	sadd.s32 $0x30, s1;
	s6 =	simm.s32 $0x1B020  }
0x3c6: {  	[hbm4b:s12+s3] =	stream.linear.scatter [tilespmem:s11], [sflag:$0x8], $0x80, $0x38;
	[tilespmem:$0x1D000] =	vst v63  }
0x3c7: {  	s8 =	sadd.s32 $0x40, s1;
	s5 =	simm.s32 $0x2200;
	s9 =	simm.s32 $0x1B0A8  }
0x3c8: {  	[hbm4b:s8+s3] =	stream.linear.scatter [tilespmem:s6], [sflag:$0x8], $0x80, $0x38;
	[tilespmem:$0x1D000] =	vst v63  }
0x3c9: {  	s10 =	sadd.s32 $0x50, s1;
	s11 =	simm.s32 $0x1B130;
	s12 =	sadd.s32 $0x60, s1  }
0x3ca: {  	[hbm4b:s10+s3] =	stream.linear.scatter [tilespmem:s9], [sflag:$0x8], $0x80, $0x38;
	[tilespmem:$0x1D000] =	vst v63  }
0x3cb: {  	s8 =	simm.s32 $0x1B1B8;
	s9 =	sadd.s32 $0x70, s1;
	s1 =	sadd.s32 $0x1000, s1  }
0x3cc: {  	[hbm4b:s12+s3] =	stream.linear.scatter [tilespmem:s11], [sflag:$0x8], $0x80, $0x38;
	[tilespmem:$0x1D000] =	vst v63  }
.LBB2_35:
0x3cd: {  	[hbm4b:s9+s3] =	stream.linear.scatter [tilespmem:s8], [sflag:$0x8], $0x80, $0x38;
	[tilespmem:$0x1D000] =	vst v63  }
0x3ce: {  	s6 =	smov.u32 s0;
	s0 =	smov.u32 s5  }
0x3cf: {  	s10 =	sadd.s32 $0x1100, s5;
	s0 =	sshra.s32 s0, $0x2;
	s8 =	sadd.s32 $0x1AE00, s6  }
0x3d0: {  	[hbm4b:s1+s3] =	stream.linear.scatter [tilespmem:s8], [sflag:$0x8], $0x80, $0x38;
	[tilespmem:$0x1D000] =	vst v63  }
0x3d1: {  	p0 =	sne.s32 s5, $0x7700;
	s5 =	sadd.s32 $0x1AE88, s6;
	s8 =	sadd.s32 $0x10, s1  }
0x3d2: {  	[hbm4b:s8+s3] =	stream.linear.scatter [tilespmem:s5], [sflag:$0x8], $0x80, $0x38;
	[tilespmem:$0x1D000] =	vst v63  }
0x3d3: {  	s5 =	sadd.s32 $0x1AF10, s6;
	s8 =	sadd.s32 $0x20, s1  }
0x3d4: {  	[hbm4b:s8+s3] =	stream.linear.scatter [tilespmem:s5], [sflag:$0x8], $0x80, $0x38;
	[tilespmem:$0x1D000] =	vst v63  }
0x3d5: {  	s5 =	sadd.s32 $0x1AF98, s6;
	s8 =	sadd.s32 $0x30, s1  }
0x3d6: {  	[hbm4b:s8+s3] =	stream.linear.scatter [tilespmem:s5], [sflag:$0x8], $0x80, $0x38;
	[tilespmem:$0x1D000] =	vst v63  }
0x3d7: {  	s5 =	sadd.s32 $0x1B020, s6;
	s8 =	sadd.s32 $0x40, s1  }
0x3d8: {  	[hbm4b:s8+s3] =	stream.linear.scatter [tilespmem:s5], [sflag:$0x8], $0x80, $0x38;
	[tilespmem:$0x1D000] =	vst v63  }
.Ltmp16:
0x3d9: {  	s5 =	sadd.s32 $0x1B0A8, s6;
	s8 =	sadd.s32 $0x50, s1;
	(pc) =	sbr.rel @p0 .LBB2_35-.Ltmp16, $4  }
0x3da: {  	[hbm4b:s8+s3] =	stream.linear.scatter [tilespmem:s5], [sflag:$0x8], $0x80, $0x38;
	[tilespmem:$0x1D000] =	vst v63  }
0x3db: {  	s9 =	sadd.s32 $0x70, s1;
	s5 =	sadd.s32 $0x1B130, s6;
	s8 =	sadd.s32 $0x60, s1  }
0x3dc: {  	[hbm4b:s8+s3] =	stream.linear.scatter [tilespmem:s5], [sflag:$0x8], $0x80, $0x38;
	[tilespmem:$0x1D000] =	vst v63  }
0x3dd: {  	s1 =	sadd.s32 $0x1000, s1;
	s8 =	sadd.s32 $0x1B1B8, s6;
	s5 =	smov.u32 s10  }
0x3de: {  	[hbm4b:s9+s3] =	stream.linear.scatter [tilespmem:s8], [sflag:$0x8], $0x80, $0x38;
	[tilespmem:$0x1D000] =	vst v63  }
0x3df: {  	s5 =	sadd.s32 $0x1AE00, s0  }
0x3e0: {  	[hbm4b:s1+s3] =	stream.linear.scatter [tilespmem:s5], [sflag:$0x8], $0x80, $0x38;
	[tilespmem:$0x1D000] =	vst v63  }
0x3e1: {  	s12 =	sadd.s32 $0x1AE88, s0;
	s6 =	sadd.s32 $0x10, s1  }
0x3e2: {  	[hbm4b:s6+s3] =	stream.linear.scatter [tilespmem:s12], [sflag:$0x8], $0x80, $0x38;
	[tilespmem:$0x1D000] =	vst v63  }
0x3e3: {  	s8 =	sadd.s32 $0x20, s1;
	s6 =	sadd.s32 $0x1AF10, s0  }
0x3e4: {  	[hbm4b:s8+s3] =	stream.linear.scatter [tilespmem:s6], [sflag:$0x8], $0x80, $0x38;
	[tilespmem:$0x1D000] =	vst v63  }
0x3e5: {  	s9 =	sadd.s32 $0x1AF98, s0;
	s10 =	sadd.s32 $0x30, s1  }
0x3e6: {  	[hbm4b:s10+s3] =	stream.linear.scatter [tilespmem:s9], [sflag:$0x8], $0x80, $0x38;
	[tilespmem:$0x1D000] =	vst v63  }
0x3e7: {  	s11 =	sadd.s32 $0x1B020, s0;
	s31 =	sadd.s32 $0x1, s31;
	s12 =	sadd.s32 $0x40, s1  }
0x3e8: {  	[hbm4b:s12+s3] =	stream.linear.scatter [tilespmem:s11], [sflag:$0x8], $0x80, $0x38;
	[tilespmem:$0x1D000] =	vst v63  }
0x3e9: {  	p0 =	sne.s32 s31, $0x32;
	s6 =	sadd.s32 $0x1B0A8, s0;
	s8 =	sadd.s32 $0x50, s1  }
0x3ea: {  	[hbm4b:s8+s3] =	stream.linear.scatter [tilespmem:s6], [sflag:$0x8], $0x80, $0x38;
	[tilespmem:$0x1D000] =	vst v63  }
.Ltmp17:
0x3eb: {  	_ = 	snop;
	(pc) =	sbr.rel @p0 .LBB2_20-.Ltmp17, $4  }
0x3ec: {  	s9 =	sadd.s32 $0x1B130, s0;
	s10 =	sadd.s32 $0x60, s1  }
0x3ed: {  	[hbm4b:s10+s3] =	stream.linear.scatter [tilespmem:s9], [sflag:$0x8], $0x80, $0x38;
	[tilespmem:$0x1D000] =	vst v63  }
0x3ee: {  	s11 =	sadd.s32 $0x1B1B8, s0;
	s12 =	sadd.s32 $0x70, s1  }
0x3ef: {  	[hbm4b:s12+s3] =	stream.linear.scatter [tilespmem:s11], [sflag:$0x8], $0x80, $0x38;
	[tilespmem:$0x1D000] =	vst v63  }
0x3f0: {  	_ =	swait.ge [sflag:s26], $0x2000  }
0x3f1: {  	[sflag:s26] =	ssyncset.done $0x0  }
0x3f2: {  	[sflag:s26] =	ssyncadd.s32 $0xFFFFE000  }
0x3f3: {  	_ =	swait.ge [sflag:s28], $0x2000  }
0x3f4: {  	[sflag:s28] =	ssyncset.done $0x0  }
0x3f5: {  	[sflag:s28] =	ssyncadd.s32 $0xFFFFE000  }
0x3f6: {  	_ =	swait.ge [sflag:s29], $0x2000  }
0x3f7: {  	[sflag:s29] =	ssyncset.done $0x0  }
0x3f8: {  	[sflag:s29] =	ssyncadd.s32 $0xFFFFE000  }
0x3f9: {  	_ =	swait.ge [sflag:s30], $0x2000  }
0x3fa: {  	s1 =	rddreg [dreg:$0x9]  }
0x3fb: {  	s0 =	rddreg [dreg:$0x8];
	s1 =	sadd.s32 $0x1, s1  }
0x3fc: {  	p0 =	sne.s32 s1, s0  }
.Ltmp18:
0x3fd: {  	_ = 	snop;
	(pc) =	sbr.rel @p0 .LBB2_1-.Ltmp18, $3  }
0x3fe: {  	_ =	sdelay $0x1  }
0x3ff: {  	[sflag:s30] =	ssyncset.done $0x0  }
0x400: {  	[sflag:s30] =	ssyncadd.s32 $0xFFFFE000  }
0x401: {  	_ =	sfence.sel $0x180000  }
0x402: {  	[bflag:$0x0] =	sbarrier.arrive $0xFFFF  }
0x403: {  	_ =	strace $0x90000047  }
0x404: {  	s0 =	stileid.u32;
	[bflag:$0x2] =	sbarrier.arrive $0xFFFF  }
0x405: {  	p0 =	sne.s32 s0, $0x0;
	s0 =	rddreg [dreg:$0x2]  }
0x406: {  	s0 =	sadd.s32 @!p0 $0x100000, s0  }
0x407: {  	[sflag:s0] =	ssyncadd.tile.s32 @!p0 $0x1;
	_ =	shalt  }
.Lfunc_end2:
_tile_overlayer_lowered:
.L_overlay_start_2:
0x408: {  	(tag) =	ssettag $0x2  }
0x409: {  	s0 =	rddreg [dreg:$0x0];
	s2 =	stileid.u32  }
0x40a: {  	s1 =	rddreg [dreg:$0x1];
	p0 =	sne.s32 s2, $0x0  }
0x40b: {  	s3 =	rddreg [dreg:$0x2];
	[bflag:$0x3] =	sbarrier.arrive $0xFFFF;
	s2 =	simm.s32 @!p0 $0x1C09  }
0x40c: {  	[timem:s3], [sflag:s2] =	dma.local @!p0 [hbm:s0], s1  }
0x40d: {  	s0 =	simm.s32 @!p0 $0x9  }
0x40e: {  	_ =	swait.ge @!p0 [sflag:s0], s1  }
0x40f: {  	s1 =	ssub.s32 @!p0 $0x0, s1;
	[sflag:s0] =	ssyncset.done @!p0 $0x0  }
0x410: {  	[sflag:s0] =	ssyncadd.s32 @!p0 s1  }
0x411: {  	[bflag:$0x3] =	sbarrier.arrive $0xFFFF  }
0x412: {  	_ =	shalt  }

</sc_bundles>
